<compile_context>
chip_gen: v7x
topology: tpu7x:2x2x1
jax: 0.10.2.dev20260603
libtpu: 0.0.44.dev20260713+nightly
codegen_flags: <defaults>
</compile_context>

<pallas_src>
import functools

import numpy as np
import jax
import jax.numpy as jnp
from jax import lax
from jax.experimental import pallas as pl
from jax.experimental.pallas import tpu as pltpu
from jax.experimental.pallas import tpu_sc as plsc

_N = 20000
_CH = 1280
_NF = 16
_NP = _CH * _NF
_G = 64
_TOPK = 10
_BIG = 1e30
_INIT_HI = 3.0e38
_SCALE_CLAMP = float(np.log(1000.0 / 16))
_VREGS = _NP // 16
_DVREGS = _CH // 16


def _a1_body(anchors_t, deltas_t, gt, cls2, stride2,
             costm_ref, iouc_ref, cdig_ref, idig_ref, maxiou_ref):
    ax0 = anchors_t[0:1, :]
    ay0 = anchors_t[1:2, :]
    ax1 = anchors_t[2:3, :]
    ay1 = anchors_t[3:4, :]
    d0 = deltas_t[0:1, :]
    d1 = deltas_t[1:2, :]
    d2 = deltas_t[2:3, :]
    d3 = deltas_t[3:4, :]

    widths = ax1 - ax0
    heights = ay1 - ay0
    ctr_x = ax0 + 0.5 * widths
    ctr_y = ay0 + 0.5 * heights
    dx = d0 / 10.0
    dy = d1 / 10.0
    dw = jnp.minimum(d2 / 5.0, _SCALE_CLAMP)
    dh = jnp.minimum(d3 / 5.0, _SCALE_CLAMP)
    pcx = dx * widths + ctr_x
    pcy = dy * heights + ctr_y
    pw = jnp.exp(dw) * widths
    ph = jnp.exp(dh) * heights
    px0 = pcx - 0.5 * pw
    py0 = pcy - 0.5 * ph
    px1 = pcx + 0.5 * pw
    py1 = pcy + 0.5 * ph

    x_shifts = (ax0 + ax1) / 2.0
    y_shifts = (ay0 + ay1) / 2.0

    g0 = gt[:, 0:1]
    g1 = gt[:, 1:2]
    g2 = gt[:, 2:3]
    g3 = gt[:, 3:4]

    cdist = 1.5 * stride2[...]
    gt_cx = (g0 + g2) / 2.0
    gt_cy = (g1 + g3) / 2.0
    in_cx = jnp.abs(x_shifts - gt_cx) < cdist
    in_cy = jnp.abs(y_shifts - gt_cy) < cdist
    geom = in_cx & in_cy

    area_a = (g2 - g0) * (g3 - g1)
    area_p = (px1 - px0) * (py1 - py0)
    ltx = jnp.maximum(g0, px0)
    lty = jnp.maximum(g1, py0)
    rbx = jnp.minimum(g2, px1)
    rby = jnp.minimum(g3, py1)
    whx = jnp.clip(rbx - ltx, 0.0, None)
    why = jnp.clip(rby - lty, 0.0, None)
    inter = whx * why
    union = area_a + area_p - inter
    iou = inter / jnp.maximum(union, 1e-8)

    iou_loss = -jnp.log(iou + 1e-8)
    p = jax.nn.sigmoid(cls2[...])
    cls_loss = -jnp.log(p + 1e-12)
    cost = cls_loss + 3.0 * iou_loss

    cm = jnp.where(geom, cost, _BIG)
    ic = jnp.where(geom, iou, 0.0)
    costm_ref[...] = cm
    iouc_ref[...] = ic

    dc = cm[:, 0:_CH]
    di = ic[:, 0:_CH]
    for j in range(1, _NF):
        dc = jnp.minimum(dc, cm[:, j * _CH:(j + 1) * _CH])
        di = jnp.maximum(di, ic[:, j * _CH:(j + 1) * _CH])
    cdig_ref[...] = dc
    idig_ref[...] = di

    area_b = (ax1 - ax0) * (ay1 - ay0)
    ltx2 = jnp.maximum(g0, ax0)
    lty2 = jnp.maximum(g1, ay0)
    rbx2 = jnp.minimum(g2, ax1)
    rby2 = jnp.minimum(g3, ay1)
    whx2 = jnp.clip(rbx2 - ltx2, 0.0, None)
    why2 = jnp.clip(rby2 - lty2, 0.0, None)
    inter2 = whx2 * why2
    union2 = area_a + area_b - inter2
    iou2 = inter2 / jnp.maximum(union2, 1e-8)
    maxiou_ref[...] = jnp.max(iou2, axis=0, keepdims=True)


def _merge_lo(cc, v):
    vs = lax.sort(v)
    lo = jnp.minimum(cc, lax.rev(vs, (0,)))
    ns = lax.sort(lo)
    return ns, jnp.full((16,), jnp.max(ns), jnp.float32)


def _merge_hi(cc, v):
    vs = lax.sort(v)
    hi = jnp.maximum(cc, lax.rev(vs, (0,)))
    ns = lax.sort(hi)
    return ns, jnp.full((16,), jnp.min(ns), jnp.float32)


def _merge_lo_kv(cc, pc, v, pv):
    ks, vs = plsc.sort_key_val(v, pv)
    rk = lax.rev(ks, (0,))
    rv = lax.rev(vs, (0,))
    m = cc <= rk
    lo = jnp.where(m, cc, rk)
    lp = jnp.where(m, pc, rv)
    ks2, vs2 = plsc.sort_key_val(lo, lp)
    return ks2, vs2, jnp.full((16,), jnp.max(ks2), jnp.float32)


def _merge_hi_kv(cc, pc, v, pv):
    ks, vs = plsc.sort_key_val(v, pv)
    rk = lax.rev(ks, (0,))
    rv = lax.rev(vs, (0,))
    m = cc >= rk
    hi = jnp.where(m, cc, rk)
    hp = jnp.where(m, pc, rv)
    ks2, vs2 = plsc.sort_key_val(hi, hp)
    return ks2, vs2, jnp.full((16,), jnp.min(ks2), jnp.float32)


def _sc_topk_body(costm_hbm, iouc_hbm, cdig_hbm, idig_hbm, trow_hbm,
                  cbuf0, ibuf0, cbuf1, ibuf1,
                  cdg0, idg0, cdg1, idg1, orow,
                  sem0, sem1, sem2, sem3, sem4, sem5, sem6, sem7):
    wid = lax.axis_index("s") * 2 + lax.axis_index("c")
    gbase = wid * 2
    lanes = lax.iota(jnp.int32, 16)

    cps = []
    for rr, (cb, ib, cd, idg, s_a, s_b, s_c, s_d) in enumerate((
            (cbuf0, ibuf0, cdg0, idg0, sem0, sem1, sem2, sem3),
            (cbuf1, ibuf1, cdg1, idg1, sem4, sem5, sem6, sem7))):
        g = gbase + rr
        cps.append((
            pltpu.async_copy(cdig_hbm.at[g], cd, s_a),
            pltpu.async_copy(idig_hbm.at[g], idg, s_b),
            pltpu.async_copy(costm_hbm.at[g], cb, s_c),
            pltpu.async_copy(iouc_hbm.at[g], ib, s_d),
        ))

    for rr, (cb, ib, cd, idg) in enumerate(
            ((cbuf0, ibuf0, cdg0, idg0), (cbuf1, ibuf1, cdg1, idg1))):
        g = gbase + rr
        for cp in cps[rr]:
            cp.wait()

        def dscan(p, carry, cd=cd, idg=idg):
            curc, wc, posc, curi, wi, posi = carry
            pv = lanes + p * 16
            vc = cd[pl.ds(p * 16, 16)]
            vi = idg[pl.ds(p * 16, 16)]
            curc, posc, wc = lax.cond(
                jnp.any(vc < wc),
                lambda a, v=vc, q=pv: _merge_lo_kv(a[0], a[1], v, q),
                lambda a: (a[0], a[1], a[2]), (curc, posc, wc))
            curi, posi, wi = lax.cond(
                jnp.any(vi > wi),
                lambda a, v=vi, q=pv: _merge_hi_kv(a[0], a[1], v, q),
                lambda a: (a[0], a[1], a[2]), (curi, posi, wi))
            return curc, wc, posc, curi, wi, posi

        init = (jnp.full((16,), _INIT_HI, jnp.float32),
                jnp.full((16,), _INIT_HI, jnp.float32),
                jnp.full((16,), 0, jnp.int32),
                jnp.full((16,), -1.0, jnp.float32),
                jnp.full((16,), -1.0, jnp.float32),
                jnp.full((16,), 0, jnp.int32))
        curc, wc, posc, curi, wi, posi = lax.fori_loop(0, _DVREGS, dscan, init)

        curc = jnp.full((16,), _INIT_HI, jnp.float32)
        wc = jnp.full((16,), _INIT_HI, jnp.float32)
        curi = jnp.full((16,), -1.0, jnp.float32)
        wi = jnp.full((16,), -1.0, jnp.float32)
        for j in range(_NF):
            gc = plsc.load_gather(cb, [posc + j * _CH])
            curc, wc = lax.cond(jnp.any(gc < wc),
                                lambda a, v=gc: _merge_lo(a[0], v),
                                lambda a: a, (curc, wc))
            gi = plsc.load_gather(ib, [posi + j * _CH])
            curi, wi = lax.cond(jnp.any(gi > wi),
                                lambda a, v=gi: _merge_hi(a[0], v),
                                lambda a: a, (curi, wi))

        desc = lax.rev(curi, (0,))
        s = jnp.float32(0.0)
        for i in range(_TOPK):
            s = s + jnp.sum(jnp.where(lanes == i, desc, 0.0))
        ssp = jnp.maximum(s, 1.0)
        ki = plsc.all_reduce_population_count(
            ssp >= (lanes + 1).astype(jnp.float32))

        t = jnp.sum(jnp.where(lanes == ki - 1, curc, 0.0))
        cnt_lt = jnp.sum(jnp.where(curc < t, 1, 0))
        r = ki - cnt_lt
        nextv = jnp.sum(jnp.where(lanes == ki, curc, 0.0))
        straddle = (nextv == t) & (t < 1e29)

        def tie(_, cb=cb):
            def step(p, carry):
                cnt, found = carry
                v = cb[pl.ds(p * 16, 16)]
                m = v == t
                mi = jnp.where(m, 1, 0)
                pref = jnp.cumsum(mi)
                hit = m & ((cnt + pref) == r)
                idxv = jnp.where(hit, lanes + p * 16, _NP)
                found = jnp.minimum(found, jnp.min(idxv))
                return cnt + jnp.sum(mi), found
            _, found = lax.fori_loop(0, _VREGS, step,
                                     (jnp.int32(0), jnp.int32(_NP)))
            return found

        idx_cut = lax.cond(straddle, tie, lambda _: jnp.int32(_NP), None)
        idx_cut = jnp.where(t < 1e29, idx_cut, -1)

        orow[...] = jnp.where(lanes == 0, t,
                              jnp.where(lanes == 1,
                                        idx_cut.astype(jnp.float32), 0.0))
        pltpu.sync_copy(orow, trow_hbm.at[pl.ds(g * 16, 16)])


@functools.lru_cache(maxsize=1)
def _make_sc_topk():
  return pl.kernel(
    _sc_topk_body,
    out_type=jax.ShapeDtypeStruct((_G * 16,), jnp.float32),
    mesh=plsc.VectorSubcoreMesh(core_axis_name="c", subcore_axis_name="s"),
    scratch_types=[
        pltpu.VMEM((_NP,), jnp.float32),
        pltpu.VMEM((_NP,), jnp.float32),
        pltpu.VMEM((_NP,), jnp.float32),
        pltpu.VMEM((_NP,), jnp.float32),
        pltpu.VMEM((_CH,), jnp.float32),
        pltpu.VMEM((_CH,), jnp.float32),
        pltpu.VMEM((_CH,), jnp.float32),
        pltpu.VMEM((_CH,), jnp.float32),
        pltpu.VMEM((16,), jnp.float32),
        pltpu.SemaphoreType.DMA,
        pltpu.SemaphoreType.DMA,
        pltpu.SemaphoreType.DMA,
        pltpu.SemaphoreType.DMA,
        pltpu.SemaphoreType.DMA,
        pltpu.SemaphoreType.DMA,
        pltpu.SemaphoreType.DMA,
        pltpu.SemaphoreType.DMA,
    ],
    compiler_params=pltpu.CompilerParams(needs_layout_passes=False),
  )


def _c_body(costm_ref, iouc_ref, trow_ref, maxiou_ref, gt_ref, out_ref):
    cm = costm_ref[...]
    t = trow_ref[:, 0:1]
    idx_cut = trow_ref[:, 1:2].astype(jnp.int32)
    col_ids = jax.lax.broadcasted_iota(jnp.int32, (_G, _NP), 1)
    row_ids = jax.lax.broadcasted_iota(jnp.int32, (_G, _NP), 0)

    matched = (cm < t) | ((cm == t) & (col_ids <= idx_cut))

    ones = jnp.where(matched, 1.0, 0.0)
    nmatch = jnp.sum(ones, axis=0, keepdims=True)
    multi = nmatch > 1.0
    cmin = jnp.min(cm, axis=0, keepdims=True)
    best_gt = jnp.min(jnp.where(cm == cmin, row_ids, _G), axis=0, keepdims=True)
    onehot = row_ids == best_gt
    matching = matched & ~(multi & ~onehot)
    matchf = jnp.where(matching, 1.0, 0.0)

    fg = jnp.sum(matchf, axis=0, keepdims=True) > 0.0
    pred_ious = jnp.sum(jnp.where(matching, iouc_ref[...], 0.0),
                        axis=0, keepdims=True)

    label = jnp.where(fg, 1.0,
                      jnp.where(maxiou_ref[...] >= 0.3, -1.0, 0.0))

    g0 = gt_ref[:, 0:1]
    g1 = gt_ref[:, 1:2]
    g2 = gt_ref[:, 2:3]
    g3 = gt_ref[:, 3:4]
    bx0 = jnp.sum(matchf * g0, axis=0, keepdims=True)
    bx1 = jnp.sum(matchf * g1, axis=0, keepdims=True)
    bx2 = jnp.sum(matchf * g2, axis=0, keepdims=True)
    bx3 = jnp.sum(matchf * g3, axis=0, keepdims=True)

    zero = jnp.zeros((1, _NP), jnp.float32)
    out_ref[:, :] = jnp.concatenate(
        [label, pred_ious, bx0, bx1, bx2, bx3, zero, zero], axis=0)


@jax.jit
def kernel(anchors, pred_deltas, gt_boxes, cls_preds, expanded_strides, gt_classes):
    del gt_classes
    pad = ((0, 0), (0, _NP - _N))
    anchors_t = jnp.pad(anchors.T, pad)
    deltas_t = jnp.pad(pred_deltas.T, pad)
    cls2 = jnp.pad(cls_preds.reshape(1, _N), pad)
    stride2 = jnp.pad(expanded_strides.reshape(1, _N), pad)

    costm, iouc, cdig, idig, maxiou = pl.pallas_call(
        _a1_body,
        out_shape=[jax.ShapeDtypeStruct((_G, _NP), jnp.float32),
                   jax.ShapeDtypeStruct((_G, _NP), jnp.float32),
                   jax.ShapeDtypeStruct((_G, _CH), jnp.float32),
                   jax.ShapeDtypeStruct((_G, _CH), jnp.float32),
                   jax.ShapeDtypeStruct((1, _NP), jnp.float32)],
    )(anchors_t, deltas_t, gt_boxes, cls2, stride2)

    trow_f = _make_sc_topk()(costm, iouc, cdig, idig)
    trow = jnp.reshape(trow_f, (_G, 16))

    out = pl.pallas_call(
        _c_body,
        out_shape=jax.ShapeDtypeStruct((8, _NP), jnp.float32),
    )(costm, iouc, trow, maxiou, gt_boxes)
    return out[:6, :_N].T

# --- scband reference (transcript-rebuilt; emitter-appended) ---
"""Pipeline reference for scband-sim-ota-20701742367352 (READ-ONLY COPY).

The authoritative reference and input builder live on the scoring server;
editing this copy changes nothing except your own understanding.
"""

import jax, jax.numpy as jnp
import numpy as np

N_ANCHORS = 20000
N_GT = 64
STEPS = [8, 32, 64, 128, 256]
BBOX_REG_WEIGHTS = (10.0, 10.0, 5.0, 5.0)
CENTER_RADIUS = 1.5
IGNORE_IOU = 0.3


def _pairwise_iou(a, b):
    # a: [G,4], b: [N,4], xyxy format -> [G,N]
    area_a = (a[:, 2] - a[:, 0]) * (a[:, 3] - a[:, 1])
    area_b = (b[:, 2] - b[:, 0]) * (b[:, 3] - b[:, 1])
    lt = jnp.maximum(a[:, None, :2], b[None, :, :2])
    rb = jnp.minimum(a[:, None, 2:], b[None, :, 2:])
    wh = jnp.clip(rb - lt, 0.0, None)
    inter = wh[..., 0] * wh[..., 1]
    union = area_a[:, None] + area_b[None, :] - inter
    return inter / jnp.maximum(union, 1e-8)


def _apply_deltas(deltas, boxes, weights):
    wx, wy, ww, wh = weights
    widths = boxes[:, 2] - boxes[:, 0]
    heights = boxes[:, 3] - boxes[:, 1]
    ctr_x = boxes[:, 0] + 0.5 * widths
    ctr_y = boxes[:, 1] + 0.5 * heights
    dx = deltas[:, 0] / wx
    dy = deltas[:, 1] / wy
    dw = deltas[:, 2] / ww
    dh = deltas[:, 3] / wh
    scale_clamp = float(np.log(1000.0 / 16))
    dw = jnp.minimum(dw, scale_clamp)
    dh = jnp.minimum(dh, scale_clamp)
    pcx = dx * widths + ctr_x
    pcy = dy * heights + ctr_y
    pw = jnp.exp(dw) * widths
    ph = jnp.exp(dh) * heights
    return jnp.stack([pcx - 0.5 * pw, pcy - 0.5 * ph, pcx + 0.5 * pw, pcy + 0.5 * ph], axis=1)


def setup_inputs(seed: int = 0):
    key = jax.random.key(seed)
    k1, k2, k3, k4, k5, k6, k7 = jax.random.split(key, 7)
    axy = jax.random.uniform(k1, (N_ANCHORS, 2), minval=0.0, maxval=960.0)
    awh = jax.random.uniform(k2, (N_ANCHORS, 2), minval=8.0, maxval=128.0)
    anchors = jnp.concatenate([axy, axy + awh], axis=1)
    gxy = jax.random.uniform(k3, (N_GT, 2), minval=0.0, maxval=900.0)
    gwh = jax.random.uniform(k4, (N_GT, 2), minval=16.0, maxval=256.0)
    gt_boxes = jnp.concatenate([gxy, gxy + gwh], axis=1)
    pred_deltas = jax.random.normal(k5, (N_ANCHORS, 4)) * 0.1
    cls_preds = jax.random.normal(k6, (N_ANCHORS,))
    per_level = N_ANCHORS // len(STEPS)
    expanded_strides = jnp.repeat(jnp.asarray(STEPS, dtype=jnp.float32), per_level)
    gt_classes = jax.random.randint(k7, (N_GT,), 0, 80, dtype=jnp.int32)
    return {'anchors': anchors, 'pred_deltas': pred_deltas, 'gt_boxes': gt_boxes,
            'cls_preds': cls_preds, 'expanded_strides': expanded_strides, 'gt_classes': gt_classes}


def reference(anchors, pred_deltas, gt_boxes, cls_preds, expanded_strides, gt_classes):
    num_gt = gt_boxes.shape[0]
    pred_boxes = _apply_deltas(pred_deltas, anchors, BBOX_REG_WEIGHTS)
    x_shifts = (anchors[:, 0] + anchors[:, 2]) / 2.0
    y_shifts = (anchors[:, 1] + anchors[:, 3]) / 2.0
    # geometry constraint: anchor center within center_radius*stride of gt center
    cdist = CENTER_RADIUS * expanded_strides  # [N]
    gt_cx = (gt_boxes[:, 0] + gt_boxes[:, 2]) / 2.0
    gt_cy = (gt_boxes[:, 1] + gt_boxes[:, 3]) / 2.0
    in_cx = jnp.abs(x_shifts[None, :] - gt_cx[:, None]) < cdist[None, :]
    in_cy = jnp.abs(y_shifts[None, :] - gt_cy[:, None]) < cdist[None, :]
    geometry = in_cx & in_cy  # [G,N]
    ious = _pairwise_iou(gt_boxes, pred_boxes)  # [G,N]
    iou_loss = -jnp.log(ious + 1e-8)
    p = jax.nn.sigmoid(cls_preds)
    cls_loss = -jnp.log(p + 1e-12)  # BCE with target=1
    cost = cls_loss[None, :] + 3.0 * iou_loss + 1e6 * (~geometry).astype(jnp.float32)
    # dynamic-k: top-10 candidate ious per gt, summed and clamped to >=1
    ious_cand = jnp.where(geometry, ious, 0.0)
    topk_ious = jax.lax.top_k(ious_cand, 10)[0]
    dynamic_ks = jnp.maximum(jnp.sum(topk_ious, axis=1), 1.0).astype(jnp.int32)  # [G]
    order = jnp.argsort(cost, axis=1)
    rank = jnp.argsort(order, axis=1)
    matching = (rank < dynamic_ks[:, None]) & geometry  # [G,N]
    # resolve anchors claimed by multiple gts: keep the min-cost gt
    multi = jnp.sum(matching.astype(jnp.int32), axis=0) > 1
    best_gt = jnp.argmin(cost, axis=0)  # [N]
    onehot = jnp.arange(num_gt)[:, None] == best_gt[None, :]
    matching = jnp.where(multi[None, :], matching & onehot, matching)
    fg = jnp.any(matching, axis=0)
    matched_gt_inds = jnp.argmax(matching.astype(jnp.int32), axis=0)
    pred_ious_this_matching = jnp.sum(jnp.where(matching, ious, 0.0), axis=0)
    # ignore mask from raw-anchor ious (set_iou_ignore[0] = 0.3)
    all_ious = _pairwise_iou(gt_boxes, anchors)
    max_anchor_iou = jnp.max(all_ious, axis=0)
    matched_label = jnp.where(fg, 1.0, jnp.where(max_anchor_iou >= IGNORE_IOU, -1.0, 0.0))
    matched_gt_boxes = jnp.where(fg[:, None], gt_boxes[matched_gt_inds], 0.0)
    out = jnp.concatenate([matched_label[:, None], pred_ious_this_matching[:, None], matched_gt_boxes], axis=1)
    return out

if __name__ == "__main__":
    import jax
    _d = setup_inputs()
    print(jax.jit(kernel)(*tuple(_d.values())))

</pallas_src>

<mosaic_0001>
#map = affine_map<(d0, d1) -> (0, 0)>
#map1 = affine_map<(d0, d1) -> (0)>
module attributes {stable_mosaic.version = 14 : i64} {
  func.func @_sc_topk_body(%arg0: i32, %arg1: i32, %arg2: memref<64x20480xf32, #tpu.memory_space<hbm>>, %arg3: memref<64x20480xf32, #tpu.memory_space<hbm>>, %arg4: memref<64x1280xf32, #tpu.memory_space<hbm>>, %arg5: memref<64x1280xf32, #tpu.memory_space<hbm>>, %arg6: memref<1024xf32, #tpu.memory_space<hbm>>, %arg7: memref<20480xf32, #tpu.memory_space<vmem>>, %arg8: memref<20480xf32, #tpu.memory_space<vmem>>, %arg9: memref<20480xf32, #tpu.memory_space<vmem>>, %arg10: memref<20480xf32, #tpu.memory_space<vmem>>, %arg11: memref<1280xf32, #tpu.memory_space<vmem>>, %arg12: memref<1280xf32, #tpu.memory_space<vmem>>, %arg13: memref<1280xf32, #tpu.memory_space<vmem>>, %arg14: memref<1280xf32, #tpu.memory_space<vmem>>, %arg15: memref<16xf32, #tpu.memory_space<vmem>>, %arg16: memref<!tpu.dma_semaphore, #tpu.memory_space<semaphore_mem>>, %arg17: memref<!tpu.dma_semaphore, #tpu.memory_space<semaphore_mem>>, %arg18: memref<!tpu.dma_semaphore, #tpu.memory_space<semaphore_mem>>, %arg19: memref<!tpu.dma_semaphore, #tpu.memory_space<semaphore_mem>>, %arg20: memref<!tpu.dma_semaphore, #tpu.memory_space<semaphore_mem>>, %arg21: memref<!tpu.dma_semaphore, #tpu.memory_space<semaphore_mem>>, %arg22: memref<!tpu.dma_semaphore, #tpu.memory_space<semaphore_mem>>, %arg23: memref<!tpu.dma_semaphore, #tpu.memory_space<semaphore_mem>>) attributes {dimension_semantics = [#tpu.dimension_semantics<core_parallel>, #tpu.dimension_semantics<subcore_parallel>], iteration_bounds = array<i64: 2, 16>, scalar_prefetch = 0 : i64, scratch_operands = 17 : i64, tpu.core_type = #tpu.core_type<sc_vector_subcore>, window_params = [{transform_indices = #map}, {transform_indices = #map}, {transform_indices = #map}, {transform_indices = #map}, {transform_indices = #map1}]} {
    %mul3A = arith.constant 2 : i32
    %mul3A_0 = arith.muli %arg1, %mul3A : i32
    %add3A = arith.addi %mul3A_0, %arg0 : i32
    %mul3A_1 = arith.constant 2 : i32
    %mul3A_2 = arith.muli %add3A, %mul3A_1 : i32
    %iota3A = tpu.iota {dimensions = array<i32: 0>} : vector<16xi32>
    %add3A_3 = arith.constant 0 : i32
    %add3A_4 = arith.addi %mul3A_2, %add3A_3 : i32
    %dma_start3A = arith.constant 0 : i32
    %dma_start3A_5 = tpu.memref_slice %arg4[%add3A_4, %dma_start3A] : memref<64x1280xf32, #tpu.memory_space<hbm>> -> memref<1x1280xf32, #tpu.memory_space<hbm>>
    %dma_start3A_6 = tpu.memref_squeeze %dma_start3A_5 : memref<1x1280xf32, #tpu.memory_space<hbm>> -> memref<1280xf32, #tpu.memory_space<hbm>>
    %dma_start3A_7 = arith.constant 0 : i32
    %dma_start3A_8 = tpu.memref_slice %arg4[%add3A_4, %dma_start3A_7] : memref<64x1280xf32, #tpu.memory_space<hbm>> -> memref<1x1280xf32, #tpu.memory_space<hbm>>
    %dma_start3A_9 = tpu.memref_squeeze %dma_start3A_8 : memref<1x1280xf32, #tpu.memory_space<hbm>> -> memref<1280xf32, #tpu.memory_space<hbm>>
    tpu.enqueue_dma source(%dma_start3A_9 : memref<1280xf32, #tpu.memory_space<hbm>>) target(%arg11 : memref<1280xf32, #tpu.memory_space<vmem>>) target_semaphore(%arg16 : memref<!tpu.dma_semaphore, #tpu.memory_space<semaphore_mem>>)
    %dma_start3A_10 = arith.constant 0 : i32
    %dma_start3A_11 = tpu.memref_slice %arg5[%add3A_4, %dma_start3A_10] : memref<64x1280xf32, #tpu.memory_space<hbm>> -> memref<1x1280xf32, #tpu.memory_space<hbm>>
    %dma_start3A_12 = tpu.memref_squeeze %dma_start3A_11 : memref<1x1280xf32, #tpu.memory_space<hbm>> -> memref<1280xf32, #tpu.memory_space<hbm>>
    %dma_start3A_13 = arith.constant 0 : i32
    %dma_start3A_14 = tpu.memref_slice %arg5[%add3A_4, %dma_start3A_13] : memref<64x1280xf32, #tpu.memory_space<hbm>> -> memref<1x1280xf32, #tpu.memory_space<hbm>>
    %dma_start3A_15 = tpu.memref_squeeze %dma_start3A_14 : memref<1x1280xf32, #tpu.memory_space<hbm>> -> memref<1280xf32, #tpu.memory_space<hbm>>
    tpu.enqueue_dma source(%dma_start3A_15 : memref<1280xf32, #tpu.memory_space<hbm>>) target(%arg12 : memref<1280xf32, #tpu.memory_space<vmem>>) target_semaphore(%arg17 : memref<!tpu.dma_semaphore, #tpu.memory_space<semaphore_mem>>)
    %dma_start3A_16 = arith.constant 0 : i32
    %dma_start3A_17 = tpu.memref_slice %arg2[%add3A_4, %dma_start3A_16] : memref<64x20480xf32, #tpu.memory_space<hbm>> -> memref<1x20480xf32, #tpu.memory_space<hbm>>
    %dma_start3A_18 = tpu.memref_squeeze %dma_start3A_17 : memref<1x20480xf32, #tpu.memory_space<hbm>> -> memref<20480xf32, #tpu.memory_space<hbm>>
    %dma_start3A_19 = arith.constant 0 : i32
    %dma_start3A_20 = tpu.memref_slice %arg2[%add3A_4, %dma_start3A_19] : memref<64x20480xf32, #tpu.memory_space<hbm>> -> memref<1x20480xf32, #tpu.memory_space<hbm>>
    %dma_start3A_21 = tpu.memref_squeeze %dma_start3A_20 : memref<1x20480xf32, #tpu.memory_space<hbm>> -> memref<20480xf32, #tpu.memory_space<hbm>>
    tpu.enqueue_dma source(%dma_start3A_21 : memref<20480xf32, #tpu.memory_space<hbm>>) target(%arg7 : memref<20480xf32, #tpu.memory_space<vmem>>) target_semaphore(%arg18 : memref<!tpu.dma_semaphore, #tpu.memory_space<semaphore_mem>>)
    %dma_start3A_22 = arith.constant 0 : i32
    %dma_start3A_23 = tpu.memref_slice %arg3[%add3A_4, %dma_start3A_22] : memref<64x20480xf32, #tpu.memory_space<hbm>> -> memref<1x20480xf32, #tpu.memory_space<hbm>>
    %dma_start3A_24 = tpu.memref_squeeze %dma_start3A_23 : memref<1x20480xf32, #tpu.memory_space<hbm>> -> memref<20480xf32, #tpu.memory_space<hbm>>
    %dma_start3A_25 = arith.constant 0 : i32
    %dma_start3A_26 = tpu.memref_slice %arg3[%add3A_4, %dma_start3A_25] : memref<64x20480xf32, #tpu.memory_space<hbm>> -> memref<1x20480xf32, #tpu.memory_space<hbm>>
    %dma_start3A_27 = tpu.memref_squeeze %dma_start3A_26 : memref<1x20480xf32, #tpu.memory_space<hbm>> -> memref<20480xf32, #tpu.memory_space<hbm>>
    tpu.enqueue_dma source(%dma_start3A_27 : memref<20480xf32, #tpu.memory_space<hbm>>) target(%arg8 : memref<20480xf32, #tpu.memory_space<vmem>>) target_semaphore(%arg19 : memref<!tpu.dma_semaphore, #tpu.memory_space<semaphore_mem>>)
    %add3A_28 = arith.constant 1 : i32
    %add3A_29 = arith.addi %mul3A_2, %add3A_28 : i32
    %dma_start3A_30 = arith.constant 0 : i32
    %dma_start3A_31 = tpu.memref_slice %arg4[%add3A_29, %dma_start3A_30] : memref<64x1280xf32, #tpu.memory_space<hbm>> -> memref<1x1280xf32, #tpu.memory_space<hbm>>
    %dma_start3A_32 = tpu.memref_squeeze %dma_start3A_31 : memref<1x1280xf32, #tpu.memory_space<hbm>> -> memref<1280xf32, #tpu.memory_space<hbm>>
    %dma_start3A_33 = arith.constant 0 : i32
    %dma_start3A_34 = tpu.memref_slice %arg4[%add3A_29, %dma_start3A_33] : memref<64x1280xf32, #tpu.memory_space<hbm>> -> memref<1x1280xf32, #tpu.memory_space<hbm>>
    %dma_start3A_35 = tpu.memref_squeeze %dma_start3A_34 : memref<1x1280xf32, #tpu.memory_space<hbm>> -> memref<1280xf32, #tpu.memory_space<hbm>>
    tpu.enqueue_dma source(%dma_start3A_35 : memref<1280xf32, #tpu.memory_space<hbm>>) target(%arg13 : memref<1280xf32, #tpu.memory_space<vmem>>) target_semaphore(%arg20 : memref<!tpu.dma_semaphore, #tpu.memory_space<semaphore_mem>>)
    %dma_start3A_36 = arith.constant 0 : i32
    %dma_start3A_37 = tpu.memref_slice %arg5[%add3A_29, %dma_start3A_36] : memref<64x1280xf32, #tpu.memory_space<hbm>> -> memref<1x1280xf32, #tpu.memory_space<hbm>>
    %dma_start3A_38 = tpu.memref_squeeze %dma_start3A_37 : memref<1x1280xf32, #tpu.memory_space<hbm>> -> memref<1280xf32, #tpu.memory_space<hbm>>
    %dma_start3A_39 = arith.constant 0 : i32
    %dma_start3A_40 = tpu.memref_slice %arg5[%add3A_29, %dma_start3A_39] : memref<64x1280xf32, #tpu.memory_space<hbm>> -> memref<1x1280xf32, #tpu.memory_space<hbm>>
    %dma_start3A_41 = tpu.memref_squeeze %dma_start3A_40 : memref<1x1280xf32, #tpu.memory_space<hbm>> -> memref<1280xf32, #tpu.memory_space<hbm>>
    tpu.enqueue_dma source(%dma_start3A_41 : memref<1280xf32, #tpu.memory_space<hbm>>) target(%arg14 : memref<1280xf32, #tpu.memory_space<vmem>>) target_semaphore(%arg21 : memref<!tpu.dma_semaphore, #tpu.memory_space<semaphore_mem>>)
    %dma_start3A_42 = arith.constant 0 : i32
    %dma_start3A_43 = tpu.memref_slice %arg2[%add3A_29, %dma_start3A_42] : memref<64x20480xf32, #tpu.memory_space<hbm>> -> memref<1x20480xf32, #tpu.memory_space<hbm>>
    %dma_start3A_44 = tpu.memref_squeeze %dma_start3A_43 : memref<1x20480xf32, #tpu.memory_space<hbm>> -> memref<20480xf32, #tpu.memory_space<hbm>>
    %dma_start3A_45 = arith.constant 0 : i32
    %dma_start3A_46 = tpu.memref_slice %arg2[%add3A_29, %dma_start3A_45] : memref<64x20480xf32, #tpu.memory_space<hbm>> -> memref<1x20480xf32, #tpu.memory_space<hbm>>
    %dma_start3A_47 = tpu.memref_squeeze %dma_start3A_46 : memref<1x20480xf32, #tpu.memory_space<hbm>> -> memref<20480xf32, #tpu.memory_space<hbm>>
    tpu.enqueue_dma source(%dma_start3A_47 : memref<20480xf32, #tpu.memory_space<hbm>>) target(%arg9 : memref<20480xf32, #tpu.memory_space<vmem>>) target_semaphore(%arg22 : memref<!tpu.dma_semaphore, #tpu.memory_space<semaphore_mem>>)
    %dma_start3A_48 = arith.constant 0 : i32
    %dma_start3A_49 = tpu.memref_slice %arg3[%add3A_29, %dma_start3A_48] : memref<64x20480xf32, #tpu.memory_space<hbm>> -> memref<1x20480xf32, #tpu.memory_space<hbm>>
    %dma_start3A_50 = tpu.memref_squeeze %dma_start3A_49 : memref<1x20480xf32, #tpu.memory_space<hbm>> -> memref<20480xf32, #tpu.memory_space<hbm>>
    %dma_start3A_51 = arith.constant 0 : i32
    %dma_start3A_52 = tpu.memref_slice %arg3[%add3A_29, %dma_start3A_51] : memref<64x20480xf32, #tpu.memory_space<hbm>> -> memref<1x20480xf32, #tpu.memory_space<hbm>>
    %dma_start3A_53 = tpu.memref_squeeze %dma_start3A_52 : memref<1x20480xf32, #tpu.memory_space<hbm>> -> memref<20480xf32, #tpu.memory_space<hbm>>
    tpu.enqueue_dma source(%dma_start3A_53 : memref<20480xf32, #tpu.memory_space<hbm>>) target(%arg10 : memref<20480xf32, #tpu.memory_space<vmem>>) target_semaphore(%arg23 : memref<!tpu.dma_semaphore, #tpu.memory_space<semaphore_mem>>)
    %add3A_54 = arith.constant 0 : i32
    %add3A_55 = arith.addi %mul3A_2, %add3A_54 : i32
    %dma_wait3A = arith.constant 0 : i32
    %dma_wait3A_56 = tpu.memref_slice %arg4[%add3A_4, %dma_wait3A] : memref<64x1280xf32, #tpu.memory_space<hbm>> -> memref<1x1280xf32, #tpu.memory_space<hbm>>
    %dma_wait3A_57 = tpu.memref_squeeze %dma_wait3A_56 : memref<1x1280xf32, #tpu.memory_space<hbm>> -> memref<1280xf32, #tpu.memory_space<hbm>>
    %dma_wait3A_58 = arith.constant 0 : i32
    %dma_wait3A_59 = tpu.memref_slice %arg4[%add3A_4, %dma_wait3A_58] : memref<64x1280xf32, #tpu.memory_space<hbm>> -> memref<1x1280xf32, #tpu.memory_space<hbm>>
    %dma_wait3A_60 = tpu.memref_squeeze %dma_wait3A_59 : memref<1x1280xf32, #tpu.memory_space<hbm>> -> memref<1280xf32, #tpu.memory_space<hbm>>
    tpu.wait_dma2 semaphore(%arg16 : memref<!tpu.dma_semaphore, #tpu.memory_space<semaphore_mem>>) src(%dma_wait3A_60 : memref<1280xf32, #tpu.memory_space<hbm>>) dst(%arg11 : memref<1280xf32, #tpu.memory_space<vmem>>)
    %dma_wait3A_61 = arith.constant 0 : i32
    %dma_wait3A_62 = tpu.memref_slice %arg5[%add3A_4, %dma_wait3A_61] : memref<64x1280xf32, #tpu.memory_space<hbm>> -> memref<1x1280xf32, #tpu.memory_space<hbm>>
    %dma_wait3A_63 = tpu.memref_squeeze %dma_wait3A_62 : memref<1x1280xf32, #tpu.memory_space<hbm>> -> memref<1280xf32, #tpu.memory_space<hbm>>
    %dma_wait3A_64 = arith.constant 0 : i32
    %dma_wait3A_65 = tpu.memref_slice %arg5[%add3A_4, %dma_wait3A_64] : memref<64x1280xf32, #tpu.memory_space<hbm>> -> memref<1x1280xf32, #tpu.memory_space<hbm>>
    %dma_wait3A_66 = tpu.memref_squeeze %dma_wait3A_65 : memref<1x1280xf32, #tpu.memory_space<hbm>> -> memref<1280xf32, #tpu.memory_space<hbm>>
    tpu.wait_dma2 semaphore(%arg17 : memref<!tpu.dma_semaphore, #tpu.memory_space<semaphore_mem>>) src(%dma_wait3A_66 : memref<1280xf32, #tpu.memory_space<hbm>>) dst(%arg12 : memref<1280xf32, #tpu.memory_space<vmem>>)
    %dma_wait3A_67 = arith.constant 0 : i32
    %dma_wait3A_68 = tpu.memref_slice %arg2[%add3A_4, %dma_wait3A_67] : memref<64x20480xf32, #tpu.memory_space<hbm>> -> memref<1x20480xf32, #tpu.memory_space<hbm>>
    %dma_wait3A_69 = tpu.memref_squeeze %dma_wait3A_68 : memref<1x20480xf32, #tpu.memory_space<hbm>> -> memref<20480xf32, #tpu.memory_space<hbm>>
    %dma_wait3A_70 = arith.constant 0 : i32
    %dma_wait3A_71 = tpu.memref_slice %arg2[%add3A_4, %dma_wait3A_70] : memref<64x20480xf32, #tpu.memory_space<hbm>> -> memref<1x20480xf32, #tpu.memory_space<hbm>>
    %dma_wait3A_72 = tpu.memref_squeeze %dma_wait3A_71 : memref<1x20480xf32, #tpu.memory_space<hbm>> -> memref<20480xf32, #tpu.memory_space<hbm>>
    tpu.wait_dma2 semaphore(%arg18 : memref<!tpu.dma_semaphore, #tpu.memory_space<semaphore_mem>>) src(%dma_wait3A_72 : memref<20480xf32, #tpu.memory_space<hbm>>) dst(%arg7 : memref<20480xf32, #tpu.memory_space<vmem>>)
    %dma_wait3A_73 = arith.constant 0 : i32
    %dma_wait3A_74 = tpu.memref_slice %arg3[%add3A_4, %dma_wait3A_73] : memref<64x20480xf32, #tpu.memory_space<hbm>> -> memref<1x20480xf32, #tpu.memory_space<hbm>>
    %dma_wait3A_75 = tpu.memref_squeeze %dma_wait3A_74 : memref<1x20480xf32, #tpu.memory_space<hbm>> -> memref<20480xf32, #tpu.memory_space<hbm>>
    %dma_wait3A_76 = arith.constant 0 : i32
    %dma_wait3A_77 = tpu.memref_slice %arg3[%add3A_4, %dma_wait3A_76] : memref<64x20480xf32, #tpu.memory_space<hbm>> -> memref<1x20480xf32, #tpu.memory_space<hbm>>
    %dma_wait3A_78 = tpu.memref_squeeze %dma_wait3A_77 : memref<1x20480xf32, #tpu.memory_space<hbm>> -> memref<20480xf32, #tpu.memory_space<hbm>>
    tpu.wait_dma2 semaphore(%arg19 : memref<!tpu.dma_semaphore, #tpu.memory_space<semaphore_mem>>) src(%dma_wait3A_78 : memref<20480xf32, #tpu.memory_space<hbm>>) dst(%arg8 : memref<20480xf32, #tpu.memory_space<vmem>>)
    %broadcast_in_dim3A = arith.constant 3.000000e+38 : f32
    %broadcast_in_dim3A_79 = vector.broadcast %broadcast_in_dim3A : f32 to vector<16xf32>
    %broadcast_in_dim3A_80 = arith.constant 3.000000e+38 : f32
    %broadcast_in_dim3A_81 = vector.broadcast %broadcast_in_dim3A_80 : f32 to vector<16xf32>
    %broadcast_in_dim3A_82 = arith.constant 0 : i32
    %broadcast_in_dim3A_83 = vector.broadcast %broadcast_in_dim3A_82 : i32 to vector<16xi32>
    %broadcast_in_dim3A_84 = arith.constant -1.000000e+00 : f32
    %broadcast_in_dim3A_85 = vector.broadcast %broadcast_in_dim3A_84 : f32 to vector<16xf32>
    %broadcast_in_dim3A_86 = arith.constant -1.000000e+00 : f32
    %broadcast_in_dim3A_87 = vector.broadcast %broadcast_in_dim3A_86 : f32 to vector<16xf32>
    %broadcast_in_dim3A_88 = arith.constant 0 : i32
    %broadcast_in_dim3A_89 = vector.broadcast %broadcast_in_dim3A_88 : i32 to vector<16xi32>
    %scan3A = arith.constant 0 : i32
    %scan3A_90 = arith.constant 80 : i32
    %scan3A_91 = arith.addi %scan3A, %scan3A_90 : i32
    %scan3A_92 = arith.constant 1 : i32
    %scan3A_93:6 = scf.for %scan3A_1790 = %scan3A to %scan3A_91 step %scan3A_92 iter_args(%scan3A_1791 = %broadcast_in_dim3A_79, %scan3A_1792 = %broadcast_in_dim3A_81, %scan3A_1793 = %broadcast_in_dim3A_83, %scan3A_1794 = %broadcast_in_dim3A_85, %scan3A_1795 = %broadcast_in_dim3A_87, %scan3A_1796 = %broadcast_in_dim3A_89) -> (vector<16xf32>, vector<16xf32>, vector<16xi32>, vector<16xf32>, vector<16xf32>, vector<16xi32>)  : i32 {
      %mul3A_1797 = arith.constant 16 : i32
      %mul3A_1798 = arith.muli %scan3A_1790, %mul3A_1797 : i32
      %add3A_1799 = vector.broadcast %mul3A_1798 : i32 to vector<16xi32>
      %add3A_1800 = arith.addi %iota3A, %add3A_1799 : vector<16xi32>
      %mul3A_1801 = arith.constant 16 : i32
      %mul3A_1802 = arith.muli %scan3A_1790, %mul3A_1801 : i32
      %get3A = arith.index_cast %mul3A_1802 : i32 to index
      %get3A_1803 = tpu.vector_load %arg11[%get3A] {strides = array<i32>} : memref<1280xf32, #tpu.memory_space<vmem>>, vector<16xf32>,
      %mul3A_1804 = arith.constant 16 : i32
      %mul3A_1805 = arith.muli %scan3A_1790, %mul3A_1804 : i32
      %get3A_1806 = arith.index_cast %mul3A_1805 : i32 to index
      %get3A_1807 = tpu.vector_load %arg12[%get3A_1806] {strides = array<i32>} : memref<1280xf32, #tpu.memory_space<vmem>>, vector<16xf32>,
      %lt3A_1808 = arith.cmpf olt, %get3A_1803, %scan3A_1792 : vector<16xf32>
      %reduce_or3A_1809 = arith.constant 1.000000e+00 : f32
      %reduce_or3A_1810 = arith.constant 0.000000e+00 : f32
      %reduce_or3A_1811 = vector.broadcast %reduce_or3A_1809 : f32 to vector<16xf32>
      %reduce_or3A_1812 = vector.broadcast %reduce_or3A_1810 : f32 to vector<16xf32>
      %reduce_or3A_1813 = arith.select %lt3A_1808, %reduce_or3A_1811, %reduce_or3A_1812 : vector<16xi1>, vector<16xf32>
      %reduce_or3A_1814 = arith.constant true
      %reduce_or3A_1815 = vector.broadcast %reduce_or3A_1814 : i1 to vector<16xi1>
      %reduce_or3A_1816 = tpu.scan <max>, %reduce_or3A_1813 masked %reduce_or3A_1815 : vector<16xf32>, vector<16xi1> -> vector<16xf32>
      %reduce_or3A_1817 = vector.extract %reduce_or3A_1816[15] : f32 from vector<16xf32>
      %reduce_or3A_1818 = arith.constant 0.000000e+00 : f32
      %reduce_or3A_1819 = arith.cmpf ogt, %reduce_or3A_1817, %reduce_or3A_1818 : f32
      %convert_element_type3A_1820 = arith.extui %reduce_or3A_1819 : i1 to i32
      %cond3A_1821 = arith.constant 0 : i32
      %cond3A_1822 = arith.cmpi ne, %convert_element_type3A_1820, %cond3A_1821 : i32
      %cond3A_1823:3 = scf.if %cond3A_1822 -> (vector<16xf32>, vector<16xi32>, vector<16xf32>) {
        %masked_sort3A = arith.constant dense<true> : vector<16xi1>
        %masked_sort3A_1840, %masked_sort3A_1841, %masked_sort3A_1842 = tpu.sort %get3A_1803, %add3A_1800 masked %masked_sort3A : (vector<16xf32>, vector<16xi32>, vector<16xi1>) -> (vector<16xi1>, vector<16xf32>, vector<16xi32>)
        %rev3A_1843 = arith.constant 15 : i32
        %rev3A_1844 = vector.broadcast %rev3A_1843 : i32 to vector<16xi32>
        %rev3A_1845 = tpu.iota {dimensions = array<i32: 0>} : vector<16xi32>
        %rev3A_1846 = arith.subi %rev3A_1844, %rev3A_1845 : vector<16xi32>
        %rev3A_1847 = tpu.dynamic_gather %masked_sort3A_1841[%rev3A_1846] in [0] : vector<16xf32>, vector<16xi32> -> vector<16xf32>
        %rev3A_1848 = arith.constant 15 : i32
        %rev3A_1849 = vector.broadcast %rev3A_1848 : i32 to vector<16xi32>
        %rev3A_1850 = tpu.iota {dimensions = array<i32: 0>} : vector<16xi32>
        %rev3A_1851 = arith.subi %rev3A_1849, %rev3A_1850 : vector<16xi32>
        %rev3A_1852 = tpu.dynamic_gather %masked_sort3A_1842[%rev3A_1851] in [0] : vector<16xi32>, vector<16xi32> -> vector<16xi32>
        %le3A = arith.cmpf ole, %scan3A_1791, %rev3A_1847 : vector<16xf32>
        %select_n3A_1853 = arith.select %le3A, %scan3A_1791, %rev3A_1847 : vector<16xi1>, vector<16xf32>
        %select_n3A_1854 = arith.select %le3A, %scan3A_1793, %rev3A_1852 : vector<16xi1>, vector<16xi32>
        %masked_sort3A_1855 = arith.constant dense<true> : vector<16xi1>
        %masked_sort3A_1856, %masked_sort3A_1857, %masked_sort3A_1858 = tpu.sort %select_n3A_1853, %select_n3A_1854 masked %masked_sort3A_1855 : (vector<16xf32>, vector<16xi32>, vector<16xi1>) -> (vector<16xi1>, vector<16xf32>, vector<16xi32>)
        %reduce_max3A = arith.constant true
        %reduce_max3A_1859 = vector.broadcast %reduce_max3A : i1 to vector<16xi1>
        %reduce_max3A_1860 = tpu.scan <max>, %masked_sort3A_1857 masked %reduce_max3A_1859 : vector<16xf32>, vector<16xi1> -> vector<16xf32>
        %reduce_max3A_1861 = vector.extract %reduce_max3A_1860[15] : f32 from vector<16xf32>
        %broadcast_in_dim3A_1862 = vector.broadcast %reduce_max3A_1861 : f32 to vector<16xf32>
        scf.yield %masked_sort3A_1857, %masked_sort3A_1858, %broadcast_in_dim3A_1862 : vector<16xf32>, vector<16xi32>, vector<16xf32>
      } else {
        scf.yield %scan3A_1791, %scan3A_1793, %scan3A_1792 : vector<16xf32>, vector<16xi32>, vector<16xf32>
      }
      %gt3A_1824 = arith.cmpf ogt, %get3A_1807, %scan3A_1795 : vector<16xf32>
      %reduce_or3A_1825 = arith.constant 1.000000e+00 : f32
      %reduce_or3A_1826 = arith.constant 0.000000e+00 : f32
      %reduce_or3A_1827 = vector.broadcast %reduce_or3A_1825 : f32 to vector<16xf32>
      %reduce_or3A_1828 = vector.broadcast %reduce_or3A_1826 : f32 to vector<16xf32>
      %reduce_or3A_1829 = arith.select %gt3A_1824, %reduce_or3A_1827, %reduce_or3A_1828 : vector<16xi1>, vector<16xf32>
      %reduce_or3A_1830 = arith.constant true
      %reduce_or3A_1831 = vector.broadcast %reduce_or3A_1830 : i1 to vector<16xi1>
      %reduce_or3A_1832 = tpu.scan <max>, %reduce_or3A_1829 masked %reduce_or3A_1831 : vector<16xf32>, vector<16xi1> -> vector<16xf32>
      %reduce_or3A_1833 = vector.extract %reduce_or3A_1832[15] : f32 from vector<16xf32>
      %reduce_or3A_1834 = arith.constant 0.000000e+00 : f32
      %reduce_or3A_1835 = arith.cmpf ogt, %reduce_or3A_1833, %reduce_or3A_1834 : f32
      %convert_element_type3A_1836 = arith.extui %reduce_or3A_1835 : i1 to i32
      %cond3A_1837 = arith.constant 0 : i32
      %cond3A_1838 = arith.cmpi ne, %convert_element_type3A_1836, %cond3A_1837 : i32
      %cond3A_1839:3 = scf.if %cond3A_1838 -> (vector<16xf32>, vector<16xi32>, vector<16xf32>) {
        %masked_sort3A = arith.constant dense<true> : vector<16xi1>
        %masked_sort3A_1840, %masked_sort3A_1841, %masked_sort3A_1842 = tpu.sort %get3A_1807, %add3A_1800 masked %masked_sort3A : (vector<16xf32>, vector<16xi32>, vector<16xi1>) -> (vector<16xi1>, vector<16xf32>, vector<16xi32>)
        %rev3A_1843 = arith.constant 15 : i32
        %rev3A_1844 = vector.broadcast %rev3A_1843 : i32 to vector<16xi32>
        %rev3A_1845 = tpu.iota {dimensions = array<i32: 0>} : vector<16xi32>
        %rev3A_1846 = arith.subi %rev3A_1844, %rev3A_1845 : vector<16xi32>
        %rev3A_1847 = tpu.dynamic_gather %masked_sort3A_1841[%rev3A_1846] in [0] : vector<16xf32>, vector<16xi32> -> vector<16xf32>
        %rev3A_1848 = arith.constant 15 : i32
        %rev3A_1849 = vector.broadcast %rev3A_1848 : i32 to vector<16xi32>
        %rev3A_1850 = tpu.iota {dimensions = array<i32: 0>} : vector<16xi32>
        %rev3A_1851 = arith.subi %rev3A_1849, %rev3A_1850 : vector<16xi32>
        %rev3A_1852 = tpu.dynamic_gather %masked_sort3A_1842[%rev3A_1851] in [0] : vector<16xi32>, vector<16xi32> -> vector<16xi32>
        %ge3A_1853 = arith.cmpf oge, %scan3A_1794, %rev3A_1847 : vector<16xf32>
        %select_n3A_1854 = arith.select %ge3A_1853, %scan3A_1794, %rev3A_1847 : vector<16xi1>, vector<16xf32>
        %select_n3A_1855 = arith.select %ge3A_1853, %scan3A_1796, %rev3A_1852 : vector<16xi1>, vector<16xi32>
        %masked_sort3A_1856 = arith.constant dense<true> : vector<16xi1>
        %masked_sort3A_1857, %masked_sort3A_1858, %masked_sort3A_1859 = tpu.sort %select_n3A_1854, %select_n3A_1855 masked %masked_sort3A_1856 : (vector<16xf32>, vector<16xi32>, vector<16xi1>) -> (vector<16xi1>, vector<16xf32>, vector<16xi32>)
        %reduce_min3A = arith.constant true
        %reduce_min3A_1860 = vector.broadcast %reduce_min3A : i1 to vector<16xi1>
        %reduce_min3A_1861 = tpu.scan <min>, %masked_sort3A_1858 masked %reduce_min3A_1860 : vector<16xf32>, vector<16xi1> -> vector<16xf32>
        %reduce_min3A_1862 = vector.extract %reduce_min3A_1861[15] : f32 from vector<16xf32>
        %broadcast_in_dim3A_1863 = vector.broadcast %reduce_min3A_1862 : f32 to vector<16xf32>
        scf.yield %masked_sort3A_1858, %masked_sort3A_1859, %broadcast_in_dim3A_1863 : vector<16xf32>, vector<16xi32>, vector<16xf32>
      } else {
        scf.yield %scan3A_1794, %scan3A_1796, %scan3A_1795 : vector<16xf32>, vector<16xi32>, vector<16xf32>
      }
      scf.yield %cond3A_1823#0, %cond3A_1823#2, %cond3A_1823#1, %cond3A_1839#0, %cond3A_1839#2, %cond3A_1839#1 : vector<16xf32>, vector<16xf32>, vector<16xi32>, vector<16xf32>, vector<16xf32>, vector<16xi32>
    }
    %scan3A_94 = arith.constant 80 : i32
    %broadcast_in_dim3A_95 = arith.constant 3.000000e+38 : f32
    %broadcast_in_dim3A_96 = vector.broadcast %broadcast_in_dim3A_95 : f32 to vector<16xf32>
    %broadcast_in_dim3A_97 = arith.constant 3.000000e+38 : f32
    %broadcast_in_dim3A_98 = vector.broadcast %broadcast_in_dim3A_97 : f32 to vector<16xf32>
    %broadcast_in_dim3A_99 = arith.constant -1.000000e+00 : f32
    %broadcast_in_dim3A_100 = vector.broadcast %broadcast_in_dim3A_99 : f32 to vector<16xf32>
    %broadcast_in_dim3A_101 = arith.constant -1.000000e+00 : f32
    %broadcast_in_dim3A_102 = vector.broadcast %broadcast_in_dim3A_101 : f32 to vector<16xf32>
    %add3A_103 = arith.constant 0 : i32
    %add3A_104 = vector.broadcast %add3A_103 : i32 to vector<16xi32>
    %add3A_105 = arith.addi %scan3A_93#2, %add3A_104 : vector<16xi32>
    %gather3A = tpu.vector_load_idx %arg7[%add3A_105] : memref<20480xf32, #tpu.memory_space<vmem>>[vector<16xi32>], vector<16xf32>,
    %lt3A = arith.cmpf olt, %gather3A, %broadcast_in_dim3A_98 : vector<16xf32>
    %reduce_or3A = arith.constant 1.000000e+00 : f32
    %reduce_or3A_106 = arith.constant 0.000000e+00 : f32
    %reduce_or3A_107 = vector.broadcast %reduce_or3A : f32 to vector<16xf32>
    %reduce_or3A_108 = vector.broadcast %reduce_or3A_106 : f32 to vector<16xf32>
    %reduce_or3A_109 = arith.select %lt3A, %reduce_or3A_107, %reduce_or3A_108 : vector<16xi1>, vector<16xf32>
    %reduce_or3A_110 = arith.constant true
    %reduce_or3A_111 = vector.broadcast %reduce_or3A_110 : i1 to vector<16xi1>
    %reduce_or3A_112 = tpu.scan <max>, %reduce_or3A_109 masked %reduce_or3A_111 : vector<16xf32>, vector<16xi1> -> vector<16xf32>
    %reduce_or3A_113 = vector.extract %reduce_or3A_112[15] : f32 from vector<16xf32>
    %reduce_or3A_114 = arith.constant 0.000000e+00 : f32
    %reduce_or3A_115 = arith.cmpf ogt, %reduce_or3A_113, %reduce_or3A_114 : f32
    %convert_element_type3A = arith.extui %reduce_or3A_115 : i1 to i32
    %cond3A = arith.constant 0 : i32
    %cond3A_116 = arith.cmpi ne, %convert_element_type3A, %cond3A : i32
    %cond3A_117:2 = scf.if %cond3A_116 -> (vector<16xf32>, vector<16xf32>) {
      %sort3A = arith.constant dense<true> : vector<16xi1>
      %sort3A_1790, %sort3A_1791, %sort3A_1792 = tpu.sort %gather3A, %gather3A masked %sort3A : (vector<16xf32>, vector<16xf32>, vector<16xi1>) -> (vector<16xi1>, vector<16xf32>, vector<16xf32>)
      %rev3A_1793 = arith.constant 15 : i32
      %rev3A_1794 = vector.broadcast %rev3A_1793 : i32 to vector<16xi32>
      %rev3A_1795 = tpu.iota {dimensions = array<i32: 0>} : vector<16xi32>
      %rev3A_1796 = arith.subi %rev3A_1794, %rev3A_1795 : vector<16xi32>
      %rev3A_1797 = tpu.dynamic_gather %sort3A_1791[%rev3A_1796] in [0] : vector<16xf32>, vector<16xi32> -> vector<16xf32>
      %min3A = arith.minimumf %broadcast_in_dim3A_96, %rev3A_1797 : vector<16xf32>
      %sort3A_1798 = arith.constant dense<true> : vector<16xi1>
      %sort3A_1799, %sort3A_1800, %sort3A_1801 = tpu.sort %min3A, %min3A masked %sort3A_1798 : (vector<16xf32>, vector<16xf32>, vector<16xi1>) -> (vector<16xi1>, vector<16xf32>, vector<16xf32>)
      %reduce_max3A = arith.constant true
      %reduce_max3A_1802 = vector.broadcast %reduce_max3A : i1 to vector<16xi1>
      %reduce_max3A_1803 = tpu.scan <max>, %sort3A_1800 masked %reduce_max3A_1802 : vector<16xf32>, vector<16xi1> -> vector<16xf32>
      %reduce_max3A_1804 = vector.extract %reduce_max3A_1803[15] : f32 from vector<16xf32>
      %broadcast_in_dim3A_1805 = vector.broadcast %reduce_max3A_1804 : f32 to vector<16xf32>
      scf.yield %sort3A_1800, %broadcast_in_dim3A_1805 : vector<16xf32>, vector<16xf32>
    } else {
      scf.yield %broadcast_in_dim3A_96, %broadcast_in_dim3A_98 : vector<16xf32>, vector<16xf32>
    }
    %add3A_118 = arith.constant 0 : i32
    %add3A_119 = vector.broadcast %add3A_118 : i32 to vector<16xi32>
    %add3A_120 = arith.addi %scan3A_93#5, %add3A_119 : vector<16xi32>
    %gather3A_121 = tpu.vector_load_idx %arg8[%add3A_120] : memref<20480xf32, #tpu.memory_space<vmem>>[vector<16xi32>], vector<16xf32>,
    %gt3A = arith.cmpf ogt, %gather3A_121, %broadcast_in_dim3A_102 : vector<16xf32>
    %reduce_or3A_122 = arith.constant 1.000000e+00 : f32
    %reduce_or3A_123 = arith.constant 0.000000e+00 : f32
    %reduce_or3A_124 = vector.broadcast %reduce_or3A_122 : f32 to vector<16xf32>
    %reduce_or3A_125 = vector.broadcast %reduce_or3A_123 : f32 to vector<16xf32>
    %reduce_or3A_126 = arith.select %gt3A, %reduce_or3A_124, %reduce_or3A_125 : vector<16xi1>, vector<16xf32>
    %reduce_or3A_127 = arith.constant true
    %reduce_or3A_128 = vector.broadcast %reduce_or3A_127 : i1 to vector<16xi1>
    %reduce_or3A_129 = tpu.scan <max>, %reduce_or3A_126 masked %reduce_or3A_128 : vector<16xf32>, vector<16xi1> -> vector<16xf32>
    %reduce_or3A_130 = vector.extract %reduce_or3A_129[15] : f32 from vector<16xf32>
    %reduce_or3A_131 = arith.constant 0.000000e+00 : f32
    %reduce_or3A_132 = arith.cmpf ogt, %reduce_or3A_130, %reduce_or3A_131 : f32
    %convert_element_type3A_133 = arith.extui %reduce_or3A_132 : i1 to i32
    %cond3A_134 = arith.constant 0 : i32
    %cond3A_135 = arith.cmpi ne, %convert_element_type3A_133, %cond3A_134 : i32
    %cond3A_136:2 = scf.if %cond3A_135 -> (vector<16xf32>, vector<16xf32>) {
      %sort3A = arith.constant dense<true> : vector<16xi1>
      %sort3A_1790, %sort3A_1791, %sort3A_1792 = tpu.sort %gather3A_121, %gather3A_121 masked %sort3A : (vector<16xf32>, vector<16xf32>, vector<16xi1>) -> (vector<16xi1>, vector<16xf32>, vector<16xf32>)
      %rev3A_1793 = arith.constant 15 : i32
      %rev3A_1794 = vector.broadcast %rev3A_1793 : i32 to vector<16xi32>
      %rev3A_1795 = tpu.iota {dimensions = array<i32: 0>} : vector<16xi32>
      %rev3A_1796 = arith.subi %rev3A_1794, %rev3A_1795 : vector<16xi32>
      %rev3A_1797 = tpu.dynamic_gather %sort3A_1791[%rev3A_1796] in [0] : vector<16xf32>, vector<16xi32> -> vector<16xf32>
      %max3A_1798 = arith.maximumf %broadcast_in_dim3A_100, %rev3A_1797 : vector<16xf32>
      %sort3A_1799 = arith.constant dense<true> : vector<16xi1>
      %sort3A_1800, %sort3A_1801, %sort3A_1802 = tpu.sort %max3A_1798, %max3A_1798 masked %sort3A_1799 : (vector<16xf32>, vector<16xf32>, vector<16xi1>) -> (vector<16xi1>, vector<16xf32>, vector<16xf32>)
      %reduce_min3A = arith.constant true
      %reduce_min3A_1803 = vector.broadcast %reduce_min3A : i1 to vector<16xi1>
      %reduce_min3A_1804 = tpu.scan <min>, %sort3A_1801 masked %reduce_min3A_1803 : vector<16xf32>, vector<16xi1> -> vector<16xf32>
      %reduce_min3A_1805 = vector.extract %reduce_min3A_1804[15] : f32 from vector<16xf32>
      %broadcast_in_dim3A_1806 = vector.broadcast %reduce_min3A_1805 : f32 to vector<16xf32>
      scf.yield %sort3A_1801, %broadcast_in_dim3A_1806 : vector<16xf32>, vector<16xf32>
    } else {
      scf.yield %broadcast_in_dim3A_100, %broadcast_in_dim3A_102 : vector<16xf32>, vector<16xf32>
    }
    %add3A_137 = arith.constant 1280 : i32
    %add3A_138 = vector.broadcast %add3A_137 : i32 to vector<16xi32>
    %add3A_139 = arith.addi %scan3A_93#2, %add3A_138 : vector<16xi32>
    %gather3A_140 = tpu.vector_load_idx %arg7[%add3A_139] : memref<20480xf32, #tpu.memory_space<vmem>>[vector<16xi32>], vector<16xf32>,
    %lt3A_141 = arith.cmpf olt, %gather3A_140, %cond3A_117#1 : vector<16xf32>
    %reduce_or3A_142 = arith.constant 1.000000e+00 : f32
    %reduce_or3A_143 = arith.constant 0.000000e+00 : f32
    %reduce_or3A_144 = vector.broadcast %reduce_or3A_142 : f32 to vector<16xf32>
    %reduce_or3A_145 = vector.broadcast %reduce_or3A_143 : f32 to vector<16xf32>
    %reduce_or3A_146 = arith.select %lt3A_141, %reduce_or3A_144, %reduce_or3A_145 : vector<16xi1>, vector<16xf32>
    %reduce_or3A_147 = arith.constant true
    %reduce_or3A_148 = vector.broadcast %reduce_or3A_147 : i1 to vector<16xi1>
    %reduce_or3A_149 = tpu.scan <max>, %reduce_or3A_146 masked %reduce_or3A_148 : vector<16xf32>, vector<16xi1> -> vector<16xf32>
    %reduce_or3A_150 = vector.extract %reduce_or3A_149[15] : f32 from vector<16xf32>
    %reduce_or3A_151 = arith.constant 0.000000e+00 : f32
    %reduce_or3A_152 = arith.cmpf ogt, %reduce_or3A_150, %reduce_or3A_151 : f32
    %convert_element_type3A_153 = arith.extui %reduce_or3A_152 : i1 to i32
    %cond3A_154 = arith.constant 0 : i32
    %cond3A_155 = arith.cmpi ne, %convert_element_type3A_153, %cond3A_154 : i32
    %cond3A_156:2 = scf.if %cond3A_155 -> (vector<16xf32>, vector<16xf32>) {
      %sort3A = arith.constant dense<true> : vector<16xi1>
      %sort3A_1790, %sort3A_1791, %sort3A_1792 = tpu.sort %gather3A_140, %gather3A_140 masked %sort3A : (vector<16xf32>, vector<16xf32>, vector<16xi1>) -> (vector<16xi1>, vector<16xf32>, vector<16xf32>)
      %rev3A_1793 = arith.constant 15 : i32
      %rev3A_1794 = vector.broadcast %rev3A_1793 : i32 to vector<16xi32>
      %rev3A_1795 = tpu.iota {dimensions = array<i32: 0>} : vector<16xi32>
      %rev3A_1796 = arith.subi %rev3A_1794, %rev3A_1795 : vector<16xi32>
      %rev3A_1797 = tpu.dynamic_gather %sort3A_1791[%rev3A_1796] in [0] : vector<16xf32>, vector<16xi32> -> vector<16xf32>
      %min3A = arith.minimumf %cond3A_117#0, %rev3A_1797 : vector<16xf32>
      %sort3A_1798 = arith.constant dense<true> : vector<16xi1>
      %sort3A_1799, %sort3A_1800, %sort3A_1801 = tpu.sort %min3A, %min3A masked %sort3A_1798 : (vector<16xf32>, vector<16xf32>, vector<16xi1>) -> (vector<16xi1>, vector<16xf32>, vector<16xf32>)
      %reduce_max3A = arith.constant true
      %reduce_max3A_1802 = vector.broadcast %reduce_max3A : i1 to vector<16xi1>
      %reduce_max3A_1803 = tpu.scan <max>, %sort3A_1800 masked %reduce_max3A_1802 : vector<16xf32>, vector<16xi1> -> vector<16xf32>
      %reduce_max3A_1804 = vector.extract %reduce_max3A_1803[15] : f32 from vector<16xf32>
      %broadcast_in_dim3A_1805 = vector.broadcast %reduce_max3A_1804 : f32 to vector<16xf32>
      scf.yield %sort3A_1800, %broadcast_in_dim3A_1805 : vector<16xf32>, vector<16xf32>
    } else {
      scf.yield %cond3A_117#0, %cond3A_117#1 : vector<16xf32>, vector<16xf32>
    }
    %add3A_157 = arith.constant 1280 : i32
    %add3A_158 = vector.broadcast %add3A_157 : i32 to vector<16xi32>
    %add3A_159 = arith.addi %scan3A_93#5, %add3A_158 : vector<16xi32>
    %gather3A_160 = tpu.vector_load_idx %arg8[%add3A_159] : memref<20480xf32, #tpu.memory_space<vmem>>[vector<16xi32>], vector<16xf32>,
    %gt3A_161 = arith.cmpf ogt, %gather3A_160, %cond3A_136#1 : vector<16xf32>
    %reduce_or3A_162 = arith.constant 1.000000e+00 : f32
    %reduce_or3A_163 = arith.constant 0.000000e+00 : f32
    %reduce_or3A_164 = vector.broadcast %reduce_or3A_162 : f32 to vector<16xf32>
    %reduce_or3A_165 = vector.broadcast %reduce_or3A_163 : f32 to vector<16xf32>
    %reduce_or3A_166 = arith.select %gt3A_161, %reduce_or3A_164, %reduce_or3A_165 : vector<16xi1>, vector<16xf32>
    %reduce_or3A_167 = arith.constant true
    %reduce_or3A_168 = vector.broadcast %reduce_or3A_167 : i1 to vector<16xi1>
    %reduce_or3A_169 = tpu.scan <max>, %reduce_or3A_166 masked %reduce_or3A_168 : vector<16xf32>, vector<16xi1> -> vector<16xf32>
    %reduce_or3A_170 = vector.extract %reduce_or3A_169[15] : f32 from vector<16xf32>
    %reduce_or3A_171 = arith.constant 0.000000e+00 : f32
    %reduce_or3A_172 = arith.cmpf ogt, %reduce_or3A_170, %reduce_or3A_171 : f32
    %convert_element_type3A_173 = arith.extui %reduce_or3A_172 : i1 to i32
    %cond3A_174 = arith.constant 0 : i32
    %cond3A_175 = arith.cmpi ne, %convert_element_type3A_173, %cond3A_174 : i32
    %cond3A_176:2 = scf.if %cond3A_175 -> (vector<16xf32>, vector<16xf32>) {
      %sort3A = arith.constant dense<true> : vector<16xi1>
      %sort3A_1790, %sort3A_1791, %sort3A_1792 = tpu.sort %gather3A_160, %gather3A_160 masked %sort3A : (vector<16xf32>, vector<16xf32>, vector<16xi1>) -> (vector<16xi1>, vector<16xf32>, vector<16xf32>)
      %rev3A_1793 = arith.constant 15 : i32
      %rev3A_1794 = vector.broadcast %rev3A_1793 : i32 to vector<16xi32>
      %rev3A_1795 = tpu.iota {dimensions = array<i32: 0>} : vector<16xi32>
      %rev3A_1796 = arith.subi %rev3A_1794, %rev3A_1795 : vector<16xi32>
      %rev3A_1797 = tpu.dynamic_gather %sort3A_1791[%rev3A_1796] in [0] : vector<16xf32>, vector<16xi32> -> vector<16xf32>
      %max3A_1798 = arith.maximumf %cond3A_136#0, %rev3A_1797 : vector<16xf32>
      %sort3A_1799 = arith.constant dense<true> : vector<16xi1>
      %sort3A_1800, %sort3A_1801, %sort3A_1802 = tpu.sort %max3A_1798, %max3A_1798 masked %sort3A_1799 : (vector<16xf32>, vector<16xf32>, vector<16xi1>) -> (vector<16xi1>, vector<16xf32>, vector<16xf32>)
      %reduce_min3A = arith.constant true
      %reduce_min3A_1803 = vector.broadcast %reduce_min3A : i1 to vector<16xi1>
      %reduce_min3A_1804 = tpu.scan <min>, %sort3A_1801 masked %reduce_min3A_1803 : vector<16xf32>, vector<16xi1> -> vector<16xf32>
      %reduce_min3A_1805 = vector.extract %reduce_min3A_1804[15] : f32 from vector<16xf32>
      %broadcast_in_dim3A_1806 = vector.broadcast %reduce_min3A_1805 : f32 to vector<16xf32>
      scf.yield %sort3A_1801, %broadcast_in_dim3A_1806 : vector<16xf32>, vector<16xf32>
    } else {
      scf.yield %cond3A_136#0, %cond3A_136#1 : vector<16xf32>, vector<16xf32>
    }
    %add3A_177 = arith.constant 2560 : i32
    %add3A_178 = vector.broadcast %add3A_177 : i32 to vector<16xi32>
    %add3A_179 = arith.addi %scan3A_93#2, %add3A_178 : vector<16xi32>
    %gather3A_180 = tpu.vector_load_idx %arg7[%add3A_179] : memref<20480xf32, #tpu.memory_space<vmem>>[vector<16xi32>], vector<16xf32>,
    %lt3A_181 = arith.cmpf olt, %gather3A_180, %cond3A_156#1 : vector<16xf32>
    %reduce_or3A_182 = arith.constant 1.000000e+00 : f32
    %reduce_or3A_183 = arith.constant 0.000000e+00 : f32
    %reduce_or3A_184 = vector.broadcast %reduce_or3A_182 : f32 to vector<16xf32>
    %reduce_or3A_185 = vector.broadcast %reduce_or3A_183 : f32 to vector<16xf32>
    %reduce_or3A_186 = arith.select %lt3A_181, %reduce_or3A_184, %reduce_or3A_185 : vector<16xi1>, vector<16xf32>
    %reduce_or3A_187 = arith.constant true
    %reduce_or3A_188 = vector.broadcast %reduce_or3A_187 : i1 to vector<16xi1>
    %reduce_or3A_189 = tpu.scan <max>, %reduce_or3A_186 masked %reduce_or3A_188 : vector<16xf32>, vector<16xi1> -> vector<16xf32>
    %reduce_or3A_190 = vector.extract %reduce_or3A_189[15] : f32 from vector<16xf32>
    %reduce_or3A_191 = arith.constant 0.000000e+00 : f32
    %reduce_or3A_192 = arith.cmpf ogt, %reduce_or3A_190, %reduce_or3A_191 : f32
    %convert_element_type3A_193 = arith.extui %reduce_or3A_192 : i1 to i32
    %cond3A_194 = arith.constant 0 : i32
    %cond3A_195 = arith.cmpi ne, %convert_element_type3A_193, %cond3A_194 : i32
    %cond3A_196:2 = scf.if %cond3A_195 -> (vector<16xf32>, vector<16xf32>) {
      %sort3A = arith.constant dense<true> : vector<16xi1>
      %sort3A_1790, %sort3A_1791, %sort3A_1792 = tpu.sort %gather3A_180, %gather3A_180 masked %sort3A : (vector<16xf32>, vector<16xf32>, vector<16xi1>) -> (vector<16xi1>, vector<16xf32>, vector<16xf32>)
      %rev3A_1793 = arith.constant 15 : i32
      %rev3A_1794 = vector.broadcast %rev3A_1793 : i32 to vector<16xi32>
      %rev3A_1795 = tpu.iota {dimensions = array<i32: 0>} : vector<16xi32>
      %rev3A_1796 = arith.subi %rev3A_1794, %rev3A_1795 : vector<16xi32>
      %rev3A_1797 = tpu.dynamic_gather %sort3A_1791[%rev3A_1796] in [0] : vector<16xf32>, vector<16xi32> -> vector<16xf32>
      %min3A = arith.minimumf %cond3A_156#0, %rev3A_1797 : vector<16xf32>
      %sort3A_1798 = arith.constant dense<true> : vector<16xi1>
      %sort3A_1799, %sort3A_1800, %sort3A_1801 = tpu.sort %min3A, %min3A masked %sort3A_1798 : (vector<16xf32>, vector<16xf32>, vector<16xi1>) -> (vector<16xi1>, vector<16xf32>, vector<16xf32>)
      %reduce_max3A = arith.constant true
      %reduce_max3A_1802 = vector.broadcast %reduce_max3A : i1 to vector<16xi1>
      %reduce_max3A_1803 = tpu.scan <max>, %sort3A_1800 masked %reduce_max3A_1802 : vector<16xf32>, vector<16xi1> -> vector<16xf32>
      %reduce_max3A_1804 = vector.extract %reduce_max3A_1803[15] : f32 from vector<16xf32>
      %broadcast_in_dim3A_1805 = vector.broadcast %reduce_max3A_1804 : f32 to vector<16xf32>
      scf.yield %sort3A_1800, %broadcast_in_dim3A_1805 : vector<16xf32>, vector<16xf32>
    } else {
      scf.yield %cond3A_156#0, %cond3A_156#1 : vector<16xf32>, vector<16xf32>
    }
    %add3A_197 = arith.constant 2560 : i32
    %add3A_198 = vector.broadcast %add3A_197 : i32 to vector<16xi32>
    %add3A_199 = arith.addi %scan3A_93#5, %add3A_198 : vector<16xi32>
    %gather3A_200 = tpu.vector_load_idx %arg8[%add3A_199] : memref<20480xf32, #tpu.memory_space<vmem>>[vector<16xi32>], vector<16xf32>,
    %gt3A_201 = arith.cmpf ogt, %gather3A_200, %cond3A_176#1 : vector<16xf32>
    %reduce_or3A_202 = arith.constant 1.000000e+00 : f32
    %reduce_or3A_203 = arith.constant 0.000000e+00 : f32
    %reduce_or3A_204 = vector.broadcast %reduce_or3A_202 : f32 to vector<16xf32>
    %reduce_or3A_205 = vector.broadcast %reduce_or3A_203 : f32 to vector<16xf32>
    %reduce_or3A_206 = arith.select %gt3A_201, %reduce_or3A_204, %reduce_or3A_205 : vector<16xi1>, vector<16xf32>
    %reduce_or3A_207 = arith.constant true
    %reduce_or3A_208 = vector.broadcast %reduce_or3A_207 : i1 to vector<16xi1>
    %reduce_or3A_209 = tpu.scan <max>, %reduce_or3A_206 masked %reduce_or3A_208 : vector<16xf32>, vector<16xi1> -> vector<16xf32>
    %reduce_or3A_210 = vector.extract %reduce_or3A_209[15] : f32 from vector<16xf32>
    %reduce_or3A_211 = arith.constant 0.000000e+00 : f32
    %reduce_or3A_212 = arith.cmpf ogt, %reduce_or3A_210, %reduce_or3A_211 : f32
    %convert_element_type3A_213 = arith.extui %reduce_or3A_212 : i1 to i32
    %cond3A_214 = arith.constant 0 : i32
    %cond3A_215 = arith.cmpi ne, %convert_element_type3A_213, %cond3A_214 : i32
    %cond3A_216:2 = scf.if %cond3A_215 -> (vector<16xf32>, vector<16xf32>) {
      %sort3A = arith.constant dense<true> : vector<16xi1>
      %sort3A_1790, %sort3A_1791, %sort3A_1792 = tpu.sort %gather3A_200, %gather3A_200 masked %sort3A : (vector<16xf32>, vector<16xf32>, vector<16xi1>) -> (vector<16xi1>, vector<16xf32>, vector<16xf32>)
      %rev3A_1793 = arith.constant 15 : i32
      %rev3A_1794 = vector.broadcast %rev3A_1793 : i32 to vector<16xi32>
      %rev3A_1795 = tpu.iota {dimensions = array<i32: 0>} : vector<16xi32>
      %rev3A_1796 = arith.subi %rev3A_1794, %rev3A_1795 : vector<16xi32>
      %rev3A_1797 = tpu.dynamic_gather %sort3A_1791[%rev3A_1796] in [0] : vector<16xf32>, vector<16xi32> -> vector<16xf32>
      %max3A_1798 = arith.maximumf %cond3A_176#0, %rev3A_1797 : vector<16xf32>
      %sort3A_1799 = arith.constant dense<true> : vector<16xi1>
      %sort3A_1800, %sort3A_1801, %sort3A_1802 = tpu.sort %max3A_1798, %max3A_1798 masked %sort3A_1799 : (vector<16xf32>, vector<16xf32>, vector<16xi1>) -> (vector<16xi1>, vector<16xf32>, vector<16xf32>)
      %reduce_min3A = arith.constant true
      %reduce_min3A_1803 = vector.broadcast %reduce_min3A : i1 to vector<16xi1>
      %reduce_min3A_1804 = tpu.scan <min>, %sort3A_1801 masked %reduce_min3A_1803 : vector<16xf32>, vector<16xi1> -> vector<16xf32>
      %reduce_min3A_1805 = vector.extract %reduce_min3A_1804[15] : f32 from vector<16xf32>
      %broadcast_in_dim3A_1806 = vector.broadcast %reduce_min3A_1805 : f32 to vector<16xf32>
      scf.yield %sort3A_1801, %broadcast_in_dim3A_1806 : vector<16xf32>, vector<16xf32>
    } else {
      scf.yield %cond3A_176#0, %cond3A_176#1 : vector<16xf32>, vector<16xf32>
    }
    %add3A_217 = arith.constant 3840 : i32
    %add3A_218 = vector.broadcast %add3A_217 : i32 to vector<16xi32>
    %add3A_219 = arith.addi %scan3A_93#2, %add3A_218 : vector<16xi32>
    %gather3A_220 = tpu.vector_load_idx %arg7[%add3A_219] : memref<20480xf32, #tpu.memory_space<vmem>>[vector<16xi32>], vector<16xf32>,
    %lt3A_221 = arith.cmpf olt, %gather3A_220, %cond3A_196#1 : vector<16xf32>
    %reduce_or3A_222 = arith.constant 1.000000e+00 : f32
    %reduce_or3A_223 = arith.constant 0.000000e+00 : f32
    %reduce_or3A_224 = vector.broadcast %reduce_or3A_222 : f32 to vector<16xf32>
    %reduce_or3A_225 = vector.broadcast %reduce_or3A_223 : f32 to vector<16xf32>
    %reduce_or3A_226 = arith.select %lt3A_221, %reduce_or3A_224, %reduce_or3A_225 : vector<16xi1>, vector<16xf32>
    %reduce_or3A_227 = arith.constant true
    %reduce_or3A_228 = vector.broadcast %reduce_or3A_227 : i1 to vector<16xi1>
    %reduce_or3A_229 = tpu.scan <max>, %reduce_or3A_226 masked %reduce_or3A_228 : vector<16xf32>, vector<16xi1> -> vector<16xf32>
    %reduce_or3A_230 = vector.extract %reduce_or3A_229[15] : f32 from vector<16xf32>
    %reduce_or3A_231 = arith.constant 0.000000e+00 : f32
    %reduce_or3A_232 = arith.cmpf ogt, %reduce_or3A_230, %reduce_or3A_231 : f32
    %convert_element_type3A_233 = arith.extui %reduce_or3A_232 : i1 to i32
    %cond3A_234 = arith.constant 0 : i32
    %cond3A_235 = arith.cmpi ne, %convert_element_type3A_233, %cond3A_234 : i32
    %cond3A_236:2 = scf.if %cond3A_235 -> (vector<16xf32>, vector<16xf32>) {
      %sort3A = arith.constant dense<true> : vector<16xi1>
      %sort3A_1790, %sort3A_1791, %sort3A_1792 = tpu.sort %gather3A_220, %gather3A_220 masked %sort3A : (vector<16xf32>, vector<16xf32>, vector<16xi1>) -> (vector<16xi1>, vector<16xf32>, vector<16xf32>)
      %rev3A_1793 = arith.constant 15 : i32
      %rev3A_1794 = vector.broadcast %rev3A_1793 : i32 to vector<16xi32>
      %rev3A_1795 = tpu.iota {dimensions = array<i32: 0>} : vector<16xi32>
      %rev3A_1796 = arith.subi %rev3A_1794, %rev3A_1795 : vector<16xi32>
      %rev3A_1797 = tpu.dynamic_gather %sort3A_1791[%rev3A_1796] in [0] : vector<16xf32>, vector<16xi32> -> vector<16xf32>
      %min3A = arith.minimumf %cond3A_196#0, %rev3A_1797 : vector<16xf32>
      %sort3A_1798 = arith.constant dense<true> : vector<16xi1>
      %sort3A_1799, %sort3A_1800, %sort3A_1801 = tpu.sort %min3A, %min3A masked %sort3A_1798 : (vector<16xf32>, vector<16xf32>, vector<16xi1>) -> (vector<16xi1>, vector<16xf32>, vector<16xf32>)
      %reduce_max3A = arith.constant true
      %reduce_max3A_1802 = vector.broadcast %reduce_max3A : i1 to vector<16xi1>
      %reduce_max3A_1803 = tpu.scan <max>, %sort3A_1800 masked %reduce_max3A_1802 : vector<16xf32>, vector<16xi1> -> vector<16xf32>
      %reduce_max3A_1804 = vector.extract %reduce_max3A_1803[15] : f32 from vector<16xf32>
      %broadcast_in_dim3A_1805 = vector.broadcast %reduce_max3A_1804 : f32 to vector<16xf32>
      scf.yield %sort3A_1800, %broadcast_in_dim3A_1805 : vector<16xf32>, vector<16xf32>
    } else {
      scf.yield %cond3A_196#0, %cond3A_196#1 : vector<16xf32>, vector<16xf32>
    }
    %add3A_237 = arith.constant 3840 : i32
    %add3A_238 = vector.broadcast %add3A_237 : i32 to vector<16xi32>
    %add3A_239 = arith.addi %scan3A_93#5, %add3A_238 : vector<16xi32>
    %gather3A_240 = tpu.vector_load_idx %arg8[%add3A_239] : memref<20480xf32, #tpu.memory_space<vmem>>[vector<16xi32>], vector<16xf32>,
    %gt3A_241 = arith.cmpf ogt, %gather3A_240, %cond3A_216#1 : vector<16xf32>
    %reduce_or3A_242 = arith.constant 1.000000e+00 : f32
    %reduce_or3A_243 = arith.constant 0.000000e+00 : f32
    %reduce_or3A_244 = vector.broadcast %reduce_or3A_242 : f32 to vector<16xf32>
    %reduce_or3A_245 = vector.broadcast %reduce_or3A_243 : f32 to vector<16xf32>
    %reduce_or3A_246 = arith.select %gt3A_241, %reduce_or3A_244, %reduce_or3A_245 : vector<16xi1>, vector<16xf32>
    %reduce_or3A_247 = arith.constant true
    %reduce_or3A_248 = vector.broadcast %reduce_or3A_247 : i1 to vector<16xi1>
    %reduce_or3A_249 = tpu.scan <max>, %reduce_or3A_246 masked %reduce_or3A_248 : vector<16xf32>, vector<16xi1> -> vector<16xf32>
    %reduce_or3A_250 = vector.extract %reduce_or3A_249[15] : f32 from vector<16xf32>
    %reduce_or3A_251 = arith.constant 0.000000e+00 : f32
    %reduce_or3A_252 = arith.cmpf ogt, %reduce_or3A_250, %reduce_or3A_251 : f32
    %convert_element_type3A_253 = arith.extui %reduce_or3A_252 : i1 to i32
    %cond3A_254 = arith.constant 0 : i32
    %cond3A_255 = arith.cmpi ne, %convert_element_type3A_253, %cond3A_254 : i32
    %cond3A_256:2 = scf.if %cond3A_255 -> (vector<16xf32>, vector<16xf32>) {
      %sort3A = arith.constant dense<true> : vector<16xi1>
      %sort3A_1790, %sort3A_1791, %sort3A_1792 = tpu.sort %gather3A_240, %gather3A_240 masked %sort3A : (vector<16xf32>, vector<16xf32>, vector<16xi1>) -> (vector<16xi1>, vector<16xf32>, vector<16xf32>)
      %rev3A_1793 = arith.constant 15 : i32
      %rev3A_1794 = vector.broadcast %rev3A_1793 : i32 to vector<16xi32>
      %rev3A_1795 = tpu.iota {dimensions = array<i32: 0>} : vector<16xi32>
      %rev3A_1796 = arith.subi %rev3A_1794, %rev3A_1795 : vector<16xi32>
      %rev3A_1797 = tpu.dynamic_gather %sort3A_1791[%rev3A_1796] in [0] : vector<16xf32>, vector<16xi32> -> vector<16xf32>
      %max3A_1798 = arith.maximumf %cond3A_216#0, %rev3A_1797 : vector<16xf32>
      %sort3A_1799 = arith.constant dense<true> : vector<16xi1>
      %sort3A_1800, %sort3A_1801, %sort3A_1802 = tpu.sort %max3A_1798, %max3A_1798 masked %sort3A_1799 : (vector<16xf32>, vector<16xf32>, vector<16xi1>) -> (vector<16xi1>, vector<16xf32>, vector<16xf32>)
      %reduce_min3A = arith.constant true
      %reduce_min3A_1803 = vector.broadcast %reduce_min3A : i1 to vector<16xi1>
      %reduce_min3A_1804 = tpu.scan <min>, %sort3A_1801 masked %reduce_min3A_1803 : vector<16xf32>, vector<16xi1> -> vector<16xf32>
      %reduce_min3A_1805 = vector.extract %reduce_min3A_1804[15] : f32 from vector<16xf32>
      %broadcast_in_dim3A_1806 = vector.broadcast %reduce_min3A_1805 : f32 to vector<16xf32>
      scf.yield %sort3A_1801, %broadcast_in_dim3A_1806 : vector<16xf32>, vector<16xf32>
    } else {
      scf.yield %cond3A_216#0, %cond3A_216#1 : vector<16xf32>, vector<16xf32>
    }
    %add3A_257 = arith.constant 5120 : i32
    %add3A_258 = vector.broadcast %add3A_257 : i32 to vector<16xi32>
    %add3A_259 = arith.addi %scan3A_93#2, %add3A_258 : vector<16xi32>
    %gather3A_260 = tpu.vector_load_idx %arg7[%add3A_259] : memref<20480xf32, #tpu.memory_space<vmem>>[vector<16xi32>], vector<16xf32>,
    %lt3A_261 = arith.cmpf olt, %gather3A_260, %cond3A_236#1 : vector<16xf32>
    %reduce_or3A_262 = arith.constant 1.000000e+00 : f32
    %reduce_or3A_263 = arith.constant 0.000000e+00 : f32
    %reduce_or3A_264 = vector.broadcast %reduce_or3A_262 : f32 to vector<16xf32>
    %reduce_or3A_265 = vector.broadcast %reduce_or3A_263 : f32 to vector<16xf32>
    %reduce_or3A_266 = arith.select %lt3A_261, %reduce_or3A_264, %reduce_or3A_265 : vector<16xi1>, vector<16xf32>
    %reduce_or3A_267 = arith.constant true
    %reduce_or3A_268 = vector.broadcast %reduce_or3A_267 : i1 to vector<16xi1>
    %reduce_or3A_269 = tpu.scan <max>, %reduce_or3A_266 masked %reduce_or3A_268 : vector<16xf32>, vector<16xi1> -> vector<16xf32>
    %reduce_or3A_270 = vector.extract %reduce_or3A_269[15] : f32 from vector<16xf32>
    %reduce_or3A_271 = arith.constant 0.000000e+00 : f32
    %reduce_or3A_272 = arith.cmpf ogt, %reduce_or3A_270, %reduce_or3A_271 : f32
    %convert_element_type3A_273 = arith.extui %reduce_or3A_272 : i1 to i32
    %cond3A_274 = arith.constant 0 : i32
    %cond3A_275 = arith.cmpi ne, %convert_element_type3A_273, %cond3A_274 : i32
    %cond3A_276:2 = scf.if %cond3A_275 -> (vector<16xf32>, vector<16xf32>) {
      %sort3A = arith.constant dense<true> : vector<16xi1>
      %sort3A_1790, %sort3A_1791, %sort3A_1792 = tpu.sort %gather3A_260, %gather3A_260 masked %sort3A : (vector<16xf32>, vector<16xf32>, vector<16xi1>) -> (vector<16xi1>, vector<16xf32>, vector<16xf32>)
      %rev3A_1793 = arith.constant 15 : i32
      %rev3A_1794 = vector.broadcast %rev3A_1793 : i32 to vector<16xi32>
      %rev3A_1795 = tpu.iota {dimensions = array<i32: 0>} : vector<16xi32>
      %rev3A_1796 = arith.subi %rev3A_1794, %rev3A_1795 : vector<16xi32>
      %rev3A_1797 = tpu.dynamic_gather %sort3A_1791[%rev3A_1796] in [0] : vector<16xf32>, vector<16xi32> -> vector<16xf32>
      %min3A = arith.minimumf %cond3A_236#0, %rev3A_1797 : vector<16xf32>
      %sort3A_1798 = arith.constant dense<true> : vector<16xi1>
      %sort3A_1799, %sort3A_1800, %sort3A_1801 = tpu.sort %min3A, %min3A masked %sort3A_1798 : (vector<16xf32>, vector<16xf32>, vector<16xi1>) -> (vector<16xi1>, vector<16xf32>, vector<16xf32>)
      %reduce_max3A = arith.constant true
      %reduce_max3A_1802 = vector.broadcast %reduce_max3A : i1 to vector<16xi1>
      %reduce_max3A_1803 = tpu.scan <max>, %sort3A_1800 masked %reduce_max3A_1802 : vector<16xf32>, vector<16xi1> -> vector<16xf32>
      %reduce_max3A_1804 = vector.extract %reduce_max3A_1803[15] : f32 from vector<16xf32>
      %broadcast_in_dim3A_1805 = vector.broadcast %reduce_max3A_1804 : f32 to vector<16xf32>
      scf.yield %sort3A_1800, %broadcast_in_dim3A_1805 : vector<16xf32>, vector<16xf32>
    } else {
      scf.yield %cond3A_236#0, %cond3A_236#1 : vector<16xf32>, vector<16xf32>
    }
    %add3A_277 = arith.constant 5120 : i32
    %add3A_278 = vector.broadcast %add3A_277 : i32 to vector<16xi32>
    %add3A_279 = arith.addi %scan3A_93#5, %add3A_278 : vector<16xi32>
    %gather3A_280 = tpu.vector_load_idx %arg8[%add3A_279] : memref<20480xf32, #tpu.memory_space<vmem>>[vector<16xi32>], vector<16xf32>,
    %gt3A_281 = arith.cmpf ogt, %gather3A_280, %cond3A_256#1 : vector<16xf32>
    %reduce_or3A_282 = arith.constant 1.000000e+00 : f32
    %reduce_or3A_283 = arith.constant 0.000000e+00 : f32
    %reduce_or3A_284 = vector.broadcast %reduce_or3A_282 : f32 to vector<16xf32>
    %reduce_or3A_285 = vector.broadcast %reduce_or3A_283 : f32 to vector<16xf32>
    %reduce_or3A_286 = arith.select %gt3A_281, %reduce_or3A_284, %reduce_or3A_285 : vector<16xi1>, vector<16xf32>
    %reduce_or3A_287 = arith.constant true
    %reduce_or3A_288 = vector.broadcast %reduce_or3A_287 : i1 to vector<16xi1>
    %reduce_or3A_289 = tpu.scan <max>, %reduce_or3A_286 masked %reduce_or3A_288 : vector<16xf32>, vector<16xi1> -> vector<16xf32>
    %reduce_or3A_290 = vector.extract %reduce_or3A_289[15] : f32 from vector<16xf32>
    %reduce_or3A_291 = arith.constant 0.000000e+00 : f32
    %reduce_or3A_292 = arith.cmpf ogt, %reduce_or3A_290, %reduce_or3A_291 : f32
    %convert_element_type3A_293 = arith.extui %reduce_or3A_292 : i1 to i32
    %cond3A_294 = arith.constant 0 : i32
    %cond3A_295 = arith.cmpi ne, %convert_element_type3A_293, %cond3A_294 : i32
    %cond3A_296:2 = scf.if %cond3A_295 -> (vector<16xf32>, vector<16xf32>) {
      %sort3A = arith.constant dense<true> : vector<16xi1>
      %sort3A_1790, %sort3A_1791, %sort3A_1792 = tpu.sort %gather3A_280, %gather3A_280 masked %sort3A : (vector<16xf32>, vector<16xf32>, vector<16xi1>) -> (vector<16xi1>, vector<16xf32>, vector<16xf32>)
      %rev3A_1793 = arith.constant 15 : i32
      %rev3A_1794 = vector.broadcast %rev3A_1793 : i32 to vector<16xi32>
      %rev3A_1795 = tpu.iota {dimensions = array<i32: 0>} : vector<16xi32>
      %rev3A_1796 = arith.subi %rev3A_1794, %rev3A_1795 : vector<16xi32>
      %rev3A_1797 = tpu.dynamic_gather %sort3A_1791[%rev3A_1796] in [0] : vector<16xf32>, vector<16xi32> -> vector<16xf32>
      %max3A_1798 = arith.maximumf %cond3A_256#0, %rev3A_1797 : vector<16xf32>
      %sort3A_1799 = arith.constant dense<true> : vector<16xi1>
      %sort3A_1800, %sort3A_1801, %sort3A_1802 = tpu.sort %max3A_1798, %max3A_1798 masked %sort3A_1799 : (vector<16xf32>, vector<16xf32>, vector<16xi1>) -> (vector<16xi1>, vector<16xf32>, vector<16xf32>)
      %reduce_min3A = arith.constant true
      %reduce_min3A_1803 = vector.broadcast %reduce_min3A : i1 to vector<16xi1>
      %reduce_min3A_1804 = tpu.scan <min>, %sort3A_1801 masked %reduce_min3A_1803 : vector<16xf32>, vector<16xi1> -> vector<16xf32>
      %reduce_min3A_1805 = vector.extract %reduce_min3A_1804[15] : f32 from vector<16xf32>
      %broadcast_in_dim3A_1806 = vector.broadcast %reduce_min3A_1805 : f32 to vector<16xf32>
      scf.yield %sort3A_1801, %broadcast_in_dim3A_1806 : vector<16xf32>, vector<16xf32>
    } else {
      scf.yield %cond3A_256#0, %cond3A_256#1 : vector<16xf32>, vector<16xf32>
    }
    %add3A_297 = arith.constant 6400 : i32
    %add3A_298 = vector.broadcast %add3A_297 : i32 to vector<16xi32>
    %add3A_299 = arith.addi %scan3A_93#2, %add3A_298 : vector<16xi32>
    %gather3A_300 = tpu.vector_load_idx %arg7[%add3A_299] : memref<20480xf32, #tpu.memory_space<vmem>>[vector<16xi32>], vector<16xf32>,
    %lt3A_301 = arith.cmpf olt, %gather3A_300, %cond3A_276#1 : vector<16xf32>
    %reduce_or3A_302 = arith.constant 1.000000e+00 : f32
    %reduce_or3A_303 = arith.constant 0.000000e+00 : f32
    %reduce_or3A_304 = vector.broadcast %reduce_or3A_302 : f32 to vector<16xf32>
    %reduce_or3A_305 = vector.broadcast %reduce_or3A_303 : f32 to vector<16xf32>
    %reduce_or3A_306 = arith.select %lt3A_301, %reduce_or3A_304, %reduce_or3A_305 : vector<16xi1>, vector<16xf32>
    %reduce_or3A_307 = arith.constant true
    %reduce_or3A_308 = vector.broadcast %reduce_or3A_307 : i1 to vector<16xi1>
    %reduce_or3A_309 = tpu.scan <max>, %reduce_or3A_306 masked %reduce_or3A_308 : vector<16xf32>, vector<16xi1> -> vector<16xf32>
    %reduce_or3A_310 = vector.extract %reduce_or3A_309[15] : f32 from vector<16xf32>
    %reduce_or3A_311 = arith.constant 0.000000e+00 : f32
    %reduce_or3A_312 = arith.cmpf ogt, %reduce_or3A_310, %reduce_or3A_311 : f32
    %convert_element_type3A_313 = arith.extui %reduce_or3A_312 : i1 to i32
    %cond3A_314 = arith.constant 0 : i32
    %cond3A_315 = arith.cmpi ne, %convert_element_type3A_313, %cond3A_314 : i32
    %cond3A_316:2 = scf.if %cond3A_315 -> (vector<16xf32>, vector<16xf32>) {
      %sort3A = arith.constant dense<true> : vector<16xi1>
      %sort3A_1790, %sort3A_1791, %sort3A_1792 = tpu.sort %gather3A_300, %gather3A_300 masked %sort3A : (vector<16xf32>, vector<16xf32>, vector<16xi1>) -> (vector<16xi1>, vector<16xf32>, vector<16xf32>)
      %rev3A_1793 = arith.constant 15 : i32
      %rev3A_1794 = vector.broadcast %rev3A_1793 : i32 to vector<16xi32>
      %rev3A_1795 = tpu.iota {dimensions = array<i32: 0>} : vector<16xi32>
      %rev3A_1796 = arith.subi %rev3A_1794, %rev3A_1795 : vector<16xi32>
      %rev3A_1797 = tpu.dynamic_gather %sort3A_1791[%rev3A_1796] in [0] : vector<16xf32>, vector<16xi32> -> vector<16xf32>
      %min3A = arith.minimumf %cond3A_276#0, %rev3A_1797 : vector<16xf32>
      %sort3A_1798 = arith.constant dense<true> : vector<16xi1>
      %sort3A_1799, %sort3A_1800, %sort3A_1801 = tpu.sort %min3A, %min3A masked %sort3A_1798 : (vector<16xf32>, vector<16xf32>, vector<16xi1>) -> (vector<16xi1>, vector<16xf32>, vector<16xf32>)
      %reduce_max3A = arith.constant true
      %reduce_max3A_1802 = vector.broadcast %reduce_max3A : i1 to vector<16xi1>
      %reduce_max3A_1803 = tpu.scan <max>, %sort3A_1800 masked %reduce_max3A_1802 : vector<16xf32>, vector<16xi1> -> vector<16xf32>
      %reduce_max3A_1804 = vector.extract %reduce_max3A_1803[15] : f32 from vector<16xf32>
      %broadcast_in_dim3A_1805 = vector.broadcast %reduce_max3A_1804 : f32 to vector<16xf32>
      scf.yield %sort3A_1800, %broadcast_in_dim3A_1805 : vector<16xf32>, vector<16xf32>
    } else {
      scf.yield %cond3A_276#0, %cond3A_276#1 : vector<16xf32>, vector<16xf32>
    }
    %add3A_317 = arith.constant 6400 : i32
    %add3A_318 = vector.broadcast %add3A_317 : i32 to vector<16xi32>
    %add3A_319 = arith.addi %scan3A_93#5, %add3A_318 : vector<16xi32>
    %gather3A_320 = tpu.vector_load_idx %arg8[%add3A_319] : memref<20480xf32, #tpu.memory_space<vmem>>[vector<16xi32>], vector<16xf32>,
    %gt3A_321 = arith.cmpf ogt, %gather3A_320, %cond3A_296#1 : vector<16xf32>
    %reduce_or3A_322 = arith.constant 1.000000e+00 : f32
    %reduce_or3A_323 = arith.constant 0.000000e+00 : f32
    %reduce_or3A_324 = vector.broadcast %reduce_or3A_322 : f32 to vector<16xf32>
    %reduce_or3A_325 = vector.broadcast %reduce_or3A_323 : f32 to vector<16xf32>
    %reduce_or3A_326 = arith.select %gt3A_321, %reduce_or3A_324, %reduce_or3A_325 : vector<16xi1>, vector<16xf32>
    %reduce_or3A_327 = arith.constant true
    %reduce_or3A_328 = vector.broadcast %reduce_or3A_327 : i1 to vector<16xi1>
    %reduce_or3A_329 = tpu.scan <max>, %reduce_or3A_326 masked %reduce_or3A_328 : vector<16xf32>, vector<16xi1> -> vector<16xf32>
    %reduce_or3A_330 = vector.extract %reduce_or3A_329[15] : f32 from vector<16xf32>
    %reduce_or3A_331 = arith.constant 0.000000e+00 : f32
    %reduce_or3A_332 = arith.cmpf ogt, %reduce_or3A_330, %reduce_or3A_331 : f32
    %convert_element_type3A_333 = arith.extui %reduce_or3A_332 : i1 to i32
    %cond3A_334 = arith.constant 0 : i32
    %cond3A_335 = arith.cmpi ne, %convert_element_type3A_333, %cond3A_334 : i32
    %cond3A_336:2 = scf.if %cond3A_335 -> (vector<16xf32>, vector<16xf32>) {
      %sort3A = arith.constant dense<true> : vector<16xi1>
      %sort3A_1790, %sort3A_1791, %sort3A_1792 = tpu.sort %gather3A_320, %gather3A_320 masked %sort3A : (vector<16xf32>, vector<16xf32>, vector<16xi1>) -> (vector<16xi1>, vector<16xf32>, vector<16xf32>)
      %rev3A_1793 = arith.constant 15 : i32
      %rev3A_1794 = vector.broadcast %rev3A_1793 : i32 to vector<16xi32>
      %rev3A_1795 = tpu.iota {dimensions = array<i32: 0>} : vector<16xi32>
      %rev3A_1796 = arith.subi %rev3A_1794, %rev3A_1795 : vector<16xi32>
      %rev3A_1797 = tpu.dynamic_gather %sort3A_1791[%rev3A_1796] in [0] : vector<16xf32>, vector<16xi32> -> vector<16xf32>
      %max3A_1798 = arith.maximumf %cond3A_296#0, %rev3A_1797 : vector<16xf32>
      %sort3A_1799 = arith.constant dense<true> : vector<16xi1>
      %sort3A_1800, %sort3A_1801, %sort3A_1802 = tpu.sort %max3A_1798, %max3A_1798 masked %sort3A_1799 : (vector<16xf32>, vector<16xf32>, vector<16xi1>) -> (vector<16xi1>, vector<16xf32>, vector<16xf32>)
      %reduce_min3A = arith.constant true
      %reduce_min3A_1803 = vector.broadcast %reduce_min3A : i1 to vector<16xi1>
      %reduce_min3A_1804 = tpu.scan <min>, %sort3A_1801 masked %reduce_min3A_1803 : vector<16xf32>, vector<16xi1> -> vector<16xf32>
      %reduce_min3A_1805 = vector.extract %reduce_min3A_1804[15] : f32 from vector<16xf32>
      %broadcast_in_dim3A_1806 = vector.broadcast %reduce_min3A_1805 : f32 to vector<16xf32>
      scf.yield %sort3A_1801, %broadcast_in_dim3A_1806 : vector<16xf32>, vector<16xf32>
    } else {
      scf.yield %cond3A_296#0, %cond3A_296#1 : vector<16xf32>, vector<16xf32>
    }
    %add3A_337 = arith.constant 7680 : i32
    %add3A_338 = vector.broadcast %add3A_337 : i32 to vector<16xi32>
    %add3A_339 = arith.addi %scan3A_93#2, %add3A_338 : vector<16xi32>
    %gather3A_340 = tpu.vector_load_idx %arg7[%add3A_339] : memref<20480xf32, #tpu.memory_space<vmem>>[vector<16xi32>], vector<16xf32>,
    %lt3A_341 = arith.cmpf olt, %gather3A_340, %cond3A_316#1 : vector<16xf32>
    %reduce_or3A_342 = arith.constant 1.000000e+00 : f32
    %reduce_or3A_343 = arith.constant 0.000000e+00 : f32
    %reduce_or3A_344 = vector.broadcast %reduce_or3A_342 : f32 to vector<16xf32>
    %reduce_or3A_345 = vector.broadcast %reduce_or3A_343 : f32 to vector<16xf32>
    %reduce_or3A_346 = arith.select %lt3A_341, %reduce_or3A_344, %reduce_or3A_345 : vector<16xi1>, vector<16xf32>
    %reduce_or3A_347 = arith.constant true
    %reduce_or3A_348 = vector.broadcast %reduce_or3A_347 : i1 to vector<16xi1>
    %reduce_or3A_349 = tpu.scan <max>, %reduce_or3A_346 masked %reduce_or3A_348 : vector<16xf32>, vector<16xi1> -> vector<16xf32>
    %reduce_or3A_350 = vector.extract %reduce_or3A_349[15] : f32 from vector<16xf32>
    %reduce_or3A_351 = arith.constant 0.000000e+00 : f32
    %reduce_or3A_352 = arith.cmpf ogt, %reduce_or3A_350, %reduce_or3A_351 : f32
    %convert_element_type3A_353 = arith.extui %reduce_or3A_352 : i1 to i32
    %cond3A_354 = arith.constant 0 : i32
    %cond3A_355 = arith.cmpi ne, %convert_element_type3A_353, %cond3A_354 : i32
    %cond3A_356:2 = scf.if %cond3A_355 -> (vector<16xf32>, vector<16xf32>) {
      %sort3A = arith.constant dense<true> : vector<16xi1>
      %sort3A_1790, %sort3A_1791, %sort3A_1792 = tpu.sort %gather3A_340, %gather3A_340 masked %sort3A : (vector<16xf32>, vector<16xf32>, vector<16xi1>) -> (vector<16xi1>, vector<16xf32>, vector<16xf32>)
      %rev3A_1793 = arith.constant 15 : i32
      %rev3A_1794 = vector.broadcast %rev3A_1793 : i32 to vector<16xi32>
      %rev3A_1795 = tpu.iota {dimensions = array<i32: 0>} : vector<16xi32>
      %rev3A_1796 = arith.subi %rev3A_1794, %rev3A_1795 : vector<16xi32>
      %rev3A_1797 = tpu.dynamic_gather %sort3A_1791[%rev3A_1796] in [0] : vector<16xf32>, vector<16xi32> -> vector<16xf32>
      %min3A = arith.minimumf %cond3A_316#0, %rev3A_1797 : vector<16xf32>
      %sort3A_1798 = arith.constant dense<true> : vector<16xi1>
      %sort3A_1799, %sort3A_1800, %sort3A_1801 = tpu.sort %min3A, %min3A masked %sort3A_1798 : (vector<16xf32>, vector<16xf32>, vector<16xi1>) -> (vector<16xi1>, vector<16xf32>, vector<16xf32>)
      %reduce_max3A = arith.constant true
      %reduce_max3A_1802 = vector.broadcast %reduce_max3A : i1 to vector<16xi1>
      %reduce_max3A_1803 = tpu.scan <max>, %sort3A_1800 masked %reduce_max3A_1802 : vector<16xf32>, vector<16xi1> -> vector<16xf32>
      %reduce_max3A_1804 = vector.extract %reduce_max3A_1803[15] : f32 from vector<16xf32>
      %broadcast_in_dim3A_1805 = vector.broadcast %reduce_max3A_1804 : f32 to vector<16xf32>
      scf.yield %sort3A_1800, %broadcast_in_dim3A_1805 : vector<16xf32>, vector<16xf32>
    } else {
      scf.yield %cond3A_316#0, %cond3A_316#1 : vector<16xf32>, vector<16xf32>
    }
    %add3A_357 = arith.constant 7680 : i32
    %add3A_358 = vector.broadcast %add3A_357 : i32 to vector<16xi32>
    %add3A_359 = arith.addi %scan3A_93#5, %add3A_358 : vector<16xi32>
    %gather3A_360 = tpu.vector_load_idx %arg8[%add3A_359] : memref<20480xf32, #tpu.memory_space<vmem>>[vector<16xi32>], vector<16xf32>,
    %gt3A_361 = arith.cmpf ogt, %gather3A_360, %cond3A_336#1 : vector<16xf32>
    %reduce_or3A_362 = arith.constant 1.000000e+00 : f32
    %reduce_or3A_363 = arith.constant 0.000000e+00 : f32
    %reduce_or3A_364 = vector.broadcast %reduce_or3A_362 : f32 to vector<16xf32>
    %reduce_or3A_365 = vector.broadcast %reduce_or3A_363 : f32 to vector<16xf32>
    %reduce_or3A_366 = arith.select %gt3A_361, %reduce_or3A_364, %reduce_or3A_365 : vector<16xi1>, vector<16xf32>
    %reduce_or3A_367 = arith.constant true
    %reduce_or3A_368 = vector.broadcast %reduce_or3A_367 : i1 to vector<16xi1>
    %reduce_or3A_369 = tpu.scan <max>, %reduce_or3A_366 masked %reduce_or3A_368 : vector<16xf32>, vector<16xi1> -> vector<16xf32>
    %reduce_or3A_370 = vector.extract %reduce_or3A_369[15] : f32 from vector<16xf32>
    %reduce_or3A_371 = arith.constant 0.000000e+00 : f32
    %reduce_or3A_372 = arith.cmpf ogt, %reduce_or3A_370, %reduce_or3A_371 : f32
    %convert_element_type3A_373 = arith.extui %reduce_or3A_372 : i1 to i32
    %cond3A_374 = arith.constant 0 : i32
    %cond3A_375 = arith.cmpi ne, %convert_element_type3A_373, %cond3A_374 : i32
    %cond3A_376:2 = scf.if %cond3A_375 -> (vector<16xf32>, vector<16xf32>) {
      %sort3A = arith.constant dense<true> : vector<16xi1>
      %sort3A_1790, %sort3A_1791, %sort3A_1792 = tpu.sort %gather3A_360, %gather3A_360 masked %sort3A : (vector<16xf32>, vector<16xf32>, vector<16xi1>) -> (vector<16xi1>, vector<16xf32>, vector<16xf32>)
      %rev3A_1793 = arith.constant 15 : i32
      %rev3A_1794 = vector.broadcast %rev3A_1793 : i32 to vector<16xi32>
      %rev3A_1795 = tpu.iota {dimensions = array<i32: 0>} : vector<16xi32>
      %rev3A_1796 = arith.subi %rev3A_1794, %rev3A_1795 : vector<16xi32>
      %rev3A_1797 = tpu.dynamic_gather %sort3A_1791[%rev3A_1796] in [0] : vector<16xf32>, vector<16xi32> -> vector<16xf32>
      %max3A_1798 = arith.maximumf %cond3A_336#0, %rev3A_1797 : vector<16xf32>
      %sort3A_1799 = arith.constant dense<true> : vector<16xi1>
      %sort3A_1800, %sort3A_1801, %sort3A_1802 = tpu.sort %max3A_1798, %max3A_1798 masked %sort3A_1799 : (vector<16xf32>, vector<16xf32>, vector<16xi1>) -> (vector<16xi1>, vector<16xf32>, vector<16xf32>)
      %reduce_min3A = arith.constant true
      %reduce_min3A_1803 = vector.broadcast %reduce_min3A : i1 to vector<16xi1>
      %reduce_min3A_1804 = tpu.scan <min>, %sort3A_1801 masked %reduce_min3A_1803 : vector<16xf32>, vector<16xi1> -> vector<16xf32>
      %reduce_min3A_1805 = vector.extract %reduce_min3A_1804[15] : f32 from vector<16xf32>
      %broadcast_in_dim3A_1806 = vector.broadcast %reduce_min3A_1805 : f32 to vector<16xf32>
      scf.yield %sort3A_1801, %broadcast_in_dim3A_1806 : vector<16xf32>, vector<16xf32>
    } else {
      scf.yield %cond3A_336#0, %cond3A_336#1 : vector<16xf32>, vector<16xf32>
    }
    %add3A_377 = arith.constant 8960 : i32
    %add3A_378 = vector.broadcast %add3A_377 : i32 to vector<16xi32>
    %add3A_379 = arith.addi %scan3A_93#2, %add3A_378 : vector<16xi32>
    %gather3A_380 = tpu.vector_load_idx %arg7[%add3A_379] : memref<20480xf32, #tpu.memory_space<vmem>>[vector<16xi32>], vector<16xf32>,
    %lt3A_381 = arith.cmpf olt, %gather3A_380, %cond3A_356#1 : vector<16xf32>
    %reduce_or3A_382 = arith.constant 1.000000e+00 : f32
    %reduce_or3A_383 = arith.constant 0.000000e+00 : f32
    %reduce_or3A_384 = vector.broadcast %reduce_or3A_382 : f32 to vector<16xf32>
    %reduce_or3A_385 = vector.broadcast %reduce_or3A_383 : f32 to vector<16xf32>
    %reduce_or3A_386 = arith.select %lt3A_381, %reduce_or3A_384, %reduce_or3A_385 : vector<16xi1>, vector<16xf32>
    %reduce_or3A_387 = arith.constant true
    %reduce_or3A_388 = vector.broadcast %reduce_or3A_387 : i1 to vector<16xi1>
    %reduce_or3A_389 = tpu.scan <max>, %reduce_or3A_386 masked %reduce_or3A_388 : vector<16xf32>, vector<16xi1> -> vector<16xf32>
    %reduce_or3A_390 = vector.extract %reduce_or3A_389[15] : f32 from vector<16xf32>
    %reduce_or3A_391 = arith.constant 0.000000e+00 : f32
    %reduce_or3A_392 = arith.cmpf ogt, %reduce_or3A_390, %reduce_or3A_391 : f32
    %convert_element_type3A_393 = arith.extui %reduce_or3A_392 : i1 to i32
    %cond3A_394 = arith.constant 0 : i32
    %cond3A_395 = arith.cmpi ne, %convert_element_type3A_393, %cond3A_394 : i32
    %cond3A_396:2 = scf.if %cond3A_395 -> (vector<16xf32>, vector<16xf32>) {
      %sort3A = arith.constant dense<true> : vector<16xi1>
      %sort3A_1790, %sort3A_1791, %sort3A_1792 = tpu.sort %gather3A_380, %gather3A_380 masked %sort3A : (vector<16xf32>, vector<16xf32>, vector<16xi1>) -> (vector<16xi1>, vector<16xf32>, vector<16xf32>)
      %rev3A_1793 = arith.constant 15 : i32
      %rev3A_1794 = vector.broadcast %rev3A_1793 : i32 to vector<16xi32>
      %rev3A_1795 = tpu.iota {dimensions = array<i32: 0>} : vector<16xi32>
      %rev3A_1796 = arith.subi %rev3A_1794, %rev3A_1795 : vector<16xi32>
      %rev3A_1797 = tpu.dynamic_gather %sort3A_1791[%rev3A_1796] in [0] : vector<16xf32>, vector<16xi32> -> vector<16xf32>
      %min3A = arith.minimumf %cond3A_356#0, %rev3A_1797 : vector<16xf32>
      %sort3A_1798 = arith.constant dense<true> : vector<16xi1>
      %sort3A_1799, %sort3A_1800, %sort3A_1801 = tpu.sort %min3A, %min3A masked %sort3A_1798 : (vector<16xf32>, vector<16xf32>, vector<16xi1>) -> (vector<16xi1>, vector<16xf32>, vector<16xf32>)
      %reduce_max3A = arith.constant true
      %reduce_max3A_1802 = vector.broadcast %reduce_max3A : i1 to vector<16xi1>
      %reduce_max3A_1803 = tpu.scan <max>, %sort3A_1800 masked %reduce_max3A_1802 : vector<16xf32>, vector<16xi1> -> vector<16xf32>
      %reduce_max3A_1804 = vector.extract %reduce_max3A_1803[15] : f32 from vector<16xf32>
      %broadcast_in_dim3A_1805 = vector.broadcast %reduce_max3A_1804 : f32 to vector<16xf32>
      scf.yield %sort3A_1800, %broadcast_in_dim3A_1805 : vector<16xf32>, vector<16xf32>
    } else {
      scf.yield %cond3A_356#0, %cond3A_356#1 : vector<16xf32>, vector<16xf32>
    }
    %add3A_397 = arith.constant 8960 : i32
    %add3A_398 = vector.broadcast %add3A_397 : i32 to vector<16xi32>
    %add3A_399 = arith.addi %scan3A_93#5, %add3A_398 : vector<16xi32>
    %gather3A_400 = tpu.vector_load_idx %arg8[%add3A_399] : memref<20480xf32, #tpu.memory_space<vmem>>[vector<16xi32>], vector<16xf32>,
    %gt3A_401 = arith.cmpf ogt, %gather3A_400, %cond3A_376#1 : vector<16xf32>
    %reduce_or3A_402 = arith.constant 1.000000e+00 : f32
    %reduce_or3A_403 = arith.constant 0.000000e+00 : f32
    %reduce_or3A_404 = vector.broadcast %reduce_or3A_402 : f32 to vector<16xf32>
    %reduce_or3A_405 = vector.broadcast %reduce_or3A_403 : f32 to vector<16xf32>
    %reduce_or3A_406 = arith.select %gt3A_401, %reduce_or3A_404, %reduce_or3A_405 : vector<16xi1>, vector<16xf32>
    %reduce_or3A_407 = arith.constant true
    %reduce_or3A_408 = vector.broadcast %reduce_or3A_407 : i1 to vector<16xi1>
    %reduce_or3A_409 = tpu.scan <max>, %reduce_or3A_406 masked %reduce_or3A_408 : vector<16xf32>, vector<16xi1> -> vector<16xf32>
    %reduce_or3A_410 = vector.extract %reduce_or3A_409[15] : f32 from vector<16xf32>
    %reduce_or3A_411 = arith.constant 0.000000e+00 : f32
    %reduce_or3A_412 = arith.cmpf ogt, %reduce_or3A_410, %reduce_or3A_411 : f32
    %convert_element_type3A_413 = arith.extui %reduce_or3A_412 : i1 to i32
    %cond3A_414 = arith.constant 0 : i32
    %cond3A_415 = arith.cmpi ne, %convert_element_type3A_413, %cond3A_414 : i32
    %cond3A_416:2 = scf.if %cond3A_415 -> (vector<16xf32>, vector<16xf32>) {
      %sort3A = arith.constant dense<true> : vector<16xi1>
      %sort3A_1790, %sort3A_1791, %sort3A_1792 = tpu.sort %gather3A_400, %gather3A_400 masked %sort3A : (vector<16xf32>, vector<16xf32>, vector<16xi1>) -> (vector<16xi1>, vector<16xf32>, vector<16xf32>)
      %rev3A_1793 = arith.constant 15 : i32
      %rev3A_1794 = vector.broadcast %rev3A_1793 : i32 to vector<16xi32>
      %rev3A_1795 = tpu.iota {dimensions = array<i32: 0>} : vector<16xi32>
      %rev3A_1796 = arith.subi %rev3A_1794, %rev3A_1795 : vector<16xi32>
      %rev3A_1797 = tpu.dynamic_gather %sort3A_1791[%rev3A_1796] in [0] : vector<16xf32>, vector<16xi32> -> vector<16xf32>
      %max3A_1798 = arith.maximumf %cond3A_376#0, %rev3A_1797 : vector<16xf32>
      %sort3A_1799 = arith.constant dense<true> : vector<16xi1>
      %sort3A_1800, %sort3A_1801, %sort3A_1802 = tpu.sort %max3A_1798, %max3A_1798 masked %sort3A_1799 : (vector<16xf32>, vector<16xf32>, vector<16xi1>) -> (vector<16xi1>, vector<16xf32>, vector<16xf32>)
      %reduce_min3A = arith.constant true
      %reduce_min3A_1803 = vector.broadcast %reduce_min3A : i1 to vector<16xi1>
      %reduce_min3A_1804 = tpu.scan <min>, %sort3A_1801 masked %reduce_min3A_1803 : vector<16xf32>, vector<16xi1> -> vector<16xf32>
      %reduce_min3A_1805 = vector.extract %reduce_min3A_1804[15] : f32 from vector<16xf32>
      %broadcast_in_dim3A_1806 = vector.broadcast %reduce_min3A_1805 : f32 to vector<16xf32>
      scf.yield %sort3A_1801, %broadcast_in_dim3A_1806 : vector<16xf32>, vector<16xf32>
    } else {
      scf.yield %cond3A_376#0, %cond3A_376#1 : vector<16xf32>, vector<16xf32>
    }
    %add3A_417 = arith.constant 10240 : i32
    %add3A_418 = vector.broadcast %add3A_417 : i32 to vector<16xi32>
    %add3A_419 = arith.addi %scan3A_93#2, %add3A_418 : vector<16xi32>
    %gather3A_420 = tpu.vector_load_idx %arg7[%add3A_419] : memref<20480xf32, #tpu.memory_space<vmem>>[vector<16xi32>], vector<16xf32>,
    %lt3A_421 = arith.cmpf olt, %gather3A_420, %cond3A_396#1 : vector<16xf32>
    %reduce_or3A_422 = arith.constant 1.000000e+00 : f32
    %reduce_or3A_423 = arith.constant 0.000000e+00 : f32
    %reduce_or3A_424 = vector.broadcast %reduce_or3A_422 : f32 to vector<16xf32>
    %reduce_or3A_425 = vector.broadcast %reduce_or3A_423 : f32 to vector<16xf32>
    %reduce_or3A_426 = arith.select %lt3A_421, %reduce_or3A_424, %reduce_or3A_425 : vector<16xi1>, vector<16xf32>
    %reduce_or3A_427 = arith.constant true
    %reduce_or3A_428 = vector.broadcast %reduce_or3A_427 : i1 to vector<16xi1>
    %reduce_or3A_429 = tpu.scan <max>, %reduce_or3A_426 masked %reduce_or3A_428 : vector<16xf32>, vector<16xi1> -> vector<16xf32>
    %reduce_or3A_430 = vector.extract %reduce_or3A_429[15] : f32 from vector<16xf32>
    %reduce_or3A_431 = arith.constant 0.000000e+00 : f32
    %reduce_or3A_432 = arith.cmpf ogt, %reduce_or3A_430, %reduce_or3A_431 : f32
    %convert_element_type3A_433 = arith.extui %reduce_or3A_432 : i1 to i32
    %cond3A_434 = arith.constant 0 : i32
    %cond3A_435 = arith.cmpi ne, %convert_element_type3A_433, %cond3A_434 : i32
    %cond3A_436:2 = scf.if %cond3A_435 -> (vector<16xf32>, vector<16xf32>) {
      %sort3A = arith.constant dense<true> : vector<16xi1>
      %sort3A_1790, %sort3A_1791, %sort3A_1792 = tpu.sort %gather3A_420, %gather3A_420 masked %sort3A : (vector<16xf32>, vector<16xf32>, vector<16xi1>) -> (vector<16xi1>, vector<16xf32>, vector<16xf32>)
      %rev3A_1793 = arith.constant 15 : i32
      %rev3A_1794 = vector.broadcast %rev3A_1793 : i32 to vector<16xi32>
      %rev3A_1795 = tpu.iota {dimensions = array<i32: 0>} : vector<16xi32>
      %rev3A_1796 = arith.subi %rev3A_1794, %rev3A_1795 : vector<16xi32>
      %rev3A_1797 = tpu.dynamic_gather %sort3A_1791[%rev3A_1796] in [0] : vector<16xf32>, vector<16xi32> -> vector<16xf32>
      %min3A = arith.minimumf %cond3A_396#0, %rev3A_1797 : vector<16xf32>
      %sort3A_1798 = arith.constant dense<true> : vector<16xi1>
      %sort3A_1799, %sort3A_1800, %sort3A_1801 = tpu.sort %min3A, %min3A masked %sort3A_1798 : (vector<16xf32>, vector<16xf32>, vector<16xi1>) -> (vector<16xi1>, vector<16xf32>, vector<16xf32>)
      %reduce_max3A = arith.constant true
      %reduce_max3A_1802 = vector.broadcast %reduce_max3A : i1 to vector<16xi1>
      %reduce_max3A_1803 = tpu.scan <max>, %sort3A_1800 masked %reduce_max3A_1802 : vector<16xf32>, vector<16xi1> -> vector<16xf32>
      %reduce_max3A_1804 = vector.extract %reduce_max3A_1803[15] : f32 from vector<16xf32>
      %broadcast_in_dim3A_1805 = vector.broadcast %reduce_max3A_1804 : f32 to vector<16xf32>
      scf.yield %sort3A_1800, %broadcast_in_dim3A_1805 : vector<16xf32>, vector<16xf32>
    } else {
      scf.yield %cond3A_396#0, %cond3A_396#1 : vector<16xf32>, vector<16xf32>
    }
    %add3A_437 = arith.constant 10240 : i32
    %add3A_438 = vector.broadcast %add3A_437 : i32 to vector<16xi32>
    %add3A_439 = arith.addi %scan3A_93#5, %add3A_438 : vector<16xi32>
    %gather3A_440 = tpu.vector_load_idx %arg8[%add3A_439] : memref<20480xf32, #tpu.memory_space<vmem>>[vector<16xi32>], vector<16xf32>,
    %gt3A_441 = arith.cmpf ogt, %gather3A_440, %cond3A_416#1 : vector<16xf32>
    %reduce_or3A_442 = arith.constant 1.000000e+00 : f32
    %reduce_or3A_443 = arith.constant 0.000000e+00 : f32
    %reduce_or3A_444 = vector.broadcast %reduce_or3A_442 : f32 to vector<16xf32>
    %reduce_or3A_445 = vector.broadcast %reduce_or3A_443 : f32 to vector<16xf32>
    %reduce_or3A_446 = arith.select %gt3A_441, %reduce_or3A_444, %reduce_or3A_445 : vector<16xi1>, vector<16xf32>
    %reduce_or3A_447 = arith.constant true
    %reduce_or3A_448 = vector.broadcast %reduce_or3A_447 : i1 to vector<16xi1>
    %reduce_or3A_449 = tpu.scan <max>, %reduce_or3A_446 masked %reduce_or3A_448 : vector<16xf32>, vector<16xi1> -> vector<16xf32>
    %reduce_or3A_450 = vector.extract %reduce_or3A_449[15] : f32 from vector<16xf32>
    %reduce_or3A_451 = arith.constant 0.000000e+00 : f32
    %reduce_or3A_452 = arith.cmpf ogt, %reduce_or3A_450, %reduce_or3A_451 : f32
    %convert_element_type3A_453 = arith.extui %reduce_or3A_452 : i1 to i32
    %cond3A_454 = arith.constant 0 : i32
    %cond3A_455 = arith.cmpi ne, %convert_element_type3A_453, %cond3A_454 : i32
    %cond3A_456:2 = scf.if %cond3A_455 -> (vector<16xf32>, vector<16xf32>) {
      %sort3A = arith.constant dense<true> : vector<16xi1>
      %sort3A_1790, %sort3A_1791, %sort3A_1792 = tpu.sort %gather3A_440, %gather3A_440 masked %sort3A : (vector<16xf32>, vector<16xf32>, vector<16xi1>) -> (vector<16xi1>, vector<16xf32>, vector<16xf32>)
      %rev3A_1793 = arith.constant 15 : i32
      %rev3A_1794 = vector.broadcast %rev3A_1793 : i32 to vector<16xi32>
      %rev3A_1795 = tpu.iota {dimensions = array<i32: 0>} : vector<16xi32>
      %rev3A_1796 = arith.subi %rev3A_1794, %rev3A_1795 : vector<16xi32>
      %rev3A_1797 = tpu.dynamic_gather %sort3A_1791[%rev3A_1796] in [0] : vector<16xf32>, vector<16xi32> -> vector<16xf32>
      %max3A_1798 = arith.maximumf %cond3A_416#0, %rev3A_1797 : vector<16xf32>
      %sort3A_1799 = arith.constant dense<true> : vector<16xi1>
      %sort3A_1800, %sort3A_1801, %sort3A_1802 = tpu.sort %max3A_1798, %max3A_1798 masked %sort3A_1799 : (vector<16xf32>, vector<16xf32>, vector<16xi1>) -> (vector<16xi1>, vector<16xf32>, vector<16xf32>)
      %reduce_min3A = arith.constant true
      %reduce_min3A_1803 = vector.broadcast %reduce_min3A : i1 to vector<16xi1>
      %reduce_min3A_1804 = tpu.scan <min>, %sort3A_1801 masked %reduce_min3A_1803 : vector<16xf32>, vector<16xi1> -> vector<16xf32>
      %reduce_min3A_1805 = vector.extract %reduce_min3A_1804[15] : f32 from vector<16xf32>
      %broadcast_in_dim3A_1806 = vector.broadcast %reduce_min3A_1805 : f32 to vector<16xf32>
      scf.yield %sort3A_1801, %broadcast_in_dim3A_1806 : vector<16xf32>, vector<16xf32>
    } else {
      scf.yield %cond3A_416#0, %cond3A_416#1 : vector<16xf32>, vector<16xf32>
    }
    %add3A_457 = arith.constant 11520 : i32
    %add3A_458 = vector.broadcast %add3A_457 : i32 to vector<16xi32>
    %add3A_459 = arith.addi %scan3A_93#2, %add3A_458 : vector<16xi32>
    %gather3A_460 = tpu.vector_load_idx %arg7[%add3A_459] : memref<20480xf32, #tpu.memory_space<vmem>>[vector<16xi32>], vector<16xf32>,
    %lt3A_461 = arith.cmpf olt, %gather3A_460, %cond3A_436#1 : vector<16xf32>
    %reduce_or3A_462 = arith.constant 1.000000e+00 : f32
    %reduce_or3A_463 = arith.constant 0.000000e+00 : f32
    %reduce_or3A_464 = vector.broadcast %reduce_or3A_462 : f32 to vector<16xf32>
    %reduce_or3A_465 = vector.broadcast %reduce_or3A_463 : f32 to vector<16xf32>
    %reduce_or3A_466 = arith.select %lt3A_461, %reduce_or3A_464, %reduce_or3A_465 : vector<16xi1>, vector<16xf32>
    %reduce_or3A_467 = arith.constant true
    %reduce_or3A_468 = vector.broadcast %reduce_or3A_467 : i1 to vector<16xi1>
    %reduce_or3A_469 = tpu.scan <max>, %reduce_or3A_466 masked %reduce_or3A_468 : vector<16xf32>, vector<16xi1> -> vector<16xf32>
    %reduce_or3A_470 = vector.extract %reduce_or3A_469[15] : f32 from vector<16xf32>
    %reduce_or3A_471 = arith.constant 0.000000e+00 : f32
    %reduce_or3A_472 = arith.cmpf ogt, %reduce_or3A_470, %reduce_or3A_471 : f32
    %convert_element_type3A_473 = arith.extui %reduce_or3A_472 : i1 to i32
    %cond3A_474 = arith.constant 0 : i32
    %cond3A_475 = arith.cmpi ne, %convert_element_type3A_473, %cond3A_474 : i32
    %cond3A_476:2 = scf.if %cond3A_475 -> (vector<16xf32>, vector<16xf32>) {
      %sort3A = arith.constant dense<true> : vector<16xi1>
      %sort3A_1790, %sort3A_1791, %sort3A_1792 = tpu.sort %gather3A_460, %gather3A_460 masked %sort3A : (vector<16xf32>, vector<16xf32>, vector<16xi1>) -> (vector<16xi1>, vector<16xf32>, vector<16xf32>)
      %rev3A_1793 = arith.constant 15 : i32
      %rev3A_1794 = vector.broadcast %rev3A_1793 : i32 to vector<16xi32>
      %rev3A_1795 = tpu.iota {dimensions = array<i32: 0>} : vector<16xi32>
      %rev3A_1796 = arith.subi %rev3A_1794, %rev3A_1795 : vector<16xi32>
      %rev3A_1797 = tpu.dynamic_gather %sort3A_1791[%rev3A_1796] in [0] : vector<16xf32>, vector<16xi32> -> vector<16xf32>
      %min3A = arith.minimumf %cond3A_436#0, %rev3A_1797 : vector<16xf32>
      %sort3A_1798 = arith.constant dense<true> : vector<16xi1>
      %sort3A_1799, %sort3A_1800, %sort3A_1801 = tpu.sort %min3A, %min3A masked %sort3A_1798 : (vector<16xf32>, vector<16xf32>, vector<16xi1>) -> (vector<16xi1>, vector<16xf32>, vector<16xf32>)
      %reduce_max3A = arith.constant true
      %reduce_max3A_1802 = vector.broadcast %reduce_max3A : i1 to vector<16xi1>
      %reduce_max3A_1803 = tpu.scan <max>, %sort3A_1800 masked %reduce_max3A_1802 : vector<16xf32>, vector<16xi1> -> vector<16xf32>
      %reduce_max3A_1804 = vector.extract %reduce_max3A_1803[15] : f32 from vector<16xf32>
      %broadcast_in_dim3A_1805 = vector.broadcast %reduce_max3A_1804 : f32 to vector<16xf32>
      scf.yield %sort3A_1800, %broadcast_in_dim3A_1805 : vector<16xf32>, vector<16xf32>
    } else {
      scf.yield %cond3A_436#0, %cond3A_436#1 : vector<16xf32>, vector<16xf32>
    }
    %add3A_477 = arith.constant 11520 : i32
    %add3A_478 = vector.broadcast %add3A_477 : i32 to vector<16xi32>
    %add3A_479 = arith.addi %scan3A_93#5, %add3A_478 : vector<16xi32>
    %gather3A_480 = tpu.vector_load_idx %arg8[%add3A_479] : memref<20480xf32, #tpu.memory_space<vmem>>[vector<16xi32>], vector<16xf32>,
    %gt3A_481 = arith.cmpf ogt, %gather3A_480, %cond3A_456#1 : vector<16xf32>
    %reduce_or3A_482 = arith.constant 1.000000e+00 : f32
    %reduce_or3A_483 = arith.constant 0.000000e+00 : f32
    %reduce_or3A_484 = vector.broadcast %reduce_or3A_482 : f32 to vector<16xf32>
    %reduce_or3A_485 = vector.broadcast %reduce_or3A_483 : f32 to vector<16xf32>
    %reduce_or3A_486 = arith.select %gt3A_481, %reduce_or3A_484, %reduce_or3A_485 : vector<16xi1>, vector<16xf32>
    %reduce_or3A_487 = arith.constant true
    %reduce_or3A_488 = vector.broadcast %reduce_or3A_487 : i1 to vector<16xi1>
    %reduce_or3A_489 = tpu.scan <max>, %reduce_or3A_486 masked %reduce_or3A_488 : vector<16xf32>, vector<16xi1> -> vector<16xf32>
    %reduce_or3A_490 = vector.extract %reduce_or3A_489[15] : f32 from vector<16xf32>
    %reduce_or3A_491 = arith.constant 0.000000e+00 : f32
    %reduce_or3A_492 = arith.cmpf ogt, %reduce_or3A_490, %reduce_or3A_491 : f32
    %convert_element_type3A_493 = arith.extui %reduce_or3A_492 : i1 to i32
    %cond3A_494 = arith.constant 0 : i32
    %cond3A_495 = arith.cmpi ne, %convert_element_type3A_493, %cond3A_494 : i32
    %cond3A_496:2 = scf.if %cond3A_495 -> (vector<16xf32>, vector<16xf32>) {
      %sort3A = arith.constant dense<true> : vector<16xi1>
      %sort3A_1790, %sort3A_1791, %sort3A_1792 = tpu.sort %gather3A_480, %gather3A_480 masked %sort3A : (vector<16xf32>, vector<16xf32>, vector<16xi1>) -> (vector<16xi1>, vector<16xf32>, vector<16xf32>)
      %rev3A_1793 = arith.constant 15 : i32
      %rev3A_1794 = vector.broadcast %rev3A_1793 : i32 to vector<16xi32>
      %rev3A_1795 = tpu.iota {dimensions = array<i32: 0>} : vector<16xi32>
      %rev3A_1796 = arith.subi %rev3A_1794, %rev3A_1795 : vector<16xi32>
      %rev3A_1797 = tpu.dynamic_gather %sort3A_1791[%rev3A_1796] in [0] : vector<16xf32>, vector<16xi32> -> vector<16xf32>
      %max3A_1798 = arith.maximumf %cond3A_456#0, %rev3A_1797 : vector<16xf32>
      %sort3A_1799 = arith.constant dense<true> : vector<16xi1>
      %sort3A_1800, %sort3A_1801, %sort3A_1802 = tpu.sort %max3A_1798, %max3A_1798 masked %sort3A_1799 : (vector<16xf32>, vector<16xf32>, vector<16xi1>) -> (vector<16xi1>, vector<16xf32>, vector<16xf32>)
      %reduce_min3A = arith.constant true
      %reduce_min3A_1803 = vector.broadcast %reduce_min3A : i1 to vector<16xi1>
      %reduce_min3A_1804 = tpu.scan <min>, %sort3A_1801 masked %reduce_min3A_1803 : vector<16xf32>, vector<16xi1> -> vector<16xf32>
      %reduce_min3A_1805 = vector.extract %reduce_min3A_1804[15] : f32 from vector<16xf32>
      %broadcast_in_dim3A_1806 = vector.broadcast %reduce_min3A_1805 : f32 to vector<16xf32>
      scf.yield %sort3A_1801, %broadcast_in_dim3A_1806 : vector<16xf32>, vector<16xf32>
    } else {
      scf.yield %cond3A_456#0, %cond3A_456#1 : vector<16xf32>, vector<16xf32>
    }
    %add3A_497 = arith.constant 12800 : i32
    %add3A_498 = vector.broadcast %add3A_497 : i32 to vector<16xi32>
    %add3A_499 = arith.addi %scan3A_93#2, %add3A_498 : vector<16xi32>
    %gather3A_500 = tpu.vector_load_idx %arg7[%add3A_499] : memref<20480xf32, #tpu.memory_space<vmem>>[vector<16xi32>], vector<16xf32>,
    %lt3A_501 = arith.cmpf olt, %gather3A_500, %cond3A_476#1 : vector<16xf32>
    %reduce_or3A_502 = arith.constant 1.000000e+00 : f32
    %reduce_or3A_503 = arith.constant 0.000000e+00 : f32
    %reduce_or3A_504 = vector.broadcast %reduce_or3A_502 : f32 to vector<16xf32>
    %reduce_or3A_505 = vector.broadcast %reduce_or3A_503 : f32 to vector<16xf32>
    %reduce_or3A_506 = arith.select %lt3A_501, %reduce_or3A_504, %reduce_or3A_505 : vector<16xi1>, vector<16xf32>
    %reduce_or3A_507 = arith.constant true
    %reduce_or3A_508 = vector.broadcast %reduce_or3A_507 : i1 to vector<16xi1>
    %reduce_or3A_509 = tpu.scan <max>, %reduce_or3A_506 masked %reduce_or3A_508 : vector<16xf32>, vector<16xi1> -> vector<16xf32>
    %reduce_or3A_510 = vector.extract %reduce_or3A_509[15] : f32 from vector<16xf32>
    %reduce_or3A_511 = arith.constant 0.000000e+00 : f32
    %reduce_or3A_512 = arith.cmpf ogt, %reduce_or3A_510, %reduce_or3A_511 : f32
    %convert_element_type3A_513 = arith.extui %reduce_or3A_512 : i1 to i32
    %cond3A_514 = arith.constant 0 : i32
    %cond3A_515 = arith.cmpi ne, %convert_element_type3A_513, %cond3A_514 : i32
    %cond3A_516:2 = scf.if %cond3A_515 -> (vector<16xf32>, vector<16xf32>) {
      %sort3A = arith.constant dense<true> : vector<16xi1>
      %sort3A_1790, %sort3A_1791, %sort3A_1792 = tpu.sort %gather3A_500, %gather3A_500 masked %sort3A : (vector<16xf32>, vector<16xf32>, vector<16xi1>) -> (vector<16xi1>, vector<16xf32>, vector<16xf32>)
      %rev3A_1793 = arith.constant 15 : i32
      %rev3A_1794 = vector.broadcast %rev3A_1793 : i32 to vector<16xi32>
      %rev3A_1795 = tpu.iota {dimensions = array<i32: 0>} : vector<16xi32>
      %rev3A_1796 = arith.subi %rev3A_1794, %rev3A_1795 : vector<16xi32>
      %rev3A_1797 = tpu.dynamic_gather %sort3A_1791[%rev3A_1796] in [0] : vector<16xf32>, vector<16xi32> -> vector<16xf32>
      %min3A = arith.minimumf %cond3A_476#0, %rev3A_1797 : vector<16xf32>
      %sort3A_1798 = arith.constant dense<true> : vector<16xi1>
      %sort3A_1799, %sort3A_1800, %sort3A_1801 = tpu.sort %min3A, %min3A masked %sort3A_1798 : (vector<16xf32>, vector<16xf32>, vector<16xi1>) -> (vector<16xi1>, vector<16xf32>, vector<16xf32>)
      %reduce_max3A = arith.constant true
      %reduce_max3A_1802 = vector.broadcast %reduce_max3A : i1 to vector<16xi1>
      %reduce_max3A_1803 = tpu.scan <max>, %sort3A_1800 masked %reduce_max3A_1802 : vector<16xf32>, vector<16xi1> -> vector<16xf32>
      %reduce_max3A_1804 = vector.extract %reduce_max3A_1803[15] : f32 from vector<16xf32>
      %broadcast_in_dim3A_1805 = vector.broadcast %reduce_max3A_1804 : f32 to vector<16xf32>
      scf.yield %sort3A_1800, %broadcast_in_dim3A_1805 : vector<16xf32>, vector<16xf32>
    } else {
      scf.yield %cond3A_476#0, %cond3A_476#1 : vector<16xf32>, vector<16xf32>
    }
    %add3A_517 = arith.constant 12800 : i32
    %add3A_518 = vector.broadcast %add3A_517 : i32 to vector<16xi32>
    %add3A_519 = arith.addi %scan3A_93#5, %add3A_518 : vector<16xi32>
    %gather3A_520 = tpu.vector_load_idx %arg8[%add3A_519] : memref<20480xf32, #tpu.memory_space<vmem>>[vector<16xi32>], vector<16xf32>,
    %gt3A_521 = arith.cmpf ogt, %gather3A_520, %cond3A_496#1 : vector<16xf32>
    %reduce_or3A_522 = arith.constant 1.000000e+00 : f32
    %reduce_or3A_523 = arith.constant 0.000000e+00 : f32
    %reduce_or3A_524 = vector.broadcast %reduce_or3A_522 : f32 to vector<16xf32>
    %reduce_or3A_525 = vector.broadcast %reduce_or3A_523 : f32 to vector<16xf32>
    %reduce_or3A_526 = arith.select %gt3A_521, %reduce_or3A_524, %reduce_or3A_525 : vector<16xi1>, vector<16xf32>
    %reduce_or3A_527 = arith.constant true
    %reduce_or3A_528 = vector.broadcast %reduce_or3A_527 : i1 to vector<16xi1>
    %reduce_or3A_529 = tpu.scan <max>, %reduce_or3A_526 masked %reduce_or3A_528 : vector<16xf32>, vector<16xi1> -> vector<16xf32>
    %reduce_or3A_530 = vector.extract %reduce_or3A_529[15] : f32 from vector<16xf32>
    %reduce_or3A_531 = arith.constant 0.000000e+00 : f32
    %reduce_or3A_532 = arith.cmpf ogt, %reduce_or3A_530, %reduce_or3A_531 : f32
    %convert_element_type3A_533 = arith.extui %reduce_or3A_532 : i1 to i32
    %cond3A_534 = arith.constant 0 : i32
    %cond3A_535 = arith.cmpi ne, %convert_element_type3A_533, %cond3A_534 : i32
    %cond3A_536:2 = scf.if %cond3A_535 -> (vector<16xf32>, vector<16xf32>) {
      %sort3A = arith.constant dense<true> : vector<16xi1>
      %sort3A_1790, %sort3A_1791, %sort3A_1792 = tpu.sort %gather3A_520, %gather3A_520 masked %sort3A : (vector<16xf32>, vector<16xf32>, vector<16xi1>) -> (vector<16xi1>, vector<16xf32>, vector<16xf32>)
      %rev3A_1793 = arith.constant 15 : i32
      %rev3A_1794 = vector.broadcast %rev3A_1793 : i32 to vector<16xi32>
      %rev3A_1795 = tpu.iota {dimensions = array<i32: 0>} : vector<16xi32>
      %rev3A_1796 = arith.subi %rev3A_1794, %rev3A_1795 : vector<16xi32>
      %rev3A_1797 = tpu.dynamic_gather %sort3A_1791[%rev3A_1796] in [0] : vector<16xf32>, vector<16xi32> -> vector<16xf32>
      %max3A_1798 = arith.maximumf %cond3A_496#0, %rev3A_1797 : vector<16xf32>
      %sort3A_1799 = arith.constant dense<true> : vector<16xi1>
      %sort3A_1800, %sort3A_1801, %sort3A_1802 = tpu.sort %max3A_1798, %max3A_1798 masked %sort3A_1799 : (vector<16xf32>, vector<16xf32>, vector<16xi1>) -> (vector<16xi1>, vector<16xf32>, vector<16xf32>)
      %reduce_min3A = arith.constant true
      %reduce_min3A_1803 = vector.broadcast %reduce_min3A : i1 to vector<16xi1>
      %reduce_min3A_1804 = tpu.scan <min>, %sort3A_1801 masked %reduce_min3A_1803 : vector<16xf32>, vector<16xi1> -> vector<16xf32>
      %reduce_min3A_1805 = vector.extract %reduce_min3A_1804[15] : f32 from vector<16xf32>
      %broadcast_in_dim3A_1806 = vector.broadcast %reduce_min3A_1805 : f32 to vector<16xf32>
      scf.yield %sort3A_1801, %broadcast_in_dim3A_1806 : vector<16xf32>, vector<16xf32>
    } else {
      scf.yield %cond3A_496#0, %cond3A_496#1 : vector<16xf32>, vector<16xf32>
    }
    %add3A_537 = arith.constant 14080 : i32
    %add3A_538 = vector.broadcast %add3A_537 : i32 to vector<16xi32>
    %add3A_539 = arith.addi %scan3A_93#2, %add3A_538 : vector<16xi32>
    %gather3A_540 = tpu.vector_load_idx %arg7[%add3A_539] : memref<20480xf32, #tpu.memory_space<vmem>>[vector<16xi32>], vector<16xf32>,
    %lt3A_541 = arith.cmpf olt, %gather3A_540, %cond3A_516#1 : vector<16xf32>
    %reduce_or3A_542 = arith.constant 1.000000e+00 : f32
    %reduce_or3A_543 = arith.constant 0.000000e+00 : f32
    %reduce_or3A_544 = vector.broadcast %reduce_or3A_542 : f32 to vector<16xf32>
    %reduce_or3A_545 = vector.broadcast %reduce_or3A_543 : f32 to vector<16xf32>
    %reduce_or3A_546 = arith.select %lt3A_541, %reduce_or3A_544, %reduce_or3A_545 : vector<16xi1>, vector<16xf32>
    %reduce_or3A_547 = arith.constant true
    %reduce_or3A_548 = vector.broadcast %reduce_or3A_547 : i1 to vector<16xi1>
    %reduce_or3A_549 = tpu.scan <max>, %reduce_or3A_546 masked %reduce_or3A_548 : vector<16xf32>, vector<16xi1> -> vector<16xf32>
    %reduce_or3A_550 = vector.extract %reduce_or3A_549[15] : f32 from vector<16xf32>
    %reduce_or3A_551 = arith.constant 0.000000e+00 : f32
    %reduce_or3A_552 = arith.cmpf ogt, %reduce_or3A_550, %reduce_or3A_551 : f32
    %convert_element_type3A_553 = arith.extui %reduce_or3A_552 : i1 to i32
    %cond3A_554 = arith.constant 0 : i32
    %cond3A_555 = arith.cmpi ne, %convert_element_type3A_553, %cond3A_554 : i32
    %cond3A_556:2 = scf.if %cond3A_555 -> (vector<16xf32>, vector<16xf32>) {
      %sort3A = arith.constant dense<true> : vector<16xi1>
      %sort3A_1790, %sort3A_1791, %sort3A_1792 = tpu.sort %gather3A_540, %gather3A_540 masked %sort3A : (vector<16xf32>, vector<16xf32>, vector<16xi1>) -> (vector<16xi1>, vector<16xf32>, vector<16xf32>)
      %rev3A_1793 = arith.constant 15 : i32
      %rev3A_1794 = vector.broadcast %rev3A_1793 : i32 to vector<16xi32>
      %rev3A_1795 = tpu.iota {dimensions = array<i32: 0>} : vector<16xi32>
      %rev3A_1796 = arith.subi %rev3A_1794, %rev3A_1795 : vector<16xi32>
      %rev3A_1797 = tpu.dynamic_gather %sort3A_1791[%rev3A_1796] in [0] : vector<16xf32>, vector<16xi32> -> vector<16xf32>
      %min3A = arith.minimumf %cond3A_516#0, %rev3A_1797 : vector<16xf32>
      %sort3A_1798 = arith.constant dense<true> : vector<16xi1>
      %sort3A_1799, %sort3A_1800, %sort3A_1801 = tpu.sort %min3A, %min3A masked %sort3A_1798 : (vector<16xf32>, vector<16xf32>, vector<16xi1>) -> (vector<16xi1>, vector<16xf32>, vector<16xf32>)
      %reduce_max3A = arith.constant true
      %reduce_max3A_1802 = vector.broadcast %reduce_max3A : i1 to vector<16xi1>
      %reduce_max3A_1803 = tpu.scan <max>, %sort3A_1800 masked %reduce_max3A_1802 : vector<16xf32>, vector<16xi1> -> vector<16xf32>
      %reduce_max3A_1804 = vector.extract %reduce_max3A_1803[15] : f32 from vector<16xf32>
      %broadcast_in_dim3A_1805 = vector.broadcast %reduce_max3A_1804 : f32 to vector<16xf32>
      scf.yield %sort3A_1800, %broadcast_in_dim3A_1805 : vector<16xf32>, vector<16xf32>
    } else {
      scf.yield %cond3A_516#0, %cond3A_516#1 : vector<16xf32>, vector<16xf32>
    }
    %add3A_557 = arith.constant 14080 : i32
    %add3A_558 = vector.broadcast %add3A_557 : i32 to vector<16xi32>
    %add3A_559 = arith.addi %scan3A_93#5, %add3A_558 : vector<16xi32>
    %gather3A_560 = tpu.vector_load_idx %arg8[%add3A_559] : memref<20480xf32, #tpu.memory_space<vmem>>[vector<16xi32>], vector<16xf32>,
    %gt3A_561 = arith.cmpf ogt, %gather3A_560, %cond3A_536#1 : vector<16xf32>
    %reduce_or3A_562 = arith.constant 1.000000e+00 : f32
    %reduce_or3A_563 = arith.constant 0.000000e+00 : f32
    %reduce_or3A_564 = vector.broadcast %reduce_or3A_562 : f32 to vector<16xf32>
    %reduce_or3A_565 = vector.broadcast %reduce_or3A_563 : f32 to vector<16xf32>
    %reduce_or3A_566 = arith.select %gt3A_561, %reduce_or3A_564, %reduce_or3A_565 : vector<16xi1>, vector<16xf32>
    %reduce_or3A_567 = arith.constant true
    %reduce_or3A_568 = vector.broadcast %reduce_or3A_567 : i1 to vector<16xi1>
    %reduce_or3A_569 = tpu.scan <max>, %reduce_or3A_566 masked %reduce_or3A_568 : vector<16xf32>, vector<16xi1> -> vector<16xf32>
    %reduce_or3A_570 = vector.extract %reduce_or3A_569[15] : f32 from vector<16xf32>
    %reduce_or3A_571 = arith.constant 0.000000e+00 : f32
    %reduce_or3A_572 = arith.cmpf ogt, %reduce_or3A_570, %reduce_or3A_571 : f32
    %convert_element_type3A_573 = arith.extui %reduce_or3A_572 : i1 to i32
    %cond3A_574 = arith.constant 0 : i32
    %cond3A_575 = arith.cmpi ne, %convert_element_type3A_573, %cond3A_574 : i32
    %cond3A_576:2 = scf.if %cond3A_575 -> (vector<16xf32>, vector<16xf32>) {
      %sort3A = arith.constant dense<true> : vector<16xi1>
      %sort3A_1790, %sort3A_1791, %sort3A_1792 = tpu.sort %gather3A_560, %gather3A_560 masked %sort3A : (vector<16xf32>, vector<16xf32>, vector<16xi1>) -> (vector<16xi1>, vector<16xf32>, vector<16xf32>)
      %rev3A_1793 = arith.constant 15 : i32
      %rev3A_1794 = vector.broadcast %rev3A_1793 : i32 to vector<16xi32>
      %rev3A_1795 = tpu.iota {dimensions = array<i32: 0>} : vector<16xi32>
      %rev3A_1796 = arith.subi %rev3A_1794, %rev3A_1795 : vector<16xi32>
      %rev3A_1797 = tpu.dynamic_gather %sort3A_1791[%rev3A_1796] in [0] : vector<16xf32>, vector<16xi32> -> vector<16xf32>
      %max3A_1798 = arith.maximumf %cond3A_536#0, %rev3A_1797 : vector<16xf32>
      %sort3A_1799 = arith.constant dense<true> : vector<16xi1>
      %sort3A_1800, %sort3A_1801, %sort3A_1802 = tpu.sort %max3A_1798, %max3A_1798 masked %sort3A_1799 : (vector<16xf32>, vector<16xf32>, vector<16xi1>) -> (vector<16xi1>, vector<16xf32>, vector<16xf32>)
      %reduce_min3A = arith.constant true
      %reduce_min3A_1803 = vector.broadcast %reduce_min3A : i1 to vector<16xi1>
      %reduce_min3A_1804 = tpu.scan <min>, %sort3A_1801 masked %reduce_min3A_1803 : vector<16xf32>, vector<16xi1> -> vector<16xf32>
      %reduce_min3A_1805 = vector.extract %reduce_min3A_1804[15] : f32 from vector<16xf32>
      %broadcast_in_dim3A_1806 = vector.broadcast %reduce_min3A_1805 : f32 to vector<16xf32>
      scf.yield %sort3A_1801, %broadcast_in_dim3A_1806 : vector<16xf32>, vector<16xf32>
    } else {
      scf.yield %cond3A_536#0, %cond3A_536#1 : vector<16xf32>, vector<16xf32>
    }
    %add3A_577 = arith.constant 15360 : i32
    %add3A_578 = vector.broadcast %add3A_577 : i32 to vector<16xi32>
    %add3A_579 = arith.addi %scan3A_93#2, %add3A_578 : vector<16xi32>
    %gather3A_580 = tpu.vector_load_idx %arg7[%add3A_579] : memref<20480xf32, #tpu.memory_space<vmem>>[vector<16xi32>], vector<16xf32>,
    %lt3A_581 = arith.cmpf olt, %gather3A_580, %cond3A_556#1 : vector<16xf32>
    %reduce_or3A_582 = arith.constant 1.000000e+00 : f32
    %reduce_or3A_583 = arith.constant 0.000000e+00 : f32
    %reduce_or3A_584 = vector.broadcast %reduce_or3A_582 : f32 to vector<16xf32>
    %reduce_or3A_585 = vector.broadcast %reduce_or3A_583 : f32 to vector<16xf32>
    %reduce_or3A_586 = arith.select %lt3A_581, %reduce_or3A_584, %reduce_or3A_585 : vector<16xi1>, vector<16xf32>
    %reduce_or3A_587 = arith.constant true
    %reduce_or3A_588 = vector.broadcast %reduce_or3A_587 : i1 to vector<16xi1>
    %reduce_or3A_589 = tpu.scan <max>, %reduce_or3A_586 masked %reduce_or3A_588 : vector<16xf32>, vector<16xi1> -> vector<16xf32>
    %reduce_or3A_590 = vector.extract %reduce_or3A_589[15] : f32 from vector<16xf32>
    %reduce_or3A_591 = arith.constant 0.000000e+00 : f32
    %reduce_or3A_592 = arith.cmpf ogt, %reduce_or3A_590, %reduce_or3A_591 : f32
    %convert_element_type3A_593 = arith.extui %reduce_or3A_592 : i1 to i32
    %cond3A_594 = arith.constant 0 : i32
    %cond3A_595 = arith.cmpi ne, %convert_element_type3A_593, %cond3A_594 : i32
    %cond3A_596:2 = scf.if %cond3A_595 -> (vector<16xf32>, vector<16xf32>) {
      %sort3A = arith.constant dense<true> : vector<16xi1>
      %sort3A_1790, %sort3A_1791, %sort3A_1792 = tpu.sort %gather3A_580, %gather3A_580 masked %sort3A : (vector<16xf32>, vector<16xf32>, vector<16xi1>) -> (vector<16xi1>, vector<16xf32>, vector<16xf32>)
      %rev3A_1793 = arith.constant 15 : i32
      %rev3A_1794 = vector.broadcast %rev3A_1793 : i32 to vector<16xi32>
      %rev3A_1795 = tpu.iota {dimensions = array<i32: 0>} : vector<16xi32>
      %rev3A_1796 = arith.subi %rev3A_1794, %rev3A_1795 : vector<16xi32>
      %rev3A_1797 = tpu.dynamic_gather %sort3A_1791[%rev3A_1796] in [0] : vector<16xf32>, vector<16xi32> -> vector<16xf32>
      %min3A = arith.minimumf %cond3A_556#0, %rev3A_1797 : vector<16xf32>
      %sort3A_1798 = arith.constant dense<true> : vector<16xi1>
      %sort3A_1799, %sort3A_1800, %sort3A_1801 = tpu.sort %min3A, %min3A masked %sort3A_1798 : (vector<16xf32>, vector<16xf32>, vector<16xi1>) -> (vector<16xi1>, vector<16xf32>, vector<16xf32>)
      %reduce_max3A = arith.constant true
      %reduce_max3A_1802 = vector.broadcast %reduce_max3A : i1 to vector<16xi1>
      %reduce_max3A_1803 = tpu.scan <max>, %sort3A_1800 masked %reduce_max3A_1802 : vector<16xf32>, vector<16xi1> -> vector<16xf32>
      %reduce_max3A_1804 = vector.extract %reduce_max3A_1803[15] : f32 from vector<16xf32>
      %broadcast_in_dim3A_1805 = vector.broadcast %reduce_max3A_1804 : f32 to vector<16xf32>
      scf.yield %sort3A_1800, %broadcast_in_dim3A_1805 : vector<16xf32>, vector<16xf32>
    } else {
      scf.yield %cond3A_556#0, %cond3A_556#1 : vector<16xf32>, vector<16xf32>
    }
    %add3A_597 = arith.constant 15360 : i32
    %add3A_598 = vector.broadcast %add3A_597 : i32 to vector<16xi32>
    %add3A_599 = arith.addi %scan3A_93#5, %add3A_598 : vector<16xi32>
    %gather3A_600 = tpu.vector_load_idx %arg8[%add3A_599] : memref<20480xf32, #tpu.memory_space<vmem>>[vector<16xi32>], vector<16xf32>,
    %gt3A_601 = arith.cmpf ogt, %gather3A_600, %cond3A_576#1 : vector<16xf32>
    %reduce_or3A_602 = arith.constant 1.000000e+00 : f32
    %reduce_or3A_603 = arith.constant 0.000000e+00 : f32
    %reduce_or3A_604 = vector.broadcast %reduce_or3A_602 : f32 to vector<16xf32>
    %reduce_or3A_605 = vector.broadcast %reduce_or3A_603 : f32 to vector<16xf32>
    %reduce_or3A_606 = arith.select %gt3A_601, %reduce_or3A_604, %reduce_or3A_605 : vector<16xi1>, vector<16xf32>
    %reduce_or3A_607 = arith.constant true
    %reduce_or3A_608 = vector.broadcast %reduce_or3A_607 : i1 to vector<16xi1>
    %reduce_or3A_609 = tpu.scan <max>, %reduce_or3A_606 masked %reduce_or3A_608 : vector<16xf32>, vector<16xi1> -> vector<16xf32>
    %reduce_or3A_610 = vector.extract %reduce_or3A_609[15] : f32 from vector<16xf32>
    %reduce_or3A_611 = arith.constant 0.000000e+00 : f32
    %reduce_or3A_612 = arith.cmpf ogt, %reduce_or3A_610, %reduce_or3A_611 : f32
    %convert_element_type3A_613 = arith.extui %reduce_or3A_612 : i1 to i32
    %cond3A_614 = arith.constant 0 : i32
    %cond3A_615 = arith.cmpi ne, %convert_element_type3A_613, %cond3A_614 : i32
    %cond3A_616:2 = scf.if %cond3A_615 -> (vector<16xf32>, vector<16xf32>) {
      %sort3A = arith.constant dense<true> : vector<16xi1>
      %sort3A_1790, %sort3A_1791, %sort3A_1792 = tpu.sort %gather3A_600, %gather3A_600 masked %sort3A : (vector<16xf32>, vector<16xf32>, vector<16xi1>) -> (vector<16xi1>, vector<16xf32>, vector<16xf32>)
      %rev3A_1793 = arith.constant 15 : i32
      %rev3A_1794 = vector.broadcast %rev3A_1793 : i32 to vector<16xi32>
      %rev3A_1795 = tpu.iota {dimensions = array<i32: 0>} : vector<16xi32>
      %rev3A_1796 = arith.subi %rev3A_1794, %rev3A_1795 : vector<16xi32>
      %rev3A_1797 = tpu.dynamic_gather %sort3A_1791[%rev3A_1796] in [0] : vector<16xf32>, vector<16xi32> -> vector<16xf32>
      %max3A_1798 = arith.maximumf %cond3A_576#0, %rev3A_1797 : vector<16xf32>
      %sort3A_1799 = arith.constant dense<true> : vector<16xi1>
      %sort3A_1800, %sort3A_1801, %sort3A_1802 = tpu.sort %max3A_1798, %max3A_1798 masked %sort3A_1799 : (vector<16xf32>, vector<16xf32>, vector<16xi1>) -> (vector<16xi1>, vector<16xf32>, vector<16xf32>)
      %reduce_min3A = arith.constant true
      %reduce_min3A_1803 = vector.broadcast %reduce_min3A : i1 to vector<16xi1>
      %reduce_min3A_1804 = tpu.scan <min>, %sort3A_1801 masked %reduce_min3A_1803 : vector<16xf32>, vector<16xi1> -> vector<16xf32>
      %reduce_min3A_1805 = vector.extract %reduce_min3A_1804[15] : f32 from vector<16xf32>
      %broadcast_in_dim3A_1806 = vector.broadcast %reduce_min3A_1805 : f32 to vector<16xf32>
      scf.yield %sort3A_1801, %broadcast_in_dim3A_1806 : vector<16xf32>, vector<16xf32>
    } else {
      scf.yield %cond3A_576#0, %cond3A_576#1 : vector<16xf32>, vector<16xf32>
    }
    %add3A_617 = arith.constant 16640 : i32
    %add3A_618 = vector.broadcast %add3A_617 : i32 to vector<16xi32>
    %add3A_619 = arith.addi %scan3A_93#2, %add3A_618 : vector<16xi32>
    %gather3A_620 = tpu.vector_load_idx %arg7[%add3A_619] : memref<20480xf32, #tpu.memory_space<vmem>>[vector<16xi32>], vector<16xf32>,
    %lt3A_621 = arith.cmpf olt, %gather3A_620, %cond3A_596#1 : vector<16xf32>
    %reduce_or3A_622 = arith.constant 1.000000e+00 : f32
    %reduce_or3A_623 = arith.constant 0.000000e+00 : f32
    %reduce_or3A_624 = vector.broadcast %reduce_or3A_622 : f32 to vector<16xf32>
    %reduce_or3A_625 = vector.broadcast %reduce_or3A_623 : f32 to vector<16xf32>
    %reduce_or3A_626 = arith.select %lt3A_621, %reduce_or3A_624, %reduce_or3A_625 : vector<16xi1>, vector<16xf32>
    %reduce_or3A_627 = arith.constant true
    %reduce_or3A_628 = vector.broadcast %reduce_or3A_627 : i1 to vector<16xi1>
    %reduce_or3A_629 = tpu.scan <max>, %reduce_or3A_626 masked %reduce_or3A_628 : vector<16xf32>, vector<16xi1> -> vector<16xf32>
    %reduce_or3A_630 = vector.extract %reduce_or3A_629[15] : f32 from vector<16xf32>
    %reduce_or3A_631 = arith.constant 0.000000e+00 : f32
    %reduce_or3A_632 = arith.cmpf ogt, %reduce_or3A_630, %reduce_or3A_631 : f32
    %convert_element_type3A_633 = arith.extui %reduce_or3A_632 : i1 to i32
    %cond3A_634 = arith.constant 0 : i32
    %cond3A_635 = arith.cmpi ne, %convert_element_type3A_633, %cond3A_634 : i32
    %cond3A_636:2 = scf.if %cond3A_635 -> (vector<16xf32>, vector<16xf32>) {
      %sort3A = arith.constant dense<true> : vector<16xi1>
      %sort3A_1790, %sort3A_1791, %sort3A_1792 = tpu.sort %gather3A_620, %gather3A_620 masked %sort3A : (vector<16xf32>, vector<16xf32>, vector<16xi1>) -> (vector<16xi1>, vector<16xf32>, vector<16xf32>)
      %rev3A_1793 = arith.constant 15 : i32
      %rev3A_1794 = vector.broadcast %rev3A_1793 : i32 to vector<16xi32>
      %rev3A_1795 = tpu.iota {dimensions = array<i32: 0>} : vector<16xi32>
      %rev3A_1796 = arith.subi %rev3A_1794, %rev3A_1795 : vector<16xi32>
      %rev3A_1797 = tpu.dynamic_gather %sort3A_1791[%rev3A_1796] in [0] : vector<16xf32>, vector<16xi32> -> vector<16xf32>
      %min3A = arith.minimumf %cond3A_596#0, %rev3A_1797 : vector<16xf32>
      %sort3A_1798 = arith.constant dense<true> : vector<16xi1>
      %sort3A_1799, %sort3A_1800, %sort3A_1801 = tpu.sort %min3A, %min3A masked %sort3A_1798 : (vector<16xf32>, vector<16xf32>, vector<16xi1>) -> (vector<16xi1>, vector<16xf32>, vector<16xf32>)
      %reduce_max3A = arith.constant true
      %reduce_max3A_1802 = vector.broadcast %reduce_max3A : i1 to vector<16xi1>
      %reduce_max3A_1803 = tpu.scan <max>, %sort3A_1800 masked %reduce_max3A_1802 : vector<16xf32>, vector<16xi1> -> vector<16xf32>
      %reduce_max3A_1804 = vector.extract %reduce_max3A_1803[15] : f32 from vector<16xf32>
      %broadcast_in_dim3A_1805 = vector.broadcast %reduce_max3A_1804 : f32 to vector<16xf32>
      scf.yield %sort3A_1800, %broadcast_in_dim3A_1805 : vector<16xf32>, vector<16xf32>
    } else {
      scf.yield %cond3A_596#0, %cond3A_596#1 : vector<16xf32>, vector<16xf32>
    }
    %add3A_637 = arith.constant 16640 : i32
    %add3A_638 = vector.broadcast %add3A_637 : i32 to vector<16xi32>
    %add3A_639 = arith.addi %scan3A_93#5, %add3A_638 : vector<16xi32>
    %gather3A_640 = tpu.vector_load_idx %arg8[%add3A_639] : memref<20480xf32, #tpu.memory_space<vmem>>[vector<16xi32>], vector<16xf32>,
    %gt3A_641 = arith.cmpf ogt, %gather3A_640, %cond3A_616#1 : vector<16xf32>
    %reduce_or3A_642 = arith.constant 1.000000e+00 : f32
    %reduce_or3A_643 = arith.constant 0.000000e+00 : f32
    %reduce_or3A_644 = vector.broadcast %reduce_or3A_642 : f32 to vector<16xf32>
    %reduce_or3A_645 = vector.broadcast %reduce_or3A_643 : f32 to vector<16xf32>
    %reduce_or3A_646 = arith.select %gt3A_641, %reduce_or3A_644, %reduce_or3A_645 : vector<16xi1>, vector<16xf32>
    %reduce_or3A_647 = arith.constant true
    %reduce_or3A_648 = vector.broadcast %reduce_or3A_647 : i1 to vector<16xi1>
    %reduce_or3A_649 = tpu.scan <max>, %reduce_or3A_646 masked %reduce_or3A_648 : vector<16xf32>, vector<16xi1> -> vector<16xf32>
    %reduce_or3A_650 = vector.extract %reduce_or3A_649[15] : f32 from vector<16xf32>
    %reduce_or3A_651 = arith.constant 0.000000e+00 : f32
    %reduce_or3A_652 = arith.cmpf ogt, %reduce_or3A_650, %reduce_or3A_651 : f32
    %convert_element_type3A_653 = arith.extui %reduce_or3A_652 : i1 to i32
    %cond3A_654 = arith.constant 0 : i32
    %cond3A_655 = arith.cmpi ne, %convert_element_type3A_653, %cond3A_654 : i32
    %cond3A_656:2 = scf.if %cond3A_655 -> (vector<16xf32>, vector<16xf32>) {
      %sort3A = arith.constant dense<true> : vector<16xi1>
      %sort3A_1790, %sort3A_1791, %sort3A_1792 = tpu.sort %gather3A_640, %gather3A_640 masked %sort3A : (vector<16xf32>, vector<16xf32>, vector<16xi1>) -> (vector<16xi1>, vector<16xf32>, vector<16xf32>)
      %rev3A_1793 = arith.constant 15 : i32
      %rev3A_1794 = vector.broadcast %rev3A_1793 : i32 to vector<16xi32>
      %rev3A_1795 = tpu.iota {dimensions = array<i32: 0>} : vector<16xi32>
      %rev3A_1796 = arith.subi %rev3A_1794, %rev3A_1795 : vector<16xi32>
      %rev3A_1797 = tpu.dynamic_gather %sort3A_1791[%rev3A_1796] in [0] : vector<16xf32>, vector<16xi32> -> vector<16xf32>
      %max3A_1798 = arith.maximumf %cond3A_616#0, %rev3A_1797 : vector<16xf32>
      %sort3A_1799 = arith.constant dense<true> : vector<16xi1>
      %sort3A_1800, %sort3A_1801, %sort3A_1802 = tpu.sort %max3A_1798, %max3A_1798 masked %sort3A_1799 : (vector<16xf32>, vector<16xf32>, vector<16xi1>) -> (vector<16xi1>, vector<16xf32>, vector<16xf32>)
      %reduce_min3A = arith.constant true
      %reduce_min3A_1803 = vector.broadcast %reduce_min3A : i1 to vector<16xi1>
      %reduce_min3A_1804 = tpu.scan <min>, %sort3A_1801 masked %reduce_min3A_1803 : vector<16xf32>, vector<16xi1> -> vector<16xf32>
      %reduce_min3A_1805 = vector.extract %reduce_min3A_1804[15] : f32 from vector<16xf32>
      %broadcast_in_dim3A_1806 = vector.broadcast %reduce_min3A_1805 : f32 to vector<16xf32>
      scf.yield %sort3A_1801, %broadcast_in_dim3A_1806 : vector<16xf32>, vector<16xf32>
    } else {
      scf.yield %cond3A_616#0, %cond3A_616#1 : vector<16xf32>, vector<16xf32>
    }
    %add3A_657 = arith.constant 17920 : i32
    %add3A_658 = vector.broadcast %add3A_657 : i32 to vector<16xi32>
    %add3A_659 = arith.addi %scan3A_93#2, %add3A_658 : vector<16xi32>
    %gather3A_660 = tpu.vector_load_idx %arg7[%add3A_659] : memref<20480xf32, #tpu.memory_space<vmem>>[vector<16xi32>], vector<16xf32>,
    %lt3A_661 = arith.cmpf olt, %gather3A_660, %cond3A_636#1 : vector<16xf32>
    %reduce_or3A_662 = arith.constant 1.000000e+00 : f32
    %reduce_or3A_663 = arith.constant 0.000000e+00 : f32
    %reduce_or3A_664 = vector.broadcast %reduce_or3A_662 : f32 to vector<16xf32>
    %reduce_or3A_665 = vector.broadcast %reduce_or3A_663 : f32 to vector<16xf32>
    %reduce_or3A_666 = arith.select %lt3A_661, %reduce_or3A_664, %reduce_or3A_665 : vector<16xi1>, vector<16xf32>
    %reduce_or3A_667 = arith.constant true
    %reduce_or3A_668 = vector.broadcast %reduce_or3A_667 : i1 to vector<16xi1>
    %reduce_or3A_669 = tpu.scan <max>, %reduce_or3A_666 masked %reduce_or3A_668 : vector<16xf32>, vector<16xi1> -> vector<16xf32>
    %reduce_or3A_670 = vector.extract %reduce_or3A_669[15] : f32 from vector<16xf32>
    %reduce_or3A_671 = arith.constant 0.000000e+00 : f32
    %reduce_or3A_672 = arith.cmpf ogt, %reduce_or3A_670, %reduce_or3A_671 : f32
    %convert_element_type3A_673 = arith.extui %reduce_or3A_672 : i1 to i32
    %cond3A_674 = arith.constant 0 : i32
    %cond3A_675 = arith.cmpi ne, %convert_element_type3A_673, %cond3A_674 : i32
    %cond3A_676:2 = scf.if %cond3A_675 -> (vector<16xf32>, vector<16xf32>) {
      %sort3A = arith.constant dense<true> : vector<16xi1>
      %sort3A_1790, %sort3A_1791, %sort3A_1792 = tpu.sort %gather3A_660, %gather3A_660 masked %sort3A : (vector<16xf32>, vector<16xf32>, vector<16xi1>) -> (vector<16xi1>, vector<16xf32>, vector<16xf32>)
      %rev3A_1793 = arith.constant 15 : i32
      %rev3A_1794 = vector.broadcast %rev3A_1793 : i32 to vector<16xi32>
      %rev3A_1795 = tpu.iota {dimensions = array<i32: 0>} : vector<16xi32>
      %rev3A_1796 = arith.subi %rev3A_1794, %rev3A_1795 : vector<16xi32>
      %rev3A_1797 = tpu.dynamic_gather %sort3A_1791[%rev3A_1796] in [0] : vector<16xf32>, vector<16xi32> -> vector<16xf32>
      %min3A = arith.minimumf %cond3A_636#0, %rev3A_1797 : vector<16xf32>
      %sort3A_1798 = arith.constant dense<true> : vector<16xi1>
      %sort3A_1799, %sort3A_1800, %sort3A_1801 = tpu.sort %min3A, %min3A masked %sort3A_1798 : (vector<16xf32>, vector<16xf32>, vector<16xi1>) -> (vector<16xi1>, vector<16xf32>, vector<16xf32>)
      %reduce_max3A = arith.constant true
      %reduce_max3A_1802 = vector.broadcast %reduce_max3A : i1 to vector<16xi1>
      %reduce_max3A_1803 = tpu.scan <max>, %sort3A_1800 masked %reduce_max3A_1802 : vector<16xf32>, vector<16xi1> -> vector<16xf32>
      %reduce_max3A_1804 = vector.extract %reduce_max3A_1803[15] : f32 from vector<16xf32>
      %broadcast_in_dim3A_1805 = vector.broadcast %reduce_max3A_1804 : f32 to vector<16xf32>
      scf.yield %sort3A_1800, %broadcast_in_dim3A_1805 : vector<16xf32>, vector<16xf32>
    } else {
      scf.yield %cond3A_636#0, %cond3A_636#1 : vector<16xf32>, vector<16xf32>
    }
    %add3A_677 = arith.constant 17920 : i32
    %add3A_678 = vector.broadcast %add3A_677 : i32 to vector<16xi32>
    %add3A_679 = arith.addi %scan3A_93#5, %add3A_678 : vector<16xi32>
    %gather3A_680 = tpu.vector_load_idx %arg8[%add3A_679] : memref<20480xf32, #tpu.memory_space<vmem>>[vector<16xi32>], vector<16xf32>,
    %gt3A_681 = arith.cmpf ogt, %gather3A_680, %cond3A_656#1 : vector<16xf32>
    %reduce_or3A_682 = arith.constant 1.000000e+00 : f32
    %reduce_or3A_683 = arith.constant 0.000000e+00 : f32
    %reduce_or3A_684 = vector.broadcast %reduce_or3A_682 : f32 to vector<16xf32>
    %reduce_or3A_685 = vector.broadcast %reduce_or3A_683 : f32 to vector<16xf32>
    %reduce_or3A_686 = arith.select %gt3A_681, %reduce_or3A_684, %reduce_or3A_685 : vector<16xi1>, vector<16xf32>
    %reduce_or3A_687 = arith.constant true
    %reduce_or3A_688 = vector.broadcast %reduce_or3A_687 : i1 to vector<16xi1>
    %reduce_or3A_689 = tpu.scan <max>, %reduce_or3A_686 masked %reduce_or3A_688 : vector<16xf32>, vector<16xi1> -> vector<16xf32>
    %reduce_or3A_690 = vector.extract %reduce_or3A_689[15] : f32 from vector<16xf32>
    %reduce_or3A_691 = arith.constant 0.000000e+00 : f32
    %reduce_or3A_692 = arith.cmpf ogt, %reduce_or3A_690, %reduce_or3A_691 : f32
    %convert_element_type3A_693 = arith.extui %reduce_or3A_692 : i1 to i32
    %cond3A_694 = arith.constant 0 : i32
    %cond3A_695 = arith.cmpi ne, %convert_element_type3A_693, %cond3A_694 : i32
    %cond3A_696:2 = scf.if %cond3A_695 -> (vector<16xf32>, vector<16xf32>) {
      %sort3A = arith.constant dense<true> : vector<16xi1>
      %sort3A_1790, %sort3A_1791, %sort3A_1792 = tpu.sort %gather3A_680, %gather3A_680 masked %sort3A : (vector<16xf32>, vector<16xf32>, vector<16xi1>) -> (vector<16xi1>, vector<16xf32>, vector<16xf32>)
      %rev3A_1793 = arith.constant 15 : i32
      %rev3A_1794 = vector.broadcast %rev3A_1793 : i32 to vector<16xi32>
      %rev3A_1795 = tpu.iota {dimensions = array<i32: 0>} : vector<16xi32>
      %rev3A_1796 = arith.subi %rev3A_1794, %rev3A_1795 : vector<16xi32>
      %rev3A_1797 = tpu.dynamic_gather %sort3A_1791[%rev3A_1796] in [0] : vector<16xf32>, vector<16xi32> -> vector<16xf32>
      %max3A_1798 = arith.maximumf %cond3A_656#0, %rev3A_1797 : vector<16xf32>
      %sort3A_1799 = arith.constant dense<true> : vector<16xi1>
      %sort3A_1800, %sort3A_1801, %sort3A_1802 = tpu.sort %max3A_1798, %max3A_1798 masked %sort3A_1799 : (vector<16xf32>, vector<16xf32>, vector<16xi1>) -> (vector<16xi1>, vector<16xf32>, vector<16xf32>)
      %reduce_min3A = arith.constant true
      %reduce_min3A_1803 = vector.broadcast %reduce_min3A : i1 to vector<16xi1>
      %reduce_min3A_1804 = tpu.scan <min>, %sort3A_1801 masked %reduce_min3A_1803 : vector<16xf32>, vector<16xi1> -> vector<16xf32>
      %reduce_min3A_1805 = vector.extract %reduce_min3A_1804[15] : f32 from vector<16xf32>
      %broadcast_in_dim3A_1806 = vector.broadcast %reduce_min3A_1805 : f32 to vector<16xf32>
      scf.yield %sort3A_1801, %broadcast_in_dim3A_1806 : vector<16xf32>, vector<16xf32>
    } else {
      scf.yield %cond3A_656#0, %cond3A_656#1 : vector<16xf32>, vector<16xf32>
    }
    %add3A_697 = arith.constant 19200 : i32
    %add3A_698 = vector.broadcast %add3A_697 : i32 to vector<16xi32>
    %add3A_699 = arith.addi %scan3A_93#2, %add3A_698 : vector<16xi32>
    %gather3A_700 = tpu.vector_load_idx %arg7[%add3A_699] : memref<20480xf32, #tpu.memory_space<vmem>>[vector<16xi32>], vector<16xf32>,
    %lt3A_701 = arith.cmpf olt, %gather3A_700, %cond3A_676#1 : vector<16xf32>
    %reduce_or3A_702 = arith.constant 1.000000e+00 : f32
    %reduce_or3A_703 = arith.constant 0.000000e+00 : f32
    %reduce_or3A_704 = vector.broadcast %reduce_or3A_702 : f32 to vector<16xf32>
    %reduce_or3A_705 = vector.broadcast %reduce_or3A_703 : f32 to vector<16xf32>
    %reduce_or3A_706 = arith.select %lt3A_701, %reduce_or3A_704, %reduce_or3A_705 : vector<16xi1>, vector<16xf32>
    %reduce_or3A_707 = arith.constant true
    %reduce_or3A_708 = vector.broadcast %reduce_or3A_707 : i1 to vector<16xi1>
    %reduce_or3A_709 = tpu.scan <max>, %reduce_or3A_706 masked %reduce_or3A_708 : vector<16xf32>, vector<16xi1> -> vector<16xf32>
    %reduce_or3A_710 = vector.extract %reduce_or3A_709[15] : f32 from vector<16xf32>
    %reduce_or3A_711 = arith.constant 0.000000e+00 : f32
    %reduce_or3A_712 = arith.cmpf ogt, %reduce_or3A_710, %reduce_or3A_711 : f32
    %convert_element_type3A_713 = arith.extui %reduce_or3A_712 : i1 to i32
    %cond3A_714 = arith.constant 0 : i32
    %cond3A_715 = arith.cmpi ne, %convert_element_type3A_713, %cond3A_714 : i32
    %cond3A_716:2 = scf.if %cond3A_715 -> (vector<16xf32>, vector<16xf32>) {
      %sort3A = arith.constant dense<true> : vector<16xi1>
      %sort3A_1790, %sort3A_1791, %sort3A_1792 = tpu.sort %gather3A_700, %gather3A_700 masked %sort3A : (vector<16xf32>, vector<16xf32>, vector<16xi1>) -> (vector<16xi1>, vector<16xf32>, vector<16xf32>)
      %rev3A_1793 = arith.constant 15 : i32
      %rev3A_1794 = vector.broadcast %rev3A_1793 : i32 to vector<16xi32>
      %rev3A_1795 = tpu.iota {dimensions = array<i32: 0>} : vector<16xi32>
      %rev3A_1796 = arith.subi %rev3A_1794, %rev3A_1795 : vector<16xi32>
      %rev3A_1797 = tpu.dynamic_gather %sort3A_1791[%rev3A_1796] in [0] : vector<16xf32>, vector<16xi32> -> vector<16xf32>
      %min3A = arith.minimumf %cond3A_676#0, %rev3A_1797 : vector<16xf32>
      %sort3A_1798 = arith.constant dense<true> : vector<16xi1>
      %sort3A_1799, %sort3A_1800, %sort3A_1801 = tpu.sort %min3A, %min3A masked %sort3A_1798 : (vector<16xf32>, vector<16xf32>, vector<16xi1>) -> (vector<16xi1>, vector<16xf32>, vector<16xf32>)
      %reduce_max3A = arith.constant true
      %reduce_max3A_1802 = vector.broadcast %reduce_max3A : i1 to vector<16xi1>
      %reduce_max3A_1803 = tpu.scan <max>, %sort3A_1800 masked %reduce_max3A_1802 : vector<16xf32>, vector<16xi1> -> vector<16xf32>
      %reduce_max3A_1804 = vector.extract %reduce_max3A_1803[15] : f32 from vector<16xf32>
      %broadcast_in_dim3A_1805 = vector.broadcast %reduce_max3A_1804 : f32 to vector<16xf32>
      scf.yield %sort3A_1800, %broadcast_in_dim3A_1805 : vector<16xf32>, vector<16xf32>
    } else {
      scf.yield %cond3A_676#0, %cond3A_676#1 : vector<16xf32>, vector<16xf32>
    }
    %add3A_717 = arith.constant 19200 : i32
    %add3A_718 = vector.broadcast %add3A_717 : i32 to vector<16xi32>
    %add3A_719 = arith.addi %scan3A_93#5, %add3A_718 : vector<16xi32>
    %gather3A_720 = tpu.vector_load_idx %arg8[%add3A_719] : memref<20480xf32, #tpu.memory_space<vmem>>[vector<16xi32>], vector<16xf32>,
    %gt3A_721 = arith.cmpf ogt, %gather3A_720, %cond3A_696#1 : vector<16xf32>
    %reduce_or3A_722 = arith.constant 1.000000e+00 : f32
    %reduce_or3A_723 = arith.constant 0.000000e+00 : f32
    %reduce_or3A_724 = vector.broadcast %reduce_or3A_722 : f32 to vector<16xf32>
    %reduce_or3A_725 = vector.broadcast %reduce_or3A_723 : f32 to vector<16xf32>
    %reduce_or3A_726 = arith.select %gt3A_721, %reduce_or3A_724, %reduce_or3A_725 : vector<16xi1>, vector<16xf32>
    %reduce_or3A_727 = arith.constant true
    %reduce_or3A_728 = vector.broadcast %reduce_or3A_727 : i1 to vector<16xi1>
    %reduce_or3A_729 = tpu.scan <max>, %reduce_or3A_726 masked %reduce_or3A_728 : vector<16xf32>, vector<16xi1> -> vector<16xf32>
    %reduce_or3A_730 = vector.extract %reduce_or3A_729[15] : f32 from vector<16xf32>
    %reduce_or3A_731 = arith.constant 0.000000e+00 : f32
    %reduce_or3A_732 = arith.cmpf ogt, %reduce_or3A_730, %reduce_or3A_731 : f32
    %convert_element_type3A_733 = arith.extui %reduce_or3A_732 : i1 to i32
    %cond3A_734 = arith.constant 0 : i32
    %cond3A_735 = arith.cmpi ne, %convert_element_type3A_733, %cond3A_734 : i32
    %cond3A_736:2 = scf.if %cond3A_735 -> (vector<16xf32>, vector<16xf32>) {
      %sort3A = arith.constant dense<true> : vector<16xi1>
      %sort3A_1790, %sort3A_1791, %sort3A_1792 = tpu.sort %gather3A_720, %gather3A_720 masked %sort3A : (vector<16xf32>, vector<16xf32>, vector<16xi1>) -> (vector<16xi1>, vector<16xf32>, vector<16xf32>)
      %rev3A_1793 = arith.constant 15 : i32
      %rev3A_1794 = vector.broadcast %rev3A_1793 : i32 to vector<16xi32>
      %rev3A_1795 = tpu.iota {dimensions = array<i32: 0>} : vector<16xi32>
      %rev3A_1796 = arith.subi %rev3A_1794, %rev3A_1795 : vector<16xi32>
      %rev3A_1797 = tpu.dynamic_gather %sort3A_1791[%rev3A_1796] in [0] : vector<16xf32>, vector<16xi32> -> vector<16xf32>
      %max3A_1798 = arith.maximumf %cond3A_696#0, %rev3A_1797 : vector<16xf32>
      %sort3A_1799 = arith.constant dense<true> : vector<16xi1>
      %sort3A_1800, %sort3A_1801, %sort3A_1802 = tpu.sort %max3A_1798, %max3A_1798 masked %sort3A_1799 : (vector<16xf32>, vector<16xf32>, vector<16xi1>) -> (vector<16xi1>, vector<16xf32>, vector<16xf32>)
      %reduce_min3A = arith.constant true
      %reduce_min3A_1803 = vector.broadcast %reduce_min3A : i1 to vector<16xi1>
      %reduce_min3A_1804 = tpu.scan <min>, %sort3A_1801 masked %reduce_min3A_1803 : vector<16xf32>, vector<16xi1> -> vector<16xf32>
      %reduce_min3A_1805 = vector.extract %reduce_min3A_1804[15] : f32 from vector<16xf32>
      %broadcast_in_dim3A_1806 = vector.broadcast %reduce_min3A_1805 : f32 to vector<16xf32>
      scf.yield %sort3A_1801, %broadcast_in_dim3A_1806 : vector<16xf32>, vector<16xf32>
    } else {
      scf.yield %cond3A_696#0, %cond3A_696#1 : vector<16xf32>, vector<16xf32>
    }
    %rev3A = arith.constant 15 : i32
    %rev3A_737 = vector.broadcast %rev3A : i32 to vector<16xi32>
    %rev3A_738 = tpu.iota {dimensions = array<i32: 0>} : vector<16xi32>
    %rev3A_739 = arith.subi %rev3A_737, %rev3A_738 : vector<16xi32>
    %rev3A_740 = tpu.dynamic_gather %cond3A_736#0[%rev3A_739] in [0] : vector<16xf32>, vector<16xi32> -> vector<16xf32>
    %eq3A = arith.constant 0 : i32
    %eq3A_741 = vector.broadcast %eq3A : i32 to vector<16xi32>
    %eq3A_742 = arith.cmpi eq, %iota3A, %eq3A_741 : vector<16xi32>
    %jit3A = arith.constant 0.000000e+00 : f32
    %broadcast_in_dim3A_743 = vector.broadcast %jit3A : f32 to vector<16xf32>
    %select_n3A = arith.select %eq3A_742, %rev3A_740, %broadcast_in_dim3A_743 : vector<16xi1>, vector<16xf32>
    %reduce_sum3A = arith.constant true
    %reduce_sum3A_744 = vector.broadcast %reduce_sum3A : i1 to vector<16xi1>
    %reduce_sum3A_745 = tpu.scan <sum>, %select_n3A masked %reduce_sum3A_744 : vector<16xf32>, vector<16xi1> -> vector<16xf32>
    %reduce_sum3A_746 = vector.extract %reduce_sum3A_745[15] : f32 from vector<16xf32>
    %add3A_747 = arith.constant 0.000000e+00 : f32
    %add3A_748 = arith.addf %add3A_747, %reduce_sum3A_746 : f32
    %eq3A_749 = arith.constant 1 : i32
    %eq3A_750 = vector.broadcast %eq3A_749 : i32 to vector<16xi32>
    %eq3A_751 = arith.cmpi eq, %iota3A, %eq3A_750 : vector<16xi32>
    %jit3A_752 = arith.constant 0.000000e+00 : f32
    %broadcast_in_dim3A_753 = vector.broadcast %jit3A_752 : f32 to vector<16xf32>
    %select_n3A_754 = arith.select %eq3A_751, %rev3A_740, %broadcast_in_dim3A_753 : vector<16xi1>, vector<16xf32>
    %reduce_sum3A_755 = arith.constant true
    %reduce_sum3A_756 = vector.broadcast %reduce_sum3A_755 : i1 to vector<16xi1>
    %reduce_sum3A_757 = tpu.scan <sum>, %select_n3A_754 masked %reduce_sum3A_756 : vector<16xf32>, vector<16xi1> -> vector<16xf32>
    %reduce_sum3A_758 = vector.extract %reduce_sum3A_757[15] : f32 from vector<16xf32>
    %add3A_759 = arith.addf %add3A_748, %reduce_sum3A_758 : f32
    %eq3A_760 = arith.constant 2 : i32
    %eq3A_761 = vector.broadcast %eq3A_760 : i32 to vector<16xi32>
    %eq3A_762 = arith.cmpi eq, %iota3A, %eq3A_761 : vector<16xi32>
    %jit3A_763 = arith.constant 0.000000e+00 : f32
    %broadcast_in_dim3A_764 = vector.broadcast %jit3A_763 : f32 to vector<16xf32>
    %select_n3A_765 = arith.select %eq3A_762, %rev3A_740, %broadcast_in_dim3A_764 : vector<16xi1>, vector<16xf32>
    %reduce_sum3A_766 = arith.constant true
    %reduce_sum3A_767 = vector.broadcast %reduce_sum3A_766 : i1 to vector<16xi1>
    %reduce_sum3A_768 = tpu.scan <sum>, %select_n3A_765 masked %reduce_sum3A_767 : vector<16xf32>, vector<16xi1> -> vector<16xf32>
    %reduce_sum3A_769 = vector.extract %reduce_sum3A_768[15] : f32 from vector<16xf32>
    %add3A_770 = arith.addf %add3A_759, %reduce_sum3A_769 : f32
    %eq3A_771 = arith.constant 3 : i32
    %eq3A_772 = vector.broadcast %eq3A_771 : i32 to vector<16xi32>
    %eq3A_773 = arith.cmpi eq, %iota3A, %eq3A_772 : vector<16xi32>
    %jit3A_774 = arith.constant 0.000000e+00 : f32
    %broadcast_in_dim3A_775 = vector.broadcast %jit3A_774 : f32 to vector<16xf32>
    %select_n3A_776 = arith.select %eq3A_773, %rev3A_740, %broadcast_in_dim3A_775 : vector<16xi1>, vector<16xf32>
    %reduce_sum3A_777 = arith.constant true
    %reduce_sum3A_778 = vector.broadcast %reduce_sum3A_777 : i1 to vector<16xi1>
    %reduce_sum3A_779 = tpu.scan <sum>, %select_n3A_776 masked %reduce_sum3A_778 : vector<16xf32>, vector<16xi1> -> vector<16xf32>
    %reduce_sum3A_780 = vector.extract %reduce_sum3A_779[15] : f32 from vector<16xf32>
    %add3A_781 = arith.addf %add3A_770, %reduce_sum3A_780 : f32
    %eq3A_782 = arith.constant 4 : i32
    %eq3A_783 = vector.broadcast %eq3A_782 : i32 to vector<16xi32>
    %eq3A_784 = arith.cmpi eq, %iota3A, %eq3A_783 : vector<16xi32>
    %jit3A_785 = arith.constant 0.000000e+00 : f32
    %broadcast_in_dim3A_786 = vector.broadcast %jit3A_785 : f32 to vector<16xf32>
    %select_n3A_787 = arith.select %eq3A_784, %rev3A_740, %broadcast_in_dim3A_786 : vector<16xi1>, vector<16xf32>
    %reduce_sum3A_788 = arith.constant true
    %reduce_sum3A_789 = vector.broadcast %reduce_sum3A_788 : i1 to vector<16xi1>
    %reduce_sum3A_790 = tpu.scan <sum>, %select_n3A_787 masked %reduce_sum3A_789 : vector<16xf32>, vector<16xi1> -> vector<16xf32>
    %reduce_sum3A_791 = vector.extract %reduce_sum3A_790[15] : f32 from vector<16xf32>
    %add3A_792 = arith.addf %add3A_781, %reduce_sum3A_791 : f32
    %eq3A_793 = arith.constant 5 : i32
    %eq3A_794 = vector.broadcast %eq3A_793 : i32 to vector<16xi32>
    %eq3A_795 = arith.cmpi eq, %iota3A, %eq3A_794 : vector<16xi32>
    %jit3A_796 = arith.constant 0.000000e+00 : f32
    %broadcast_in_dim3A_797 = vector.broadcast %jit3A_796 : f32 to vector<16xf32>
    %select_n3A_798 = arith.select %eq3A_795, %rev3A_740, %broadcast_in_dim3A_797 : vector<16xi1>, vector<16xf32>
    %reduce_sum3A_799 = arith.constant true
    %reduce_sum3A_800 = vector.broadcast %reduce_sum3A_799 : i1 to vector<16xi1>
    %reduce_sum3A_801 = tpu.scan <sum>, %select_n3A_798 masked %reduce_sum3A_800 : vector<16xf32>, vector<16xi1> -> vector<16xf32>
    %reduce_sum3A_802 = vector.extract %reduce_sum3A_801[15] : f32 from vector<16xf32>
    %add3A_803 = arith.addf %add3A_792, %reduce_sum3A_802 : f32
    %eq3A_804 = arith.constant 6 : i32
    %eq3A_805 = vector.broadcast %eq3A_804 : i32 to vector<16xi32>
    %eq3A_806 = arith.cmpi eq, %iota3A, %eq3A_805 : vector<16xi32>
    %jit3A_807 = arith.constant 0.000000e+00 : f32
    %broadcast_in_dim3A_808 = vector.broadcast %jit3A_807 : f32 to vector<16xf32>
    %select_n3A_809 = arith.select %eq3A_806, %rev3A_740, %broadcast_in_dim3A_808 : vector<16xi1>, vector<16xf32>
    %reduce_sum3A_810 = arith.constant true
    %reduce_sum3A_811 = vector.broadcast %reduce_sum3A_810 : i1 to vector<16xi1>
    %reduce_sum3A_812 = tpu.scan <sum>, %select_n3A_809 masked %reduce_sum3A_811 : vector<16xf32>, vector<16xi1> -> vector<16xf32>
    %reduce_sum3A_813 = vector.extract %reduce_sum3A_812[15] : f32 from vector<16xf32>
    %add3A_814 = arith.addf %add3A_803, %reduce_sum3A_813 : f32
    %eq3A_815 = arith.constant 7 : i32
    %eq3A_816 = vector.broadcast %eq3A_815 : i32 to vector<16xi32>
    %eq3A_817 = arith.cmpi eq, %iota3A, %eq3A_816 : vector<16xi32>
    %jit3A_818 = arith.constant 0.000000e+00 : f32
    %broadcast_in_dim3A_819 = vector.broadcast %jit3A_818 : f32 to vector<16xf32>
    %select_n3A_820 = arith.select %eq3A_817, %rev3A_740, %broadcast_in_dim3A_819 : vector<16xi1>, vector<16xf32>
    %reduce_sum3A_821 = arith.constant true
    %reduce_sum3A_822 = vector.broadcast %reduce_sum3A_821 : i1 to vector<16xi1>
    %reduce_sum3A_823 = tpu.scan <sum>, %select_n3A_820 masked %reduce_sum3A_822 : vector<16xf32>, vector<16xi1> -> vector<16xf32>
    %reduce_sum3A_824 = vector.extract %reduce_sum3A_823[15] : f32 from vector<16xf32>
    %add3A_825 = arith.addf %add3A_814, %reduce_sum3A_824 : f32
    %eq3A_826 = arith.constant 8 : i32
    %eq3A_827 = vector.broadcast %eq3A_826 : i32 to vector<16xi32>
    %eq3A_828 = arith.cmpi eq, %iota3A, %eq3A_827 : vector<16xi32>
    %jit3A_829 = arith.constant 0.000000e+00 : f32
    %broadcast_in_dim3A_830 = vector.broadcast %jit3A_829 : f32 to vector<16xf32>
    %select_n3A_831 = arith.select %eq3A_828, %rev3A_740, %broadcast_in_dim3A_830 : vector<16xi1>, vector<16xf32>
    %reduce_sum3A_832 = arith.constant true
    %reduce_sum3A_833 = vector.broadcast %reduce_sum3A_832 : i1 to vector<16xi1>
    %reduce_sum3A_834 = tpu.scan <sum>, %select_n3A_831 masked %reduce_sum3A_833 : vector<16xf32>, vector<16xi1> -> vector<16xf32>
    %reduce_sum3A_835 = vector.extract %reduce_sum3A_834[15] : f32 from vector<16xf32>
    %add3A_836 = arith.addf %add3A_825, %reduce_sum3A_835 : f32
    %eq3A_837 = arith.constant 9 : i32
    %eq3A_838 = vector.broadcast %eq3A_837 : i32 to vector<16xi32>
    %eq3A_839 = arith.cmpi eq, %iota3A, %eq3A_838 : vector<16xi32>
    %jit3A_840 = arith.constant 0.000000e+00 : f32
    %broadcast_in_dim3A_841 = vector.broadcast %jit3A_840 : f32 to vector<16xf32>
    %select_n3A_842 = arith.select %eq3A_839, %rev3A_740, %broadcast_in_dim3A_841 : vector<16xi1>, vector<16xf32>
    %reduce_sum3A_843 = arith.constant true
    %reduce_sum3A_844 = vector.broadcast %reduce_sum3A_843 : i1 to vector<16xi1>
    %reduce_sum3A_845 = tpu.scan <sum>, %select_n3A_842 masked %reduce_sum3A_844 : vector<16xf32>, vector<16xi1> -> vector<16xf32>
    %reduce_sum3A_846 = vector.extract %reduce_sum3A_845[15] : f32 from vector<16xf32>
    %add3A_847 = arith.addf %add3A_836, %reduce_sum3A_846 : f32
    %max3A = arith.constant 1.000000e+00 : f32
    %max3A_848 = arith.maximumf %add3A_847, %max3A : f32
    %add3A_849 = arith.constant 1 : i32
    %add3A_850 = vector.broadcast %add3A_849 : i32 to vector<16xi32>
    %add3A_851 = arith.addi %iota3A, %add3A_850 : vector<16xi32>
    %convert_element_type3A_852 = arith.sitofp %add3A_851 : vector<16xi32> to vector<16xf32>
    %ge3A = vector.broadcast %max3A_848 : f32 to vector<16xf32>
    %ge3A_853 = arith.cmpf oge, %ge3A, %convert_element_type3A_852 : vector<16xf32>
    %all_reduce_population_count3A = tpu.all_reduce %ge3A_853 {dim = 0 : i64, kind = #tpu.reduction_kind<sum>} : vector<16xi1> -> vector<16xi32>
    %sub3A = arith.constant 1 : i32
    %sub3A_854 = vector.broadcast %sub3A : i32 to vector<16xi32>
    %sub3A_855 = arith.subi %all_reduce_population_count3A, %sub3A_854 : vector<16xi32>
    %eq3A_856 = arith.cmpi eq, %iota3A, %sub3A_855 : vector<16xi32>
    %jit3A_857 = arith.constant 0.000000e+00 : f32
    %broadcast_in_dim3A_858 = vector.broadcast %jit3A_857 : f32 to vector<16xf32>
    %select_n3A_859 = arith.select %eq3A_856, %cond3A_716#0, %broadcast_in_dim3A_858 : vector<16xi1>, vector<16xf32>
    %reduce_sum3A_860 = arith.constant true
    %reduce_sum3A_861 = vector.broadcast %reduce_sum3A_860 : i1 to vector<16xi1>
    %reduce_sum3A_862 = tpu.scan <sum>, %select_n3A_859 masked %reduce_sum3A_861 : vector<16xf32>, vector<16xi1> -> vector<16xf32>
    %reduce_sum3A_863 = vector.extract %reduce_sum3A_862[15] : f32 from vector<16xf32>
    %lt3A_864 = vector.broadcast %reduce_sum3A_863 : f32 to vector<16xf32>
    %lt3A_865 = arith.cmpf olt, %cond3A_716#0, %lt3A_864 : vector<16xf32>
    %jit3A_866 = arith.constant 1 : i32
    %jit3A_867 = arith.constant 0 : i32
    %broadcast_in_dim3A_868 = vector.broadcast %jit3A_866 : i32 to vector<16xi32>
    %broadcast_in_dim3A_869 = vector.broadcast %jit3A_867 : i32 to vector<16xi32>
    %select_n3A_870 = arith.select %lt3A_865, %broadcast_in_dim3A_868, %broadcast_in_dim3A_869 : vector<16xi1>, vector<16xi32>
    %reduce_sum3A_871 = arith.constant true
    %reduce_sum3A_872 = vector.broadcast %reduce_sum3A_871 : i1 to vector<16xi1>
    %reduce_sum3A_873 = tpu.scan <sum>, %select_n3A_870 masked %reduce_sum3A_872 : vector<16xi32>, vector<16xi1> -> vector<16xi32>
    %reduce_sum3A_874 = vector.extract %reduce_sum3A_873[15] : i32 from vector<16xi32>
    %sub3A_875 = vector.broadcast %reduce_sum3A_874 : i32 to vector<16xi32>
    %sub3A_876 = arith.subi %all_reduce_population_count3A, %sub3A_875 : vector<16xi32>
    %eq3A_877 = arith.cmpi eq, %iota3A, %all_reduce_population_count3A : vector<16xi32>
    %jit3A_878 = arith.constant 0.000000e+00 : f32
    %broadcast_in_dim3A_879 = vector.broadcast %jit3A_878 : f32 to vector<16xf32>
    %select_n3A_880 = arith.select %eq3A_877, %cond3A_716#0, %broadcast_in_dim3A_879 : vector<16xi1>, vector<16xf32>
    %reduce_sum3A_881 = arith.constant true
    %reduce_sum3A_882 = vector.broadcast %reduce_sum3A_881 : i1 to vector<16xi1>
    %reduce_sum3A_883 = tpu.scan <sum>, %select_n3A_880 masked %reduce_sum3A_882 : vector<16xf32>, vector<16xi1> -> vector<16xf32>
    %reduce_sum3A_884 = vector.extract %reduce_sum3A_883[15] : f32 from vector<16xf32>
    %eq3A_885 = arith.cmpf oeq, %reduce_sum3A_884, %reduce_sum3A_863 : f32
    %lt3A_886 = arith.constant 1.000000e+29 : f32
    %lt3A_887 = arith.cmpf olt, %reduce_sum3A_863, %lt3A_886 : f32
    %and3A = arith.andi %eq3A_885, %lt3A_887 : i1
    %convert_element_type3A_888 = arith.extui %and3A : i1 to i32
    %cond3A_889 = arith.constant 0 : i32
    %cond3A_890 = arith.cmpi ne, %convert_element_type3A_888, %cond3A_889 : i32
    %cond3A_891 = scf.if %cond3A_890 -> (i32) {
      %scan3A_1790 = arith.constant 0 : i32
      %scan3A_1791 = arith.constant 20480 : i32
      %scan3A_1792 = arith.constant 0 : i32
      %scan3A_1793 = arith.constant 1280 : i32
      %scan3A_1794 = arith.addi %scan3A_1792, %scan3A_1793 : i32
      %scan3A_1795 = arith.constant 1 : i32
      %scan3A_1796:2 = scf.for %scan3A_1798 = %scan3A_1792 to %scan3A_1794 step %scan3A_1795 iter_args(%scan3A_1799 = %scan3A_1790, %scan3A_1800 = %scan3A_1791) -> (i32, i32)  : i32 {
        %mul3A_1801 = arith.constant 16 : i32
        %mul3A_1802 = arith.muli %scan3A_1798, %mul3A_1801 : i32
        %get3A = arith.index_cast %mul3A_1802 : i32 to index
        %get3A_1803 = tpu.vector_load %arg7[%get3A] {strides = array<i32>} : memref<20480xf32, #tpu.memory_space<vmem>>, vector<16xf32>,
        %eq3A_1804 = vector.broadcast %reduce_sum3A_863 : f32 to vector<16xf32>
        %eq3A_1805 = arith.cmpf oeq, %get3A_1803, %eq3A_1804 : vector<16xf32>
        %jit3A_1806 = arith.constant 1 : i32
        %jit3A_1807 = arith.constant 0 : i32
        %broadcast_in_dim3A_1808 = vector.broadcast %jit3A_1806 : i32 to vector<16xi32>
        %broadcast_in_dim3A_1809 = vector.broadcast %jit3A_1807 : i32 to vector<16xi32>
        %select_n3A_1810 = arith.select %eq3A_1805, %broadcast_in_dim3A_1808, %broadcast_in_dim3A_1809 : vector<16xi1>, vector<16xi32>
        %cumsum3A = arith.constant true
        %cumsum3A_1811 = vector.broadcast %cumsum3A : i1 to vector<16xi1>
        %cumsum3A_1812 = tpu.scan <sum>, %select_n3A_1810 masked %cumsum3A_1811 : vector<16xi32>, vector<16xi1> -> vector<16xi32>
        %add3A_1813 = vector.broadcast %scan3A_1799 : i32 to vector<16xi32>
        %add3A_1814 = arith.addi %add3A_1813, %cumsum3A_1812 : vector<16xi32>
        %eq3A_1815 = arith.cmpi eq, %add3A_1814, %sub3A_876 : vector<16xi32>
        %and3A_1816 = arith.andi %eq3A_1805, %eq3A_1815 : vector<16xi1>
        %mul3A_1817 = arith.constant 16 : i32
        %mul3A_1818 = arith.muli %scan3A_1798, %mul3A_1817 : i32
        %add3A_1819 = vector.broadcast %mul3A_1818 : i32 to vector<16xi32>
        %add3A_1820 = arith.addi %iota3A, %add3A_1819 : vector<16xi32>
        %jit3A_1821 = arith.constant 20480 : i32
        %broadcast_in_dim3A_1822 = vector.broadcast %jit3A_1821 : i32 to vector<16xi32>
        %select_n3A_1823 = arith.select %and3A_1816, %add3A_1820, %broadcast_in_dim3A_1822 : vector<16xi1>, vector<16xi32>
        %reduce_min3A = arith.constant true
        %reduce_min3A_1824 = vector.broadcast %reduce_min3A : i1 to vector<16xi1>
        %reduce_min3A_1825 = arith.constant -2147483648 : i32
        %reduce_min3A_1826 = vector.broadcast %reduce_min3A_1825 : i32 to vector<16xi32>
        %reduce_min3A_1827 = arith.xori %select_n3A_1823, %reduce_min3A_1826 : vector<16xi32>
        %reduce_min3A_1828 = tpu.scan <min>, %reduce_min3A_1827 masked %reduce_min3A_1824 : vector<16xi32>, vector<16xi1> -> vector<16xi32>
        %reduce_min3A_1829 = arith.xori %reduce_min3A_1828, %reduce_min3A_1826 : vector<16xi32>
        %reduce_min3A_1830 = vector.extract %reduce_min3A_1829[15] : i32 from vector<16xi32>
        %min3A = arith.minsi %scan3A_1800, %reduce_min3A_1830 : i32
        %reduce_sum3A_1831 = arith.constant true
        %reduce_sum3A_1832 = vector.broadcast %reduce_sum3A_1831 : i1 to vector<16xi1>
        %reduce_sum3A_1833 = tpu.scan <sum>, %select_n3A_1810 masked %reduce_sum3A_1832 : vector<16xi32>, vector<16xi1> -> vector<16xi32>
        %reduce_sum3A_1834 = vector.extract %reduce_sum3A_1833[15] : i32 from vector<16xi32>
        %add3A_1835 = arith.addi %scan3A_1799, %reduce_sum3A_1834 : i32
        scf.yield %add3A_1835, %min3A : i32, i32
      }
      %scan3A_1797 = arith.constant 1280 : i32
      scf.yield %scan3A_1796#1 : i32
    } else {
      %cond3A_1790 = arith.constant 20480 : i32
      scf.yield %cond3A_1790 : i32
    }
    %lt3A_892 = arith.constant 1.000000e+29 : f32
    %lt3A_893 = arith.cmpf olt, %reduce_sum3A_863, %lt3A_892 : f32
    %jit3A_894 = arith.constant -1 : i32
    %select_n3A_895 = arith.select %lt3A_893, %cond3A_891, %jit3A_894 : i32
    %eq3A_896 = arith.constant 0 : i32
    %eq3A_897 = vector.broadcast %eq3A_896 : i32 to vector<16xi32>
    %eq3A_898 = arith.cmpi eq, %iota3A, %eq3A_897 : vector<16xi32>
    %eq3A_899 = arith.constant 1 : i32
    %eq3A_900 = vector.broadcast %eq3A_899 : i32 to vector<16xi32>
    %eq3A_901 = arith.cmpi eq, %iota3A, %eq3A_900 : vector<16xi32>
    %convert_element_type3A_902 = arith.sitofp %select_n3A_895 : i32 to f32
    %jit3A_903 = arith.constant 0.000000e+00 : f32
    %broadcast_in_dim3A_904 = vector.broadcast %convert_element_type3A_902 : f32 to vector<16xf32>
    %broadcast_in_dim3A_905 = vector.broadcast %jit3A_903 : f32 to vector<16xf32>
    %select_n3A_906 = arith.select %eq3A_901, %broadcast_in_dim3A_904, %broadcast_in_dim3A_905 : vector<16xi1>, vector<16xf32>
    %broadcast_in_dim3A_907 = vector.broadcast %reduce_sum3A_863 : f32 to vector<16xf32>
    %select_n3A_908 = arith.select %eq3A_898, %broadcast_in_dim3A_907, %select_n3A_906 : vector<16xi1>, vector<16xf32>
    %swap3A = arith.constant 0 : index
    %swap3A_909 = tpu.vector_load %arg15[%swap3A] {strides = array<i32>} : memref<16xf32, #tpu.memory_space<vmem>>, vector<16xf32>,
    tpu.vector_store %arg15[%swap3A], %select_n3A_908 {strides = array<i32>} : memref<16xf32, #tpu.memory_space<vmem>>, vector<16xf32>,
    %mul3A_910 = arith.constant 16 : i32
    %mul3A_911 = arith.muli %add3A_55, %mul3A_910 : i32
    "tpu.region"() ({
      %run_scoped3A = tpu.sem_alloc : memref<!tpu.dma_semaphore, #tpu.memory_space<semaphore_mem>>
      %dma_start3A_1790 = tpu.memref_slice %arg6[%mul3A_911] : memref<1024xf32, #tpu.memory_space<hbm>> -> memref<16xf32, #tpu.memory_space<hbm>>
      %dma_start3A_1791 = tpu.memref_slice %arg6[%mul3A_911] : memref<1024xf32, #tpu.memory_space<hbm>> -> memref<16xf32, #tpu.memory_space<hbm>>
      tpu.enqueue_dma source(%arg15 : memref<16xf32, #tpu.memory_space<vmem>>) target(%dma_start3A_1791 : memref<16xf32, #tpu.memory_space<hbm>>) target_semaphore(%run_scoped3A : memref<!tpu.dma_semaphore, #tpu.memory_space<semaphore_mem>>)
      %dma_wait3A_1792 = tpu.memref_slice %arg6[%mul3A_911] : memref<1024xf32, #tpu.memory_space<hbm>> -> memref<16xf32, #tpu.memory_space<hbm>>
      %dma_wait3A_1793 = tpu.memref_slice %arg6[%mul3A_911] : memref<1024xf32, #tpu.memory_space<hbm>> -> memref<16xf32, #tpu.memory_space<hbm>>
      tpu.wait_dma2 semaphore(%run_scoped3A : memref<!tpu.dma_semaphore, #tpu.memory_space<semaphore_mem>>) src(%arg15 : memref<16xf32, #tpu.memory_space<vmem>>) dst(%dma_wait3A_1793 : memref<16xf32, #tpu.memory_space<hbm>>)
      tpu.yield
    }) : () -> ()
    %add3A_912 = arith.constant 1 : i32
    %add3A_913 = arith.addi %mul3A_2, %add3A_912 : i32
    %dma_wait3A_914 = arith.constant 0 : i32
    %dma_wait3A_915 = tpu.memref_slice %arg4[%add3A_29, %dma_wait3A_914] : memref<64x1280xf32, #tpu.memory_space<hbm>> -> memref<1x1280xf32, #tpu.memory_space<hbm>>
    %dma_wait3A_916 = tpu.memref_squeeze %dma_wait3A_915 : memref<1x1280xf32, #tpu.memory_space<hbm>> -> memref<1280xf32, #tpu.memory_space<hbm>>
    %dma_wait3A_917 = arith.constant 0 : i32
    %dma_wait3A_918 = tpu.memref_slice %arg4[%add3A_29, %dma_wait3A_917] : memref<64x1280xf32, #tpu.memory_space<hbm>> -> memref<1x1280xf32, #tpu.memory_space<hbm>>
    %dma_wait3A_919 = tpu.memref_squeeze %dma_wait3A_918 : memref<1x1280xf32, #tpu.memory_space<hbm>> -> memref<1280xf32, #tpu.memory_space<hbm>>
    tpu.wait_dma2 semaphore(%arg20 : memref<!tpu.dma_semaphore, #tpu.memory_space<semaphore_mem>>) src(%dma_wait3A_919 : memref<1280xf32, #tpu.memory_space<hbm>>) dst(%arg13 : memref<1280xf32, #tpu.memory_space<vmem>>)
    %dma_wait3A_920 = arith.constant 0 : i32
    %dma_wait3A_921 = tpu.memref_slice %arg5[%add3A_29, %dma_wait3A_920] : memref<64x1280xf32, #tpu.memory_space<hbm>> -> memref<1x1280xf32, #tpu.memory_space<hbm>>
    %dma_wait3A_922 = tpu.memref_squeeze %dma_wait3A_921 : memref<1x1280xf32, #tpu.memory_space<hbm>> -> memref<1280xf32, #tpu.memory_space<hbm>>
    %dma_wait3A_923 = arith.constant 0 : i32
    %dma_wait3A_924 = tpu.memref_slice %arg5[%add3A_29, %dma_wait3A_923] : memref<64x1280xf32, #tpu.memory_space<hbm>> -> memref<1x1280xf32, #tpu.memory_space<hbm>>
    %dma_wait3A_925 = tpu.memref_squeeze %dma_wait3A_924 : memref<1x1280xf32, #tpu.memory_space<hbm>> -> memref<1280xf32, #tpu.memory_space<hbm>>
    tpu.wait_dma2 semaphore(%arg21 : memref<!tpu.dma_semaphore, #tpu.memory_space<semaphore_mem>>) src(%dma_wait3A_925 : memref<1280xf32, #tpu.memory_space<hbm>>) dst(%arg14 : memref<1280xf32, #tpu.memory_space<vmem>>)
    %dma_wait3A_926 = arith.constant 0 : i32
    %dma_wait3A_927 = tpu.memref_slice %arg2[%add3A_29, %dma_wait3A_926] : memref<64x20480xf32, #tpu.memory_space<hbm>> -> memref<1x20480xf32, #tpu.memory_space<hbm>>
    %dma_wait3A_928 = tpu.memref_squeeze %dma_wait3A_927 : memref<1x20480xf32, #tpu.memory_space<hbm>> -> memref<20480xf32, #tpu.memory_space<hbm>>
    %dma_wait3A_929 = arith.constant 0 : i32
    %dma_wait3A_930 = tpu.memref_slice %arg2[%add3A_29, %dma_wait3A_929] : memref<64x20480xf32, #tpu.memory_space<hbm>> -> memref<1x20480xf32, #tpu.memory_space<hbm>>
    %dma_wait3A_931 = tpu.memref_squeeze %dma_wait3A_930 : memref<1x20480xf32, #tpu.memory_space<hbm>> -> memref<20480xf32, #tpu.memory_space<hbm>>
    tpu.wait_dma2 semaphore(%arg22 : memref<!tpu.dma_semaphore, #tpu.memory_space<semaphore_mem>>) src(%dma_wait3A_931 : memref<20480xf32, #tpu.memory_space<hbm>>) dst(%arg9 : memref<20480xf32, #tpu.memory_space<vmem>>)
    %dma_wait3A_932 = arith.constant 0 : i32
    %dma_wait3A_933 = tpu.memref_slice %arg3[%add3A_29, %dma_wait3A_932] : memref<64x20480xf32, #tpu.memory_space<hbm>> -> memref<1x20480xf32, #tpu.memory_space<hbm>>
    %dma_wait3A_934 = tpu.memref_squeeze %dma_wait3A_933 : memref<1x20480xf32, #tpu.memory_space<hbm>> -> memref<20480xf32, #tpu.memory_space<hbm>>
    %dma_wait3A_935 = arith.constant 0 : i32
    %dma_wait3A_936 = tpu.memref_slice %arg3[%add3A_29, %dma_wait3A_935] : memref<64x20480xf32, #tpu.memory_space<hbm>> -> memref<1x20480xf32, #tpu.memory_space<hbm>>
    %dma_wait3A_937 = tpu.memref_squeeze %dma_wait3A_936 : memref<1x20480xf32, #tpu.memory_space<hbm>> -> memref<20480xf32, #tpu.memory_space<hbm>>
    tpu.wait_dma2 semaphore(%arg23 : memref<!tpu.dma_semaphore, #tpu.memory_space<semaphore_mem>>) src(%dma_wait3A_937 : memref<20480xf32, #tpu.memory_space<hbm>>) dst(%arg10 : memref<20480xf32, #tpu.memory_space<vmem>>)
    %broadcast_in_dim3A_938 = arith.constant 3.000000e+38 : f32
    %broadcast_in_dim3A_939 = vector.broadcast %broadcast_in_dim3A_938 : f32 to vector<16xf32>
    %broadcast_in_dim3A_940 = arith.constant 3.000000e+38 : f32
    %broadcast_in_dim3A_941 = vector.broadcast %broadcast_in_dim3A_940 : f32 to vector<16xf32>
    %broadcast_in_dim3A_942 = arith.constant 0 : i32
    %broadcast_in_dim3A_943 = vector.broadcast %broadcast_in_dim3A_942 : i32 to vector<16xi32>
    %broadcast_in_dim3A_944 = arith.constant -1.000000e+00 : f32
    %broadcast_in_dim3A_945 = vector.broadcast %broadcast_in_dim3A_944 : f32 to vector<16xf32>
    %broadcast_in_dim3A_946 = arith.constant -1.000000e+00 : f32
    %broadcast_in_dim3A_947 = vector.broadcast %broadcast_in_dim3A_946 : f32 to vector<16xf32>
    %broadcast_in_dim3A_948 = arith.constant 0 : i32
    %broadcast_in_dim3A_949 = vector.broadcast %broadcast_in_dim3A_948 : i32 to vector<16xi32>
    %scan3A_950 = arith.constant 0 : i32
    %scan3A_951 = arith.constant 80 : i32
    %scan3A_952 = arith.addi %scan3A_950, %scan3A_951 : i32
    %scan3A_953 = arith.constant 1 : i32
    %scan3A_954:6 = scf.for %scan3A_1790 = %scan3A_950 to %scan3A_952 step %scan3A_953 iter_args(%scan3A_1791 = %broadcast_in_dim3A_939, %scan3A_1792 = %broadcast_in_dim3A_941, %scan3A_1793 = %broadcast_in_dim3A_943, %scan3A_1794 = %broadcast_in_dim3A_945, %scan3A_1795 = %broadcast_in_dim3A_947, %scan3A_1796 = %broadcast_in_dim3A_949) -> (vector<16xf32>, vector<16xf32>, vector<16xi32>, vector<16xf32>, vector<16xf32>, vector<16xi32>)  : i32 {
      %mul3A_1797 = arith.constant 16 : i32
      %mul3A_1798 = arith.muli %scan3A_1790, %mul3A_1797 : i32
      %add3A_1799 = vector.broadcast %mul3A_1798 : i32 to vector<16xi32>
      %add3A_1800 = arith.addi %iota3A, %add3A_1799 : vector<16xi32>
      %mul3A_1801 = arith.constant 16 : i32
      %mul3A_1802 = arith.muli %scan3A_1790, %mul3A_1801 : i32
      %get3A = arith.index_cast %mul3A_1802 : i32 to index
      %get3A_1803 = tpu.vector_load %arg13[%get3A] {strides = array<i32>} : memref<1280xf32, #tpu.memory_space<vmem>>, vector<16xf32>,
      %mul3A_1804 = arith.constant 16 : i32
      %mul3A_1805 = arith.muli %scan3A_1790, %mul3A_1804 : i32
      %get3A_1806 = arith.index_cast %mul3A_1805 : i32 to index
      %get3A_1807 = tpu.vector_load %arg14[%get3A_1806] {strides = array<i32>} : memref<1280xf32, #tpu.memory_space<vmem>>, vector<16xf32>,
      %lt3A_1808 = arith.cmpf olt, %get3A_1803, %scan3A_1792 : vector<16xf32>
      %reduce_or3A_1809 = arith.constant 1.000000e+00 : f32
      %reduce_or3A_1810 = arith.constant 0.000000e+00 : f32
      %reduce_or3A_1811 = vector.broadcast %reduce_or3A_1809 : f32 to vector<16xf32>
      %reduce_or3A_1812 = vector.broadcast %reduce_or3A_1810 : f32 to vector<16xf32>
      %reduce_or3A_1813 = arith.select %lt3A_1808, %reduce_or3A_1811, %reduce_or3A_1812 : vector<16xi1>, vector<16xf32>
      %reduce_or3A_1814 = arith.constant true
      %reduce_or3A_1815 = vector.broadcast %reduce_or3A_1814 : i1 to vector<16xi1>
      %reduce_or3A_1816 = tpu.scan <max>, %reduce_or3A_1813 masked %reduce_or3A_1815 : vector<16xf32>, vector<16xi1> -> vector<16xf32>
      %reduce_or3A_1817 = vector.extract %reduce_or3A_1816[15] : f32 from vector<16xf32>
      %reduce_or3A_1818 = arith.constant 0.000000e+00 : f32
      %reduce_or3A_1819 = arith.cmpf ogt, %reduce_or3A_1817, %reduce_or3A_1818 : f32
      %convert_element_type3A_1820 = arith.extui %reduce_or3A_1819 : i1 to i32
      %cond3A_1821 = arith.constant 0 : i32
      %cond3A_1822 = arith.cmpi ne, %convert_element_type3A_1820, %cond3A_1821 : i32
      %cond3A_1823:3 = scf.if %cond3A_1822 -> (vector<16xf32>, vector<16xi32>, vector<16xf32>) {
        %masked_sort3A = arith.constant dense<true> : vector<16xi1>
        %masked_sort3A_1840, %masked_sort3A_1841, %masked_sort3A_1842 = tpu.sort %get3A_1803, %add3A_1800 masked %masked_sort3A : (vector<16xf32>, vector<16xi32>, vector<16xi1>) -> (vector<16xi1>, vector<16xf32>, vector<16xi32>)
        %rev3A_1843 = arith.constant 15 : i32
        %rev3A_1844 = vector.broadcast %rev3A_1843 : i32 to vector<16xi32>
        %rev3A_1845 = tpu.iota {dimensions = array<i32: 0>} : vector<16xi32>
        %rev3A_1846 = arith.subi %rev3A_1844, %rev3A_1845 : vector<16xi32>
        %rev3A_1847 = tpu.dynamic_gather %masked_sort3A_1841[%rev3A_1846] in [0] : vector<16xf32>, vector<16xi32> -> vector<16xf32>
        %rev3A_1848 = arith.constant 15 : i32
        %rev3A_1849 = vector.broadcast %rev3A_1848 : i32 to vector<16xi32>
        %rev3A_1850 = tpu.iota {dimensions = array<i32: 0>} : vector<16xi32>
        %rev3A_1851 = arith.subi %rev3A_1849, %rev3A_1850 : vector<16xi32>
        %rev3A_1852 = tpu.dynamic_gather %masked_sort3A_1842[%rev3A_1851] in [0] : vector<16xi32>, vector<16xi32> -> vector<16xi32>
        %le3A = arith.cmpf ole, %scan3A_1791, %rev3A_1847 : vector<16xf32>
        %select_n3A_1853 = arith.select %le3A, %scan3A_1791, %rev3A_1847 : vector<16xi1>, vector<16xf32>
        %select_n3A_1854 = arith.select %le3A, %scan3A_1793, %rev3A_1852 : vector<16xi1>, vector<16xi32>
        %masked_sort3A_1855 = arith.constant dense<true> : vector<16xi1>
        %masked_sort3A_1856, %masked_sort3A_1857, %masked_sort3A_1858 = tpu.sort %select_n3A_1853, %select_n3A_1854 masked %masked_sort3A_1855 : (vector<16xf32>, vector<16xi32>, vector<16xi1>) -> (vector<16xi1>, vector<16xf32>, vector<16xi32>)
        %reduce_max3A = arith.constant true
        %reduce_max3A_1859 = vector.broadcast %reduce_max3A : i1 to vector<16xi1>
        %reduce_max3A_1860 = tpu.scan <max>, %masked_sort3A_1857 masked %reduce_max3A_1859 : vector<16xf32>, vector<16xi1> -> vector<16xf32>
        %reduce_max3A_1861 = vector.extract %reduce_max3A_1860[15] : f32 from vector<16xf32>
        %broadcast_in_dim3A_1862 = vector.broadcast %reduce_max3A_1861 : f32 to vector<16xf32>
        scf.yield %masked_sort3A_1857, %masked_sort3A_1858, %broadcast_in_dim3A_1862 : vector<16xf32>, vector<16xi32>, vector<16xf32>
      } else {
        scf.yield %scan3A_1791, %scan3A_1793, %scan3A_1792 : vector<16xf32>, vector<16xi32>, vector<16xf32>
      }
      %gt3A_1824 = arith.cmpf ogt, %get3A_1807, %scan3A_1795 : vector<16xf32>
      %reduce_or3A_1825 = arith.constant 1.000000e+00 : f32
      %reduce_or3A_1826 = arith.constant 0.000000e+00 : f32
      %reduce_or3A_1827 = vector.broadcast %reduce_or3A_1825 : f32 to vector<16xf32>
      %reduce_or3A_1828 = vector.broadcast %reduce_or3A_1826 : f32 to vector<16xf32>
      %reduce_or3A_1829 = arith.select %gt3A_1824, %reduce_or3A_1827, %reduce_or3A_1828 : vector<16xi1>, vector<16xf32>
      %reduce_or3A_1830 = arith.constant true
      %reduce_or3A_1831 = vector.broadcast %reduce_or3A_1830 : i1 to vector<16xi1>
      %reduce_or3A_1832 = tpu.scan <max>, %reduce_or3A_1829 masked %reduce_or3A_1831 : vector<16xf32>, vector<16xi1> -> vector<16xf32>
      %reduce_or3A_1833 = vector.extract %reduce_or3A_1832[15] : f32 from vector<16xf32>
      %reduce_or3A_1834 = arith.constant 0.000000e+00 : f32
      %reduce_or3A_1835 = arith.cmpf ogt, %reduce_or3A_1833, %reduce_or3A_1834 : f32
      %convert_element_type3A_1836 = arith.extui %reduce_or3A_1835 : i1 to i32
      %cond3A_1837 = arith.constant 0 : i32
      %cond3A_1838 = arith.cmpi ne, %convert_element_type3A_1836, %cond3A_1837 : i32
      %cond3A_1839:3 = scf.if %cond3A_1838 -> (vector<16xf32>, vector<16xi32>, vector<16xf32>) {
        %masked_sort3A = arith.constant dense<true> : vector<16xi1>
        %masked_sort3A_1840, %masked_sort3A_1841, %masked_sort3A_1842 = tpu.sort %get3A_1807, %add3A_1800 masked %masked_sort3A : (vector<16xf32>, vector<16xi32>, vector<16xi1>) -> (vector<16xi1>, vector<16xf32>, vector<16xi32>)
        %rev3A_1843 = arith.constant 15 : i32
        %rev3A_1844 = vector.broadcast %rev3A_1843 : i32 to vector<16xi32>
        %rev3A_1845 = tpu.iota {dimensions = array<i32: 0>} : vector<16xi32>
        %rev3A_1846 = arith.subi %rev3A_1844, %rev3A_1845 : vector<16xi32>
        %rev3A_1847 = tpu.dynamic_gather %masked_sort3A_1841[%rev3A_1846] in [0] : vector<16xf32>, vector<16xi32> -> vector<16xf32>
        %rev3A_1848 = arith.constant 15 : i32
        %rev3A_1849 = vector.broadcast %rev3A_1848 : i32 to vector<16xi32>
        %rev3A_1850 = tpu.iota {dimensions = array<i32: 0>} : vector<16xi32>
        %rev3A_1851 = arith.subi %rev3A_1849, %rev3A_1850 : vector<16xi32>
        %rev3A_1852 = tpu.dynamic_gather %masked_sort3A_1842[%rev3A_1851] in [0] : vector<16xi32>, vector<16xi32> -> vector<16xi32>
        %ge3A_1853 = arith.cmpf oge, %scan3A_1794, %rev3A_1847 : vector<16xf32>
        %select_n3A_1854 = arith.select %ge3A_1853, %scan3A_1794, %rev3A_1847 : vector<16xi1>, vector<16xf32>
        %select_n3A_1855 = arith.select %ge3A_1853, %scan3A_1796, %rev3A_1852 : vector<16xi1>, vector<16xi32>
        %masked_sort3A_1856 = arith.constant dense<true> : vector<16xi1>
        %masked_sort3A_1857, %masked_sort3A_1858, %masked_sort3A_1859 = tpu.sort %select_n3A_1854, %select_n3A_1855 masked %masked_sort3A_1856 : (vector<16xf32>, vector<16xi32>, vector<16xi1>) -> (vector<16xi1>, vector<16xf32>, vector<16xi32>)
        %reduce_min3A = arith.constant true
        %reduce_min3A_1860 = vector.broadcast %reduce_min3A : i1 to vector<16xi1>
        %reduce_min3A_1861 = tpu.scan <min>, %masked_sort3A_1858 masked %reduce_min3A_1860 : vector<16xf32>, vector<16xi1> -> vector<16xf32>
        %reduce_min3A_1862 = vector.extract %reduce_min3A_1861[15] : f32 from vector<16xf32>
        %broadcast_in_dim3A_1863 = vector.broadcast %reduce_min3A_1862 : f32 to vector<16xf32>
        scf.yield %masked_sort3A_1858, %masked_sort3A_1859, %broadcast_in_dim3A_1863 : vector<16xf32>, vector<16xi32>, vector<16xf32>
      } else {
        scf.yield %scan3A_1794, %scan3A_1796, %scan3A_1795 : vector<16xf32>, vector<16xi32>, vector<16xf32>
      }
      scf.yield %cond3A_1823#0, %cond3A_1823#2, %cond3A_1823#1, %cond3A_1839#0, %cond3A_1839#2, %cond3A_1839#1 : vector<16xf32>, vector<16xf32>, vector<16xi32>, vector<16xf32>, vector<16xf32>, vector<16xi32>
    }
    %scan3A_955 = arith.constant 80 : i32
    %broadcast_in_dim3A_956 = arith.constant 3.000000e+38 : f32
    %broadcast_in_dim3A_957 = vector.broadcast %broadcast_in_dim3A_956 : f32 to vector<16xf32>
    %broadcast_in_dim3A_958 = arith.constant 3.000000e+38 : f32
    %broadcast_in_dim3A_959 = vector.broadcast %broadcast_in_dim3A_958 : f32 to vector<16xf32>
    %broadcast_in_dim3A_960 = arith.constant -1.000000e+00 : f32
    %broadcast_in_dim3A_961 = vector.broadcast %broadcast_in_dim3A_960 : f32 to vector<16xf32>
    %broadcast_in_dim3A_962 = arith.constant -1.000000e+00 : f32
    %broadcast_in_dim3A_963 = vector.broadcast %broadcast_in_dim3A_962 : f32 to vector<16xf32>
    %add3A_964 = arith.constant 0 : i32
    %add3A_965 = vector.broadcast %add3A_964 : i32 to vector<16xi32>
    %add3A_966 = arith.addi %scan3A_954#2, %add3A_965 : vector<16xi32>
    %gather3A_967 = tpu.vector_load_idx %arg9[%add3A_966] : memref<20480xf32, #tpu.memory_space<vmem>>[vector<16xi32>], vector<16xf32>,
    %lt3A_968 = arith.cmpf olt, %gather3A_967, %broadcast_in_dim3A_959 : vector<16xf32>
    %reduce_or3A_969 = arith.constant 1.000000e+00 : f32
    %reduce_or3A_970 = arith.constant 0.000000e+00 : f32
    %reduce_or3A_971 = vector.broadcast %reduce_or3A_969 : f32 to vector<16xf32>
    %reduce_or3A_972 = vector.broadcast %reduce_or3A_970 : f32 to vector<16xf32>
    %reduce_or3A_973 = arith.select %lt3A_968, %reduce_or3A_971, %reduce_or3A_972 : vector<16xi1>, vector<16xf32>
    %reduce_or3A_974 = arith.constant true
    %reduce_or3A_975 = vector.broadcast %reduce_or3A_974 : i1 to vector<16xi1>
    %reduce_or3A_976 = tpu.scan <max>, %reduce_or3A_973 masked %reduce_or3A_975 : vector<16xf32>, vector<16xi1> -> vector<16xf32>
    %reduce_or3A_977 = vector.extract %reduce_or3A_976[15] : f32 from vector<16xf32>
    %reduce_or3A_978 = arith.constant 0.000000e+00 : f32
    %reduce_or3A_979 = arith.cmpf ogt, %reduce_or3A_977, %reduce_or3A_978 : f32
    %convert_element_type3A_980 = arith.extui %reduce_or3A_979 : i1 to i32
    %cond3A_981 = arith.constant 0 : i32
    %cond3A_982 = arith.cmpi ne, %convert_element_type3A_980, %cond3A_981 : i32
    %cond3A_983:2 = scf.if %cond3A_982 -> (vector<16xf32>, vector<16xf32>) {
      %sort3A = arith.constant dense<true> : vector<16xi1>
      %sort3A_1790, %sort3A_1791, %sort3A_1792 = tpu.sort %gather3A_967, %gather3A_967 masked %sort3A : (vector<16xf32>, vector<16xf32>, vector<16xi1>) -> (vector<16xi1>, vector<16xf32>, vector<16xf32>)
      %rev3A_1793 = arith.constant 15 : i32
      %rev3A_1794 = vector.broadcast %rev3A_1793 : i32 to vector<16xi32>
      %rev3A_1795 = tpu.iota {dimensions = array<i32: 0>} : vector<16xi32>
      %rev3A_1796 = arith.subi %rev3A_1794, %rev3A_1795 : vector<16xi32>
      %rev3A_1797 = tpu.dynamic_gather %sort3A_1791[%rev3A_1796] in [0] : vector<16xf32>, vector<16xi32> -> vector<16xf32>
      %min3A = arith.minimumf %broadcast_in_dim3A_957, %rev3A_1797 : vector<16xf32>
      %sort3A_1798 = arith.constant dense<true> : vector<16xi1>
      %sort3A_1799, %sort3A_1800, %sort3A_1801 = tpu.sort %min3A, %min3A masked %sort3A_1798 : (vector<16xf32>, vector<16xf32>, vector<16xi1>) -> (vector<16xi1>, vector<16xf32>, vector<16xf32>)
      %reduce_max3A = arith.constant true
      %reduce_max3A_1802 = vector.broadcast %reduce_max3A : i1 to vector<16xi1>
      %reduce_max3A_1803 = tpu.scan <max>, %sort3A_1800 masked %reduce_max3A_1802 : vector<16xf32>, vector<16xi1> -> vector<16xf32>
      %reduce_max3A_1804 = vector.extract %reduce_max3A_1803[15] : f32 from vector<16xf32>
      %broadcast_in_dim3A_1805 = vector.broadcast %reduce_max3A_1804 : f32 to vector<16xf32>
      scf.yield %sort3A_1800, %broadcast_in_dim3A_1805 : vector<16xf32>, vector<16xf32>
    } else {
      scf.yield %broadcast_in_dim3A_957, %broadcast_in_dim3A_959 : vector<16xf32>, vector<16xf32>
    }
    %add3A_984 = arith.constant 0 : i32
    %add3A_985 = vector.broadcast %add3A_984 : i32 to vector<16xi32>
    %add3A_986 = arith.addi %scan3A_954#5, %add3A_985 : vector<16xi32>
    %gather3A_987 = tpu.vector_load_idx %arg10[%add3A_986] : memref<20480xf32, #tpu.memory_space<vmem>>[vector<16xi32>], vector<16xf32>,
    %gt3A_988 = arith.cmpf ogt, %gather3A_987, %broadcast_in_dim3A_963 : vector<16xf32>
    %reduce_or3A_989 = arith.constant 1.000000e+00 : f32
    %reduce_or3A_990 = arith.constant 0.000000e+00 : f32
    %reduce_or3A_991 = vector.broadcast %reduce_or3A_989 : f32 to vector<16xf32>
    %reduce_or3A_992 = vector.broadcast %reduce_or3A_990 : f32 to vector<16xf32>
    %reduce_or3A_993 = arith.select %gt3A_988, %reduce_or3A_991, %reduce_or3A_992 : vector<16xi1>, vector<16xf32>
    %reduce_or3A_994 = arith.constant true
    %reduce_or3A_995 = vector.broadcast %reduce_or3A_994 : i1 to vector<16xi1>
    %reduce_or3A_996 = tpu.scan <max>, %reduce_or3A_993 masked %reduce_or3A_995 : vector<16xf32>, vector<16xi1> -> vector<16xf32>
    %reduce_or3A_997 = vector.extract %reduce_or3A_996[15] : f32 from vector<16xf32>
    %reduce_or3A_998 = arith.constant 0.000000e+00 : f32
    %reduce_or3A_999 = arith.cmpf ogt, %reduce_or3A_997, %reduce_or3A_998 : f32
    %convert_element_type3A_1000 = arith.extui %reduce_or3A_999 : i1 to i32
    %cond3A_1001 = arith.constant 0 : i32
    %cond3A_1002 = arith.cmpi ne, %convert_element_type3A_1000, %cond3A_1001 : i32
    %cond3A_1003:2 = scf.if %cond3A_1002 -> (vector<16xf32>, vector<16xf32>) {
      %sort3A = arith.constant dense<true> : vector<16xi1>
      %sort3A_1790, %sort3A_1791, %sort3A_1792 = tpu.sort %gather3A_987, %gather3A_987 masked %sort3A : (vector<16xf32>, vector<16xf32>, vector<16xi1>) -> (vector<16xi1>, vector<16xf32>, vector<16xf32>)
      %rev3A_1793 = arith.constant 15 : i32
      %rev3A_1794 = vector.broadcast %rev3A_1793 : i32 to vector<16xi32>
      %rev3A_1795 = tpu.iota {dimensions = array<i32: 0>} : vector<16xi32>
      %rev3A_1796 = arith.subi %rev3A_1794, %rev3A_1795 : vector<16xi32>
      %rev3A_1797 = tpu.dynamic_gather %sort3A_1791[%rev3A_1796] in [0] : vector<16xf32>, vector<16xi32> -> vector<16xf32>
      %max3A_1798 = arith.maximumf %broadcast_in_dim3A_961, %rev3A_1797 : vector<16xf32>
      %sort3A_1799 = arith.constant dense<true> : vector<16xi1>
      %sort3A_1800, %sort3A_1801, %sort3A_1802 = tpu.sort %max3A_1798, %max3A_1798 masked %sort3A_1799 : (vector<16xf32>, vector<16xf32>, vector<16xi1>) -> (vector<16xi1>, vector<16xf32>, vector<16xf32>)
      %reduce_min3A = arith.constant true
      %reduce_min3A_1803 = vector.broadcast %reduce_min3A : i1 to vector<16xi1>
      %reduce_min3A_1804 = tpu.scan <min>, %sort3A_1801 masked %reduce_min3A_1803 : vector<16xf32>, vector<16xi1> -> vector<16xf32>
      %reduce_min3A_1805 = vector.extract %reduce_min3A_1804[15] : f32 from vector<16xf32>
      %broadcast_in_dim3A_1806 = vector.broadcast %reduce_min3A_1805 : f32 to vector<16xf32>
      scf.yield %sort3A_1801, %broadcast_in_dim3A_1806 : vector<16xf32>, vector<16xf32>
    } else {
      scf.yield %broadcast_in_dim3A_961, %broadcast_in_dim3A_963 : vector<16xf32>, vector<16xf32>
    }
    %add3A_1004 = arith.constant 1280 : i32
    %add3A_1005 = vector.broadcast %add3A_1004 : i32 to vector<16xi32>
    %add3A_1006 = arith.addi %scan3A_954#2, %add3A_1005 : vector<16xi32>
    %gather3A_1007 = tpu.vector_load_idx %arg9[%add3A_1006] : memref<20480xf32, #tpu.memory_space<vmem>>[vector<16xi32>], vector<16xf32>,
    %lt3A_1008 = arith.cmpf olt, %gather3A_1007, %cond3A_983#1 : vector<16xf32>
    %reduce_or3A_1009 = arith.constant 1.000000e+00 : f32
    %reduce_or3A_1010 = arith.constant 0.000000e+00 : f32
    %reduce_or3A_1011 = vector.broadcast %reduce_or3A_1009 : f32 to vector<16xf32>
    %reduce_or3A_1012 = vector.broadcast %reduce_or3A_1010 : f32 to vector<16xf32>
    %reduce_or3A_1013 = arith.select %lt3A_1008, %reduce_or3A_1011, %reduce_or3A_1012 : vector<16xi1>, vector<16xf32>
    %reduce_or3A_1014 = arith.constant true
    %reduce_or3A_1015 = vector.broadcast %reduce_or3A_1014 : i1 to vector<16xi1>
    %reduce_or3A_1016 = tpu.scan <max>, %reduce_or3A_1013 masked %reduce_or3A_1015 : vector<16xf32>, vector<16xi1> -> vector<16xf32>
    %reduce_or3A_1017 = vector.extract %reduce_or3A_1016[15] : f32 from vector<16xf32>
    %reduce_or3A_1018 = arith.constant 0.000000e+00 : f32
    %reduce_or3A_1019 = arith.cmpf ogt, %reduce_or3A_1017, %reduce_or3A_1018 : f32
    %convert_element_type3A_1020 = arith.extui %reduce_or3A_1019 : i1 to i32
    %cond3A_1021 = arith.constant 0 : i32
    %cond3A_1022 = arith.cmpi ne, %convert_element_type3A_1020, %cond3A_1021 : i32
    %cond3A_1023:2 = scf.if %cond3A_1022 -> (vector<16xf32>, vector<16xf32>) {
      %sort3A = arith.constant dense<true> : vector<16xi1>
      %sort3A_1790, %sort3A_1791, %sort3A_1792 = tpu.sort %gather3A_1007, %gather3A_1007 masked %sort3A : (vector<16xf32>, vector<16xf32>, vector<16xi1>) -> (vector<16xi1>, vector<16xf32>, vector<16xf32>)
      %rev3A_1793 = arith.constant 15 : i32
      %rev3A_1794 = vector.broadcast %rev3A_1793 : i32 to vector<16xi32>
      %rev3A_1795 = tpu.iota {dimensions = array<i32: 0>} : vector<16xi32>
      %rev3A_1796 = arith.subi %rev3A_1794, %rev3A_1795 : vector<16xi32>
      %rev3A_1797 = tpu.dynamic_gather %sort3A_1791[%rev3A_1796] in [0] : vector<16xf32>, vector<16xi32> -> vector<16xf32>
      %min3A = arith.minimumf %cond3A_983#0, %rev3A_1797 : vector<16xf32>
      %sort3A_1798 = arith.constant dense<true> : vector<16xi1>
      %sort3A_1799, %sort3A_1800, %sort3A_1801 = tpu.sort %min3A, %min3A masked %sort3A_1798 : (vector<16xf32>, vector<16xf32>, vector<16xi1>) -> (vector<16xi1>, vector<16xf32>, vector<16xf32>)
      %reduce_max3A = arith.constant true
      %reduce_max3A_1802 = vector.broadcast %reduce_max3A : i1 to vector<16xi1>
      %reduce_max3A_1803 = tpu.scan <max>, %sort3A_1800 masked %reduce_max3A_1802 : vector<16xf32>, vector<16xi1> -> vector<16xf32>
      %reduce_max3A_1804 = vector.extract %reduce_max3A_1803[15] : f32 from vector<16xf32>
      %broadcast_in_dim3A_1805 = vector.broadcast %reduce_max3A_1804 : f32 to vector<16xf32>
      scf.yield %sort3A_1800, %broadcast_in_dim3A_1805 : vector<16xf32>, vector<16xf32>
    } else {
      scf.yield %cond3A_983#0, %cond3A_983#1 : vector<16xf32>, vector<16xf32>
    }
    %add3A_1024 = arith.constant 1280 : i32
    %add3A_1025 = vector.broadcast %add3A_1024 : i32 to vector<16xi32>
    %add3A_1026 = arith.addi %scan3A_954#5, %add3A_1025 : vector<16xi32>
    %gather3A_1027 = tpu.vector_load_idx %arg10[%add3A_1026] : memref<20480xf32, #tpu.memory_space<vmem>>[vector<16xi32>], vector<16xf32>,
    %gt3A_1028 = arith.cmpf ogt, %gather3A_1027, %cond3A_1003#1 : vector<16xf32>
    %reduce_or3A_1029 = arith.constant 1.000000e+00 : f32
    %reduce_or3A_1030 = arith.constant 0.000000e+00 : f32
    %reduce_or3A_1031 = vector.broadcast %reduce_or3A_1029 : f32 to vector<16xf32>
    %reduce_or3A_1032 = vector.broadcast %reduce_or3A_1030 : f32 to vector<16xf32>
    %reduce_or3A_1033 = arith.select %gt3A_1028, %reduce_or3A_1031, %reduce_or3A_1032 : vector<16xi1>, vector<16xf32>
    %reduce_or3A_1034 = arith.constant true
    %reduce_or3A_1035 = vector.broadcast %reduce_or3A_1034 : i1 to vector<16xi1>
    %reduce_or3A_1036 = tpu.scan <max>, %reduce_or3A_1033 masked %reduce_or3A_1035 : vector<16xf32>, vector<16xi1> -> vector<16xf32>
    %reduce_or3A_1037 = vector.extract %reduce_or3A_1036[15] : f32 from vector<16xf32>
    %reduce_or3A_1038 = arith.constant 0.000000e+00 : f32
    %reduce_or3A_1039 = arith.cmpf ogt, %reduce_or3A_1037, %reduce_or3A_1038 : f32
    %convert_element_type3A_1040 = arith.extui %reduce_or3A_1039 : i1 to i32
    %cond3A_1041 = arith.constant 0 : i32
    %cond3A_1042 = arith.cmpi ne, %convert_element_type3A_1040, %cond3A_1041 : i32
    %cond3A_1043:2 = scf.if %cond3A_1042 -> (vector<16xf32>, vector<16xf32>) {
      %sort3A = arith.constant dense<true> : vector<16xi1>
      %sort3A_1790, %sort3A_1791, %sort3A_1792 = tpu.sort %gather3A_1027, %gather3A_1027 masked %sort3A : (vector<16xf32>, vector<16xf32>, vector<16xi1>) -> (vector<16xi1>, vector<16xf32>, vector<16xf32>)
      %rev3A_1793 = arith.constant 15 : i32
      %rev3A_1794 = vector.broadcast %rev3A_1793 : i32 to vector<16xi32>
      %rev3A_1795 = tpu.iota {dimensions = array<i32: 0>} : vector<16xi32>
      %rev3A_1796 = arith.subi %rev3A_1794, %rev3A_1795 : vector<16xi32>
      %rev3A_1797 = tpu.dynamic_gather %sort3A_1791[%rev3A_1796] in [0] : vector<16xf32>, vector<16xi32> -> vector<16xf32>
      %max3A_1798 = arith.maximumf %cond3A_1003#0, %rev3A_1797 : vector<16xf32>
      %sort3A_1799 = arith.constant dense<true> : vector<16xi1>
      %sort3A_1800, %sort3A_1801, %sort3A_1802 = tpu.sort %max3A_1798, %max3A_1798 masked %sort3A_1799 : (vector<16xf32>, vector<16xf32>, vector<16xi1>) -> (vector<16xi1>, vector<16xf32>, vector<16xf32>)
      %reduce_min3A = arith.constant true
      %reduce_min3A_1803 = vector.broadcast %reduce_min3A : i1 to vector<16xi1>
      %reduce_min3A_1804 = tpu.scan <min>, %sort3A_1801 masked %reduce_min3A_1803 : vector<16xf32>, vector<16xi1> -> vector<16xf32>
      %reduce_min3A_1805 = vector.extract %reduce_min3A_1804[15] : f32 from vector<16xf32>
      %broadcast_in_dim3A_1806 = vector.broadcast %reduce_min3A_1805 : f32 to vector<16xf32>
      scf.yield %sort3A_1801, %broadcast_in_dim3A_1806 : vector<16xf32>, vector<16xf32>
    } else {
      scf.yield %cond3A_1003#0, %cond3A_1003#1 : vector<16xf32>, vector<16xf32>
    }
    %add3A_1044 = arith.constant 2560 : i32
    %add3A_1045 = vector.broadcast %add3A_1044 : i32 to vector<16xi32>
    %add3A_1046 = arith.addi %scan3A_954#2, %add3A_1045 : vector<16xi32>
    %gather3A_1047 = tpu.vector_load_idx %arg9[%add3A_1046] : memref<20480xf32, #tpu.memory_space<vmem>>[vector<16xi32>], vector<16xf32>,
    %lt3A_1048 = arith.cmpf olt, %gather3A_1047, %cond3A_1023#1 : vector<16xf32>
    %reduce_or3A_1049 = arith.constant 1.000000e+00 : f32
    %reduce_or3A_1050 = arith.constant 0.000000e+00 : f32
    %reduce_or3A_1051 = vector.broadcast %reduce_or3A_1049 : f32 to vector<16xf32>
    %reduce_or3A_1052 = vector.broadcast %reduce_or3A_1050 : f32 to vector<16xf32>
    %reduce_or3A_1053 = arith.select %lt3A_1048, %reduce_or3A_1051, %reduce_or3A_1052 : vector<16xi1>, vector<16xf32>
    %reduce_or3A_1054 = arith.constant true
    %reduce_or3A_1055 = vector.broadcast %reduce_or3A_1054 : i1 to vector<16xi1>
    %reduce_or3A_1056 = tpu.scan <max>, %reduce_or3A_1053 masked %reduce_or3A_1055 : vector<16xf32>, vector<16xi1> -> vector<16xf32>
    %reduce_or3A_1057 = vector.extract %reduce_or3A_1056[15] : f32 from vector<16xf32>
    %reduce_or3A_1058 = arith.constant 0.000000e+00 : f32
    %reduce_or3A_1059 = arith.cmpf ogt, %reduce_or3A_1057, %reduce_or3A_1058 : f32
    %convert_element_type3A_1060 = arith.extui %reduce_or3A_1059 : i1 to i32
    %cond3A_1061 = arith.constant 0 : i32
    %cond3A_1062 = arith.cmpi ne, %convert_element_type3A_1060, %cond3A_1061 : i32
    %cond3A_1063:2 = scf.if %cond3A_1062 -> (vector<16xf32>, vector<16xf32>) {
      %sort3A = arith.constant dense<true> : vector<16xi1>
      %sort3A_1790, %sort3A_1791, %sort3A_1792 = tpu.sort %gather3A_1047, %gather3A_1047 masked %sort3A : (vector<16xf32>, vector<16xf32>, vector<16xi1>) -> (vector<16xi1>, vector<16xf32>, vector<16xf32>)
      %rev3A_1793 = arith.constant 15 : i32
      %rev3A_1794 = vector.broadcast %rev3A_1793 : i32 to vector<16xi32>
      %rev3A_1795 = tpu.iota {dimensions = array<i32: 0>} : vector<16xi32>
      %rev3A_1796 = arith.subi %rev3A_1794, %rev3A_1795 : vector<16xi32>
      %rev3A_1797 = tpu.dynamic_gather %sort3A_1791[%rev3A_1796] in [0] : vector<16xf32>, vector<16xi32> -> vector<16xf32>
      %min3A = arith.minimumf %cond3A_1023#0, %rev3A_1797 : vector<16xf32>
      %sort3A_1798 = arith.constant dense<true> : vector<16xi1>
      %sort3A_1799, %sort3A_1800, %sort3A_1801 = tpu.sort %min3A, %min3A masked %sort3A_1798 : (vector<16xf32>, vector<16xf32>, vector<16xi1>) -> (vector<16xi1>, vector<16xf32>, vector<16xf32>)
      %reduce_max3A = arith.constant true
      %reduce_max3A_1802 = vector.broadcast %reduce_max3A : i1 to vector<16xi1>
      %reduce_max3A_1803 = tpu.scan <max>, %sort3A_1800 masked %reduce_max3A_1802 : vector<16xf32>, vector<16xi1> -> vector<16xf32>
      %reduce_max3A_1804 = vector.extract %reduce_max3A_1803[15] : f32 from vector<16xf32>
      %broadcast_in_dim3A_1805 = vector.broadcast %reduce_max3A_1804 : f32 to vector<16xf32>
      scf.yield %sort3A_1800, %broadcast_in_dim3A_1805 : vector<16xf32>, vector<16xf32>
    } else {
      scf.yield %cond3A_1023#0, %cond3A_1023#1 : vector<16xf32>, vector<16xf32>
    }
    %add3A_1064 = arith.constant 2560 : i32
    %add3A_1065 = vector.broadcast %add3A_1064 : i32 to vector<16xi32>
    %add3A_1066 = arith.addi %scan3A_954#5, %add3A_1065 : vector<16xi32>
    %gather3A_1067 = tpu.vector_load_idx %arg10[%add3A_1066] : memref<20480xf32, #tpu.memory_space<vmem>>[vector<16xi32>], vector<16xf32>,
    %gt3A_1068 = arith.cmpf ogt, %gather3A_1067, %cond3A_1043#1 : vector<16xf32>
    %reduce_or3A_1069 = arith.constant 1.000000e+00 : f32
    %reduce_or3A_1070 = arith.constant 0.000000e+00 : f32
    %reduce_or3A_1071 = vector.broadcast %reduce_or3A_1069 : f32 to vector<16xf32>
    %reduce_or3A_1072 = vector.broadcast %reduce_or3A_1070 : f32 to vector<16xf32>
    %reduce_or3A_1073 = arith.select %gt3A_1068, %reduce_or3A_1071, %reduce_or3A_1072 : vector<16xi1>, vector<16xf32>
    %reduce_or3A_1074 = arith.constant true
    %reduce_or3A_1075 = vector.broadcast %reduce_or3A_1074 : i1 to vector<16xi1>
    %reduce_or3A_1076 = tpu.scan <max>, %reduce_or3A_1073 masked %reduce_or3A_1075 : vector<16xf32>, vector<16xi1> -> vector<16xf32>
    %reduce_or3A_1077 = vector.extract %reduce_or3A_1076[15] : f32 from vector<16xf32>
    %reduce_or3A_1078 = arith.constant 0.000000e+00 : f32
    %reduce_or3A_1079 = arith.cmpf ogt, %reduce_or3A_1077, %reduce_or3A_1078 : f32
    %convert_element_type3A_1080 = arith.extui %reduce_or3A_1079 : i1 to i32
    %cond3A_1081 = arith.constant 0 : i32
    %cond3A_1082 = arith.cmpi ne, %convert_element_type3A_1080, %cond3A_1081 : i32
    %cond3A_1083:2 = scf.if %cond3A_1082 -> (vector<16xf32>, vector<16xf32>) {
      %sort3A = arith.constant dense<true> : vector<16xi1>
      %sort3A_1790, %sort3A_1791, %sort3A_1792 = tpu.sort %gather3A_1067, %gather3A_1067 masked %sort3A : (vector<16xf32>, vector<16xf32>, vector<16xi1>) -> (vector<16xi1>, vector<16xf32>, vector<16xf32>)
      %rev3A_1793 = arith.constant 15 : i32
      %rev3A_1794 = vector.broadcast %rev3A_1793 : i32 to vector<16xi32>
      %rev3A_1795 = tpu.iota {dimensions = array<i32: 0>} : vector<16xi32>
      %rev3A_1796 = arith.subi %rev3A_1794, %rev3A_1795 : vector<16xi32>
      %rev3A_1797 = tpu.dynamic_gather %sort3A_1791[%rev3A_1796] in [0] : vector<16xf32>, vector<16xi32> -> vector<16xf32>
      %max3A_1798 = arith.maximumf %cond3A_1043#0, %rev3A_1797 : vector<16xf32>
      %sort3A_1799 = arith.constant dense<true> : vector<16xi1>
      %sort3A_1800, %sort3A_1801, %sort3A_1802 = tpu.sort %max3A_1798, %max3A_1798 masked %sort3A_1799 : (vector<16xf32>, vector<16xf32>, vector<16xi1>) -> (vector<16xi1>, vector<16xf32>, vector<16xf32>)
      %reduce_min3A = arith.constant true
      %reduce_min3A_1803 = vector.broadcast %reduce_min3A : i1 to vector<16xi1>
      %reduce_min3A_1804 = tpu.scan <min>, %sort3A_1801 masked %reduce_min3A_1803 : vector<16xf32>, vector<16xi1> -> vector<16xf32>
      %reduce_min3A_1805 = vector.extract %reduce_min3A_1804[15] : f32 from vector<16xf32>
      %broadcast_in_dim3A_1806 = vector.broadcast %reduce_min3A_1805 : f32 to vector<16xf32>
      scf.yield %sort3A_1801, %broadcast_in_dim3A_1806 : vector<16xf32>, vector<16xf32>
    } else {
      scf.yield %cond3A_1043#0, %cond3A_1043#1 : vector<16xf32>, vector<16xf32>
    }
    %add3A_1084 = arith.constant 3840 : i32
    %add3A_1085 = vector.broadcast %add3A_1084 : i32 to vector<16xi32>
    %add3A_1086 = arith.addi %scan3A_954#2, %add3A_1085 : vector<16xi32>
    %gather3A_1087 = tpu.vector_load_idx %arg9[%add3A_1086] : memref<20480xf32, #tpu.memory_space<vmem>>[vector<16xi32>], vector<16xf32>,
    %lt3A_1088 = arith.cmpf olt, %gather3A_1087, %cond3A_1063#1 : vector<16xf32>
    %reduce_or3A_1089 = arith.constant 1.000000e+00 : f32
    %reduce_or3A_1090 = arith.constant 0.000000e+00 : f32
    %reduce_or3A_1091 = vector.broadcast %reduce_or3A_1089 : f32 to vector<16xf32>
    %reduce_or3A_1092 = vector.broadcast %reduce_or3A_1090 : f32 to vector<16xf32>
    %reduce_or3A_1093 = arith.select %lt3A_1088, %reduce_or3A_1091, %reduce_or3A_1092 : vector<16xi1>, vector<16xf32>
    %reduce_or3A_1094 = arith.constant true
    %reduce_or3A_1095 = vector.broadcast %reduce_or3A_1094 : i1 to vector<16xi1>
    %reduce_or3A_1096 = tpu.scan <max>, %reduce_or3A_1093 masked %reduce_or3A_1095 : vector<16xf32>, vector<16xi1> -> vector<16xf32>
    %reduce_or3A_1097 = vector.extract %reduce_or3A_1096[15] : f32 from vector<16xf32>
    %reduce_or3A_1098 = arith.constant 0.000000e+00 : f32
    %reduce_or3A_1099 = arith.cmpf ogt, %reduce_or3A_1097, %reduce_or3A_1098 : f32
    %convert_element_type3A_1100 = arith.extui %reduce_or3A_1099 : i1 to i32
    %cond3A_1101 = arith.constant 0 : i32
    %cond3A_1102 = arith.cmpi ne, %convert_element_type3A_1100, %cond3A_1101 : i32
    %cond3A_1103:2 = scf.if %cond3A_1102 -> (vector<16xf32>, vector<16xf32>) {
      %sort3A = arith.constant dense<true> : vector<16xi1>
      %sort3A_1790, %sort3A_1791, %sort3A_1792 = tpu.sort %gather3A_1087, %gather3A_1087 masked %sort3A : (vector<16xf32>, vector<16xf32>, vector<16xi1>) -> (vector<16xi1>, vector<16xf32>, vector<16xf32>)
      %rev3A_1793 = arith.constant 15 : i32
      %rev3A_1794 = vector.broadcast %rev3A_1793 : i32 to vector<16xi32>
      %rev3A_1795 = tpu.iota {dimensions = array<i32: 0>} : vector<16xi32>
      %rev3A_1796 = arith.subi %rev3A_1794, %rev3A_1795 : vector<16xi32>
      %rev3A_1797 = tpu.dynamic_gather %sort3A_1791[%rev3A_1796] in [0] : vector<16xf32>, vector<16xi32> -> vector<16xf32>
      %min3A = arith.minimumf %cond3A_1063#0, %rev3A_1797 : vector<16xf32>
      %sort3A_1798 = arith.constant dense<true> : vector<16xi1>
      %sort3A_1799, %sort3A_1800, %sort3A_1801 = tpu.sort %min3A, %min3A masked %sort3A_1798 : (vector<16xf32>, vector<16xf32>, vector<16xi1>) -> (vector<16xi1>, vector<16xf32>, vector<16xf32>)
      %reduce_max3A = arith.constant true
      %reduce_max3A_1802 = vector.broadcast %reduce_max3A : i1 to vector<16xi1>
      %reduce_max3A_1803 = tpu.scan <max>, %sort3A_1800 masked %reduce_max3A_1802 : vector<16xf32>, vector<16xi1> -> vector<16xf32>
      %reduce_max3A_1804 = vector.extract %reduce_max3A_1803[15] : f32 from vector<16xf32>
      %broadcast_in_dim3A_1805 = vector.broadcast %reduce_max3A_1804 : f32 to vector<16xf32>
      scf.yield %sort3A_1800, %broadcast_in_dim3A_1805 : vector<16xf32>, vector<16xf32>
    } else {
      scf.yield %cond3A_1063#0, %cond3A_1063#1 : vector<16xf32>, vector<16xf32>
    }
    %add3A_1104 = arith.constant 3840 : i32
    %add3A_1105 = vector.broadcast %add3A_1104 : i32 to vector<16xi32>
    %add3A_1106 = arith.addi %scan3A_954#5, %add3A_1105 : vector<16xi32>
    %gather3A_1107 = tpu.vector_load_idx %arg10[%add3A_1106] : memref<20480xf32, #tpu.memory_space<vmem>>[vector<16xi32>], vector<16xf32>,
    %gt3A_1108 = arith.cmpf ogt, %gather3A_1107, %cond3A_1083#1 : vector<16xf32>
    %reduce_or3A_1109 = arith.constant 1.000000e+00 : f32
    %reduce_or3A_1110 = arith.constant 0.000000e+00 : f32
    %reduce_or3A_1111 = vector.broadcast %reduce_or3A_1109 : f32 to vector<16xf32>
    %reduce_or3A_1112 = vector.broadcast %reduce_or3A_1110 : f32 to vector<16xf32>
    %reduce_or3A_1113 = arith.select %gt3A_1108, %reduce_or3A_1111, %reduce_or3A_1112 : vector<16xi1>, vector<16xf32>
    %reduce_or3A_1114 = arith.constant true
    %reduce_or3A_1115 = vector.broadcast %reduce_or3A_1114 : i1 to vector<16xi1>
    %reduce_or3A_1116 = tpu.scan <max>, %reduce_or3A_1113 masked %reduce_or3A_1115 : vector<16xf32>, vector<16xi1> -> vector<16xf32>
    %reduce_or3A_1117 = vector.extract %reduce_or3A_1116[15] : f32 from vector<16xf32>
    %reduce_or3A_1118 = arith.constant 0.000000e+00 : f32
    %reduce_or3A_1119 = arith.cmpf ogt, %reduce_or3A_1117, %reduce_or3A_1118 : f32
    %convert_element_type3A_1120 = arith.extui %reduce_or3A_1119 : i1 to i32
    %cond3A_1121 = arith.constant 0 : i32
    %cond3A_1122 = arith.cmpi ne, %convert_element_type3A_1120, %cond3A_1121 : i32
    %cond3A_1123:2 = scf.if %cond3A_1122 -> (vector<16xf32>, vector<16xf32>) {
      %sort3A = arith.constant dense<true> : vector<16xi1>
      %sort3A_1790, %sort3A_1791, %sort3A_1792 = tpu.sort %gather3A_1107, %gather3A_1107 masked %sort3A : (vector<16xf32>, vector<16xf32>, vector<16xi1>) -> (vector<16xi1>, vector<16xf32>, vector<16xf32>)
      %rev3A_1793 = arith.constant 15 : i32
      %rev3A_1794 = vector.broadcast %rev3A_1793 : i32 to vector<16xi32>
      %rev3A_1795 = tpu.iota {dimensions = array<i32: 0>} : vector<16xi32>
      %rev3A_1796 = arith.subi %rev3A_1794, %rev3A_1795 : vector<16xi32>
      %rev3A_1797 = tpu.dynamic_gather %sort3A_1791[%rev3A_1796] in [0] : vector<16xf32>, vector<16xi32> -> vector<16xf32>
      %max3A_1798 = arith.maximumf %cond3A_1083#0, %rev3A_1797 : vector<16xf32>
      %sort3A_1799 = arith.constant dense<true> : vector<16xi1>
      %sort3A_1800, %sort3A_1801, %sort3A_1802 = tpu.sort %max3A_1798, %max3A_1798 masked %sort3A_1799 : (vector<16xf32>, vector<16xf32>, vector<16xi1>) -> (vector<16xi1>, vector<16xf32>, vector<16xf32>)
      %reduce_min3A = arith.constant true
      %reduce_min3A_1803 = vector.broadcast %reduce_min3A : i1 to vector<16xi1>
      %reduce_min3A_1804 = tpu.scan <min>, %sort3A_1801 masked %reduce_min3A_1803 : vector<16xf32>, vector<16xi1> -> vector<16xf32>
      %reduce_min3A_1805 = vector.extract %reduce_min3A_1804[15] : f32 from vector<16xf32>
      %broadcast_in_dim3A_1806 = vector.broadcast %reduce_min3A_1805 : f32 to vector<16xf32>
      scf.yield %sort3A_1801, %broadcast_in_dim3A_1806 : vector<16xf32>, vector<16xf32>
    } else {
      scf.yield %cond3A_1083#0, %cond3A_1083#1 : vector<16xf32>, vector<16xf32>
    }
    %add3A_1124 = arith.constant 5120 : i32
    %add3A_1125 = vector.broadcast %add3A_1124 : i32 to vector<16xi32>
    %add3A_1126 = arith.addi %scan3A_954#2, %add3A_1125 : vector<16xi32>
    %gather3A_1127 = tpu.vector_load_idx %arg9[%add3A_1126] : memref<20480xf32, #tpu.memory_space<vmem>>[vector<16xi32>], vector<16xf32>,
    %lt3A_1128 = arith.cmpf olt, %gather3A_1127, %cond3A_1103#1 : vector<16xf32>
    %reduce_or3A_1129 = arith.constant 1.000000e+00 : f32
    %reduce_or3A_1130 = arith.constant 0.000000e+00 : f32
    %reduce_or3A_1131 = vector.broadcast %reduce_or3A_1129 : f32 to vector<16xf32>
    %reduce_or3A_1132 = vector.broadcast %reduce_or3A_1130 : f32 to vector<16xf32>
    %reduce_or3A_1133 = arith.select %lt3A_1128, %reduce_or3A_1131, %reduce_or3A_1132 : vector<16xi1>, vector<16xf32>
    %reduce_or3A_1134 = arith.constant true
    %reduce_or3A_1135 = vector.broadcast %reduce_or3A_1134 : i1 to vector<16xi1>
    %reduce_or3A_1136 = tpu.scan <max>, %reduce_or3A_1133 masked %reduce_or3A_1135 : vector<16xf32>, vector<16xi1> -> vector<16xf32>
    %reduce_or3A_1137 = vector.extract %reduce_or3A_1136[15] : f32 from vector<16xf32>
    %reduce_or3A_1138 = arith.constant 0.000000e+00 : f32
    %reduce_or3A_1139 = arith.cmpf ogt, %reduce_or3A_1137, %reduce_or3A_1138 : f32
    %convert_element_type3A_1140 = arith.extui %reduce_or3A_1139 : i1 to i32
    %cond3A_1141 = arith.constant 0 : i32
    %cond3A_1142 = arith.cmpi ne, %convert_element_type3A_1140, %cond3A_1141 : i32
    %cond3A_1143:2 = scf.if %cond3A_1142 -> (vector<16xf32>, vector<16xf32>) {
      %sort3A = arith.constant dense<true> : vector<16xi1>
      %sort3A_1790, %sort3A_1791, %sort3A_1792 = tpu.sort %gather3A_1127, %gather3A_1127 masked %sort3A : (vector<16xf32>, vector<16xf32>, vector<16xi1>) -> (vector<16xi1>, vector<16xf32>, vector<16xf32>)
      %rev3A_1793 = arith.constant 15 : i32
      %rev3A_1794 = vector.broadcast %rev3A_1793 : i32 to vector<16xi32>
      %rev3A_1795 = tpu.iota {dimensions = array<i32: 0>} : vector<16xi32>
      %rev3A_1796 = arith.subi %rev3A_1794, %rev3A_1795 : vector<16xi32>
      %rev3A_1797 = tpu.dynamic_gather %sort3A_1791[%rev3A_1796] in [0] : vector<16xf32>, vector<16xi32> -> vector<16xf32>
      %min3A = arith.minimumf %cond3A_1103#0, %rev3A_1797 : vector<16xf32>
      %sort3A_1798 = arith.constant dense<true> : vector<16xi1>
      %sort3A_1799, %sort3A_1800, %sort3A_1801 = tpu.sort %min3A, %min3A masked %sort3A_1798 : (vector<16xf32>, vector<16xf32>, vector<16xi1>) -> (vector<16xi1>, vector<16xf32>, vector<16xf32>)
      %reduce_max3A = arith.constant true
      %reduce_max3A_1802 = vector.broadcast %reduce_max3A : i1 to vector<16xi1>
      %reduce_max3A_1803 = tpu.scan <max>, %sort3A_1800 masked %reduce_max3A_1802 : vector<16xf32>, vector<16xi1> -> vector<16xf32>
      %reduce_max3A_1804 = vector.extract %reduce_max3A_1803[15] : f32 from vector<16xf32>
      %broadcast_in_dim3A_1805 = vector.broadcast %reduce_max3A_1804 : f32 to vector<16xf32>
      scf.yield %sort3A_1800, %broadcast_in_dim3A_1805 : vector<16xf32>, vector<16xf32>
    } else {
      scf.yield %cond3A_1103#0, %cond3A_1103#1 : vector<16xf32>, vector<16xf32>
    }
    %add3A_1144 = arith.constant 5120 : i32
    %add3A_1145 = vector.broadcast %add3A_1144 : i32 to vector<16xi32>
    %add3A_1146 = arith.addi %scan3A_954#5, %add3A_1145 : vector<16xi32>
    %gather3A_1147 = tpu.vector_load_idx %arg10[%add3A_1146] : memref<20480xf32, #tpu.memory_space<vmem>>[vector<16xi32>], vector<16xf32>,
    %gt3A_1148 = arith.cmpf ogt, %gather3A_1147, %cond3A_1123#1 : vector<16xf32>
    %reduce_or3A_1149 = arith.constant 1.000000e+00 : f32
    %reduce_or3A_1150 = arith.constant 0.000000e+00 : f32
    %reduce_or3A_1151 = vector.broadcast %reduce_or3A_1149 : f32 to vector<16xf32>
    %reduce_or3A_1152 = vector.broadcast %reduce_or3A_1150 : f32 to vector<16xf32>
    %reduce_or3A_1153 = arith.select %gt3A_1148, %reduce_or3A_1151, %reduce_or3A_1152 : vector<16xi1>, vector<16xf32>
    %reduce_or3A_1154 = arith.constant true
    %reduce_or3A_1155 = vector.broadcast %reduce_or3A_1154 : i1 to vector<16xi1>
    %reduce_or3A_1156 = tpu.scan <max>, %reduce_or3A_1153 masked %reduce_or3A_1155 : vector<16xf32>, vector<16xi1> -> vector<16xf32>
    %reduce_or3A_1157 = vector.extract %reduce_or3A_1156[15] : f32 from vector<16xf32>
    %reduce_or3A_1158 = arith.constant 0.000000e+00 : f32
    %reduce_or3A_1159 = arith.cmpf ogt, %reduce_or3A_1157, %reduce_or3A_1158 : f32
    %convert_element_type3A_1160 = arith.extui %reduce_or3A_1159 : i1 to i32
    %cond3A_1161 = arith.constant 0 : i32
    %cond3A_1162 = arith.cmpi ne, %convert_element_type3A_1160, %cond3A_1161 : i32
    %cond3A_1163:2 = scf.if %cond3A_1162 -> (vector<16xf32>, vector<16xf32>) {
      %sort3A = arith.constant dense<true> : vector<16xi1>
      %sort3A_1790, %sort3A_1791, %sort3A_1792 = tpu.sort %gather3A_1147, %gather3A_1147 masked %sort3A : (vector<16xf32>, vector<16xf32>, vector<16xi1>) -> (vector<16xi1>, vector<16xf32>, vector<16xf32>)
      %rev3A_1793 = arith.constant 15 : i32
      %rev3A_1794 = vector.broadcast %rev3A_1793 : i32 to vector<16xi32>
      %rev3A_1795 = tpu.iota {dimensions = array<i32: 0>} : vector<16xi32>
      %rev3A_1796 = arith.subi %rev3A_1794, %rev3A_1795 : vector<16xi32>
      %rev3A_1797 = tpu.dynamic_gather %sort3A_1791[%rev3A_1796] in [0] : vector<16xf32>, vector<16xi32> -> vector<16xf32>
      %max3A_1798 = arith.maximumf %cond3A_1123#0, %rev3A_1797 : vector<16xf32>
      %sort3A_1799 = arith.constant dense<true> : vector<16xi1>
      %sort3A_1800, %sort3A_1801, %sort3A_1802 = tpu.sort %max3A_1798, %max3A_1798 masked %sort3A_1799 : (vector<16xf32>, vector<16xf32>, vector<16xi1>) -> (vector<16xi1>, vector<16xf32>, vector<16xf32>)
      %reduce_min3A = arith.constant true
      %reduce_min3A_1803 = vector.broadcast %reduce_min3A : i1 to vector<16xi1>
      %reduce_min3A_1804 = tpu.scan <min>, %sort3A_1801 masked %reduce_min3A_1803 : vector<16xf32>, vector<16xi1> -> vector<16xf32>
      %reduce_min3A_1805 = vector.extract %reduce_min3A_1804[15] : f32 from vector<16xf32>
      %broadcast_in_dim3A_1806 = vector.broadcast %reduce_min3A_1805 : f32 to vector<16xf32>
      scf.yield %sort3A_1801, %broadcast_in_dim3A_1806 : vector<16xf32>, vector<16xf32>
    } else {
      scf.yield %cond3A_1123#0, %cond3A_1123#1 : vector<16xf32>, vector<16xf32>
    }
    %add3A_1164 = arith.constant 6400 : i32
    %add3A_1165 = vector.broadcast %add3A_1164 : i32 to vector<16xi32>
    %add3A_1166 = arith.addi %scan3A_954#2, %add3A_1165 : vector<16xi32>
    %gather3A_1167 = tpu.vector_load_idx %arg9[%add3A_1166] : memref<20480xf32, #tpu.memory_space<vmem>>[vector<16xi32>], vector<16xf32>,
    %lt3A_1168 = arith.cmpf olt, %gather3A_1167, %cond3A_1143#1 : vector<16xf32>
    %reduce_or3A_1169 = arith.constant 1.000000e+00 : f32
    %reduce_or3A_1170 = arith.constant 0.000000e+00 : f32
    %reduce_or3A_1171 = vector.broadcast %reduce_or3A_1169 : f32 to vector<16xf32>
    %reduce_or3A_1172 = vector.broadcast %reduce_or3A_1170 : f32 to vector<16xf32>
    %reduce_or3A_1173 = arith.select %lt3A_1168, %reduce_or3A_1171, %reduce_or3A_1172 : vector<16xi1>, vector<16xf32>
    %reduce_or3A_1174 = arith.constant true
    %reduce_or3A_1175 = vector.broadcast %reduce_or3A_1174 : i1 to vector<16xi1>
    %reduce_or3A_1176 = tpu.scan <max>, %reduce_or3A_1173 masked %reduce_or3A_1175 : vector<16xf32>, vector<16xi1> -> vector<16xf32>
    %reduce_or3A_1177 = vector.extract %reduce_or3A_1176[15] : f32 from vector<16xf32>
    %reduce_or3A_1178 = arith.constant 0.000000e+00 : f32
    %reduce_or3A_1179 = arith.cmpf ogt, %reduce_or3A_1177, %reduce_or3A_1178 : f32
    %convert_element_type3A_1180 = arith.extui %reduce_or3A_1179 : i1 to i32
    %cond3A_1181 = arith.constant 0 : i32
    %cond3A_1182 = arith.cmpi ne, %convert_element_type3A_1180, %cond3A_1181 : i32
    %cond3A_1183:2 = scf.if %cond3A_1182 -> (vector<16xf32>, vector<16xf32>) {
      %sort3A = arith.constant dense<true> : vector<16xi1>
      %sort3A_1790, %sort3A_1791, %sort3A_1792 = tpu.sort %gather3A_1167, %gather3A_1167 masked %sort3A : (vector<16xf32>, vector<16xf32>, vector<16xi1>) -> (vector<16xi1>, vector<16xf32>, vector<16xf32>)
      %rev3A_1793 = arith.constant 15 : i32
      %rev3A_1794 = vector.broadcast %rev3A_1793 : i32 to vector<16xi32>
      %rev3A_1795 = tpu.iota {dimensions = array<i32: 0>} : vector<16xi32>
      %rev3A_1796 = arith.subi %rev3A_1794, %rev3A_1795 : vector<16xi32>
      %rev3A_1797 = tpu.dynamic_gather %sort3A_1791[%rev3A_1796] in [0] : vector<16xf32>, vector<16xi32> -> vector<16xf32>
      %min3A = arith.minimumf %cond3A_1143#0, %rev3A_1797 : vector<16xf32>
      %sort3A_1798 = arith.constant dense<true> : vector<16xi1>
      %sort3A_1799, %sort3A_1800, %sort3A_1801 = tpu.sort %min3A, %min3A masked %sort3A_1798 : (vector<16xf32>, vector<16xf32>, vector<16xi1>) -> (vector<16xi1>, vector<16xf32>, vector<16xf32>)
      %reduce_max3A = arith.constant true
      %reduce_max3A_1802 = vector.broadcast %reduce_max3A : i1 to vector<16xi1>
      %reduce_max3A_1803 = tpu.scan <max>, %sort3A_1800 masked %reduce_max3A_1802 : vector<16xf32>, vector<16xi1> -> vector<16xf32>
      %reduce_max3A_1804 = vector.extract %reduce_max3A_1803[15] : f32 from vector<16xf32>
      %broadcast_in_dim3A_1805 = vector.broadcast %reduce_max3A_1804 : f32 to vector<16xf32>
      scf.yield %sort3A_1800, %broadcast_in_dim3A_1805 : vector<16xf32>, vector<16xf32>
    } else {
      scf.yield %cond3A_1143#0, %cond3A_1143#1 : vector<16xf32>, vector<16xf32>
    }
    %add3A_1184 = arith.constant 6400 : i32
    %add3A_1185 = vector.broadcast %add3A_1184 : i32 to vector<16xi32>
    %add3A_1186 = arith.addi %scan3A_954#5, %add3A_1185 : vector<16xi32>
    %gather3A_1187 = tpu.vector_load_idx %arg10[%add3A_1186] : memref<20480xf32, #tpu.memory_space<vmem>>[vector<16xi32>], vector<16xf32>,
    %gt3A_1188 = arith.cmpf ogt, %gather3A_1187, %cond3A_1163#1 : vector<16xf32>
    %reduce_or3A_1189 = arith.constant 1.000000e+00 : f32
    %reduce_or3A_1190 = arith.constant 0.000000e+00 : f32
    %reduce_or3A_1191 = vector.broadcast %reduce_or3A_1189 : f32 to vector<16xf32>
    %reduce_or3A_1192 = vector.broadcast %reduce_or3A_1190 : f32 to vector<16xf32>
    %reduce_or3A_1193 = arith.select %gt3A_1188, %reduce_or3A_1191, %reduce_or3A_1192 : vector<16xi1>, vector<16xf32>
    %reduce_or3A_1194 = arith.constant true
    %reduce_or3A_1195 = vector.broadcast %reduce_or3A_1194 : i1 to vector<16xi1>
    %reduce_or3A_1196 = tpu.scan <max>, %reduce_or3A_1193 masked %reduce_or3A_1195 : vector<16xf32>, vector<16xi1> -> vector<16xf32>
    %reduce_or3A_1197 = vector.extract %reduce_or3A_1196[15] : f32 from vector<16xf32>
    %reduce_or3A_1198 = arith.constant 0.000000e+00 : f32
    %reduce_or3A_1199 = arith.cmpf ogt, %reduce_or3A_1197, %reduce_or3A_1198 : f32
    %convert_element_type3A_1200 = arith.extui %reduce_or3A_1199 : i1 to i32
    %cond3A_1201 = arith.constant 0 : i32
    %cond3A_1202 = arith.cmpi ne, %convert_element_type3A_1200, %cond3A_1201 : i32
    %cond3A_1203:2 = scf.if %cond3A_1202 -> (vector<16xf32>, vector<16xf32>) {
      %sort3A = arith.constant dense<true> : vector<16xi1>
      %sort3A_1790, %sort3A_1791, %sort3A_1792 = tpu.sort %gather3A_1187, %gather3A_1187 masked %sort3A : (vector<16xf32>, vector<16xf32>, vector<16xi1>) -> (vector<16xi1>, vector<16xf32>, vector<16xf32>)
      %rev3A_1793 = arith.constant 15 : i32
      %rev3A_1794 = vector.broadcast %rev3A_1793 : i32 to vector<16xi32>
      %rev3A_1795 = tpu.iota {dimensions = array<i32: 0>} : vector<16xi32>
      %rev3A_1796 = arith.subi %rev3A_1794, %rev3A_1795 : vector<16xi32>
      %rev3A_1797 = tpu.dynamic_gather %sort3A_1791[%rev3A_1796] in [0] : vector<16xf32>, vector<16xi32> -> vector<16xf32>
      %max3A_1798 = arith.maximumf %cond3A_1163#0, %rev3A_1797 : vector<16xf32>
      %sort3A_1799 = arith.constant dense<true> : vector<16xi1>
      %sort3A_1800, %sort3A_1801, %sort3A_1802 = tpu.sort %max3A_1798, %max3A_1798 masked %sort3A_1799 : (vector<16xf32>, vector<16xf32>, vector<16xi1>) -> (vector<16xi1>, vector<16xf32>, vector<16xf32>)
      %reduce_min3A = arith.constant true
      %reduce_min3A_1803 = vector.broadcast %reduce_min3A : i1 to vector<16xi1>
      %reduce_min3A_1804 = tpu.scan <min>, %sort3A_1801 masked %reduce_min3A_1803 : vector<16xf32>, vector<16xi1> -> vector<16xf32>
      %reduce_min3A_1805 = vector.extract %reduce_min3A_1804[15] : f32 from vector<16xf32>
      %broadcast_in_dim3A_1806 = vector.broadcast %reduce_min3A_1805 : f32 to vector<16xf32>
      scf.yield %sort3A_1801, %broadcast_in_dim3A_1806 : vector<16xf32>, vector<16xf32>
    } else {
      scf.yield %cond3A_1163#0, %cond3A_1163#1 : vector<16xf32>, vector<16xf32>
    }
    %add3A_1204 = arith.constant 7680 : i32
    %add3A_1205 = vector.broadcast %add3A_1204 : i32 to vector<16xi32>
    %add3A_1206 = arith.addi %scan3A_954#2, %add3A_1205 : vector<16xi32>
    %gather3A_1207 = tpu.vector_load_idx %arg9[%add3A_1206] : memref<20480xf32, #tpu.memory_space<vmem>>[vector<16xi32>], vector<16xf32>,
    %lt3A_1208 = arith.cmpf olt, %gather3A_1207, %cond3A_1183#1 : vector<16xf32>
    %reduce_or3A_1209 = arith.constant 1.000000e+00 : f32
    %reduce_or3A_1210 = arith.constant 0.000000e+00 : f32
    %reduce_or3A_1211 = vector.broadcast %reduce_or3A_1209 : f32 to vector<16xf32>
    %reduce_or3A_1212 = vector.broadcast %reduce_or3A_1210 : f32 to vector<16xf32>
    %reduce_or3A_1213 = arith.select %lt3A_1208, %reduce_or3A_1211, %reduce_or3A_1212 : vector<16xi1>, vector<16xf32>
    %reduce_or3A_1214 = arith.constant true
    %reduce_or3A_1215 = vector.broadcast %reduce_or3A_1214 : i1 to vector<16xi1>
    %reduce_or3A_1216 = tpu.scan <max>, %reduce_or3A_1213 masked %reduce_or3A_1215 : vector<16xf32>, vector<16xi1> -> vector<16xf32>
    %reduce_or3A_1217 = vector.extract %reduce_or3A_1216[15] : f32 from vector<16xf32>
    %reduce_or3A_1218 = arith.constant 0.000000e+00 : f32
    %reduce_or3A_1219 = arith.cmpf ogt, %reduce_or3A_1217, %reduce_or3A_1218 : f32
    %convert_element_type3A_1220 = arith.extui %reduce_or3A_1219 : i1 to i32
    %cond3A_1221 = arith.constant 0 : i32
    %cond3A_1222 = arith.cmpi ne, %convert_element_type3A_1220, %cond3A_1221 : i32
    %cond3A_1223:2 = scf.if %cond3A_1222 -> (vector<16xf32>, vector<16xf32>) {
      %sort3A = arith.constant dense<true> : vector<16xi1>
      %sort3A_1790, %sort3A_1791, %sort3A_1792 = tpu.sort %gather3A_1207, %gather3A_1207 masked %sort3A : (vector<16xf32>, vector<16xf32>, vector<16xi1>) -> (vector<16xi1>, vector<16xf32>, vector<16xf32>)
      %rev3A_1793 = arith.constant 15 : i32
      %rev3A_1794 = vector.broadcast %rev3A_1793 : i32 to vector<16xi32>
      %rev3A_1795 = tpu.iota {dimensions = array<i32: 0>} : vector<16xi32>
      %rev3A_1796 = arith.subi %rev3A_1794, %rev3A_1795 : vector<16xi32>
      %rev3A_1797 = tpu.dynamic_gather %sort3A_1791[%rev3A_1796] in [0] : vector<16xf32>, vector<16xi32> -> vector<16xf32>
      %min3A = arith.minimumf %cond3A_1183#0, %rev3A_1797 : vector<16xf32>
      %sort3A_1798 = arith.constant dense<true> : vector<16xi1>
      %sort3A_1799, %sort3A_1800, %sort3A_1801 = tpu.sort %min3A, %min3A masked %sort3A_1798 : (vector<16xf32>, vector<16xf32>, vector<16xi1>) -> (vector<16xi1>, vector<16xf32>, vector<16xf32>)
      %reduce_max3A = arith.constant true
      %reduce_max3A_1802 = vector.broadcast %reduce_max3A : i1 to vector<16xi1>
      %reduce_max3A_1803 = tpu.scan <max>, %sort3A_1800 masked %reduce_max3A_1802 : vector<16xf32>, vector<16xi1> -> vector<16xf32>
      %reduce_max3A_1804 = vector.extract %reduce_max3A_1803[15] : f32 from vector<16xf32>
      %broadcast_in_dim3A_1805 = vector.broadcast %reduce_max3A_1804 : f32 to vector<16xf32>
      scf.yield %sort3A_1800, %broadcast_in_dim3A_1805 : vector<16xf32>, vector<16xf32>
    } else {
      scf.yield %cond3A_1183#0, %cond3A_1183#1 : vector<16xf32>, vector<16xf32>
    }
    %add3A_1224 = arith.constant 7680 : i32
    %add3A_1225 = vector.broadcast %add3A_1224 : i32 to vector<16xi32>
    %add3A_1226 = arith.addi %scan3A_954#5, %add3A_1225 : vector<16xi32>
    %gather3A_1227 = tpu.vector_load_idx %arg10[%add3A_1226] : memref<20480xf32, #tpu.memory_space<vmem>>[vector<16xi32>], vector<16xf32>,
    %gt3A_1228 = arith.cmpf ogt, %gather3A_1227, %cond3A_1203#1 : vector<16xf32>
    %reduce_or3A_1229 = arith.constant 1.000000e+00 : f32
    %reduce_or3A_1230 = arith.constant 0.000000e+00 : f32
    %reduce_or3A_1231 = vector.broadcast %reduce_or3A_1229 : f32 to vector<16xf32>
    %reduce_or3A_1232 = vector.broadcast %reduce_or3A_1230 : f32 to vector<16xf32>
    %reduce_or3A_1233 = arith.select %gt3A_1228, %reduce_or3A_1231, %reduce_or3A_1232 : vector<16xi1>, vector<16xf32>
    %reduce_or3A_1234 = arith.constant true
    %reduce_or3A_1235 = vector.broadcast %reduce_or3A_1234 : i1 to vector<16xi1>
    %reduce_or3A_1236 = tpu.scan <max>, %reduce_or3A_1233 masked %reduce_or3A_1235 : vector<16xf32>, vector<16xi1> -> vector<16xf32>
    %reduce_or3A_1237 = vector.extract %reduce_or3A_1236[15] : f32 from vector<16xf32>
    %reduce_or3A_1238 = arith.constant 0.000000e+00 : f32
    %reduce_or3A_1239 = arith.cmpf ogt, %reduce_or3A_1237, %reduce_or3A_1238 : f32
    %convert_element_type3A_1240 = arith.extui %reduce_or3A_1239 : i1 to i32
    %cond3A_1241 = arith.constant 0 : i32
    %cond3A_1242 = arith.cmpi ne, %convert_element_type3A_1240, %cond3A_1241 : i32
    %cond3A_1243:2 = scf.if %cond3A_1242 -> (vector<16xf32>, vector<16xf32>) {
      %sort3A = arith.constant dense<true> : vector<16xi1>
      %sort3A_1790, %sort3A_1791, %sort3A_1792 = tpu.sort %gather3A_1227, %gather3A_1227 masked %sort3A : (vector<16xf32>, vector<16xf32>, vector<16xi1>) -> (vector<16xi1>, vector<16xf32>, vector<16xf32>)
      %rev3A_1793 = arith.constant 15 : i32
      %rev3A_1794 = vector.broadcast %rev3A_1793 : i32 to vector<16xi32>
      %rev3A_1795 = tpu.iota {dimensions = array<i32: 0>} : vector<16xi32>
      %rev3A_1796 = arith.subi %rev3A_1794, %rev3A_1795 : vector<16xi32>
      %rev3A_1797 = tpu.dynamic_gather %sort3A_1791[%rev3A_1796] in [0] : vector<16xf32>, vector<16xi32> -> vector<16xf32>
      %max3A_1798 = arith.maximumf %cond3A_1203#0, %rev3A_1797 : vector<16xf32>
      %sort3A_1799 = arith.constant dense<true> : vector<16xi1>
      %sort3A_1800, %sort3A_1801, %sort3A_1802 = tpu.sort %max3A_1798, %max3A_1798 masked %sort3A_1799 : (vector<16xf32>, vector<16xf32>, vector<16xi1>) -> (vector<16xi1>, vector<16xf32>, vector<16xf32>)
      %reduce_min3A = arith.constant true
      %reduce_min3A_1803 = vector.broadcast %reduce_min3A : i1 to vector<16xi1>
      %reduce_min3A_1804 = tpu.scan <min>, %sort3A_1801 masked %reduce_min3A_1803 : vector<16xf32>, vector<16xi1> -> vector<16xf32>
      %reduce_min3A_1805 = vector.extract %reduce_min3A_1804[15] : f32 from vector<16xf32>
      %broadcast_in_dim3A_1806 = vector.broadcast %reduce_min3A_1805 : f32 to vector<16xf32>
      scf.yield %sort3A_1801, %broadcast_in_dim3A_1806 : vector<16xf32>, vector<16xf32>
    } else {
      scf.yield %cond3A_1203#0, %cond3A_1203#1 : vector<16xf32>, vector<16xf32>
    }
    %add3A_1244 = arith.constant 8960 : i32
    %add3A_1245 = vector.broadcast %add3A_1244 : i32 to vector<16xi32>
    %add3A_1246 = arith.addi %scan3A_954#2, %add3A_1245 : vector<16xi32>
    %gather3A_1247 = tpu.vector_load_idx %arg9[%add3A_1246] : memref<20480xf32, #tpu.memory_space<vmem>>[vector<16xi32>], vector<16xf32>,
    %lt3A_1248 = arith.cmpf olt, %gather3A_1247, %cond3A_1223#1 : vector<16xf32>
    %reduce_or3A_1249 = arith.constant 1.000000e+00 : f32
    %reduce_or3A_1250 = arith.constant 0.000000e+00 : f32
    %reduce_or3A_1251 = vector.broadcast %reduce_or3A_1249 : f32 to vector<16xf32>
    %reduce_or3A_1252 = vector.broadcast %reduce_or3A_1250 : f32 to vector<16xf32>
    %reduce_or3A_1253 = arith.select %lt3A_1248, %reduce_or3A_1251, %reduce_or3A_1252 : vector<16xi1>, vector<16xf32>
    %reduce_or3A_1254 = arith.constant true
    %reduce_or3A_1255 = vector.broadcast %reduce_or3A_1254 : i1 to vector<16xi1>
    %reduce_or3A_1256 = tpu.scan <max>, %reduce_or3A_1253 masked %reduce_or3A_1255 : vector<16xf32>, vector<16xi1> -> vector<16xf32>
    %reduce_or3A_1257 = vector.extract %reduce_or3A_1256[15] : f32 from vector<16xf32>
    %reduce_or3A_1258 = arith.constant 0.000000e+00 : f32
    %reduce_or3A_1259 = arith.cmpf ogt, %reduce_or3A_1257, %reduce_or3A_1258 : f32
    %convert_element_type3A_1260 = arith.extui %reduce_or3A_1259 : i1 to i32
    %cond3A_1261 = arith.constant 0 : i32
    %cond3A_1262 = arith.cmpi ne, %convert_element_type3A_1260, %cond3A_1261 : i32
    %cond3A_1263:2 = scf.if %cond3A_1262 -> (vector<16xf32>, vector<16xf32>) {
      %sort3A = arith.constant dense<true> : vector<16xi1>
      %sort3A_1790, %sort3A_1791, %sort3A_1792 = tpu.sort %gather3A_1247, %gather3A_1247 masked %sort3A : (vector<16xf32>, vector<16xf32>, vector<16xi1>) -> (vector<16xi1>, vector<16xf32>, vector<16xf32>)
      %rev3A_1793 = arith.constant 15 : i32
      %rev3A_1794 = vector.broadcast %rev3A_1793 : i32 to vector<16xi32>
      %rev3A_1795 = tpu.iota {dimensions = array<i32: 0>} : vector<16xi32>
      %rev3A_1796 = arith.subi %rev3A_1794, %rev3A_1795 : vector<16xi32>
      %rev3A_1797 = tpu.dynamic_gather %sort3A_1791[%rev3A_1796] in [0] : vector<16xf32>, vector<16xi32> -> vector<16xf32>
      %min3A = arith.minimumf %cond3A_1223#0, %rev3A_1797 : vector<16xf32>
      %sort3A_1798 = arith.constant dense<true> : vector<16xi1>
      %sort3A_1799, %sort3A_1800, %sort3A_1801 = tpu.sort %min3A, %min3A masked %sort3A_1798 : (vector<16xf32>, vector<16xf32>, vector<16xi1>) -> (vector<16xi1>, vector<16xf32>, vector<16xf32>)
      %reduce_max3A = arith.constant true
      %reduce_max3A_1802 = vector.broadcast %reduce_max3A : i1 to vector<16xi1>
      %reduce_max3A_1803 = tpu.scan <max>, %sort3A_1800 masked %reduce_max3A_1802 : vector<16xf32>, vector<16xi1> -> vector<16xf32>
      %reduce_max3A_1804 = vector.extract %reduce_max3A_1803[15] : f32 from vector<16xf32>
      %broadcast_in_dim3A_1805 = vector.broadcast %reduce_max3A_1804 : f32 to vector<16xf32>
      scf.yield %sort3A_1800, %broadcast_in_dim3A_1805 : vector<16xf32>, vector<16xf32>
    } else {
      scf.yield %cond3A_1223#0, %cond3A_1223#1 : vector<16xf32>, vector<16xf32>
    }
    %add3A_1264 = arith.constant 8960 : i32
    %add3A_1265 = vector.broadcast %add3A_1264 : i32 to vector<16xi32>
    %add3A_1266 = arith.addi %scan3A_954#5, %add3A_1265 : vector<16xi32>
    %gather3A_1267 = tpu.vector_load_idx %arg10[%add3A_1266] : memref<20480xf32, #tpu.memory_space<vmem>>[vector<16xi32>], vector<16xf32>,
    %gt3A_1268 = arith.cmpf ogt, %gather3A_1267, %cond3A_1243#1 : vector<16xf32>
    %reduce_or3A_1269 = arith.constant 1.000000e+00 : f32
    %reduce_or3A_1270 = arith.constant 0.000000e+00 : f32
    %reduce_or3A_1271 = vector.broadcast %reduce_or3A_1269 : f32 to vector<16xf32>
    %reduce_or3A_1272 = vector.broadcast %reduce_or3A_1270 : f32 to vector<16xf32>
    %reduce_or3A_1273 = arith.select %gt3A_1268, %reduce_or3A_1271, %reduce_or3A_1272 : vector<16xi1>, vector<16xf32>
    %reduce_or3A_1274 = arith.constant true
    %reduce_or3A_1275 = vector.broadcast %reduce_or3A_1274 : i1 to vector<16xi1>
    %reduce_or3A_1276 = tpu.scan <max>, %reduce_or3A_1273 masked %reduce_or3A_1275 : vector<16xf32>, vector<16xi1> -> vector<16xf32>
    %reduce_or3A_1277 = vector.extract %reduce_or3A_1276[15] : f32 from vector<16xf32>
    %reduce_or3A_1278 = arith.constant 0.000000e+00 : f32
    %reduce_or3A_1279 = arith.cmpf ogt, %reduce_or3A_1277, %reduce_or3A_1278 : f32
    %convert_element_type3A_1280 = arith.extui %reduce_or3A_1279 : i1 to i32
    %cond3A_1281 = arith.constant 0 : i32
    %cond3A_1282 = arith.cmpi ne, %convert_element_type3A_1280, %cond3A_1281 : i32
    %cond3A_1283:2 = scf.if %cond3A_1282 -> (vector<16xf32>, vector<16xf32>) {
      %sort3A = arith.constant dense<true> : vector<16xi1>
      %sort3A_1790, %sort3A_1791, %sort3A_1792 = tpu.sort %gather3A_1267, %gather3A_1267 masked %sort3A : (vector<16xf32>, vector<16xf32>, vector<16xi1>) -> (vector<16xi1>, vector<16xf32>, vector<16xf32>)
      %rev3A_1793 = arith.constant 15 : i32
      %rev3A_1794 = vector.broadcast %rev3A_1793 : i32 to vector<16xi32>
      %rev3A_1795 = tpu.iota {dimensions = array<i32: 0>} : vector<16xi32>
      %rev3A_1796 = arith.subi %rev3A_1794, %rev3A_1795 : vector<16xi32>
      %rev3A_1797 = tpu.dynamic_gather %sort3A_1791[%rev3A_1796] in [0] : vector<16xf32>, vector<16xi32> -> vector<16xf32>
      %max3A_1798 = arith.maximumf %cond3A_1243#0, %rev3A_1797 : vector<16xf32>
      %sort3A_1799 = arith.constant dense<true> : vector<16xi1>
      %sort3A_1800, %sort3A_1801, %sort3A_1802 = tpu.sort %max3A_1798, %max3A_1798 masked %sort3A_1799 : (vector<16xf32>, vector<16xf32>, vector<16xi1>) -> (vector<16xi1>, vector<16xf32>, vector<16xf32>)
      %reduce_min3A = arith.constant true
      %reduce_min3A_1803 = vector.broadcast %reduce_min3A : i1 to vector<16xi1>
      %reduce_min3A_1804 = tpu.scan <min>, %sort3A_1801 masked %reduce_min3A_1803 : vector<16xf32>, vector<16xi1> -> vector<16xf32>
      %reduce_min3A_1805 = vector.extract %reduce_min3A_1804[15] : f32 from vector<16xf32>
      %broadcast_in_dim3A_1806 = vector.broadcast %reduce_min3A_1805 : f32 to vector<16xf32>
      scf.yield %sort3A_1801, %broadcast_in_dim3A_1806 : vector<16xf32>, vector<16xf32>
    } else {
      scf.yield %cond3A_1243#0, %cond3A_1243#1 : vector<16xf32>, vector<16xf32>
    }
    %add3A_1284 = arith.constant 10240 : i32
    %add3A_1285 = vector.broadcast %add3A_1284 : i32 to vector<16xi32>
    %add3A_1286 = arith.addi %scan3A_954#2, %add3A_1285 : vector<16xi32>
    %gather3A_1287 = tpu.vector_load_idx %arg9[%add3A_1286] : memref<20480xf32, #tpu.memory_space<vmem>>[vector<16xi32>], vector<16xf32>,
    %lt3A_1288 = arith.cmpf olt, %gather3A_1287, %cond3A_1263#1 : vector<16xf32>
    %reduce_or3A_1289 = arith.constant 1.000000e+00 : f32
    %reduce_or3A_1290 = arith.constant 0.000000e+00 : f32
    %reduce_or3A_1291 = vector.broadcast %reduce_or3A_1289 : f32 to vector<16xf32>
    %reduce_or3A_1292 = vector.broadcast %reduce_or3A_1290 : f32 to vector<16xf32>
    %reduce_or3A_1293 = arith.select %lt3A_1288, %reduce_or3A_1291, %reduce_or3A_1292 : vector<16xi1>, vector<16xf32>
    %reduce_or3A_1294 = arith.constant true
    %reduce_or3A_1295 = vector.broadcast %reduce_or3A_1294 : i1 to vector<16xi1>
    %reduce_or3A_1296 = tpu.scan <max>, %reduce_or3A_1293 masked %reduce_or3A_1295 : vector<16xf32>, vector<16xi1> -> vector<16xf32>
    %reduce_or3A_1297 = vector.extract %reduce_or3A_1296[15] : f32 from vector<16xf32>
    %reduce_or3A_1298 = arith.constant 0.000000e+00 : f32
    %reduce_or3A_1299 = arith.cmpf ogt, %reduce_or3A_1297, %reduce_or3A_1298 : f32
    %convert_element_type3A_1300 = arith.extui %reduce_or3A_1299 : i1 to i32
    %cond3A_1301 = arith.constant 0 : i32
    %cond3A_1302 = arith.cmpi ne, %convert_element_type3A_1300, %cond3A_1301 : i32
    %cond3A_1303:2 = scf.if %cond3A_1302 -> (vector<16xf32>, vector<16xf32>) {
      %sort3A = arith.constant dense<true> : vector<16xi1>
      %sort3A_1790, %sort3A_1791, %sort3A_1792 = tpu.sort %gather3A_1287, %gather3A_1287 masked %sort3A : (vector<16xf32>, vector<16xf32>, vector<16xi1>) -> (vector<16xi1>, vector<16xf32>, vector<16xf32>)
      %rev3A_1793 = arith.constant 15 : i32
      %rev3A_1794 = vector.broadcast %rev3A_1793 : i32 to vector<16xi32>
      %rev3A_1795 = tpu.iota {dimensions = array<i32: 0>} : vector<16xi32>
      %rev3A_1796 = arith.subi %rev3A_1794, %rev3A_1795 : vector<16xi32>
      %rev3A_1797 = tpu.dynamic_gather %sort3A_1791[%rev3A_1796] in [0] : vector<16xf32>, vector<16xi32> -> vector<16xf32>
      %min3A = arith.minimumf %cond3A_1263#0, %rev3A_1797 : vector<16xf32>
      %sort3A_1798 = arith.constant dense<true> : vector<16xi1>
      %sort3A_1799, %sort3A_1800, %sort3A_1801 = tpu.sort %min3A, %min3A masked %sort3A_1798 : (vector<16xf32>, vector<16xf32>, vector<16xi1>) -> (vector<16xi1>, vector<16xf32>, vector<16xf32>)
      %reduce_max3A = arith.constant true
      %reduce_max3A_1802 = vector.broadcast %reduce_max3A : i1 to vector<16xi1>
      %reduce_max3A_1803 = tpu.scan <max>, %sort3A_1800 masked %reduce_max3A_1802 : vector<16xf32>, vector<16xi1> -> vector<16xf32>
      %reduce_max3A_1804 = vector.extract %reduce_max3A_1803[15] : f32 from vector<16xf32>
      %broadcast_in_dim3A_1805 = vector.broadcast %reduce_max3A_1804 : f32 to vector<16xf32>
      scf.yield %sort3A_1800, %broadcast_in_dim3A_1805 : vector<16xf32>, vector<16xf32>
    } else {
      scf.yield %cond3A_1263#0, %cond3A_1263#1 : vector<16xf32>, vector<16xf32>
    }
    %add3A_1304 = arith.constant 10240 : i32
    %add3A_1305 = vector.broadcast %add3A_1304 : i32 to vector<16xi32>
    %add3A_1306 = arith.addi %scan3A_954#5, %add3A_1305 : vector<16xi32>
    %gather3A_1307 = tpu.vector_load_idx %arg10[%add3A_1306] : memref<20480xf32, #tpu.memory_space<vmem>>[vector<16xi32>], vector<16xf32>,
    %gt3A_1308 = arith.cmpf ogt, %gather3A_1307, %cond3A_1283#1 : vector<16xf32>
    %reduce_or3A_1309 = arith.constant 1.000000e+00 : f32
    %reduce_or3A_1310 = arith.constant 0.000000e+00 : f32
    %reduce_or3A_1311 = vector.broadcast %reduce_or3A_1309 : f32 to vector<16xf32>
    %reduce_or3A_1312 = vector.broadcast %reduce_or3A_1310 : f32 to vector<16xf32>
    %reduce_or3A_1313 = arith.select %gt3A_1308, %reduce_or3A_1311, %reduce_or3A_1312 : vector<16xi1>, vector<16xf32>
    %reduce_or3A_1314 = arith.constant true
    %reduce_or3A_1315 = vector.broadcast %reduce_or3A_1314 : i1 to vector<16xi1>
    %reduce_or3A_1316 = tpu.scan <max>, %reduce_or3A_1313 masked %reduce_or3A_1315 : vector<16xf32>, vector<16xi1> -> vector<16xf32>
    %reduce_or3A_1317 = vector.extract %reduce_or3A_1316[15] : f32 from vector<16xf32>
    %reduce_or3A_1318 = arith.constant 0.000000e+00 : f32
    %reduce_or3A_1319 = arith.cmpf ogt, %reduce_or3A_1317, %reduce_or3A_1318 : f32
    %convert_element_type3A_1320 = arith.extui %reduce_or3A_1319 : i1 to i32
    %cond3A_1321 = arith.constant 0 : i32
    %cond3A_1322 = arith.cmpi ne, %convert_element_type3A_1320, %cond3A_1321 : i32
    %cond3A_1323:2 = scf.if %cond3A_1322 -> (vector<16xf32>, vector<16xf32>) {
      %sort3A = arith.constant dense<true> : vector<16xi1>
      %sort3A_1790, %sort3A_1791, %sort3A_1792 = tpu.sort %gather3A_1307, %gather3A_1307 masked %sort3A : (vector<16xf32>, vector<16xf32>, vector<16xi1>) -> (vector<16xi1>, vector<16xf32>, vector<16xf32>)
      %rev3A_1793 = arith.constant 15 : i32
      %rev3A_1794 = vector.broadcast %rev3A_1793 : i32 to vector<16xi32>
      %rev3A_1795 = tpu.iota {dimensions = array<i32: 0>} : vector<16xi32>
      %rev3A_1796 = arith.subi %rev3A_1794, %rev3A_1795 : vector<16xi32>
      %rev3A_1797 = tpu.dynamic_gather %sort3A_1791[%rev3A_1796] in [0] : vector<16xf32>, vector<16xi32> -> vector<16xf32>
      %max3A_1798 = arith.maximumf %cond3A_1283#0, %rev3A_1797 : vector<16xf32>
      %sort3A_1799 = arith.constant dense<true> : vector<16xi1>
      %sort3A_1800, %sort3A_1801, %sort3A_1802 = tpu.sort %max3A_1798, %max3A_1798 masked %sort3A_1799 : (vector<16xf32>, vector<16xf32>, vector<16xi1>) -> (vector<16xi1>, vector<16xf32>, vector<16xf32>)
      %reduce_min3A = arith.constant true
      %reduce_min3A_1803 = vector.broadcast %reduce_min3A : i1 to vector<16xi1>
      %reduce_min3A_1804 = tpu.scan <min>, %sort3A_1801 masked %reduce_min3A_1803 : vector<16xf32>, vector<16xi1> -> vector<16xf32>
      %reduce_min3A_1805 = vector.extract %reduce_min3A_1804[15] : f32 from vector<16xf32>
      %broadcast_in_dim3A_1806 = vector.broadcast %reduce_min3A_1805 : f32 to vector<16xf32>
      scf.yield %sort3A_1801, %broadcast_in_dim3A_1806 : vector<16xf32>, vector<16xf32>
    } else {
      scf.yield %cond3A_1283#0, %cond3A_1283#1 : vector<16xf32>, vector<16xf32>
    }
    %add3A_1324 = arith.constant 11520 : i32
    %add3A_1325 = vector.broadcast %add3A_1324 : i32 to vector<16xi32>
    %add3A_1326 = arith.addi %scan3A_954#2, %add3A_1325 : vector<16xi32>
    %gather3A_1327 = tpu.vector_load_idx %arg9[%add3A_1326] : memref<20480xf32, #tpu.memory_space<vmem>>[vector<16xi32>], vector<16xf32>,
    %lt3A_1328 = arith.cmpf olt, %gather3A_1327, %cond3A_1303#1 : vector<16xf32>
    %reduce_or3A_1329 = arith.constant 1.000000e+00 : f32
    %reduce_or3A_1330 = arith.constant 0.000000e+00 : f32
    %reduce_or3A_1331 = vector.broadcast %reduce_or3A_1329 : f32 to vector<16xf32>
    %reduce_or3A_1332 = vector.broadcast %reduce_or3A_1330 : f32 to vector<16xf32>
    %reduce_or3A_1333 = arith.select %lt3A_1328, %reduce_or3A_1331, %reduce_or3A_1332 : vector<16xi1>, vector<16xf32>
    %reduce_or3A_1334 = arith.constant true
    %reduce_or3A_1335 = vector.broadcast %reduce_or3A_1334 : i1 to vector<16xi1>
    %reduce_or3A_1336 = tpu.scan <max>, %reduce_or3A_1333 masked %reduce_or3A_1335 : vector<16xf32>, vector<16xi1> -> vector<16xf32>
    %reduce_or3A_1337 = vector.extract %reduce_or3A_1336[15] : f32 from vector<16xf32>
    %reduce_or3A_1338 = arith.constant 0.000000e+00 : f32
    %reduce_or3A_1339 = arith.cmpf ogt, %reduce_or3A_1337, %reduce_or3A_1338 : f32
    %convert_element_type3A_1340 = arith.extui %reduce_or3A_1339 : i1 to i32
    %cond3A_1341 = arith.constant 0 : i32
    %cond3A_1342 = arith.cmpi ne, %convert_element_type3A_1340, %cond3A_1341 : i32
    %cond3A_1343:2 = scf.if %cond3A_1342 -> (vector<16xf32>, vector<16xf32>) {
      %sort3A = arith.constant dense<true> : vector<16xi1>
      %sort3A_1790, %sort3A_1791, %sort3A_1792 = tpu.sort %gather3A_1327, %gather3A_1327 masked %sort3A : (vector<16xf32>, vector<16xf32>, vector<16xi1>) -> (vector<16xi1>, vector<16xf32>, vector<16xf32>)
      %rev3A_1793 = arith.constant 15 : i32
      %rev3A_1794 = vector.broadcast %rev3A_1793 : i32 to vector<16xi32>
      %rev3A_1795 = tpu.iota {dimensions = array<i32: 0>} : vector<16xi32>
      %rev3A_1796 = arith.subi %rev3A_1794, %rev3A_1795 : vector<16xi32>
      %rev3A_1797 = tpu.dynamic_gather %sort3A_1791[%rev3A_1796] in [0] : vector<16xf32>, vector<16xi32> -> vector<16xf32>
      %min3A = arith.minimumf %cond3A_1303#0, %rev3A_1797 : vector<16xf32>
      %sort3A_1798 = arith.constant dense<true> : vector<16xi1>
      %sort3A_1799, %sort3A_1800, %sort3A_1801 = tpu.sort %min3A, %min3A masked %sort3A_1798 : (vector<16xf32>, vector<16xf32>, vector<16xi1>) -> (vector<16xi1>, vector<16xf32>, vector<16xf32>)
      %reduce_max3A = arith.constant true
      %reduce_max3A_1802 = vector.broadcast %reduce_max3A : i1 to vector<16xi1>
      %reduce_max3A_1803 = tpu.scan <max>, %sort3A_1800 masked %reduce_max3A_1802 : vector<16xf32>, vector<16xi1> -> vector<16xf32>
      %reduce_max3A_1804 = vector.extract %reduce_max3A_1803[15] : f32 from vector<16xf32>
      %broadcast_in_dim3A_1805 = vector.broadcast %reduce_max3A_1804 : f32 to vector<16xf32>
      scf.yield %sort3A_1800, %broadcast_in_dim3A_1805 : vector<16xf32>, vector<16xf32>
    } else {
      scf.yield %cond3A_1303#0, %cond3A_1303#1 : vector<16xf32>, vector<16xf32>
    }
    %add3A_1344 = arith.constant 11520 : i32
    %add3A_1345 = vector.broadcast %add3A_1344 : i32 to vector<16xi32>
    %add3A_1346 = arith.addi %scan3A_954#5, %add3A_1345 : vector<16xi32>
    %gather3A_1347 = tpu.vector_load_idx %arg10[%add3A_1346] : memref<20480xf32, #tpu.memory_space<vmem>>[vector<16xi32>], vector<16xf32>,
    %gt3A_1348 = arith.cmpf ogt, %gather3A_1347, %cond3A_1323#1 : vector<16xf32>
    %reduce_or3A_1349 = arith.constant 1.000000e+00 : f32
    %reduce_or3A_1350 = arith.constant 0.000000e+00 : f32
    %reduce_or3A_1351 = vector.broadcast %reduce_or3A_1349 : f32 to vector<16xf32>
    %reduce_or3A_1352 = vector.broadcast %reduce_or3A_1350 : f32 to vector<16xf32>
    %reduce_or3A_1353 = arith.select %gt3A_1348, %reduce_or3A_1351, %reduce_or3A_1352 : vector<16xi1>, vector<16xf32>
    %reduce_or3A_1354 = arith.constant true
    %reduce_or3A_1355 = vector.broadcast %reduce_or3A_1354 : i1 to vector<16xi1>
    %reduce_or3A_1356 = tpu.scan <max>, %reduce_or3A_1353 masked %reduce_or3A_1355 : vector<16xf32>, vector<16xi1> -> vector<16xf32>
    %reduce_or3A_1357 = vector.extract %reduce_or3A_1356[15] : f32 from vector<16xf32>
    %reduce_or3A_1358 = arith.constant 0.000000e+00 : f32
    %reduce_or3A_1359 = arith.cmpf ogt, %reduce_or3A_1357, %reduce_or3A_1358 : f32
    %convert_element_type3A_1360 = arith.extui %reduce_or3A_1359 : i1 to i32
    %cond3A_1361 = arith.constant 0 : i32
    %cond3A_1362 = arith.cmpi ne, %convert_element_type3A_1360, %cond3A_1361 : i32
    %cond3A_1363:2 = scf.if %cond3A_1362 -> (vector<16xf32>, vector<16xf32>) {
      %sort3A = arith.constant dense<true> : vector<16xi1>
      %sort3A_1790, %sort3A_1791, %sort3A_1792 = tpu.sort %gather3A_1347, %gather3A_1347 masked %sort3A : (vector<16xf32>, vector<16xf32>, vector<16xi1>) -> (vector<16xi1>, vector<16xf32>, vector<16xf32>)
      %rev3A_1793 = arith.constant 15 : i32
      %rev3A_1794 = vector.broadcast %rev3A_1793 : i32 to vector<16xi32>
      %rev3A_1795 = tpu.iota {dimensions = array<i32: 0>} : vector<16xi32>
      %rev3A_1796 = arith.subi %rev3A_1794, %rev3A_1795 : vector<16xi32>
      %rev3A_1797 = tpu.dynamic_gather %sort3A_1791[%rev3A_1796] in [0] : vector<16xf32>, vector<16xi32> -> vector<16xf32>
      %max3A_1798 = arith.maximumf %cond3A_1323#0, %rev3A_1797 : vector<16xf32>
      %sort3A_1799 = arith.constant dense<true> : vector<16xi1>
      %sort3A_1800, %sort3A_1801, %sort3A_1802 = tpu.sort %max3A_1798, %max3A_1798 masked %sort3A_1799 : (vector<16xf32>, vector<16xf32>, vector<16xi1>) -> (vector<16xi1>, vector<16xf32>, vector<16xf32>)
      %reduce_min3A = arith.constant true
      %reduce_min3A_1803 = vector.broadcast %reduce_min3A : i1 to vector<16xi1>
      %reduce_min3A_1804 = tpu.scan <min>, %sort3A_1801 masked %reduce_min3A_1803 : vector<16xf32>, vector<16xi1> -> vector<16xf32>
      %reduce_min3A_1805 = vector.extract %reduce_min3A_1804[15] : f32 from vector<16xf32>
      %broadcast_in_dim3A_1806 = vector.broadcast %reduce_min3A_1805 : f32 to vector<16xf32>
      scf.yield %sort3A_1801, %broadcast_in_dim3A_1806 : vector<16xf32>, vector<16xf32>
    } else {
      scf.yield %cond3A_1323#0, %cond3A_1323#1 : vector<16xf32>, vector<16xf32>
    }
    %add3A_1364 = arith.constant 12800 : i32
    %add3A_1365 = vector.broadcast %add3A_1364 : i32 to vector<16xi32>
    %add3A_1366 = arith.addi %scan3A_954#2, %add3A_1365 : vector<16xi32>
    %gather3A_1367 = tpu.vector_load_idx %arg9[%add3A_1366] : memref<20480xf32, #tpu.memory_space<vmem>>[vector<16xi32>], vector<16xf32>,
    %lt3A_1368 = arith.cmpf olt, %gather3A_1367, %cond3A_1343#1 : vector<16xf32>
    %reduce_or3A_1369 = arith.constant 1.000000e+00 : f32
    %reduce_or3A_1370 = arith.constant 0.000000e+00 : f32
    %reduce_or3A_1371 = vector.broadcast %reduce_or3A_1369 : f32 to vector<16xf32>
    %reduce_or3A_1372 = vector.broadcast %reduce_or3A_1370 : f32 to vector<16xf32>
    %reduce_or3A_1373 = arith.select %lt3A_1368, %reduce_or3A_1371, %reduce_or3A_1372 : vector<16xi1>, vector<16xf32>
    %reduce_or3A_1374 = arith.constant true
    %reduce_or3A_1375 = vector.broadcast %reduce_or3A_1374 : i1 to vector<16xi1>
    %reduce_or3A_1376 = tpu.scan <max>, %reduce_or3A_1373 masked %reduce_or3A_1375 : vector<16xf32>, vector<16xi1> -> vector<16xf32>
    %reduce_or3A_1377 = vector.extract %reduce_or3A_1376[15] : f32 from vector<16xf32>
    %reduce_or3A_1378 = arith.constant 0.000000e+00 : f32
    %reduce_or3A_1379 = arith.cmpf ogt, %reduce_or3A_1377, %reduce_or3A_1378 : f32
    %convert_element_type3A_1380 = arith.extui %reduce_or3A_1379 : i1 to i32
    %cond3A_1381 = arith.constant 0 : i32
    %cond3A_1382 = arith.cmpi ne, %convert_element_type3A_1380, %cond3A_1381 : i32
    %cond3A_1383:2 = scf.if %cond3A_1382 -> (vector<16xf32>, vector<16xf32>) {
      %sort3A = arith.constant dense<true> : vector<16xi1>
      %sort3A_1790, %sort3A_1791, %sort3A_1792 = tpu.sort %gather3A_1367, %gather3A_1367 masked %sort3A : (vector<16xf32>, vector<16xf32>, vector<16xi1>) -> (vector<16xi1>, vector<16xf32>, vector<16xf32>)
      %rev3A_1793 = arith.constant 15 : i32
      %rev3A_1794 = vector.broadcast %rev3A_1793 : i32 to vector<16xi32>
      %rev3A_1795 = tpu.iota {dimensions = array<i32: 0>} : vector<16xi32>
      %rev3A_1796 = arith.subi %rev3A_1794, %rev3A_1795 : vector<16xi32>
      %rev3A_1797 = tpu.dynamic_gather %sort3A_1791[%rev3A_1796] in [0] : vector<16xf32>, vector<16xi32> -> vector<16xf32>
      %min3A = arith.minimumf %cond3A_1343#0, %rev3A_1797 : vector<16xf32>
      %sort3A_1798 = arith.constant dense<true> : vector<16xi1>
      %sort3A_1799, %sort3A_1800, %sort3A_1801 = tpu.sort %min3A, %min3A masked %sort3A_1798 : (vector<16xf32>, vector<16xf32>, vector<16xi1>) -> (vector<16xi1>, vector<16xf32>, vector<16xf32>)
      %reduce_max3A = arith.constant true
      %reduce_max3A_1802 = vector.broadcast %reduce_max3A : i1 to vector<16xi1>
      %reduce_max3A_1803 = tpu.scan <max>, %sort3A_1800 masked %reduce_max3A_1802 : vector<16xf32>, vector<16xi1> -> vector<16xf32>
      %reduce_max3A_1804 = vector.extract %reduce_max3A_1803[15] : f32 from vector<16xf32>
      %broadcast_in_dim3A_1805 = vector.broadcast %reduce_max3A_1804 : f32 to vector<16xf32>
      scf.yield %sort3A_1800, %broadcast_in_dim3A_1805 : vector<16xf32>, vector<16xf32>
    } else {
      scf.yield %cond3A_1343#0, %cond3A_1343#1 : vector<16xf32>, vector<16xf32>
    }
    %add3A_1384 = arith.constant 12800 : i32
    %add3A_1385 = vector.broadcast %add3A_1384 : i32 to vector<16xi32>
    %add3A_1386 = arith.addi %scan3A_954#5, %add3A_1385 : vector<16xi32>
    %gather3A_1387 = tpu.vector_load_idx %arg10[%add3A_1386] : memref<20480xf32, #tpu.memory_space<vmem>>[vector<16xi32>], vector<16xf32>,
    %gt3A_1388 = arith.cmpf ogt, %gather3A_1387, %cond3A_1363#1 : vector<16xf32>
    %reduce_or3A_1389 = arith.constant 1.000000e+00 : f32
    %reduce_or3A_1390 = arith.constant 0.000000e+00 : f32
    %reduce_or3A_1391 = vector.broadcast %reduce_or3A_1389 : f32 to vector<16xf32>
    %reduce_or3A_1392 = vector.broadcast %reduce_or3A_1390 : f32 to vector<16xf32>
    %reduce_or3A_1393 = arith.select %gt3A_1388, %reduce_or3A_1391, %reduce_or3A_1392 : vector<16xi1>, vector<16xf32>
    %reduce_or3A_1394 = arith.constant true
    %reduce_or3A_1395 = vector.broadcast %reduce_or3A_1394 : i1 to vector<16xi1>
    %reduce_or3A_1396 = tpu.scan <max>, %reduce_or3A_1393 masked %reduce_or3A_1395 : vector<16xf32>, vector<16xi1> -> vector<16xf32>
    %reduce_or3A_1397 = vector.extract %reduce_or3A_1396[15] : f32 from vector<16xf32>
    %reduce_or3A_1398 = arith.constant 0.000000e+00 : f32
    %reduce_or3A_1399 = arith.cmpf ogt, %reduce_or3A_1397, %reduce_or3A_1398 : f32
    %convert_element_type3A_1400 = arith.extui %reduce_or3A_1399 : i1 to i32
    %cond3A_1401 = arith.constant 0 : i32
    %cond3A_1402 = arith.cmpi ne, %convert_element_type3A_1400, %cond3A_1401 : i32
    %cond3A_1403:2 = scf.if %cond3A_1402 -> (vector<16xf32>, vector<16xf32>) {
      %sort3A = arith.constant dense<true> : vector<16xi1>
      %sort3A_1790, %sort3A_1791, %sort3A_1792 = tpu.sort %gather3A_1387, %gather3A_1387 masked %sort3A : (vector<16xf32>, vector<16xf32>, vector<16xi1>) -> (vector<16xi1>, vector<16xf32>, vector<16xf32>)
      %rev3A_1793 = arith.constant 15 : i32
      %rev3A_1794 = vector.broadcast %rev3A_1793 : i32 to vector<16xi32>
      %rev3A_1795 = tpu.iota {dimensions = array<i32: 0>} : vector<16xi32>
      %rev3A_1796 = arith.subi %rev3A_1794, %rev3A_1795 : vector<16xi32>
      %rev3A_1797 = tpu.dynamic_gather %sort3A_1791[%rev3A_1796] in [0] : vector<16xf32>, vector<16xi32> -> vector<16xf32>
      %max3A_1798 = arith.maximumf %cond3A_1363#0, %rev3A_1797 : vector<16xf32>
      %sort3A_1799 = arith.constant dense<true> : vector<16xi1>
      %sort3A_1800, %sort3A_1801, %sort3A_1802 = tpu.sort %max3A_1798, %max3A_1798 masked %sort3A_1799 : (vector<16xf32>, vector<16xf32>, vector<16xi1>) -> (vector<16xi1>, vector<16xf32>, vector<16xf32>)
      %reduce_min3A = arith.constant true
      %reduce_min3A_1803 = vector.broadcast %reduce_min3A : i1 to vector<16xi1>
      %reduce_min3A_1804 = tpu.scan <min>, %sort3A_1801 masked %reduce_min3A_1803 : vector<16xf32>, vector<16xi1> -> vector<16xf32>
      %reduce_min3A_1805 = vector.extract %reduce_min3A_1804[15] : f32 from vector<16xf32>
      %broadcast_in_dim3A_1806 = vector.broadcast %reduce_min3A_1805 : f32 to vector<16xf32>
      scf.yield %sort3A_1801, %broadcast_in_dim3A_1806 : vector<16xf32>, vector<16xf32>
    } else {
      scf.yield %cond3A_1363#0, %cond3A_1363#1 : vector<16xf32>, vector<16xf32>
    }
    %add3A_1404 = arith.constant 14080 : i32
    %add3A_1405 = vector.broadcast %add3A_1404 : i32 to vector<16xi32>
    %add3A_1406 = arith.addi %scan3A_954#2, %add3A_1405 : vector<16xi32>
    %gather3A_1407 = tpu.vector_load_idx %arg9[%add3A_1406] : memref<20480xf32, #tpu.memory_space<vmem>>[vector<16xi32>], vector<16xf32>,
    %lt3A_1408 = arith.cmpf olt, %gather3A_1407, %cond3A_1383#1 : vector<16xf32>
    %reduce_or3A_1409 = arith.constant 1.000000e+00 : f32
    %reduce_or3A_1410 = arith.constant 0.000000e+00 : f32
    %reduce_or3A_1411 = vector.broadcast %reduce_or3A_1409 : f32 to vector<16xf32>
    %reduce_or3A_1412 = vector.broadcast %reduce_or3A_1410 : f32 to vector<16xf32>
    %reduce_or3A_1413 = arith.select %lt3A_1408, %reduce_or3A_1411, %reduce_or3A_1412 : vector<16xi1>, vector<16xf32>
    %reduce_or3A_1414 = arith.constant true
    %reduce_or3A_1415 = vector.broadcast %reduce_or3A_1414 : i1 to vector<16xi1>
    %reduce_or3A_1416 = tpu.scan <max>, %reduce_or3A_1413 masked %reduce_or3A_1415 : vector<16xf32>, vector<16xi1> -> vector<16xf32>
    %reduce_or3A_1417 = vector.extract %reduce_or3A_1416[15] : f32 from vector<16xf32>
    %reduce_or3A_1418 = arith.constant 0.000000e+00 : f32
    %reduce_or3A_1419 = arith.cmpf ogt, %reduce_or3A_1417, %reduce_or3A_1418 : f32
    %convert_element_type3A_1420 = arith.extui %reduce_or3A_1419 : i1 to i32
    %cond3A_1421 = arith.constant 0 : i32
    %cond3A_1422 = arith.cmpi ne, %convert_element_type3A_1420, %cond3A_1421 : i32
    %cond3A_1423:2 = scf.if %cond3A_1422 -> (vector<16xf32>, vector<16xf32>) {
      %sort3A = arith.constant dense<true> : vector<16xi1>
      %sort3A_1790, %sort3A_1791, %sort3A_1792 = tpu.sort %gather3A_1407, %gather3A_1407 masked %sort3A : (vector<16xf32>, vector<16xf32>, vector<16xi1>) -> (vector<16xi1>, vector<16xf32>, vector<16xf32>)
      %rev3A_1793 = arith.constant 15 : i32
      %rev3A_1794 = vector.broadcast %rev3A_1793 : i32 to vector<16xi32>
      %rev3A_1795 = tpu.iota {dimensions = array<i32: 0>} : vector<16xi32>
      %rev3A_1796 = arith.subi %rev3A_1794, %rev3A_1795 : vector<16xi32>
      %rev3A_1797 = tpu.dynamic_gather %sort3A_1791[%rev3A_1796] in [0] : vector<16xf32>, vector<16xi32> -> vector<16xf32>
      %min3A = arith.minimumf %cond3A_1383#0, %rev3A_1797 : vector<16xf32>
      %sort3A_1798 = arith.constant dense<true> : vector<16xi1>
      %sort3A_1799, %sort3A_1800, %sort3A_1801 = tpu.sort %min3A, %min3A masked %sort3A_1798 : (vector<16xf32>, vector<16xf32>, vector<16xi1>) -> (vector<16xi1>, vector<16xf32>, vector<16xf32>)
      %reduce_max3A = arith.constant true
      %reduce_max3A_1802 = vector.broadcast %reduce_max3A : i1 to vector<16xi1>
      %reduce_max3A_1803 = tpu.scan <max>, %sort3A_1800 masked %reduce_max3A_1802 : vector<16xf32>, vector<16xi1> -> vector<16xf32>
      %reduce_max3A_1804 = vector.extract %reduce_max3A_1803[15] : f32 from vector<16xf32>
      %broadcast_in_dim3A_1805 = vector.broadcast %reduce_max3A_1804 : f32 to vector<16xf32>
      scf.yield %sort3A_1800, %broadcast_in_dim3A_1805 : vector<16xf32>, vector<16xf32>
    } else {
      scf.yield %cond3A_1383#0, %cond3A_1383#1 : vector<16xf32>, vector<16xf32>
    }
    %add3A_1424 = arith.constant 14080 : i32
    %add3A_1425 = vector.broadcast %add3A_1424 : i32 to vector<16xi32>
    %add3A_1426 = arith.addi %scan3A_954#5, %add3A_1425 : vector<16xi32>
    %gather3A_1427 = tpu.vector_load_idx %arg10[%add3A_1426] : memref<20480xf32, #tpu.memory_space<vmem>>[vector<16xi32>], vector<16xf32>,
    %gt3A_1428 = arith.cmpf ogt, %gather3A_1427, %cond3A_1403#1 : vector<16xf32>
    %reduce_or3A_1429 = arith.constant 1.000000e+00 : f32
    %reduce_or3A_1430 = arith.constant 0.000000e+00 : f32
    %reduce_or3A_1431 = vector.broadcast %reduce_or3A_1429 : f32 to vector<16xf32>
    %reduce_or3A_1432 = vector.broadcast %reduce_or3A_1430 : f32 to vector<16xf32>
    %reduce_or3A_1433 = arith.select %gt3A_1428, %reduce_or3A_1431, %reduce_or3A_1432 : vector<16xi1>, vector<16xf32>
    %reduce_or3A_1434 = arith.constant true
    %reduce_or3A_1435 = vector.broadcast %reduce_or3A_1434 : i1 to vector<16xi1>
    %reduce_or3A_1436 = tpu.scan <max>, %reduce_or3A_1433 masked %reduce_or3A_1435 : vector<16xf32>, vector<16xi1> -> vector<16xf32>
    %reduce_or3A_1437 = vector.extract %reduce_or3A_1436[15] : f32 from vector<16xf32>
    %reduce_or3A_1438 = arith.constant 0.000000e+00 : f32
    %reduce_or3A_1439 = arith.cmpf ogt, %reduce_or3A_1437, %reduce_or3A_1438 : f32
    %convert_element_type3A_1440 = arith.extui %reduce_or3A_1439 : i1 to i32
    %cond3A_1441 = arith.constant 0 : i32
    %cond3A_1442 = arith.cmpi ne, %convert_element_type3A_1440, %cond3A_1441 : i32
    %cond3A_1443:2 = scf.if %cond3A_1442 -> (vector<16xf32>, vector<16xf32>) {
      %sort3A = arith.constant dense<true> : vector<16xi1>
      %sort3A_1790, %sort3A_1791, %sort3A_1792 = tpu.sort %gather3A_1427, %gather3A_1427 masked %sort3A : (vector<16xf32>, vector<16xf32>, vector<16xi1>) -> (vector<16xi1>, vector<16xf32>, vector<16xf32>)
      %rev3A_1793 = arith.constant 15 : i32
      %rev3A_1794 = vector.broadcast %rev3A_1793 : i32 to vector<16xi32>
      %rev3A_1795 = tpu.iota {dimensions = array<i32: 0>} : vector<16xi32>
      %rev3A_1796 = arith.subi %rev3A_1794, %rev3A_1795 : vector<16xi32>
      %rev3A_1797 = tpu.dynamic_gather %sort3A_1791[%rev3A_1796] in [0] : vector<16xf32>, vector<16xi32> -> vector<16xf32>
      %max3A_1798 = arith.maximumf %cond3A_1403#0, %rev3A_1797 : vector<16xf32>
      %sort3A_1799 = arith.constant dense<true> : vector<16xi1>
      %sort3A_1800, %sort3A_1801, %sort3A_1802 = tpu.sort %max3A_1798, %max3A_1798 masked %sort3A_1799 : (vector<16xf32>, vector<16xf32>, vector<16xi1>) -> (vector<16xi1>, vector<16xf32>, vector<16xf32>)
      %reduce_min3A = arith.constant true
      %reduce_min3A_1803 = vector.broadcast %reduce_min3A : i1 to vector<16xi1>
      %reduce_min3A_1804 = tpu.scan <min>, %sort3A_1801 masked %reduce_min3A_1803 : vector<16xf32>, vector<16xi1> -> vector<16xf32>
      %reduce_min3A_1805 = vector.extract %reduce_min3A_1804[15] : f32 from vector<16xf32>
      %broadcast_in_dim3A_1806 = vector.broadcast %reduce_min3A_1805 : f32 to vector<16xf32>
      scf.yield %sort3A_1801, %broadcast_in_dim3A_1806 : vector<16xf32>, vector<16xf32>
    } else {
      scf.yield %cond3A_1403#0, %cond3A_1403#1 : vector<16xf32>, vector<16xf32>
    }
    %add3A_1444 = arith.constant 15360 : i32
    %add3A_1445 = vector.broadcast %add3A_1444 : i32 to vector<16xi32>
    %add3A_1446 = arith.addi %scan3A_954#2, %add3A_1445 : vector<16xi32>
    %gather3A_1447 = tpu.vector_load_idx %arg9[%add3A_1446] : memref<20480xf32, #tpu.memory_space<vmem>>[vector<16xi32>], vector<16xf32>,
    %lt3A_1448 = arith.cmpf olt, %gather3A_1447, %cond3A_1423#1 : vector<16xf32>
    %reduce_or3A_1449 = arith.constant 1.000000e+00 : f32
    %reduce_or3A_1450 = arith.constant 0.000000e+00 : f32
    %reduce_or3A_1451 = vector.broadcast %reduce_or3A_1449 : f32 to vector<16xf32>
    %reduce_or3A_1452 = vector.broadcast %reduce_or3A_1450 : f32 to vector<16xf32>
    %reduce_or3A_1453 = arith.select %lt3A_1448, %reduce_or3A_1451, %reduce_or3A_1452 : vector<16xi1>, vector<16xf32>
    %reduce_or3A_1454 = arith.constant true
    %reduce_or3A_1455 = vector.broadcast %reduce_or3A_1454 : i1 to vector<16xi1>
    %reduce_or3A_1456 = tpu.scan <max>, %reduce_or3A_1453 masked %reduce_or3A_1455 : vector<16xf32>, vector<16xi1> -> vector<16xf32>
    %reduce_or3A_1457 = vector.extract %reduce_or3A_1456[15] : f32 from vector<16xf32>
    %reduce_or3A_1458 = arith.constant 0.000000e+00 : f32
    %reduce_or3A_1459 = arith.cmpf ogt, %reduce_or3A_1457, %reduce_or3A_1458 : f32
    %convert_element_type3A_1460 = arith.extui %reduce_or3A_1459 : i1 to i32
    %cond3A_1461 = arith.constant 0 : i32
    %cond3A_1462 = arith.cmpi ne, %convert_element_type3A_1460, %cond3A_1461 : i32
    %cond3A_1463:2 = scf.if %cond3A_1462 -> (vector<16xf32>, vector<16xf32>) {
      %sort3A = arith.constant dense<true> : vector<16xi1>
      %sort3A_1790, %sort3A_1791, %sort3A_1792 = tpu.sort %gather3A_1447, %gather3A_1447 masked %sort3A : (vector<16xf32>, vector<16xf32>, vector<16xi1>) -> (vector<16xi1>, vector<16xf32>, vector<16xf32>)
      %rev3A_1793 = arith.constant 15 : i32
      %rev3A_1794 = vector.broadcast %rev3A_1793 : i32 to vector<16xi32>
      %rev3A_1795 = tpu.iota {dimensions = array<i32: 0>} : vector<16xi32>
      %rev3A_1796 = arith.subi %rev3A_1794, %rev3A_1795 : vector<16xi32>
      %rev3A_1797 = tpu.dynamic_gather %sort3A_1791[%rev3A_1796] in [0] : vector<16xf32>, vector<16xi32> -> vector<16xf32>
      %min3A = arith.minimumf %cond3A_1423#0, %rev3A_1797 : vector<16xf32>
      %sort3A_1798 = arith.constant dense<true> : vector<16xi1>
      %sort3A_1799, %sort3A_1800, %sort3A_1801 = tpu.sort %min3A, %min3A masked %sort3A_1798 : (vector<16xf32>, vector<16xf32>, vector<16xi1>) -> (vector<16xi1>, vector<16xf32>, vector<16xf32>)
      %reduce_max3A = arith.constant true
      %reduce_max3A_1802 = vector.broadcast %reduce_max3A : i1 to vector<16xi1>
      %reduce_max3A_1803 = tpu.scan <max>, %sort3A_1800 masked %reduce_max3A_1802 : vector<16xf32>, vector<16xi1> -> vector<16xf32>
      %reduce_max3A_1804 = vector.extract %reduce_max3A_1803[15] : f32 from vector<16xf32>
      %broadcast_in_dim3A_1805 = vector.broadcast %reduce_max3A_1804 : f32 to vector<16xf32>
      scf.yield %sort3A_1800, %broadcast_in_dim3A_1805 : vector<16xf32>, vector<16xf32>
    } else {
      scf.yield %cond3A_1423#0, %cond3A_1423#1 : vector<16xf32>, vector<16xf32>
    }
    %add3A_1464 = arith.constant 15360 : i32
    %add3A_1465 = vector.broadcast %add3A_1464 : i32 to vector<16xi32>
    %add3A_1466 = arith.addi %scan3A_954#5, %add3A_1465 : vector<16xi32>
    %gather3A_1467 = tpu.vector_load_idx %arg10[%add3A_1466] : memref<20480xf32, #tpu.memory_space<vmem>>[vector<16xi32>], vector<16xf32>,
    %gt3A_1468 = arith.cmpf ogt, %gather3A_1467, %cond3A_1443#1 : vector<16xf32>
    %reduce_or3A_1469 = arith.constant 1.000000e+00 : f32
    %reduce_or3A_1470 = arith.constant 0.000000e+00 : f32
    %reduce_or3A_1471 = vector.broadcast %reduce_or3A_1469 : f32 to vector<16xf32>
    %reduce_or3A_1472 = vector.broadcast %reduce_or3A_1470 : f32 to vector<16xf32>
    %reduce_or3A_1473 = arith.select %gt3A_1468, %reduce_or3A_1471, %reduce_or3A_1472 : vector<16xi1>, vector<16xf32>
    %reduce_or3A_1474 = arith.constant true
    %reduce_or3A_1475 = vector.broadcast %reduce_or3A_1474 : i1 to vector<16xi1>
    %reduce_or3A_1476 = tpu.scan <max>, %reduce_or3A_1473 masked %reduce_or3A_1475 : vector<16xf32>, vector<16xi1> -> vector<16xf32>
    %reduce_or3A_1477 = vector.extract %reduce_or3A_1476[15] : f32 from vector<16xf32>
    %reduce_or3A_1478 = arith.constant 0.000000e+00 : f32
    %reduce_or3A_1479 = arith.cmpf ogt, %reduce_or3A_1477, %reduce_or3A_1478 : f32
    %convert_element_type3A_1480 = arith.extui %reduce_or3A_1479 : i1 to i32
    %cond3A_1481 = arith.constant 0 : i32
    %cond3A_1482 = arith.cmpi ne, %convert_element_type3A_1480, %cond3A_1481 : i32
    %cond3A_1483:2 = scf.if %cond3A_1482 -> (vector<16xf32>, vector<16xf32>) {
      %sort3A = arith.constant dense<true> : vector<16xi1>
      %sort3A_1790, %sort3A_1791, %sort3A_1792 = tpu.sort %gather3A_1467, %gather3A_1467 masked %sort3A : (vector<16xf32>, vector<16xf32>, vector<16xi1>) -> (vector<16xi1>, vector<16xf32>, vector<16xf32>)
      %rev3A_1793 = arith.constant 15 : i32
      %rev3A_1794 = vector.broadcast %rev3A_1793 : i32 to vector<16xi32>
      %rev3A_1795 = tpu.iota {dimensions = array<i32: 0>} : vector<16xi32>
      %rev3A_1796 = arith.subi %rev3A_1794, %rev3A_1795 : vector<16xi32>
      %rev3A_1797 = tpu.dynamic_gather %sort3A_1791[%rev3A_1796] in [0] : vector<16xf32>, vector<16xi32> -> vector<16xf32>
      %max3A_1798 = arith.maximumf %cond3A_1443#0, %rev3A_1797 : vector<16xf32>
      %sort3A_1799 = arith.constant dense<true> : vector<16xi1>
      %sort3A_1800, %sort3A_1801, %sort3A_1802 = tpu.sort %max3A_1798, %max3A_1798 masked %sort3A_1799 : (vector<16xf32>, vector<16xf32>, vector<16xi1>) -> (vector<16xi1>, vector<16xf32>, vector<16xf32>)
      %reduce_min3A = arith.constant true
      %reduce_min3A_1803 = vector.broadcast %reduce_min3A : i1 to vector<16xi1>
      %reduce_min3A_1804 = tpu.scan <min>, %sort3A_1801 masked %reduce_min3A_1803 : vector<16xf32>, vector<16xi1> -> vector<16xf32>
      %reduce_min3A_1805 = vector.extract %reduce_min3A_1804[15] : f32 from vector<16xf32>
      %broadcast_in_dim3A_1806 = vector.broadcast %reduce_min3A_1805 : f32 to vector<16xf32>
      scf.yield %sort3A_1801, %broadcast_in_dim3A_1806 : vector<16xf32>, vector<16xf32>
    } else {
      scf.yield %cond3A_1443#0, %cond3A_1443#1 : vector<16xf32>, vector<16xf32>
    }
    %add3A_1484 = arith.constant 16640 : i32
    %add3A_1485 = vector.broadcast %add3A_1484 : i32 to vector<16xi32>
    %add3A_1486 = arith.addi %scan3A_954#2, %add3A_1485 : vector<16xi32>
    %gather3A_1487 = tpu.vector_load_idx %arg9[%add3A_1486] : memref<20480xf32, #tpu.memory_space<vmem>>[vector<16xi32>], vector<16xf32>,
    %lt3A_1488 = arith.cmpf olt, %gather3A_1487, %cond3A_1463#1 : vector<16xf32>
    %reduce_or3A_1489 = arith.constant 1.000000e+00 : f32
    %reduce_or3A_1490 = arith.constant 0.000000e+00 : f32
    %reduce_or3A_1491 = vector.broadcast %reduce_or3A_1489 : f32 to vector<16xf32>
    %reduce_or3A_1492 = vector.broadcast %reduce_or3A_1490 : f32 to vector<16xf32>
    %reduce_or3A_1493 = arith.select %lt3A_1488, %reduce_or3A_1491, %reduce_or3A_1492 : vector<16xi1>, vector<16xf32>
    %reduce_or3A_1494 = arith.constant true
    %reduce_or3A_1495 = vector.broadcast %reduce_or3A_1494 : i1 to vector<16xi1>
    %reduce_or3A_1496 = tpu.scan <max>, %reduce_or3A_1493 masked %reduce_or3A_1495 : vector<16xf32>, vector<16xi1> -> vector<16xf32>
    %reduce_or3A_1497 = vector.extract %reduce_or3A_1496[15] : f32 from vector<16xf32>
    %reduce_or3A_1498 = arith.constant 0.000000e+00 : f32
    %reduce_or3A_1499 = arith.cmpf ogt, %reduce_or3A_1497, %reduce_or3A_1498 : f32
    %convert_element_type3A_1500 = arith.extui %reduce_or3A_1499 : i1 to i32
    %cond3A_1501 = arith.constant 0 : i32
    %cond3A_1502 = arith.cmpi ne, %convert_element_type3A_1500, %cond3A_1501 : i32
    %cond3A_1503:2 = scf.if %cond3A_1502 -> (vector<16xf32>, vector<16xf32>) {
      %sort3A = arith.constant dense<true> : vector<16xi1>
      %sort3A_1790, %sort3A_1791, %sort3A_1792 = tpu.sort %gather3A_1487, %gather3A_1487 masked %sort3A : (vector<16xf32>, vector<16xf32>, vector<16xi1>) -> (vector<16xi1>, vector<16xf32>, vector<16xf32>)
      %rev3A_1793 = arith.constant 15 : i32
      %rev3A_1794 = vector.broadcast %rev3A_1793 : i32 to vector<16xi32>
      %rev3A_1795 = tpu.iota {dimensions = array<i32: 0>} : vector<16xi32>
      %rev3A_1796 = arith.subi %rev3A_1794, %rev3A_1795 : vector<16xi32>
      %rev3A_1797 = tpu.dynamic_gather %sort3A_1791[%rev3A_1796] in [0] : vector<16xf32>, vector<16xi32> -> vector<16xf32>
      %min3A = arith.minimumf %cond3A_1463#0, %rev3A_1797 : vector<16xf32>
      %sort3A_1798 = arith.constant dense<true> : vector<16xi1>
      %sort3A_1799, %sort3A_1800, %sort3A_1801 = tpu.sort %min3A, %min3A masked %sort3A_1798 : (vector<16xf32>, vector<16xf32>, vector<16xi1>) -> (vector<16xi1>, vector<16xf32>, vector<16xf32>)
      %reduce_max3A = arith.constant true
      %reduce_max3A_1802 = vector.broadcast %reduce_max3A : i1 to vector<16xi1>
      %reduce_max3A_1803 = tpu.scan <max>, %sort3A_1800 masked %reduce_max3A_1802 : vector<16xf32>, vector<16xi1> -> vector<16xf32>
      %reduce_max3A_1804 = vector.extract %reduce_max3A_1803[15] : f32 from vector<16xf32>
      %broadcast_in_dim3A_1805 = vector.broadcast %reduce_max3A_1804 : f32 to vector<16xf32>
      scf.yield %sort3A_1800, %broadcast_in_dim3A_1805 : vector<16xf32>, vector<16xf32>
    } else {
      scf.yield %cond3A_1463#0, %cond3A_1463#1 : vector<16xf32>, vector<16xf32>
    }
    %add3A_1504 = arith.constant 16640 : i32
    %add3A_1505 = vector.broadcast %add3A_1504 : i32 to vector<16xi32>
    %add3A_1506 = arith.addi %scan3A_954#5, %add3A_1505 : vector<16xi32>
    %gather3A_1507 = tpu.vector_load_idx %arg10[%add3A_1506] : memref<20480xf32, #tpu.memory_space<vmem>>[vector<16xi32>], vector<16xf32>,
    %gt3A_1508 = arith.cmpf ogt, %gather3A_1507, %cond3A_1483#1 : vector<16xf32>
    %reduce_or3A_1509 = arith.constant 1.000000e+00 : f32
    %reduce_or3A_1510 = arith.constant 0.000000e+00 : f32
    %reduce_or3A_1511 = vector.broadcast %reduce_or3A_1509 : f32 to vector<16xf32>
    %reduce_or3A_1512 = vector.broadcast %reduce_or3A_1510 : f32 to vector<16xf32>
    %reduce_or3A_1513 = arith.select %gt3A_1508, %reduce_or3A_1511, %reduce_or3A_1512 : vector<16xi1>, vector<16xf32>
    %reduce_or3A_1514 = arith.constant true
    %reduce_or3A_1515 = vector.broadcast %reduce_or3A_1514 : i1 to vector<16xi1>
    %reduce_or3A_1516 = tpu.scan <max>, %reduce_or3A_1513 masked %reduce_or3A_1515 : vector<16xf32>, vector<16xi1> -> vector<16xf32>
    %reduce_or3A_1517 = vector.extract %reduce_or3A_1516[15] : f32 from vector<16xf32>
    %reduce_or3A_1518 = arith.constant 0.000000e+00 : f32
    %reduce_or3A_1519 = arith.cmpf ogt, %reduce_or3A_1517, %reduce_or3A_1518 : f32
    %convert_element_type3A_1520 = arith.extui %reduce_or3A_1519 : i1 to i32
    %cond3A_1521 = arith.constant 0 : i32
    %cond3A_1522 = arith.cmpi ne, %convert_element_type3A_1520, %cond3A_1521 : i32
    %cond3A_1523:2 = scf.if %cond3A_1522 -> (vector<16xf32>, vector<16xf32>) {
      %sort3A = arith.constant dense<true> : vector<16xi1>
      %sort3A_1790, %sort3A_1791, %sort3A_1792 = tpu.sort %gather3A_1507, %gather3A_1507 masked %sort3A : (vector<16xf32>, vector<16xf32>, vector<16xi1>) -> (vector<16xi1>, vector<16xf32>, vector<16xf32>)
      %rev3A_1793 = arith.constant 15 : i32
      %rev3A_1794 = vector.broadcast %rev3A_1793 : i32 to vector<16xi32>
      %rev3A_1795 = tpu.iota {dimensions = array<i32: 0>} : vector<16xi32>
      %rev3A_1796 = arith.subi %rev3A_1794, %rev3A_1795 : vector<16xi32>
      %rev3A_1797 = tpu.dynamic_gather %sort3A_1791[%rev3A_1796] in [0] : vector<16xf32>, vector<16xi32> -> vector<16xf32>
      %max3A_1798 = arith.maximumf %cond3A_1483#0, %rev3A_1797 : vector<16xf32>
      %sort3A_1799 = arith.constant dense<true> : vector<16xi1>
      %sort3A_1800, %sort3A_1801, %sort3A_1802 = tpu.sort %max3A_1798, %max3A_1798 masked %sort3A_1799 : (vector<16xf32>, vector<16xf32>, vector<16xi1>) -> (vector<16xi1>, vector<16xf32>, vector<16xf32>)
      %reduce_min3A = arith.constant true
      %reduce_min3A_1803 = vector.broadcast %reduce_min3A : i1 to vector<16xi1>
      %reduce_min3A_1804 = tpu.scan <min>, %sort3A_1801 masked %reduce_min3A_1803 : vector<16xf32>, vector<16xi1> -> vector<16xf32>
      %reduce_min3A_1805 = vector.extract %reduce_min3A_1804[15] : f32 from vector<16xf32>
      %broadcast_in_dim3A_1806 = vector.broadcast %reduce_min3A_1805 : f32 to vector<16xf32>
      scf.yield %sort3A_1801, %broadcast_in_dim3A_1806 : vector<16xf32>, vector<16xf32>
    } else {
      scf.yield %cond3A_1483#0, %cond3A_1483#1 : vector<16xf32>, vector<16xf32>
    }
    %add3A_1524 = arith.constant 17920 : i32
    %add3A_1525 = vector.broadcast %add3A_1524 : i32 to vector<16xi32>
    %add3A_1526 = arith.addi %scan3A_954#2, %add3A_1525 : vector<16xi32>
    %gather3A_1527 = tpu.vector_load_idx %arg9[%add3A_1526] : memref<20480xf32, #tpu.memory_space<vmem>>[vector<16xi32>], vector<16xf32>,
    %lt3A_1528 = arith.cmpf olt, %gather3A_1527, %cond3A_1503#1 : vector<16xf32>
    %reduce_or3A_1529 = arith.constant 1.000000e+00 : f32
    %reduce_or3A_1530 = arith.constant 0.000000e+00 : f32
    %reduce_or3A_1531 = vector.broadcast %reduce_or3A_1529 : f32 to vector<16xf32>
    %reduce_or3A_1532 = vector.broadcast %reduce_or3A_1530 : f32 to vector<16xf32>
    %reduce_or3A_1533 = arith.select %lt3A_1528, %reduce_or3A_1531, %reduce_or3A_1532 : vector<16xi1>, vector<16xf32>
    %reduce_or3A_1534 = arith.constant true
    %reduce_or3A_1535 = vector.broadcast %reduce_or3A_1534 : i1 to vector<16xi1>
    %reduce_or3A_1536 = tpu.scan <max>, %reduce_or3A_1533 masked %reduce_or3A_1535 : vector<16xf32>, vector<16xi1> -> vector<16xf32>
    %reduce_or3A_1537 = vector.extract %reduce_or3A_1536[15] : f32 from vector<16xf32>
    %reduce_or3A_1538 = arith.constant 0.000000e+00 : f32
    %reduce_or3A_1539 = arith.cmpf ogt, %reduce_or3A_1537, %reduce_or3A_1538 : f32
    %convert_element_type3A_1540 = arith.extui %reduce_or3A_1539 : i1 to i32
    %cond3A_1541 = arith.constant 0 : i32
    %cond3A_1542 = arith.cmpi ne, %convert_element_type3A_1540, %cond3A_1541 : i32
    %cond3A_1543:2 = scf.if %cond3A_1542 -> (vector<16xf32>, vector<16xf32>) {
      %sort3A = arith.constant dense<true> : vector<16xi1>
      %sort3A_1790, %sort3A_1791, %sort3A_1792 = tpu.sort %gather3A_1527, %gather3A_1527 masked %sort3A : (vector<16xf32>, vector<16xf32>, vector<16xi1>) -> (vector<16xi1>, vector<16xf32>, vector<16xf32>)
      %rev3A_1793 = arith.constant 15 : i32
      %rev3A_1794 = vector.broadcast %rev3A_1793 : i32 to vector<16xi32>
      %rev3A_1795 = tpu.iota {dimensions = array<i32: 0>} : vector<16xi32>
      %rev3A_1796 = arith.subi %rev3A_1794, %rev3A_1795 : vector<16xi32>
      %rev3A_1797 = tpu.dynamic_gather %sort3A_1791[%rev3A_1796] in [0] : vector<16xf32>, vector<16xi32> -> vector<16xf32>
      %min3A = arith.minimumf %cond3A_1503#0, %rev3A_1797 : vector<16xf32>
      %sort3A_1798 = arith.constant dense<true> : vector<16xi1>
      %sort3A_1799, %sort3A_1800, %sort3A_1801 = tpu.sort %min3A, %min3A masked %sort3A_1798 : (vector<16xf32>, vector<16xf32>, vector<16xi1>) -> (vector<16xi1>, vector<16xf32>, vector<16xf32>)
      %reduce_max3A = arith.constant true
      %reduce_max3A_1802 = vector.broadcast %reduce_max3A : i1 to vector<16xi1>
      %reduce_max3A_1803 = tpu.scan <max>, %sort3A_1800 masked %reduce_max3A_1802 : vector<16xf32>, vector<16xi1> -> vector<16xf32>
      %reduce_max3A_1804 = vector.extract %reduce_max3A_1803[15] : f32 from vector<16xf32>
      %broadcast_in_dim3A_1805 = vector.broadcast %reduce_max3A_1804 : f32 to vector<16xf32>
      scf.yield %sort3A_1800, %broadcast_in_dim3A_1805 : vector<16xf32>, vector<16xf32>
    } else {
      scf.yield %cond3A_1503#0, %cond3A_1503#1 : vector<16xf32>, vector<16xf32>
    }
    %add3A_1544 = arith.constant 17920 : i32
    %add3A_1545 = vector.broadcast %add3A_1544 : i32 to vector<16xi32>
    %add3A_1546 = arith.addi %scan3A_954#5, %add3A_1545 : vector<16xi32>
    %gather3A_1547 = tpu.vector_load_idx %arg10[%add3A_1546] : memref<20480xf32, #tpu.memory_space<vmem>>[vector<16xi32>], vector<16xf32>,
    %gt3A_1548 = arith.cmpf ogt, %gather3A_1547, %cond3A_1523#1 : vector<16xf32>
    %reduce_or3A_1549 = arith.constant 1.000000e+00 : f32
    %reduce_or3A_1550 = arith.constant 0.000000e+00 : f32
    %reduce_or3A_1551 = vector.broadcast %reduce_or3A_1549 : f32 to vector<16xf32>
    %reduce_or3A_1552 = vector.broadcast %reduce_or3A_1550 : f32 to vector<16xf32>
    %reduce_or3A_1553 = arith.select %gt3A_1548, %reduce_or3A_1551, %reduce_or3A_1552 : vector<16xi1>, vector<16xf32>
    %reduce_or3A_1554 = arith.constant true
    %reduce_or3A_1555 = vector.broadcast %reduce_or3A_1554 : i1 to vector<16xi1>
    %reduce_or3A_1556 = tpu.scan <max>, %reduce_or3A_1553 masked %reduce_or3A_1555 : vector<16xf32>, vector<16xi1> -> vector<16xf32>
    %reduce_or3A_1557 = vector.extract %reduce_or3A_1556[15] : f32 from vector<16xf32>
    %reduce_or3A_1558 = arith.constant 0.000000e+00 : f32
    %reduce_or3A_1559 = arith.cmpf ogt, %reduce_or3A_1557, %reduce_or3A_1558 : f32
    %convert_element_type3A_1560 = arith.extui %reduce_or3A_1559 : i1 to i32
    %cond3A_1561 = arith.constant 0 : i32
    %cond3A_1562 = arith.cmpi ne, %convert_element_type3A_1560, %cond3A_1561 : i32
    %cond3A_1563:2 = scf.if %cond3A_1562 -> (vector<16xf32>, vector<16xf32>) {
      %sort3A = arith.constant dense<true> : vector<16xi1>
      %sort3A_1790, %sort3A_1791, %sort3A_1792 = tpu.sort %gather3A_1547, %gather3A_1547 masked %sort3A : (vector<16xf32>, vector<16xf32>, vector<16xi1>) -> (vector<16xi1>, vector<16xf32>, vector<16xf32>)
      %rev3A_1793 = arith.constant 15 : i32
      %rev3A_1794 = vector.broadcast %rev3A_1793 : i32 to vector<16xi32>
      %rev3A_1795 = tpu.iota {dimensions = array<i32: 0>} : vector<16xi32>
      %rev3A_1796 = arith.subi %rev3A_1794, %rev3A_1795 : vector<16xi32>
      %rev3A_1797 = tpu.dynamic_gather %sort3A_1791[%rev3A_1796] in [0] : vector<16xf32>, vector<16xi32> -> vector<16xf32>
      %max3A_1798 = arith.maximumf %cond3A_1523#0, %rev3A_1797 : vector<16xf32>
      %sort3A_1799 = arith.constant dense<true> : vector<16xi1>
      %sort3A_1800, %sort3A_1801, %sort3A_1802 = tpu.sort %max3A_1798, %max3A_1798 masked %sort3A_1799 : (vector<16xf32>, vector<16xf32>, vector<16xi1>) -> (vector<16xi1>, vector<16xf32>, vector<16xf32>)
      %reduce_min3A = arith.constant true
      %reduce_min3A_1803 = vector.broadcast %reduce_min3A : i1 to vector<16xi1>
      %reduce_min3A_1804 = tpu.scan <min>, %sort3A_1801 masked %reduce_min3A_1803 : vector<16xf32>, vector<16xi1> -> vector<16xf32>
      %reduce_min3A_1805 = vector.extract %reduce_min3A_1804[15] : f32 from vector<16xf32>
      %broadcast_in_dim3A_1806 = vector.broadcast %reduce_min3A_1805 : f32 to vector<16xf32>
      scf.yield %sort3A_1801, %broadcast_in_dim3A_1806 : vector<16xf32>, vector<16xf32>
    } else {
      scf.yield %cond3A_1523#0, %cond3A_1523#1 : vector<16xf32>, vector<16xf32>
    }
    %add3A_1564 = arith.constant 19200 : i32
    %add3A_1565 = vector.broadcast %add3A_1564 : i32 to vector<16xi32>
    %add3A_1566 = arith.addi %scan3A_954#2, %add3A_1565 : vector<16xi32>
    %gather3A_1567 = tpu.vector_load_idx %arg9[%add3A_1566] : memref<20480xf32, #tpu.memory_space<vmem>>[vector<16xi32>], vector<16xf32>,
    %lt3A_1568 = arith.cmpf olt, %gather3A_1567, %cond3A_1543#1 : vector<16xf32>
    %reduce_or3A_1569 = arith.constant 1.000000e+00 : f32
    %reduce_or3A_1570 = arith.constant 0.000000e+00 : f32
    %reduce_or3A_1571 = vector.broadcast %reduce_or3A_1569 : f32 to vector<16xf32>
    %reduce_or3A_1572 = vector.broadcast %reduce_or3A_1570 : f32 to vector<16xf32>
    %reduce_or3A_1573 = arith.select %lt3A_1568, %reduce_or3A_1571, %reduce_or3A_1572 : vector<16xi1>, vector<16xf32>
    %reduce_or3A_1574 = arith.constant true
    %reduce_or3A_1575 = vector.broadcast %reduce_or3A_1574 : i1 to vector<16xi1>
    %reduce_or3A_1576 = tpu.scan <max>, %reduce_or3A_1573 masked %reduce_or3A_1575 : vector<16xf32>, vector<16xi1> -> vector<16xf32>
    %reduce_or3A_1577 = vector.extract %reduce_or3A_1576[15] : f32 from vector<16xf32>
    %reduce_or3A_1578 = arith.constant 0.000000e+00 : f32
    %reduce_or3A_1579 = arith.cmpf ogt, %reduce_or3A_1577, %reduce_or3A_1578 : f32
    %convert_element_type3A_1580 = arith.extui %reduce_or3A_1579 : i1 to i32
    %cond3A_1581 = arith.constant 0 : i32
    %cond3A_1582 = arith.cmpi ne, %convert_element_type3A_1580, %cond3A_1581 : i32
    %cond3A_1583:2 = scf.if %cond3A_1582 -> (vector<16xf32>, vector<16xf32>) {
      %sort3A = arith.constant dense<true> : vector<16xi1>
      %sort3A_1790, %sort3A_1791, %sort3A_1792 = tpu.sort %gather3A_1567, %gather3A_1567 masked %sort3A : (vector<16xf32>, vector<16xf32>, vector<16xi1>) -> (vector<16xi1>, vector<16xf32>, vector<16xf32>)
      %rev3A_1793 = arith.constant 15 : i32
      %rev3A_1794 = vector.broadcast %rev3A_1793 : i32 to vector<16xi32>
      %rev3A_1795 = tpu.iota {dimensions = array<i32: 0>} : vector<16xi32>
      %rev3A_1796 = arith.subi %rev3A_1794, %rev3A_1795 : vector<16xi32>
      %rev3A_1797 = tpu.dynamic_gather %sort3A_1791[%rev3A_1796] in [0] : vector<16xf32>, vector<16xi32> -> vector<16xf32>
      %min3A = arith.minimumf %cond3A_1543#0, %rev3A_1797 : vector<16xf32>
      %sort3A_1798 = arith.constant dense<true> : vector<16xi1>
      %sort3A_1799, %sort3A_1800, %sort3A_1801 = tpu.sort %min3A, %min3A masked %sort3A_1798 : (vector<16xf32>, vector<16xf32>, vector<16xi1>) -> (vector<16xi1>, vector<16xf32>, vector<16xf32>)
      %reduce_max3A = arith.constant true
      %reduce_max3A_1802 = vector.broadcast %reduce_max3A : i1 to vector<16xi1>
      %reduce_max3A_1803 = tpu.scan <max>, %sort3A_1800 masked %reduce_max3A_1802 : vector<16xf32>, vector<16xi1> -> vector<16xf32>
      %reduce_max3A_1804 = vector.extract %reduce_max3A_1803[15] : f32 from vector<16xf32>
      %broadcast_in_dim3A_1805 = vector.broadcast %reduce_max3A_1804 : f32 to vector<16xf32>
      scf.yield %sort3A_1800, %broadcast_in_dim3A_1805 : vector<16xf32>, vector<16xf32>
    } else {
      scf.yield %cond3A_1543#0, %cond3A_1543#1 : vector<16xf32>, vector<16xf32>
    }
    %add3A_1584 = arith.constant 19200 : i32
    %add3A_1585 = vector.broadcast %add3A_1584 : i32 to vector<16xi32>
    %add3A_1586 = arith.addi %scan3A_954#5, %add3A_1585 : vector<16xi32>
    %gather3A_1587 = tpu.vector_load_idx %arg10[%add3A_1586] : memref<20480xf32, #tpu.memory_space<vmem>>[vector<16xi32>], vector<16xf32>,
    %gt3A_1588 = arith.cmpf ogt, %gather3A_1587, %cond3A_1563#1 : vector<16xf32>
    %reduce_or3A_1589 = arith.constant 1.000000e+00 : f32
    %reduce_or3A_1590 = arith.constant 0.000000e+00 : f32
    %reduce_or3A_1591 = vector.broadcast %reduce_or3A_1589 : f32 to vector<16xf32>
    %reduce_or3A_1592 = vector.broadcast %reduce_or3A_1590 : f32 to vector<16xf32>
    %reduce_or3A_1593 = arith.select %gt3A_1588, %reduce_or3A_1591, %reduce_or3A_1592 : vector<16xi1>, vector<16xf32>
    %reduce_or3A_1594 = arith.constant true
    %reduce_or3A_1595 = vector.broadcast %reduce_or3A_1594 : i1 to vector<16xi1>
    %reduce_or3A_1596 = tpu.scan <max>, %reduce_or3A_1593 masked %reduce_or3A_1595 : vector<16xf32>, vector<16xi1> -> vector<16xf32>
    %reduce_or3A_1597 = vector.extract %reduce_or3A_1596[15] : f32 from vector<16xf32>
    %reduce_or3A_1598 = arith.constant 0.000000e+00 : f32
    %reduce_or3A_1599 = arith.cmpf ogt, %reduce_or3A_1597, %reduce_or3A_1598 : f32
    %convert_element_type3A_1600 = arith.extui %reduce_or3A_1599 : i1 to i32
    %cond3A_1601 = arith.constant 0 : i32
    %cond3A_1602 = arith.cmpi ne, %convert_element_type3A_1600, %cond3A_1601 : i32
    %cond3A_1603:2 = scf.if %cond3A_1602 -> (vector<16xf32>, vector<16xf32>) {
      %sort3A = arith.constant dense<true> : vector<16xi1>
      %sort3A_1790, %sort3A_1791, %sort3A_1792 = tpu.sort %gather3A_1587, %gather3A_1587 masked %sort3A : (vector<16xf32>, vector<16xf32>, vector<16xi1>) -> (vector<16xi1>, vector<16xf32>, vector<16xf32>)
      %rev3A_1793 = arith.constant 15 : i32
      %rev3A_1794 = vector.broadcast %rev3A_1793 : i32 to vector<16xi32>
      %rev3A_1795 = tpu.iota {dimensions = array<i32: 0>} : vector<16xi32>
      %rev3A_1796 = arith.subi %rev3A_1794, %rev3A_1795 : vector<16xi32>
      %rev3A_1797 = tpu.dynamic_gather %sort3A_1791[%rev3A_1796] in [0] : vector<16xf32>, vector<16xi32> -> vector<16xf32>
      %max3A_1798 = arith.maximumf %cond3A_1563#0, %rev3A_1797 : vector<16xf32>
      %sort3A_1799 = arith.constant dense<true> : vector<16xi1>
      %sort3A_1800, %sort3A_1801, %sort3A_1802 = tpu.sort %max3A_1798, %max3A_1798 masked %sort3A_1799 : (vector<16xf32>, vector<16xf32>, vector<16xi1>) -> (vector<16xi1>, vector<16xf32>, vector<16xf32>)
      %reduce_min3A = arith.constant true
      %reduce_min3A_1803 = vector.broadcast %reduce_min3A : i1 to vector<16xi1>
      %reduce_min3A_1804 = tpu.scan <min>, %sort3A_1801 masked %reduce_min3A_1803 : vector<16xf32>, vector<16xi1> -> vector<16xf32>
      %reduce_min3A_1805 = vector.extract %reduce_min3A_1804[15] : f32 from vector<16xf32>
      %broadcast_in_dim3A_1806 = vector.broadcast %reduce_min3A_1805 : f32 to vector<16xf32>
      scf.yield %sort3A_1801, %broadcast_in_dim3A_1806 : vector<16xf32>, vector<16xf32>
    } else {
      scf.yield %cond3A_1563#0, %cond3A_1563#1 : vector<16xf32>, vector<16xf32>
    }
    %rev3A_1604 = arith.constant 15 : i32
    %rev3A_1605 = vector.broadcast %rev3A_1604 : i32 to vector<16xi32>
    %rev3A_1606 = tpu.iota {dimensions = array<i32: 0>} : vector<16xi32>
    %rev3A_1607 = arith.subi %rev3A_1605, %rev3A_1606 : vector<16xi32>
    %rev3A_1608 = tpu.dynamic_gather %cond3A_1603#0[%rev3A_1607] in [0] : vector<16xf32>, vector<16xi32> -> vector<16xf32>
    %eq3A_1609 = arith.constant 0 : i32
    %eq3A_1610 = vector.broadcast %eq3A_1609 : i32 to vector<16xi32>
    %eq3A_1611 = arith.cmpi eq, %iota3A, %eq3A_1610 : vector<16xi32>
    %jit3A_1612 = arith.constant 0.000000e+00 : f32
    %broadcast_in_dim3A_1613 = vector.broadcast %jit3A_1612 : f32 to vector<16xf32>
    %select_n3A_1614 = arith.select %eq3A_1611, %rev3A_1608, %broadcast_in_dim3A_1613 : vector<16xi1>, vector<16xf32>
    %reduce_sum3A_1615 = arith.constant true
    %reduce_sum3A_1616 = vector.broadcast %reduce_sum3A_1615 : i1 to vector<16xi1>
    %reduce_sum3A_1617 = tpu.scan <sum>, %select_n3A_1614 masked %reduce_sum3A_1616 : vector<16xf32>, vector<16xi1> -> vector<16xf32>
    %reduce_sum3A_1618 = vector.extract %reduce_sum3A_1617[15] : f32 from vector<16xf32>
    %add3A_1619 = arith.constant 0.000000e+00 : f32
    %add3A_1620 = arith.addf %add3A_1619, %reduce_sum3A_1618 : f32
    %eq3A_1621 = arith.constant 1 : i32
    %eq3A_1622 = vector.broadcast %eq3A_1621 : i32 to vector<16xi32>
    %eq3A_1623 = arith.cmpi eq, %iota3A, %eq3A_1622 : vector<16xi32>
    %jit3A_1624 = arith.constant 0.000000e+00 : f32
    %broadcast_in_dim3A_1625 = vector.broadcast %jit3A_1624 : f32 to vector<16xf32>
    %select_n3A_1626 = arith.select %eq3A_1623, %rev3A_1608, %broadcast_in_dim3A_1625 : vector<16xi1>, vector<16xf32>
    %reduce_sum3A_1627 = arith.constant true
    %reduce_sum3A_1628 = vector.broadcast %reduce_sum3A_1627 : i1 to vector<16xi1>
    %reduce_sum3A_1629 = tpu.scan <sum>, %select_n3A_1626 masked %reduce_sum3A_1628 : vector<16xf32>, vector<16xi1> -> vector<16xf32>
    %reduce_sum3A_1630 = vector.extract %reduce_sum3A_1629[15] : f32 from vector<16xf32>
    %add3A_1631 = arith.addf %add3A_1620, %reduce_sum3A_1630 : f32
    %eq3A_1632 = arith.constant 2 : i32
    %eq3A_1633 = vector.broadcast %eq3A_1632 : i32 to vector<16xi32>
    %eq3A_1634 = arith.cmpi eq, %iota3A, %eq3A_1633 : vector<16xi32>
    %jit3A_1635 = arith.constant 0.000000e+00 : f32
    %broadcast_in_dim3A_1636 = vector.broadcast %jit3A_1635 : f32 to vector<16xf32>
    %select_n3A_1637 = arith.select %eq3A_1634, %rev3A_1608, %broadcast_in_dim3A_1636 : vector<16xi1>, vector<16xf32>
    %reduce_sum3A_1638 = arith.constant true
    %reduce_sum3A_1639 = vector.broadcast %reduce_sum3A_1638 : i1 to vector<16xi1>
    %reduce_sum3A_1640 = tpu.scan <sum>, %select_n3A_1637 masked %reduce_sum3A_1639 : vector<16xf32>, vector<16xi1> -> vector<16xf32>
    %reduce_sum3A_1641 = vector.extract %reduce_sum3A_1640[15] : f32 from vector<16xf32>
    %add3A_1642 = arith.addf %add3A_1631, %reduce_sum3A_1641 : f32
    %eq3A_1643 = arith.constant 3 : i32
    %eq3A_1644 = vector.broadcast %eq3A_1643 : i32 to vector<16xi32>
    %eq3A_1645 = arith.cmpi eq, %iota3A, %eq3A_1644 : vector<16xi32>
    %jit3A_1646 = arith.constant 0.000000e+00 : f32
    %broadcast_in_dim3A_1647 = vector.broadcast %jit3A_1646 : f32 to vector<16xf32>
    %select_n3A_1648 = arith.select %eq3A_1645, %rev3A_1608, %broadcast_in_dim3A_1647 : vector<16xi1>, vector<16xf32>
    %reduce_sum3A_1649 = arith.constant true
    %reduce_sum3A_1650 = vector.broadcast %reduce_sum3A_1649 : i1 to vector<16xi1>
    %reduce_sum3A_1651 = tpu.scan <sum>, %select_n3A_1648 masked %reduce_sum3A_1650 : vector<16xf32>, vector<16xi1> -> vector<16xf32>
    %reduce_sum3A_1652 = vector.extract %reduce_sum3A_1651[15] : f32 from vector<16xf32>
    %add3A_1653 = arith.addf %add3A_1642, %reduce_sum3A_1652 : f32
    %eq3A_1654 = arith.constant 4 : i32
    %eq3A_1655 = vector.broadcast %eq3A_1654 : i32 to vector<16xi32>
    %eq3A_1656 = arith.cmpi eq, %iota3A, %eq3A_1655 : vector<16xi32>
    %jit3A_1657 = arith.constant 0.000000e+00 : f32
    %broadcast_in_dim3A_1658 = vector.broadcast %jit3A_1657 : f32 to vector<16xf32>
    %select_n3A_1659 = arith.select %eq3A_1656, %rev3A_1608, %broadcast_in_dim3A_1658 : vector<16xi1>, vector<16xf32>
    %reduce_sum3A_1660 = arith.constant true
    %reduce_sum3A_1661 = vector.broadcast %reduce_sum3A_1660 : i1 to vector<16xi1>
    %reduce_sum3A_1662 = tpu.scan <sum>, %select_n3A_1659 masked %reduce_sum3A_1661 : vector<16xf32>, vector<16xi1> -> vector<16xf32>
    %reduce_sum3A_1663 = vector.extract %reduce_sum3A_1662[15] : f32 from vector<16xf32>
    %add3A_1664 = arith.addf %add3A_1653, %reduce_sum3A_1663 : f32
    %eq3A_1665 = arith.constant 5 : i32
    %eq3A_1666 = vector.broadcast %eq3A_1665 : i32 to vector<16xi32>
    %eq3A_1667 = arith.cmpi eq, %iota3A, %eq3A_1666 : vector<16xi32>
    %jit3A_1668 = arith.constant 0.000000e+00 : f32
    %broadcast_in_dim3A_1669 = vector.broadcast %jit3A_1668 : f32 to vector<16xf32>
    %select_n3A_1670 = arith.select %eq3A_1667, %rev3A_1608, %broadcast_in_dim3A_1669 : vector<16xi1>, vector<16xf32>
    %reduce_sum3A_1671 = arith.constant true
    %reduce_sum3A_1672 = vector.broadcast %reduce_sum3A_1671 : i1 to vector<16xi1>
    %reduce_sum3A_1673 = tpu.scan <sum>, %select_n3A_1670 masked %reduce_sum3A_1672 : vector<16xf32>, vector<16xi1> -> vector<16xf32>
    %reduce_sum3A_1674 = vector.extract %reduce_sum3A_1673[15] : f32 from vector<16xf32>
    %add3A_1675 = arith.addf %add3A_1664, %reduce_sum3A_1674 : f32
    %eq3A_1676 = arith.constant 6 : i32
    %eq3A_1677 = vector.broadcast %eq3A_1676 : i32 to vector<16xi32>
    %eq3A_1678 = arith.cmpi eq, %iota3A, %eq3A_1677 : vector<16xi32>
    %jit3A_1679 = arith.constant 0.000000e+00 : f32
    %broadcast_in_dim3A_1680 = vector.broadcast %jit3A_1679 : f32 to vector<16xf32>
    %select_n3A_1681 = arith.select %eq3A_1678, %rev3A_1608, %broadcast_in_dim3A_1680 : vector<16xi1>, vector<16xf32>
    %reduce_sum3A_1682 = arith.constant true
    %reduce_sum3A_1683 = vector.broadcast %reduce_sum3A_1682 : i1 to vector<16xi1>
    %reduce_sum3A_1684 = tpu.scan <sum>, %select_n3A_1681 masked %reduce_sum3A_1683 : vector<16xf32>, vector<16xi1> -> vector<16xf32>
    %reduce_sum3A_1685 = vector.extract %reduce_sum3A_1684[15] : f32 from vector<16xf32>
    %add3A_1686 = arith.addf %add3A_1675, %reduce_sum3A_1685 : f32
    %eq3A_1687 = arith.constant 7 : i32
    %eq3A_1688 = vector.broadcast %eq3A_1687 : i32 to vector<16xi32>
    %eq3A_1689 = arith.cmpi eq, %iota3A, %eq3A_1688 : vector<16xi32>
    %jit3A_1690 = arith.constant 0.000000e+00 : f32
    %broadcast_in_dim3A_1691 = vector.broadcast %jit3A_1690 : f32 to vector<16xf32>
    %select_n3A_1692 = arith.select %eq3A_1689, %rev3A_1608, %broadcast_in_dim3A_1691 : vector<16xi1>, vector<16xf32>
    %reduce_sum3A_1693 = arith.constant true
    %reduce_sum3A_1694 = vector.broadcast %reduce_sum3A_1693 : i1 to vector<16xi1>
    %reduce_sum3A_1695 = tpu.scan <sum>, %select_n3A_1692 masked %reduce_sum3A_1694 : vector<16xf32>, vector<16xi1> -> vector<16xf32>
    %reduce_sum3A_1696 = vector.extract %reduce_sum3A_1695[15] : f32 from vector<16xf32>
    %add3A_1697 = arith.addf %add3A_1686, %reduce_sum3A_1696 : f32
    %eq3A_1698 = arith.constant 8 : i32
    %eq3A_1699 = vector.broadcast %eq3A_1698 : i32 to vector<16xi32>
    %eq3A_1700 = arith.cmpi eq, %iota3A, %eq3A_1699 : vector<16xi32>
    %jit3A_1701 = arith.constant 0.000000e+00 : f32
    %broadcast_in_dim3A_1702 = vector.broadcast %jit3A_1701 : f32 to vector<16xf32>
    %select_n3A_1703 = arith.select %eq3A_1700, %rev3A_1608, %broadcast_in_dim3A_1702 : vector<16xi1>, vector<16xf32>
    %reduce_sum3A_1704 = arith.constant true
    %reduce_sum3A_1705 = vector.broadcast %reduce_sum3A_1704 : i1 to vector<16xi1>
    %reduce_sum3A_1706 = tpu.scan <sum>, %select_n3A_1703 masked %reduce_sum3A_1705 : vector<16xf32>, vector<16xi1> -> vector<16xf32>
    %reduce_sum3A_1707 = vector.extract %reduce_sum3A_1706[15] : f32 from vector<16xf32>
    %add3A_1708 = arith.addf %add3A_1697, %reduce_sum3A_1707 : f32
    %eq3A_1709 = arith.constant 9 : i32
    %eq3A_1710 = vector.broadcast %eq3A_1709 : i32 to vector<16xi32>
    %eq3A_1711 = arith.cmpi eq, %iota3A, %eq3A_1710 : vector<16xi32>
    %jit3A_1712 = arith.constant 0.000000e+00 : f32
    %broadcast_in_dim3A_1713 = vector.broadcast %jit3A_1712 : f32 to vector<16xf32>
    %select_n3A_1714 = arith.select %eq3A_1711, %rev3A_1608, %broadcast_in_dim3A_1713 : vector<16xi1>, vector<16xf32>
    %reduce_sum3A_1715 = arith.constant true
    %reduce_sum3A_1716 = vector.broadcast %reduce_sum3A_1715 : i1 to vector<16xi1>
    %reduce_sum3A_1717 = tpu.scan <sum>, %select_n3A_1714 masked %reduce_sum3A_1716 : vector<16xf32>, vector<16xi1> -> vector<16xf32>
    %reduce_sum3A_1718 = vector.extract %reduce_sum3A_1717[15] : f32 from vector<16xf32>
    %add3A_1719 = arith.addf %add3A_1708, %reduce_sum3A_1718 : f32
    %max3A_1720 = arith.constant 1.000000e+00 : f32
    %max3A_1721 = arith.maximumf %add3A_1719, %max3A_1720 : f32
    %add3A_1722 = arith.constant 1 : i32
    %add3A_1723 = vector.broadcast %add3A_1722 : i32 to vector<16xi32>
    %add3A_1724 = arith.addi %iota3A, %add3A_1723 : vector<16xi32>
    %convert_element_type3A_1725 = arith.sitofp %add3A_1724 : vector<16xi32> to vector<16xf32>
    %ge3A_1726 = vector.broadcast %max3A_1721 : f32 to vector<16xf32>
    %ge3A_1727 = arith.cmpf oge, %ge3A_1726, %convert_element_type3A_1725 : vector<16xf32>
    %all_reduce_population_count3A_1728 = tpu.all_reduce %ge3A_1727 {dim = 0 : i64, kind = #tpu.reduction_kind<sum>} : vector<16xi1> -> vector<16xi32>
    %sub3A_1729 = arith.constant 1 : i32
    %sub3A_1730 = vector.broadcast %sub3A_1729 : i32 to vector<16xi32>
    %sub3A_1731 = arith.subi %all_reduce_population_count3A_1728, %sub3A_1730 : vector<16xi32>
    %eq3A_1732 = arith.cmpi eq, %iota3A, %sub3A_1731 : vector<16xi32>
    %jit3A_1733 = arith.constant 0.000000e+00 : f32
    %broadcast_in_dim3A_1734 = vector.broadcast %jit3A_1733 : f32 to vector<16xf32>
    %select_n3A_1735 = arith.select %eq3A_1732, %cond3A_1583#0, %broadcast_in_dim3A_1734 : vector<16xi1>, vector<16xf32>
    %reduce_sum3A_1736 = arith.constant true
    %reduce_sum3A_1737 = vector.broadcast %reduce_sum3A_1736 : i1 to vector<16xi1>
    %reduce_sum3A_1738 = tpu.scan <sum>, %select_n3A_1735 masked %reduce_sum3A_1737 : vector<16xf32>, vector<16xi1> -> vector<16xf32>
    %reduce_sum3A_1739 = vector.extract %reduce_sum3A_1738[15] : f32 from vector<16xf32>
    %lt3A_1740 = vector.broadcast %reduce_sum3A_1739 : f32 to vector<16xf32>
    %lt3A_1741 = arith.cmpf olt, %cond3A_1583#0, %lt3A_1740 : vector<16xf32>
    %jit3A_1742 = arith.constant 1 : i32
    %jit3A_1743 = arith.constant 0 : i32
    %broadcast_in_dim3A_1744 = vector.broadcast %jit3A_1742 : i32 to vector<16xi32>
    %broadcast_in_dim3A_1745 = vector.broadcast %jit3A_1743 : i32 to vector<16xi32>
    %select_n3A_1746 = arith.select %lt3A_1741, %broadcast_in_dim3A_1744, %broadcast_in_dim3A_1745 : vector<16xi1>, vector<16xi32>
    %reduce_sum3A_1747 = arith.constant true
    %reduce_sum3A_1748 = vector.broadcast %reduce_sum3A_1747 : i1 to vector<16xi1>
    %reduce_sum3A_1749 = tpu.scan <sum>, %select_n3A_1746 masked %reduce_sum3A_1748 : vector<16xi32>, vector<16xi1> -> vector<16xi32>
    %reduce_sum3A_1750 = vector.extract %reduce_sum3A_1749[15] : i32 from vector<16xi32>
    %sub3A_1751 = vector.broadcast %reduce_sum3A_1750 : i32 to vector<16xi32>
    %sub3A_1752 = arith.subi %all_reduce_population_count3A_1728, %sub3A_1751 : vector<16xi32>
    %eq3A_1753 = arith.cmpi eq, %iota3A, %all_reduce_population_count3A_1728 : vector<16xi32>
    %jit3A_1754 = arith.constant 0.000000e+00 : f32
    %broadcast_in_dim3A_1755 = vector.broadcast %jit3A_1754 : f32 to vector<16xf32>
    %select_n3A_1756 = arith.select %eq3A_1753, %cond3A_1583#0, %broadcast_in_dim3A_1755 : vector<16xi1>, vector<16xf32>
    %reduce_sum3A_1757 = arith.constant true
    %reduce_sum3A_1758 = vector.broadcast %reduce_sum3A_1757 : i1 to vector<16xi1>
    %reduce_sum3A_1759 = tpu.scan <sum>, %select_n3A_1756 masked %reduce_sum3A_1758 : vector<16xf32>, vector<16xi1> -> vector<16xf32>
    %reduce_sum3A_1760 = vector.extract %reduce_sum3A_1759[15] : f32 from vector<16xf32>
    %eq3A_1761 = arith.cmpf oeq, %reduce_sum3A_1760, %reduce_sum3A_1739 : f32
    %lt3A_1762 = arith.constant 1.000000e+29 : f32
    %lt3A_1763 = arith.cmpf olt, %reduce_sum3A_1739, %lt3A_1762 : f32
    %and3A_1764 = arith.andi %eq3A_1761, %lt3A_1763 : i1
    %convert_element_type3A_1765 = arith.extui %and3A_1764 : i1 to i32
    %cond3A_1766 = arith.constant 0 : i32
    %cond3A_1767 = arith.cmpi ne, %convert_element_type3A_1765, %cond3A_1766 : i32
    %cond3A_1768 = scf.if %cond3A_1767 -> (i32) {
      %scan3A_1790 = arith.constant 0 : i32
      %scan3A_1791 = arith.constant 20480 : i32
      %scan3A_1792 = arith.constant 0 : i32
      %scan3A_1793 = arith.constant 1280 : i32
      %scan3A_1794 = arith.addi %scan3A_1792, %scan3A_1793 : i32
      %scan3A_1795 = arith.constant 1 : i32
      %scan3A_1796:2 = scf.for %scan3A_1798 = %scan3A_1792 to %scan3A_1794 step %scan3A_1795 iter_args(%scan3A_1799 = %scan3A_1790, %scan3A_1800 = %scan3A_1791) -> (i32, i32)  : i32 {
        %mul3A_1801 = arith.constant 16 : i32
        %mul3A_1802 = arith.muli %scan3A_1798, %mul3A_1801 : i32
        %get3A = arith.index_cast %mul3A_1802 : i32 to index
        %get3A_1803 = tpu.vector_load %arg9[%get3A] {strides = array<i32>} : memref<20480xf32, #tpu.memory_space<vmem>>, vector<16xf32>,
        %eq3A_1804 = vector.broadcast %reduce_sum3A_1739 : f32 to vector<16xf32>
        %eq3A_1805 = arith.cmpf oeq, %get3A_1803, %eq3A_1804 : vector<16xf32>
        %jit3A_1806 = arith.constant 1 : i32
        %jit3A_1807 = arith.constant 0 : i32
        %broadcast_in_dim3A_1808 = vector.broadcast %jit3A_1806 : i32 to vector<16xi32>
        %broadcast_in_dim3A_1809 = vector.broadcast %jit3A_1807 : i32 to vector<16xi32>
        %select_n3A_1810 = arith.select %eq3A_1805, %broadcast_in_dim3A_1808, %broadcast_in_dim3A_1809 : vector<16xi1>, vector<16xi32>
        %cumsum3A = arith.constant true
        %cumsum3A_1811 = vector.broadcast %cumsum3A : i1 to vector<16xi1>
        %cumsum3A_1812 = tpu.scan <sum>, %select_n3A_1810 masked %cumsum3A_1811 : vector<16xi32>, vector<16xi1> -> vector<16xi32>
        %add3A_1813 = vector.broadcast %scan3A_1799 : i32 to vector<16xi32>
        %add3A_1814 = arith.addi %add3A_1813, %cumsum3A_1812 : vector<16xi32>
        %eq3A_1815 = arith.cmpi eq, %add3A_1814, %sub3A_1752 : vector<16xi32>
        %and3A_1816 = arith.andi %eq3A_1805, %eq3A_1815 : vector<16xi1>
        %mul3A_1817 = arith.constant 16 : i32
        %mul3A_1818 = arith.muli %scan3A_1798, %mul3A_1817 : i32
        %add3A_1819 = vector.broadcast %mul3A_1818 : i32 to vector<16xi32>
        %add3A_1820 = arith.addi %iota3A, %add3A_1819 : vector<16xi32>
        %jit3A_1821 = arith.constant 20480 : i32
        %broadcast_in_dim3A_1822 = vector.broadcast %jit3A_1821 : i32 to vector<16xi32>
        %select_n3A_1823 = arith.select %and3A_1816, %add3A_1820, %broadcast_in_dim3A_1822 : vector<16xi1>, vector<16xi32>
        %reduce_min3A = arith.constant true
        %reduce_min3A_1824 = vector.broadcast %reduce_min3A : i1 to vector<16xi1>
        %reduce_min3A_1825 = arith.constant -2147483648 : i32
        %reduce_min3A_1826 = vector.broadcast %reduce_min3A_1825 : i32 to vector<16xi32>
        %reduce_min3A_1827 = arith.xori %select_n3A_1823, %reduce_min3A_1826 : vector<16xi32>
        %reduce_min3A_1828 = tpu.scan <min>, %reduce_min3A_1827 masked %reduce_min3A_1824 : vector<16xi32>, vector<16xi1> -> vector<16xi32>
        %reduce_min3A_1829 = arith.xori %reduce_min3A_1828, %reduce_min3A_1826 : vector<16xi32>
        %reduce_min3A_1830 = vector.extract %reduce_min3A_1829[15] : i32 from vector<16xi32>
        %min3A = arith.minsi %scan3A_1800, %reduce_min3A_1830 : i32
        %reduce_sum3A_1831 = arith.constant true
        %reduce_sum3A_1832 = vector.broadcast %reduce_sum3A_1831 : i1 to vector<16xi1>
        %reduce_sum3A_1833 = tpu.scan <sum>, %select_n3A_1810 masked %reduce_sum3A_1832 : vector<16xi32>, vector<16xi1> -> vector<16xi32>
        %reduce_sum3A_1834 = vector.extract %reduce_sum3A_1833[15] : i32 from vector<16xi32>
        %add3A_1835 = arith.addi %scan3A_1799, %reduce_sum3A_1834 : i32
        scf.yield %add3A_1835, %min3A : i32, i32
      }
      %scan3A_1797 = arith.constant 1280 : i32
      scf.yield %scan3A_1796#1 : i32
    } else {
      %cond3A_1790 = arith.constant 20480 : i32
      scf.yield %cond3A_1790 : i32
    }
    %lt3A_1769 = arith.constant 1.000000e+29 : f32
    %lt3A_1770 = arith.cmpf olt, %reduce_sum3A_1739, %lt3A_1769 : f32
    %jit3A_1771 = arith.constant -1 : i32
    %select_n3A_1772 = arith.select %lt3A_1770, %cond3A_1768, %jit3A_1771 : i32
    %eq3A_1773 = arith.constant 0 : i32
    %eq3A_1774 = vector.broadcast %eq3A_1773 : i32 to vector<16xi32>
    %eq3A_1775 = arith.cmpi eq, %iota3A, %eq3A_1774 : vector<16xi32>
    %eq3A_1776 = arith.constant 1 : i32
    %eq3A_1777 = vector.broadcast %eq3A_1776 : i32 to vector<16xi32>
    %eq3A_1778 = arith.cmpi eq, %iota3A, %eq3A_1777 : vector<16xi32>
    %convert_element_type3A_1779 = arith.sitofp %select_n3A_1772 : i32 to f32
    %jit3A_1780 = arith.constant 0.000000e+00 : f32
    %broadcast_in_dim3A_1781 = vector.broadcast %convert_element_type3A_1779 : f32 to vector<16xf32>
    %broadcast_in_dim3A_1782 = vector.broadcast %jit3A_1780 : f32 to vector<16xf32>
    %select_n3A_1783 = arith.select %eq3A_1778, %broadcast_in_dim3A_1781, %broadcast_in_dim3A_1782 : vector<16xi1>, vector<16xf32>
    %broadcast_in_dim3A_1784 = vector.broadcast %reduce_sum3A_1739 : f32 to vector<16xf32>
    %select_n3A_1785 = arith.select %eq3A_1775, %broadcast_in_dim3A_1784, %select_n3A_1783 : vector<16xi1>, vector<16xf32>
    %swap3A_1786 = arith.constant 0 : index
    %swap3A_1787 = tpu.vector_load %arg15[%swap3A_1786] {strides = array<i32>} : memref<16xf32, #tpu.memory_space<vmem>>, vector<16xf32>,
    tpu.vector_store %arg15[%swap3A_1786], %select_n3A_1785 {strides = array<i32>} : memref<16xf32, #tpu.memory_space<vmem>>, vector<16xf32>,
    %mul3A_1788 = arith.constant 16 : i32
    %mul3A_1789 = arith.muli %add3A_913, %mul3A_1788 : i32
    "tpu.region"() ({
      %run_scoped3A = tpu.sem_alloc : memref<!tpu.dma_semaphore, #tpu.memory_space<semaphore_mem>>
      %dma_start3A_1790 = tpu.memref_slice %arg6[%mul3A_1789] : memref<1024xf32, #tpu.memory_space<hbm>> -> memref<16xf32, #tpu.memory_space<hbm>>
      %dma_start3A_1791 = tpu.memref_slice %arg6[%mul3A_1789] : memref<1024xf32, #tpu.memory_space<hbm>> -> memref<16xf32, #tpu.memory_space<hbm>>
      tpu.enqueue_dma source(%arg15 : memref<16xf32, #tpu.memory_space<vmem>>) target(%dma_start3A_1791 : memref<16xf32, #tpu.memory_space<hbm>>) target_semaphore(%run_scoped3A : memref<!tpu.dma_semaphore, #tpu.memory_space<semaphore_mem>>)
      %dma_wait3A_1792 = tpu.memref_slice %arg6[%mul3A_1789] : memref<1024xf32, #tpu.memory_space<hbm>> -> memref<16xf32, #tpu.memory_space<hbm>>
      %dma_wait3A_1793 = tpu.memref_slice %arg6[%mul3A_1789] : memref<1024xf32, #tpu.memory_space<hbm>> -> memref<16xf32, #tpu.memory_space<hbm>>
      tpu.wait_dma2 semaphore(%run_scoped3A : memref<!tpu.dma_semaphore, #tpu.memory_space<semaphore_mem>>) src(%arg15 : memref<16xf32, #tpu.memory_space<vmem>>) dst(%dma_wait3A_1793 : memref<16xf32, #tpu.memory_space<hbm>>)
      tpu.yield
    }) : () -> ()
    return
  }
}

module attributes {stable_mosaic.version = 14 : i64} {
  func.func @_a1_body(%arg0: memref<4x20480xf32, #tpu.memory_space<vmem>>, %arg1: memref<4x20480xf32, #tpu.memory_space<vmem>>, %arg2: memref<64x4xf32, #tpu.memory_space<vmem>>, %arg3: memref<1x20480xf32, #tpu.memory_space<vmem>>, %arg4: memref<1x20480xf32, #tpu.memory_space<vmem>>, %arg5: memref<64x20480xf32, #tpu.memory_space<vmem>>, %arg6: memref<64x20480xf32, #tpu.memory_space<vmem>>, %arg7: memref<64x1280xf32, #tpu.memory_space<vmem>>, %arg8: memref<64x1280xf32, #tpu.memory_space<vmem>>, %arg9: memref<1x20480xf32, #tpu.memory_space<vmem>>) attributes {dimension_semantics = [], scalar_prefetch = 0 : i64, scratch_operands = 0 : i64, tpu.core_type = #tpu.core_type<tc>} {
    %get3A = arith.constant 0 : index
    %get3A_0 = arith.constant 0 : index
    %get3A_1 = vector.load %arg0[%get3A, %get3A_0] : memref<4x20480xf32, #tpu.memory_space<vmem>>, vector<1x20480xf32>
    %get3A_2 = arith.constant 1 : index
    %get3A_3 = arith.constant 0 : index
    %get3A_4 = vector.load %arg0[%get3A_2, %get3A_3] : memref<4x20480xf32, #tpu.memory_space<vmem>>, vector<1x20480xf32>
    %get3A_5 = arith.constant 2 : index
    %get3A_6 = arith.constant 0 : index
    %get3A_7 = vector.load %arg0[%get3A_5, %get3A_6] : memref<4x20480xf32, #tpu.memory_space<vmem>>, vector<1x20480xf32>
    %get3A_8 = arith.constant 3 : index
    %get3A_9 = arith.constant 0 : index
    %get3A_10 = vector.load %arg0[%get3A_8, %get3A_9] : memref<4x20480xf32, #tpu.memory_space<vmem>>, vector<1x20480xf32>
    %get3A_11 = arith.constant 0 : index
    %get3A_12 = arith.constant 0 : index
    %get3A_13 = vector.load %arg1[%get3A_11, %get3A_12] : memref<4x20480xf32, #tpu.memory_space<vmem>>, vector<1x20480xf32>
    %get3A_14 = arith.constant 1 : index
    %get3A_15 = arith.constant 0 : index
    %get3A_16 = vector.load %arg1[%get3A_14, %get3A_15] : memref<4x20480xf32, #tpu.memory_space<vmem>>, vector<1x20480xf32>
    %get3A_17 = arith.constant 2 : index
    %get3A_18 = arith.constant 0 : index
    %get3A_19 = vector.load %arg1[%get3A_17, %get3A_18] : memref<4x20480xf32, #tpu.memory_space<vmem>>, vector<1x20480xf32>
    %get3A_20 = arith.constant 3 : index
    %get3A_21 = arith.constant 0 : index
    %get3A_22 = vector.load %arg1[%get3A_20, %get3A_21] : memref<4x20480xf32, #tpu.memory_space<vmem>>, vector<1x20480xf32>
    %sub3A = arith.subf %get3A_7, %get3A_1 : vector<1x20480xf32>
    %sub3A_23 = arith.subf %get3A_10, %get3A_4 : vector<1x20480xf32>
    %mul3A = arith.constant 5.000000e-01 : f32
    %mul3A_24 = vector.broadcast %mul3A : f32 to vector<1x20480xf32>
    %mul3A_25 = arith.mulf %mul3A_24, %sub3A : vector<1x20480xf32>
    %add3A = arith.addf %get3A_1, %mul3A_25 : vector<1x20480xf32>
    %mul3A_26 = arith.constant 5.000000e-01 : f32
    %mul3A_27 = vector.broadcast %mul3A_26 : f32 to vector<1x20480xf32>
    %mul3A_28 = arith.mulf %mul3A_27, %sub3A_23 : vector<1x20480xf32>
    %add3A_29 = arith.addf %get3A_4, %mul3A_28 : vector<1x20480xf32>
    %div3A = arith.constant 1.000000e+01 : f32
    %div3A_30 = vector.broadcast %div3A : f32 to vector<1x20480xf32>
    %div3A_31 = arith.divf %get3A_13, %div3A_30 : vector<1x20480xf32>
    %div3A_32 = arith.constant 1.000000e+01 : f32
    %div3A_33 = vector.broadcast %div3A_32 : f32 to vector<1x20480xf32>
    %div3A_34 = arith.divf %get3A_16, %div3A_33 : vector<1x20480xf32>
    %div3A_35 = arith.constant 5.000000e+00 : f32
    %div3A_36 = vector.broadcast %div3A_35 : f32 to vector<1x20480xf32>
    %div3A_37 = arith.divf %get3A_19, %div3A_36 : vector<1x20480xf32>
    %min3A = arith.constant 4.13516665 : f32
    %min3A_38 = vector.broadcast %min3A : f32 to vector<1x20480xf32>
    %min3A_39 = arith.minimumf %div3A_37, %min3A_38 : vector<1x20480xf32>
    %div3A_40 = arith.constant 5.000000e+00 : f32
    %div3A_41 = vector.broadcast %div3A_40 : f32 to vector<1x20480xf32>
    %div3A_42 = arith.divf %get3A_22, %div3A_41 : vector<1x20480xf32>
    %min3A_43 = arith.constant 4.13516665 : f32
    %min3A_44 = vector.broadcast %min3A_43 : f32 to vector<1x20480xf32>
    %min3A_45 = arith.minimumf %div3A_42, %min3A_44 : vector<1x20480xf32>
    %mul3A_46 = arith.mulf %div3A_31, %sub3A : vector<1x20480xf32>
    %add3A_47 = arith.addf %mul3A_46, %add3A : vector<1x20480xf32>
    %mul3A_48 = arith.mulf %div3A_34, %sub3A_23 : vector<1x20480xf32>
    %add3A_49 = arith.addf %mul3A_48, %add3A_29 : vector<1x20480xf32>
    %exp3A = math.exp %min3A_39 : vector<1x20480xf32>
    %mul3A_50 = arith.mulf %exp3A, %sub3A : vector<1x20480xf32>
    %exp3A_51 = math.exp %min3A_45 : vector<1x20480xf32>
    %mul3A_52 = arith.mulf %exp3A_51, %sub3A_23 : vector<1x20480xf32>
    %mul3A_53 = arith.constant 5.000000e-01 : f32
    %mul3A_54 = vector.broadcast %mul3A_53 : f32 to vector<1x20480xf32>
    %mul3A_55 = arith.mulf %mul3A_54, %mul3A_50 : vector<1x20480xf32>
    %sub3A_56 = arith.subf %add3A_47, %mul3A_55 : vector<1x20480xf32>
    %mul3A_57 = arith.constant 5.000000e-01 : f32
    %mul3A_58 = vector.broadcast %mul3A_57 : f32 to vector<1x20480xf32>
    %mul3A_59 = arith.mulf %mul3A_58, %mul3A_52 : vector<1x20480xf32>
    %sub3A_60 = arith.subf %add3A_49, %mul3A_59 : vector<1x20480xf32>
    %mul3A_61 = arith.constant 5.000000e-01 : f32
    %mul3A_62 = vector.broadcast %mul3A_61 : f32 to vector<1x20480xf32>
    %mul3A_63 = arith.mulf %mul3A_62, %mul3A_50 : vector<1x20480xf32>
    %add3A_64 = arith.addf %add3A_47, %mul3A_63 : vector<1x20480xf32>
    %mul3A_65 = arith.constant 5.000000e-01 : f32
    %mul3A_66 = vector.broadcast %mul3A_65 : f32 to vector<1x20480xf32>
    %mul3A_67 = arith.mulf %mul3A_66, %mul3A_52 : vector<1x20480xf32>
    %add3A_68 = arith.addf %add3A_49, %mul3A_67 : vector<1x20480xf32>
    %add3A_69 = arith.addf %get3A_1, %get3A_7 : vector<1x20480xf32>
    %div3A_70 = arith.constant 2.000000e+00 : f32
    %div3A_71 = vector.broadcast %div3A_70 : f32 to vector<1x20480xf32>
    %div3A_72 = arith.divf %add3A_69, %div3A_71 : vector<1x20480xf32>
    %add3A_73 = arith.addf %get3A_4, %get3A_10 : vector<1x20480xf32>
    %div3A_74 = arith.constant 2.000000e+00 : f32
    %div3A_75 = vector.broadcast %div3A_74 : f32 to vector<1x20480xf32>
    %div3A_76 = arith.divf %add3A_73, %div3A_75 : vector<1x20480xf32>
    %get3A_77 = arith.constant 0 : index
    %get3A_78 = arith.constant 0 : index
    %get3A_79 = vector.load %arg2[%get3A_77, %get3A_78] : memref<64x4xf32, #tpu.memory_space<vmem>>, vector<64x1xf32>
    %get3A_80 = arith.constant 0 : index
    %get3A_81 = arith.constant 1 : index
    %get3A_82 = vector.load %arg2[%get3A_80, %get3A_81] : memref<64x4xf32, #tpu.memory_space<vmem>>, vector<64x1xf32>
    %get3A_83 = arith.constant 0 : index
    %get3A_84 = arith.constant 2 : index
    %get3A_85 = vector.load %arg2[%get3A_83, %get3A_84] : memref<64x4xf32, #tpu.memory_space<vmem>>, vector<64x1xf32>
    %get3A_86 = arith.constant 0 : index
    %get3A_87 = arith.constant 3 : index
    %get3A_88 = vector.load %arg2[%get3A_86, %get3A_87] : memref<64x4xf32, #tpu.memory_space<vmem>>, vector<64x1xf32>
    %get3A_89 = arith.constant 0 : index
    %get3A_90 = arith.constant 0 : index
    %get3A_91 = vector.load %arg4[%get3A_89, %get3A_90] : memref<1x20480xf32, #tpu.memory_space<vmem>>, vector<1x20480xf32>
    %mul3A_92 = arith.constant 1.500000e+00 : f32
    %mul3A_93 = vector.broadcast %mul3A_92 : f32 to vector<1x20480xf32>
    %mul3A_94 = arith.mulf %mul3A_93, %get3A_91 : vector<1x20480xf32>
    %add3A_95 = arith.addf %get3A_79, %get3A_85 : vector<64x1xf32>
    %div3A_96 = arith.constant 2.000000e+00 : f32
    %div3A_97 = vector.broadcast %div3A_96 : f32 to vector<64x1xf32>
    %div3A_98 = arith.divf %add3A_95, %div3A_97 : vector<64x1xf32>
    %add3A_99 = arith.addf %get3A_82, %get3A_88 : vector<64x1xf32>
    %div3A_100 = arith.constant 2.000000e+00 : f32
    %div3A_101 = vector.broadcast %div3A_100 : f32 to vector<64x1xf32>
    %div3A_102 = arith.divf %add3A_99, %div3A_101 : vector<64x1xf32>
    %sub3A_103 = vector.broadcast %div3A_72 : vector<1x20480xf32> to vector<64x20480xf32>
    %sub3A_104 = vector.broadcast %div3A_98 : vector<64x1xf32> to vector<64x20480xf32>
    %sub3A_105 = arith.subf %sub3A_103, %sub3A_104 : vector<64x20480xf32>
    %abs3A = math.absf %sub3A_105 : vector<64x20480xf32>
    %lt3A = vector.broadcast %mul3A_94 : vector<1x20480xf32> to vector<64x20480xf32>
    %lt3A_106 = arith.cmpf olt, %abs3A, %lt3A : vector<64x20480xf32>
    %sub3A_107 = vector.broadcast %div3A_76 : vector<1x20480xf32> to vector<64x20480xf32>
    %sub3A_108 = vector.broadcast %div3A_102 : vector<64x1xf32> to vector<64x20480xf32>
    %sub3A_109 = arith.subf %sub3A_107, %sub3A_108 : vector<64x20480xf32>
    %abs3A_110 = math.absf %sub3A_109 : vector<64x20480xf32>
    %lt3A_111 = vector.broadcast %mul3A_94 : vector<1x20480xf32> to vector<64x20480xf32>
    %lt3A_112 = arith.cmpf olt, %abs3A_110, %lt3A_111 : vector<64x20480xf32>
    %and3A = arith.andi %lt3A_106, %lt3A_112 : vector<64x20480xi1>
    %sub3A_113 = arith.subf %get3A_85, %get3A_79 : vector<64x1xf32>
    %sub3A_114 = arith.subf %get3A_88, %get3A_82 : vector<64x1xf32>
    %mul3A_115 = arith.mulf %sub3A_113, %sub3A_114 : vector<64x1xf32>
    %sub3A_116 = arith.subf %add3A_64, %sub3A_56 : vector<1x20480xf32>
    %sub3A_117 = arith.subf %add3A_68, %sub3A_60 : vector<1x20480xf32>
    %mul3A_118 = arith.mulf %sub3A_116, %sub3A_117 : vector<1x20480xf32>
    %max3A = vector.broadcast %get3A_79 : vector<64x1xf32> to vector<64x20480xf32>
    %max3A_119 = vector.broadcast %sub3A_56 : vector<1x20480xf32> to vector<64x20480xf32>
    %max3A_120 = arith.maximumf %max3A, %max3A_119 : vector<64x20480xf32>
    %max3A_121 = vector.broadcast %get3A_82 : vector<64x1xf32> to vector<64x20480xf32>
    %max3A_122 = vector.broadcast %sub3A_60 : vector<1x20480xf32> to vector<64x20480xf32>
    %max3A_123 = arith.maximumf %max3A_121, %max3A_122 : vector<64x20480xf32>
    %min3A_124 = vector.broadcast %get3A_85 : vector<64x1xf32> to vector<64x20480xf32>
    %min3A_125 = vector.broadcast %add3A_64 : vector<1x20480xf32> to vector<64x20480xf32>
    %min3A_126 = arith.minimumf %min3A_124, %min3A_125 : vector<64x20480xf32>
    %min3A_127 = vector.broadcast %get3A_88 : vector<64x1xf32> to vector<64x20480xf32>
    %min3A_128 = vector.broadcast %add3A_68 : vector<1x20480xf32> to vector<64x20480xf32>
    %min3A_129 = arith.minimumf %min3A_127, %min3A_128 : vector<64x20480xf32>
    %sub3A_130 = arith.subf %min3A_126, %max3A_120 : vector<64x20480xf32>
    %jit3A = arith.constant 0.000000e+00 : f32
    %max3A_131 = vector.broadcast %jit3A : f32 to vector<64x20480xf32>
    %max3A_132 = arith.maximumf %max3A_131, %sub3A_130 : vector<64x20480xf32>
    %sub3A_133 = arith.subf %min3A_129, %max3A_123 : vector<64x20480xf32>
    %jit3A_134 = arith.constant 0.000000e+00 : f32
    %max3A_135 = vector.broadcast %jit3A_134 : f32 to vector<64x20480xf32>
    %max3A_136 = arith.maximumf %max3A_135, %sub3A_133 : vector<64x20480xf32>
    %mul3A_137 = arith.mulf %max3A_132, %max3A_136 : vector<64x20480xf32>
    %add3A_138 = vector.broadcast %mul3A_115 : vector<64x1xf32> to vector<64x20480xf32>
    %add3A_139 = vector.broadcast %mul3A_118 : vector<1x20480xf32> to vector<64x20480xf32>
    %add3A_140 = arith.addf %add3A_138, %add3A_139 : vector<64x20480xf32>
    %sub3A_141 = arith.subf %add3A_140, %mul3A_137 : vector<64x20480xf32>
    %max3A_142 = arith.constant 9.99999993E-9 : f32
    %max3A_143 = vector.broadcast %max3A_142 : f32 to vector<64x20480xf32>
    %max3A_144 = arith.maximumf %sub3A_141, %max3A_143 : vector<64x20480xf32>
    %div3A_145 = arith.divf %mul3A_137, %max3A_144 : vector<64x20480xf32>
    %add3A_146 = arith.constant 9.99999993E-9 : f32
    %add3A_147 = vector.broadcast %add3A_146 : f32 to vector<64x20480xf32>
    %add3A_148 = arith.addf %div3A_145, %add3A_147 : vector<64x20480xf32>
    %log3A = math.log %add3A_148 : vector<64x20480xf32>
    %neg3A = arith.constant 0.000000e+00 : f32
    %neg3A_149 = vector.broadcast %neg3A : f32 to vector<64x20480xf32>
    %neg3A_150 = arith.subf %neg3A_149, %log3A : vector<64x20480xf32>
    %get3A_151 = arith.constant 0 : index
    %get3A_152 = arith.constant 0 : index
    %get3A_153 = vector.load %arg3[%get3A_151, %get3A_152] : memref<1x20480xf32, #tpu.memory_space<vmem>>, vector<1x20480xf32>
    %logistic3A = arith.negf %get3A_153 : vector<1x20480xf32>
    %logistic3A_154 = math.exp %logistic3A : vector<1x20480xf32>
    %logistic3A_155 = arith.constant 1.000000e+00 : f32
    %logistic3A_156 = vector.broadcast %logistic3A_155 : f32 to vector<1x20480xf32>
    %logistic3A_157 = arith.addf %logistic3A_156, %logistic3A_154 : vector<1x20480xf32>
    %logistic3A_158 = arith.divf %logistic3A_156, %logistic3A_157 : vector<1x20480xf32>
    %add3A_159 = arith.constant 9.99999996E-13 : f32
    %add3A_160 = vector.broadcast %add3A_159 : f32 to vector<1x20480xf32>
    %add3A_161 = arith.addf %logistic3A_158, %add3A_160 : vector<1x20480xf32>
    %log3A_162 = math.log %add3A_161 : vector<1x20480xf32>
    %neg3A_163 = arith.constant 0.000000e+00 : f32
    %neg3A_164 = vector.broadcast %neg3A_163 : f32 to vector<1x20480xf32>
    %neg3A_165 = arith.subf %neg3A_164, %log3A_162 : vector<1x20480xf32>
    %mul3A_166 = arith.constant 3.000000e+00 : f32
    %mul3A_167 = vector.broadcast %mul3A_166 : f32 to vector<64x20480xf32>
    %mul3A_168 = arith.mulf %mul3A_167, %neg3A_150 : vector<64x20480xf32>
    %add3A_169 = vector.broadcast %neg3A_165 : vector<1x20480xf32> to vector<64x20480xf32>
    %add3A_170 = arith.addf %add3A_169, %mul3A_168 : vector<64x20480xf32>
    %jit3A_171 = arith.constant 1.000000e+30 : f32
    %broadcast_in_dim3A = vector.broadcast %jit3A_171 : f32 to vector<64x20480xf32>
    %select_n3A = arith.select %and3A, %add3A_170, %broadcast_in_dim3A : vector<64x20480xi1>, vector<64x20480xf32>
    %jit3A_172 = arith.constant 0.000000e+00 : f32
    %broadcast_in_dim3A_173 = vector.broadcast %jit3A_172 : f32 to vector<64x20480xf32>
    %select_n3A_174 = arith.select %and3A, %div3A_145, %broadcast_in_dim3A_173 : vector<64x20480xi1>, vector<64x20480xf32>
    %swap3A = arith.constant 0 : index
    %swap3A_175 = arith.constant 0 : index
    %swap3A_176 = vector.load %arg5[%swap3A, %swap3A_175] : memref<64x20480xf32, #tpu.memory_space<vmem>>, vector<64x20480xf32>
    tpu.vector_store %arg5[%swap3A, %swap3A_175], %select_n3A {strides = array<i32>} : memref<64x20480xf32, #tpu.memory_space<vmem>>, vector<64x20480xf32>,
    %swap3A_177 = arith.constant 0 : index
    %swap3A_178 = arith.constant 0 : index
    %swap3A_179 = vector.load %arg6[%swap3A_177, %swap3A_178] : memref<64x20480xf32, #tpu.memory_space<vmem>>, vector<64x20480xf32>
    tpu.vector_store %arg6[%swap3A_177, %swap3A_178], %select_n3A_174 {strides = array<i32>} : memref<64x20480xf32, #tpu.memory_space<vmem>>, vector<64x20480xf32>,
    %slice3A = vector.extract_strided_slice %select_n3A {offsets = [0, 0], sizes = [64, 1280], strides = [1, 1]} : vector<64x20480xf32> to vector<64x1280xf32>
    %slice3A_180 = vector.extract_strided_slice %select_n3A_174 {offsets = [0, 0], sizes = [64, 1280], strides = [1, 1]} : vector<64x20480xf32> to vector<64x1280xf32>
    %slice3A_181 = vector.extract_strided_slice %select_n3A {offsets = [0, 1280], sizes = [64, 1280], strides = [1, 1]} : vector<64x20480xf32> to vector<64x1280xf32>
    %min3A_182 = arith.minimumf %slice3A, %slice3A_181 : vector<64x1280xf32>
    %slice3A_183 = vector.extract_strided_slice %select_n3A_174 {offsets = [0, 1280], sizes = [64, 1280], strides = [1, 1]} : vector<64x20480xf32> to vector<64x1280xf32>
    %max3A_184 = arith.maximumf %slice3A_180, %slice3A_183 : vector<64x1280xf32>
    %slice3A_185 = vector.extract_strided_slice %select_n3A {offsets = [0, 2560], sizes = [64, 1280], strides = [1, 1]} : vector<64x20480xf32> to vector<64x1280xf32>
    %min3A_186 = arith.minimumf %min3A_182, %slice3A_185 : vector<64x1280xf32>
    %slice3A_187 = vector.extract_strided_slice %select_n3A_174 {offsets = [0, 2560], sizes = [64, 1280], strides = [1, 1]} : vector<64x20480xf32> to vector<64x1280xf32>
    %max3A_188 = arith.maximumf %max3A_184, %slice3A_187 : vector<64x1280xf32>
    %slice3A_189 = vector.extract_strided_slice %select_n3A {offsets = [0, 3840], sizes = [64, 1280], strides = [1, 1]} : vector<64x20480xf32> to vector<64x1280xf32>
    %min3A_190 = arith.minimumf %min3A_186, %slice3A_189 : vector<64x1280xf32>
    %slice3A_191 = vector.extract_strided_slice %select_n3A_174 {offsets = [0, 3840], sizes = [64, 1280], strides = [1, 1]} : vector<64x20480xf32> to vector<64x1280xf32>
    %max3A_192 = arith.maximumf %max3A_188, %slice3A_191 : vector<64x1280xf32>
    %slice3A_193 = vector.extract_strided_slice %select_n3A {offsets = [0, 5120], sizes = [64, 1280], strides = [1, 1]} : vector<64x20480xf32> to vector<64x1280xf32>
    %min3A_194 = arith.minimumf %min3A_190, %slice3A_193 : vector<64x1280xf32>
    %slice3A_195 = vector.extract_strided_slice %select_n3A_174 {offsets = [0, 5120], sizes = [64, 1280], strides = [1, 1]} : vector<64x20480xf32> to vector<64x1280xf32>
    %max3A_196 = arith.maximumf %max3A_192, %slice3A_195 : vector<64x1280xf32>
    %slice3A_197 = vector.extract_strided_slice %select_n3A {offsets = [0, 6400], sizes = [64, 1280], strides = [1, 1]} : vector<64x20480xf32> to vector<64x1280xf32>
    %min3A_198 = arith.minimumf %min3A_194, %slice3A_197 : vector<64x1280xf32>
    %slice3A_199 = vector.extract_strided_slice %select_n3A_174 {offsets = [0, 6400], sizes = [64, 1280], strides = [1, 1]} : vector<64x20480xf32> to vector<64x1280xf32>
    %max3A_200 = arith.maximumf %max3A_196, %slice3A_199 : vector<64x1280xf32>
    %slice3A_201 = vector.extract_strided_slice %select_n3A {offsets = [0, 7680], sizes = [64, 1280], strides = [1, 1]} : vector<64x20480xf32> to vector<64x1280xf32>
    %min3A_202 = arith.minimumf %min3A_198, %slice3A_201 : vector<64x1280xf32>
    %slice3A_203 = vector.extract_strided_slice %select_n3A_174 {offsets = [0, 7680], sizes = [64, 1280], strides = [1, 1]} : vector<64x20480xf32> to vector<64x1280xf32>
    %max3A_204 = arith.maximumf %max3A_200, %slice3A_203 : vector<64x1280xf32>
    %slice3A_205 = vector.extract_strided_slice %select_n3A {offsets = [0, 8960], sizes = [64, 1280], strides = [1, 1]} : vector<64x20480xf32> to vector<64x1280xf32>
    %min3A_206 = arith.minimumf %min3A_202, %slice3A_205 : vector<64x1280xf32>
    %slice3A_207 = vector.extract_strided_slice %select_n3A_174 {offsets = [0, 8960], sizes = [64, 1280], strides = [1, 1]} : vector<64x20480xf32> to vector<64x1280xf32>
    %max3A_208 = arith.maximumf %max3A_204, %slice3A_207 : vector<64x1280xf32>
    %slice3A_209 = vector.extract_strided_slice %select_n3A {offsets = [0, 10240], sizes = [64, 1280], strides = [1, 1]} : vector<64x20480xf32> to vector<64x1280xf32>
    %min3A_210 = arith.minimumf %min3A_206, %slice3A_209 : vector<64x1280xf32>
    %slice3A_211 = vector.extract_strided_slice %select_n3A_174 {offsets = [0, 10240], sizes = [64, 1280], strides = [1, 1]} : vector<64x20480xf32> to vector<64x1280xf32>
    %max3A_212 = arith.maximumf %max3A_208, %slice3A_211 : vector<64x1280xf32>
    %slice3A_213 = vector.extract_strided_slice %select_n3A {offsets = [0, 11520], sizes = [64, 1280], strides = [1, 1]} : vector<64x20480xf32> to vector<64x1280xf32>
    %min3A_214 = arith.minimumf %min3A_210, %slice3A_213 : vector<64x1280xf32>
    %slice3A_215 = vector.extract_strided_slice %select_n3A_174 {offsets = [0, 11520], sizes = [64, 1280], strides = [1, 1]} : vector<64x20480xf32> to vector<64x1280xf32>
    %max3A_216 = arith.maximumf %max3A_212, %slice3A_215 : vector<64x1280xf32>
    %slice3A_217 = vector.extract_strided_slice %select_n3A {offsets = [0, 12800], sizes = [64, 1280], strides = [1, 1]} : vector<64x20480xf32> to vector<64x1280xf32>
    %min3A_218 = arith.minimumf %min3A_214, %slice3A_217 : vector<64x1280xf32>
    %slice3A_219 = vector.extract_strided_slice %select_n3A_174 {offsets = [0, 12800], sizes = [64, 1280], strides = [1, 1]} : vector<64x20480xf32> to vector<64x1280xf32>
    %max3A_220 = arith.maximumf %max3A_216, %slice3A_219 : vector<64x1280xf32>
    %slice3A_221 = vector.extract_strided_slice %select_n3A {offsets = [0, 14080], sizes = [64, 1280], strides = [1, 1]} : vector<64x20480xf32> to vector<64x1280xf32>
    %min3A_222 = arith.minimumf %min3A_218, %slice3A_221 : vector<64x1280xf32>
    %slice3A_223 = vector.extract_strided_slice %select_n3A_174 {offsets = [0, 14080], sizes = [64, 1280], strides = [1, 1]} : vector<64x20480xf32> to vector<64x1280xf32>
    %max3A_224 = arith.maximumf %max3A_220, %slice3A_223 : vector<64x1280xf32>
    %slice3A_225 = vector.extract_strided_slice %select_n3A {offsets = [0, 15360], sizes = [64, 1280], strides = [1, 1]} : vector<64x20480xf32> to vector<64x1280xf32>
    %min3A_226 = arith.minimumf %min3A_222, %slice3A_225 : vector<64x1280xf32>
    %slice3A_227 = vector.extract_strided_slice %select_n3A_174 {offsets = [0, 15360], sizes = [64, 1280], strides = [1, 1]} : vector<64x20480xf32> to vector<64x1280xf32>
    %max3A_228 = arith.maximumf %max3A_224, %slice3A_227 : vector<64x1280xf32>
    %slice3A_229 = vector.extract_strided_slice %select_n3A {offsets = [0, 16640], sizes = [64, 1280], strides = [1, 1]} : vector<64x20480xf32> to vector<64x1280xf32>
    %min3A_230 = arith.minimumf %min3A_226, %slice3A_229 : vector<64x1280xf32>
    %slice3A_231 = vector.extract_strided_slice %select_n3A_174 {offsets = [0, 16640], sizes = [64, 1280], strides = [1, 1]} : vector<64x20480xf32> to vector<64x1280xf32>
    %max3A_232 = arith.maximumf %max3A_228, %slice3A_231 : vector<64x1280xf32>
    %slice3A_233 = vector.extract_strided_slice %select_n3A {offsets = [0, 17920], sizes = [64, 1280], strides = [1, 1]} : vector<64x20480xf32> to vector<64x1280xf32>
    %min3A_234 = arith.minimumf %min3A_230, %slice3A_233 : vector<64x1280xf32>
    %slice3A_235 = vector.extract_strided_slice %select_n3A_174 {offsets = [0, 17920], sizes = [64, 1280], strides = [1, 1]} : vector<64x20480xf32> to vector<64x1280xf32>
    %max3A_236 = arith.maximumf %max3A_232, %slice3A_235 : vector<64x1280xf32>
    %slice3A_237 = vector.extract_strided_slice %select_n3A {offsets = [0, 19200], sizes = [64, 1280], strides = [1, 1]} : vector<64x20480xf32> to vector<64x1280xf32>
    %min3A_238 = arith.minimumf %min3A_234, %slice3A_237 : vector<64x1280xf32>
    %slice3A_239 = vector.extract_strided_slice %select_n3A_174 {offsets = [0, 19200], sizes = [64, 1280], strides = [1, 1]} : vector<64x20480xf32> to vector<64x1280xf32>
    %max3A_240 = arith.maximumf %max3A_236, %slice3A_239 : vector<64x1280xf32>
    %swap3A_241 = arith.constant 0 : index
    %swap3A_242 = arith.constant 0 : index
    %swap3A_243 = vector.load %arg7[%swap3A_241, %swap3A_242] : memref<64x1280xf32, #tpu.memory_space<vmem>>, vector<64x1280xf32>
    tpu.vector_store %arg7[%swap3A_241, %swap3A_242], %min3A_238 {strides = array<i32>} : memref<64x1280xf32, #tpu.memory_space<vmem>>, vector<64x1280xf32>,
    %swap3A_244 = arith.constant 0 : index
    %swap3A_245 = arith.constant 0 : index
    %swap3A_246 = vector.load %arg8[%swap3A_244, %swap3A_245] : memref<64x1280xf32, #tpu.memory_space<vmem>>, vector<64x1280xf32>
    tpu.vector_store %arg8[%swap3A_244, %swap3A_245], %max3A_240 {strides = array<i32>} : memref<64x1280xf32, #tpu.memory_space<vmem>>, vector<64x1280xf32>,
    %sub3A_247 = arith.subf %get3A_7, %get3A_1 : vector<1x20480xf32>
    %sub3A_248 = arith.subf %get3A_10, %get3A_4 : vector<1x20480xf32>
    %mul3A_249 = arith.mulf %sub3A_247, %sub3A_248 : vector<1x20480xf32>
    %max3A_250 = vector.broadcast %get3A_79 : vector<64x1xf32> to vector<64x20480xf32>
    %max3A_251 = vector.broadcast %get3A_1 : vector<1x20480xf32> to vector<64x20480xf32>
    %max3A_252 = arith.maximumf %max3A_250, %max3A_251 : vector<64x20480xf32>
    %max3A_253 = vector.broadcast %get3A_82 : vector<64x1xf32> to vector<64x20480xf32>
    %max3A_254 = vector.broadcast %get3A_4 : vector<1x20480xf32> to vector<64x20480xf32>
    %max3A_255 = arith.maximumf %max3A_253, %max3A_254 : vector<64x20480xf32>
    %min3A_256 = vector.broadcast %get3A_85 : vector<64x1xf32> to vector<64x20480xf32>
    %min3A_257 = vector.broadcast %get3A_7 : vector<1x20480xf32> to vector<64x20480xf32>
    %min3A_258 = arith.minimumf %min3A_256, %min3A_257 : vector<64x20480xf32>
    %min3A_259 = vector.broadcast %get3A_88 : vector<64x1xf32> to vector<64x20480xf32>
    %min3A_260 = vector.broadcast %get3A_10 : vector<1x20480xf32> to vector<64x20480xf32>
    %min3A_261 = arith.minimumf %min3A_259, %min3A_260 : vector<64x20480xf32>
    %sub3A_262 = arith.subf %min3A_258, %max3A_252 : vector<64x20480xf32>
    %jit3A_263 = arith.constant 0.000000e+00 : f32
    %max3A_264 = vector.broadcast %jit3A_263 : f32 to vector<64x20480xf32>
    %max3A_265 = arith.maximumf %max3A_264, %sub3A_262 : vector<64x20480xf32>
    %sub3A_266 = arith.subf %min3A_261, %max3A_255 : vector<64x20480xf32>
    %jit3A_267 = arith.constant 0.000000e+00 : f32
    %max3A_268 = vector.broadcast %jit3A_267 : f32 to vector<64x20480xf32>
    %max3A_269 = arith.maximumf %max3A_268, %sub3A_266 : vector<64x20480xf32>
    %mul3A_270 = arith.mulf %max3A_265, %max3A_269 : vector<64x20480xf32>
    %add3A_271 = vector.broadcast %mul3A_115 : vector<64x1xf32> to vector<64x20480xf32>
    %add3A_272 = vector.broadcast %mul3A_249 : vector<1x20480xf32> to vector<64x20480xf32>
    %add3A_273 = arith.addf %add3A_271, %add3A_272 : vector<64x20480xf32>
    %sub3A_274 = arith.subf %add3A_273, %mul3A_270 : vector<64x20480xf32>
    %max3A_275 = arith.constant 9.99999993E-9 : f32
    %max3A_276 = vector.broadcast %max3A_275 : f32 to vector<64x20480xf32>
    %max3A_277 = arith.maximumf %sub3A_274, %max3A_276 : vector<64x20480xf32>
    %div3A_278 = arith.divf %mul3A_270, %max3A_277 : vector<64x20480xf32>
    %reduce_max3A = arith.constant dense<0xFF800000> : vector<20480xf32>
    %reduce_max3A_279 = vector.multi_reduction <maximumf>, %div3A_278, %reduce_max3A [0] : vector<64x20480xf32> to vector<20480xf32>
    %broadcast_in_dim3A_280 = vector.shape_cast %reduce_max3A_279 : vector<20480xf32> to vector<1x20480xf32>
    %swap3A_281 = arith.constant 0 : index
    %swap3A_282 = arith.constant 0 : index
    %swap3A_283 = vector.load %arg9[%swap3A_281, %swap3A_282] : memref<1x20480xf32, #tpu.memory_space<vmem>>, vector<1x20480xf32>
    tpu.vector_store %arg9[%swap3A_281, %swap3A_282], %broadcast_in_dim3A_280 {strides = array<i32>} : memref<1x20480xf32, #tpu.memory_space<vmem>>, vector<1x20480xf32>,
    return
  }
}

module attributes {stable_mosaic.version = 14 : i64} {
  func.func @_c_body(%arg0: memref<64x20480xf32, #tpu.memory_space<vmem>>, %arg1: memref<64x20480xf32, #tpu.memory_space<vmem>>, %arg2: memref<64x16xf32, #tpu.memory_space<vmem>>, %arg3: memref<1x20480xf32, #tpu.memory_space<vmem>>, %arg4: memref<64x4xf32, #tpu.memory_space<vmem>>, %arg5: memref<8x20480xf32, #tpu.memory_space<vmem>>) attributes {dimension_semantics = [], scalar_prefetch = 0 : i64, scratch_operands = 0 : i64, tpu.core_type = #tpu.core_type<tc>} {
    %get3A = arith.constant 0 : index
    %get3A_0 = arith.constant 0 : index
    %get3A_1 = vector.load %arg0[%get3A, %get3A_0] : memref<64x20480xf32, #tpu.memory_space<vmem>>, vector<64x20480xf32>
    %get3A_2 = arith.constant 0 : index
    %get3A_3 = arith.constant 0 : index
    %get3A_4 = vector.load %arg2[%get3A_2, %get3A_3] : memref<64x16xf32, #tpu.memory_space<vmem>>, vector<64x1xf32>
    %get3A_5 = arith.constant 0 : index
    %get3A_6 = arith.constant 1 : index
    %get3A_7 = vector.load %arg2[%get3A_5, %get3A_6] : memref<64x16xf32, #tpu.memory_space<vmem>>, vector<64x1xf32>
    %convert_element_type3A = arith.fptosi %get3A_7 : vector<64x1xf32> to vector<64x1xi32>
    %iota3A = tpu.iota {dimensions = array<i32: 1>} : vector<64x20480xi32>
    %iota3A_8 = tpu.iota {dimensions = array<i32: 0>} : vector<64x20480xi32>
    %lt3A = vector.broadcast %get3A_4 : vector<64x1xf32> to vector<64x20480xf32>
    %lt3A_9 = arith.cmpf olt, %get3A_1, %lt3A : vector<64x20480xf32>
    %eq3A = vector.broadcast %get3A_4 : vector<64x1xf32> to vector<64x20480xf32>
    %eq3A_10 = arith.cmpf oeq, %get3A_1, %eq3A : vector<64x20480xf32>
    %le3A = vector.broadcast %convert_element_type3A : vector<64x1xi32> to vector<64x20480xi32>
    %le3A_11 = arith.cmpi sle, %iota3A, %le3A : vector<64x20480xi32>
    %and3A = arith.andi %eq3A_10, %le3A_11 : vector<64x20480xi1>
    %or3A = arith.ori %lt3A_9, %and3A : vector<64x20480xi1>
    %jit3A = arith.constant 1.000000e+00 : f32
    %jit3A_12 = arith.constant 0.000000e+00 : f32
    %broadcast_in_dim3A = vector.broadcast %jit3A : f32 to vector<64x20480xf32>
    %broadcast_in_dim3A_13 = vector.broadcast %jit3A_12 : f32 to vector<64x20480xf32>
    %select_n3A = arith.select %or3A, %broadcast_in_dim3A, %broadcast_in_dim3A_13 : vector<64x20480xi1>, vector<64x20480xf32>
    %reduce_sum3A = arith.constant dense<0.000000e+00> : vector<20480xf32>
    %reduce_sum3A_14 = vector.multi_reduction <add>, %select_n3A, %reduce_sum3A [0] : vector<64x20480xf32> to vector<20480xf32>
    %broadcast_in_dim3A_15 = vector.shape_cast %reduce_sum3A_14 : vector<20480xf32> to vector<1x20480xf32>
    %gt3A = arith.constant 1.000000e+00 : f32
    %gt3A_16 = vector.broadcast %gt3A : f32 to vector<1x20480xf32>
    %gt3A_17 = arith.cmpf ogt, %broadcast_in_dim3A_15, %gt3A_16 : vector<1x20480xf32>
    %reduce_min3A = arith.constant dense<0x7F800000> : vector<20480xf32>
    %reduce_min3A_18 = vector.multi_reduction <minimumf>, %get3A_1, %reduce_min3A [0] : vector<64x20480xf32> to vector<20480xf32>
    %broadcast_in_dim3A_19 = vector.shape_cast %reduce_min3A_18 : vector<20480xf32> to vector<1x20480xf32>
    %eq3A_20 = vector.broadcast %broadcast_in_dim3A_19 : vector<1x20480xf32> to vector<64x20480xf32>
    %eq3A_21 = arith.cmpf oeq, %get3A_1, %eq3A_20 : vector<64x20480xf32>
    %jit3A_22 = arith.constant 64 : i32
    %broadcast_in_dim3A_23 = vector.broadcast %jit3A_22 : i32 to vector<64x20480xi32>
    %select_n3A_24 = arith.select %eq3A_21, %iota3A_8, %broadcast_in_dim3A_23 : vector<64x20480xi1>, vector<64x20480xi32>
    %reduce_min3A_25 = arith.constant dense<2147483647> : vector<20480xi32>
    %reduce_min3A_26 = vector.multi_reduction <minsi>, %select_n3A_24, %reduce_min3A_25 [0] : vector<64x20480xi32> to vector<20480xi32>
    %broadcast_in_dim3A_27 = vector.shape_cast %reduce_min3A_26 : vector<20480xi32> to vector<1x20480xi32>
    %eq3A_28 = vector.broadcast %broadcast_in_dim3A_27 : vector<1x20480xi32> to vector<64x20480xi32>
    %eq3A_29 = arith.cmpi eq, %iota3A_8, %eq3A_28 : vector<64x20480xi32>
    %not3A = arith.constant dense<true> : vector<64x20480xi1>
    %not3A_30 = arith.xori %eq3A_29, %not3A : vector<64x20480xi1>
    %and3A_31 = vector.broadcast %gt3A_17 : vector<1x20480xi1> to vector<64x20480xi1>
    %and3A_32 = arith.andi %and3A_31, %not3A_30 : vector<64x20480xi1>
    %not3A_33 = arith.constant dense<true> : vector<64x20480xi1>
    %not3A_34 = arith.xori %and3A_32, %not3A_33 : vector<64x20480xi1>
    %and3A_35 = arith.andi %or3A, %not3A_34 : vector<64x20480xi1>
    %jit3A_36 = arith.constant 1.000000e+00 : f32
    %jit3A_37 = arith.constant 0.000000e+00 : f32
    %broadcast_in_dim3A_38 = vector.broadcast %jit3A_36 : f32 to vector<64x20480xf32>
    %broadcast_in_dim3A_39 = vector.broadcast %jit3A_37 : f32 to vector<64x20480xf32>
    %select_n3A_40 = arith.select %and3A_35, %broadcast_in_dim3A_38, %broadcast_in_dim3A_39 : vector<64x20480xi1>, vector<64x20480xf32>
    %reduce_sum3A_41 = arith.constant dense<0.000000e+00> : vector<20480xf32>
    %reduce_sum3A_42 = vector.multi_reduction <add>, %select_n3A_40, %reduce_sum3A_41 [0] : vector<64x20480xf32> to vector<20480xf32>
    %broadcast_in_dim3A_43 = vector.shape_cast %reduce_sum3A_42 : vector<20480xf32> to vector<1x20480xf32>
    %gt3A_44 = arith.constant 0.000000e+00 : f32
    %gt3A_45 = vector.broadcast %gt3A_44 : f32 to vector<1x20480xf32>
    %gt3A_46 = arith.cmpf ogt, %broadcast_in_dim3A_43, %gt3A_45 : vector<1x20480xf32>
    %get3A_47 = arith.constant 0 : index
    %get3A_48 = arith.constant 0 : index
    %get3A_49 = vector.load %arg1[%get3A_47, %get3A_48] : memref<64x20480xf32, #tpu.memory_space<vmem>>, vector<64x20480xf32>
    %jit3A_50 = arith.constant 0.000000e+00 : f32
    %broadcast_in_dim3A_51 = vector.broadcast %jit3A_50 : f32 to vector<64x20480xf32>
    %select_n3A_52 = arith.select %and3A_35, %get3A_49, %broadcast_in_dim3A_51 : vector<64x20480xi1>, vector<64x20480xf32>
    %reduce_sum3A_53 = arith.constant dense<0.000000e+00> : vector<20480xf32>
    %reduce_sum3A_54 = vector.multi_reduction <add>, %select_n3A_52, %reduce_sum3A_53 [0] : vector<64x20480xf32> to vector<20480xf32>
    %broadcast_in_dim3A_55 = vector.shape_cast %reduce_sum3A_54 : vector<20480xf32> to vector<1x20480xf32>
    %get3A_56 = arith.constant 0 : index
    %get3A_57 = arith.constant 0 : index
    %get3A_58 = vector.load %arg3[%get3A_56, %get3A_57] : memref<1x20480xf32, #tpu.memory_space<vmem>>, vector<1x20480xf32>
    %ge3A = arith.constant 3.000000e-01 : f32
    %ge3A_59 = vector.broadcast %ge3A : f32 to vector<1x20480xf32>
    %ge3A_60 = arith.cmpf oge, %get3A_58, %ge3A_59 : vector<1x20480xf32>
    %jit3A_61 = arith.constant -1.000000e+00 : f32
    %jit3A_62 = arith.constant 0.000000e+00 : f32
    %broadcast_in_dim3A_63 = vector.broadcast %jit3A_61 : f32 to vector<1x20480xf32>
    %broadcast_in_dim3A_64 = vector.broadcast %jit3A_62 : f32 to vector<1x20480xf32>
    %select_n3A_65 = arith.select %ge3A_60, %broadcast_in_dim3A_63, %broadcast_in_dim3A_64 : vector<1x20480xi1>, vector<1x20480xf32>
    %jit3A_66 = arith.constant 1.000000e+00 : f32
    %broadcast_in_dim3A_67 = vector.broadcast %jit3A_66 : f32 to vector<1x20480xf32>
    %select_n3A_68 = arith.select %gt3A_46, %broadcast_in_dim3A_67, %select_n3A_65 : vector<1x20480xi1>, vector<1x20480xf32>
    %get3A_69 = arith.constant 0 : index
    %get3A_70 = arith.constant 0 : index
    %get3A_71 = vector.load %arg4[%get3A_69, %get3A_70] : memref<64x4xf32, #tpu.memory_space<vmem>>, vector<64x1xf32>
    %get3A_72 = arith.constant 0 : index
    %get3A_73 = arith.constant 1 : index
    %get3A_74 = vector.load %arg4[%get3A_72, %get3A_73] : memref<64x4xf32, #tpu.memory_space<vmem>>, vector<64x1xf32>
    %get3A_75 = arith.constant 0 : index
    %get3A_76 = arith.constant 2 : index
    %get3A_77 = vector.load %arg4[%get3A_75, %get3A_76] : memref<64x4xf32, #tpu.memory_space<vmem>>, vector<64x1xf32>
    %get3A_78 = arith.constant 0 : index
    %get3A_79 = arith.constant 3 : index
    %get3A_80 = vector.load %arg4[%get3A_78, %get3A_79] : memref<64x4xf32, #tpu.memory_space<vmem>>, vector<64x1xf32>
    %mul3A = vector.broadcast %get3A_71 : vector<64x1xf32> to vector<64x20480xf32>
    %mul3A_81 = arith.mulf %select_n3A_40, %mul3A : vector<64x20480xf32>
    %reduce_sum3A_82 = arith.constant dense<0.000000e+00> : vector<20480xf32>
    %reduce_sum3A_83 = vector.multi_reduction <add>, %mul3A_81, %reduce_sum3A_82 [0] : vector<64x20480xf32> to vector<20480xf32>
    %broadcast_in_dim3A_84 = vector.shape_cast %reduce_sum3A_83 : vector<20480xf32> to vector<1x20480xf32>
    %mul3A_85 = vector.broadcast %get3A_74 : vector<64x1xf32> to vector<64x20480xf32>
    %mul3A_86 = arith.mulf %select_n3A_40, %mul3A_85 : vector<64x20480xf32>
    %reduce_sum3A_87 = arith.constant dense<0.000000e+00> : vector<20480xf32>
    %reduce_sum3A_88 = vector.multi_reduction <add>, %mul3A_86, %reduce_sum3A_87 [0] : vector<64x20480xf32> to vector<20480xf32>
    %broadcast_in_dim3A_89 = vector.shape_cast %reduce_sum3A_88 : vector<20480xf32> to vector<1x20480xf32>
    %mul3A_90 = vector.broadcast %get3A_77 : vector<64x1xf32> to vector<64x20480xf32>
    %mul3A_91 = arith.mulf %select_n3A_40, %mul3A_90 : vector<64x20480xf32>
    %reduce_sum3A_92 = arith.constant dense<0.000000e+00> : vector<20480xf32>
    %reduce_sum3A_93 = vector.multi_reduction <add>, %mul3A_91, %reduce_sum3A_92 [0] : vector<64x20480xf32> to vector<20480xf32>
    %broadcast_in_dim3A_94 = vector.shape_cast %reduce_sum3A_93 : vector<20480xf32> to vector<1x20480xf32>
    %mul3A_95 = vector.broadcast %get3A_80 : vector<64x1xf32> to vector<64x20480xf32>
    %mul3A_96 = arith.mulf %select_n3A_40, %mul3A_95 : vector<64x20480xf32>
    %reduce_sum3A_97 = arith.constant dense<0.000000e+00> : vector<20480xf32>
    %reduce_sum3A_98 = vector.multi_reduction <add>, %mul3A_96, %reduce_sum3A_97 [0] : vector<64x20480xf32> to vector<20480xf32>
    %broadcast_in_dim3A_99 = vector.shape_cast %reduce_sum3A_98 : vector<20480xf32> to vector<1x20480xf32>
    %broadcast_in_dim3A_100 = arith.constant 0.000000e+00 : f32
    %broadcast_in_dim3A_101 = vector.broadcast %broadcast_in_dim3A_100 : f32 to vector<1x20480xf32>
    %concatenate3A = tpu.concatenate %select_n3A_68, %broadcast_in_dim3A_55, %broadcast_in_dim3A_84, %broadcast_in_dim3A_89, %broadcast_in_dim3A_94, %broadcast_in_dim3A_99, %broadcast_in_dim3A_101, %broadcast_in_dim3A_101 in 0 : vector<1x20480xf32>, vector<1x20480xf32>, vector<1x20480xf32>, vector<1x20480xf32>, vector<1x20480xf32>, vector<1x20480xf32>, vector<1x20480xf32>, vector<1x20480xf32> -> vector<8x20480xf32>
    %swap3A = arith.constant 0 : index
    %swap3A_102 = arith.constant 0 : index
    %swap3A_103 = vector.load %arg5[%swap3A, %swap3A_102] : memref<8x20480xf32, #tpu.memory_space<vmem>>, vector<8x20480xf32>
    tpu.vector_store %arg5[%swap3A, %swap3A_102], %concatenate3A {strides = array<i32>} : memref<8x20480xf32, #tpu.memory_space<vmem>>, vector<8x20480xf32>,
    return
  }
}

</mosaic_0001>

<sc_bundles>
// kernel: kernel.5.cloned.1.call-start
scs
__scs_entry_jumppad:
0x0: {  	(pc) =	sbr.rel $0x88, $3  }
0x1: {  	(tag) =	ssettag $0x0;
	lr =	simm.s32 $0x1  }
0x2: {  	[smem:$0x3F9C] =	sst lr;
	_ =	strace $0xD0000000  }
0x3: {  	_ = 	snop  }
0x4: {  	_ = 	snop  }
0x5: {  	_ = 	snop  }
0x6: {  	_ = 	snop  }
0x7: {  	_ = 	snop  }
__scs_overlays_trampoline_lowered:
0x8: {  	[smem:$0x3FAB] =	sst s0  }
0x9: {  	[smem:$0x3FAC] =	sst s1  }
0xa: {  	[smem:$0x3FAD] =	sst s2  }
0xb: {  	[smem:$0x3FAE] =	sst s3  }
0xc: {  	[smem:$0x3FAF] =	sst s4  }
0xd: {  	[smem:$0x3FB0] =	sst s5  }
0xe: {  	[smem:$0x3FB1] =	sst s6  }
0xf: {  	[smem:$0x3FB2] =	sst s7  }
0x10: {  	[smem:$0x3FB3] =	sst s8  }
0x11: {  	[smem:$0x3FB4] =	sst s9;
	s0 =	simm.s32 @!p0 $0x0  }
0x12: {  	s1 =	sld [smem:$0x3F9A];
	s0 =	simm.s32 @p0 $0x1  }
0x13: {  	[smem:$0x3FB5] =	sst s0;
	s0 =	simm.s32 @!p1 $0x0  }
0x14: {  	s2 =	sld [smem:$0x3F99];
	s0 =	simm.s32 @p1 $0x1  }
0x15: {  	[smem:$0x3FB6] =	sst s0;
	s0 =	simm.s32 @!p2 $0x0  }
0x16: {  	s3 =	sld [smem:$0x3FDB];
	s0 =	simm.s32 @p2 $0x1  }
0x17: {  	s4 =	simm.s32 $0x1BF5;
	[smem:$0x3FB8] =	sst s0  }
0x18: {  	s0 =	sld [smem:$0x3F9B];
	_ =	swait.ge [sflag:s4], $0x0  }
0x19: {  	s7 =	sld [smem:$0x3F9C]  }
0x1a: {  	s8 =	sadd.s32 $0xFFFFE003, lr  }
0x1b: {  	s9 =	sadd.s32 $0xFFFFFEF7, lr;
	s5 =	simm.s32 $0xFFFFFFFF;
	p2 =	slt.u32 s8, $0xFFFFF086  }
0x1c: {  	p1 =	slt.u32 s9, $0xF7A;
	s5 =	simm.s32 @!p2 $0x0  }
0x1d: {  	s5 =	simm.s32 @p1 $0x1;
	p0 =	seq.s32 s7, s2  }
0x1e: {  	s7 =	smul.u32 @!p0 $0xF7A, s2;
	p2 =	seq.s32 @!p0 s5, $0x0  }
0x1f: {  	s9 =	smul.u32 $0xF7A, s1;
	s8 =	simm.s32 @!p0 $0x1BF5;
	p2 =	por !p2, p0  }
0x20: {  	[sflag:s8] =	ssyncset.s32 @!p0 $0xFFFFF086;
	s6 =	sadd.s32 @!p0 s3, s7;
	s7 =	simm.s32 @!p0 $0x108  }
0x21: {  	s3 =	sadd.s32 s3, s9;
	s6 =	sadd.s32 @!p0 $0x88, s6;
	s7 =	simm.s32 @p2 $0x1082  }
0x22: {  	[simem:s7], [sflag:s8] =	dma.local @!p0 [hbm:s6], $0xF7A  }
0x23: {  	s9 =	sor.u32 $0xD0000000, s2;
	s6 =	simm.s32 $0x108;
	_ =	swait.ge @!p0 [sflag:s8], $0x0  }
0x24: {  	s3 =	sadd.s32 $0x88, s3;
	s6 =	simm.s32 @!p1 $0x1082;
	[sflag:s4] =	ssyncset.s32 $0xFFFFF086  }
0x25: {  	[simem:s6], [sflag:s4] =	dma.local [hbm:s3], $0xF7A  }
0x26: {  	[smem:$0x3F9C] =	sst s1;
	(tag) =	ssettag s2;
	_ =	strace s9  }
0x27: {  	s1 =	sld [smem:$0x3FAC]  }
0x28: {  	s2 =	sld [smem:$0x3FAD]  }
0x29: {  	s4 =	sld [smem:$0x3FAF]  }
0x2a: {  	p0 =	seq.s32 s5, $0x0;
	s5 =	sld [smem:$0x3FB0]  }
0x2b: {  	s6 =	sld [smem:$0x3FB1]  }
0x2c: {  	s7 =	sld [smem:$0x3FB2]  }
0x2d: {  	s3 =	simm.s32 $0x108;
	s8 =	sld [smem:$0x3FB3]  }
0x2e: {  	s3 =	simm.s32 @!p0 $0x1082;
	s9 =	sld [smem:$0x3FB4]  }
0x2f: {  	lr =	sadd.s32 s0, s3;
	s0 =	sld [smem:$0x3FAB]  }
0x30: {  	s3 =	sld [smem:$0x3FAE]  }
0x31: {  	[smem:$0x3FB7] =	sst s10  }
0x32: {  	s10 =	sld [smem:$0x3FB5];
	_ =	sdelay $0x3  }
0x33: {  	p0 =	seq.s32 s10, $0x1;
	s10 =	sld [smem:$0x3FB7];
	_ =	sdelay $0x3  }
0x34: {  	[smem:$0x3FB7] =	sst s10  }
0x35: {  	s10 =	sld [smem:$0x3FB6];
	_ =	sdelay $0x3  }
0x36: {  	p1 =	seq.s32 s10, $0x1;
	s10 =	sld [smem:$0x3FB7];
	_ =	sdelay $0x3  }
0x37: {  	[smem:$0x3FB7] =	sst s10  }
0x38: {  	s10 =	sld [smem:$0x3FB8]  }
0x39: {  	_ = 	snop;
	(pc) =	sbr.ind lr, $3  }
0x3a: {  	_ = 	snop  }
0x3b: {  	_ = 	snop  }
0x3c: {  	p2 =	seq.s32 s10, $0x1;
	s10 =	sld [smem:$0x3FB7]  }
0x3d: {  	_ =	shalt  }
0x3e: {  	_ =	shalt  }
0x3f: {  	_ =	shalt  }
0x40: {  	_ =	shalt  }
0x41: {  	_ =	shalt  }
0x42: {  	_ =	shalt  }
0x43: {  	_ =	shalt  }
0x44: {  	_ =	shalt  }
0x45: {  	_ =	shalt  }
0x46: {  	_ =	shalt  }
0x47: {  	_ =	shalt  }
0x48: {  	_ =	shalt  }
0x49: {  	_ =	shalt  }
0x4a: {  	_ =	shalt  }
0x4b: {  	_ =	shalt  }
0x4c: {  	_ =	shalt  }
0x4d: {  	_ =	shalt  }
0x4e: {  	_ =	shalt  }
0x4f: {  	_ =	shalt  }
0x50: {  	_ =	shalt  }
0x51: {  	_ =	shalt  }
0x52: {  	_ =	shalt  }
0x53: {  	_ =	shalt  }
0x54: {  	_ =	shalt  }
0x55: {  	_ =	shalt  }
0x56: {  	_ =	shalt  }
0x57: {  	_ =	shalt  }
0x58: {  	_ =	shalt  }
0x59: {  	_ =	shalt  }
0x5a: {  	_ =	shalt  }
0x5b: {  	_ =	shalt  }
0x5c: {  	_ =	shalt  }
0x5d: {  	_ =	shalt  }
0x5e: {  	_ =	shalt  }
0x5f: {  	_ =	shalt  }
0x60: {  	_ =	shalt  }
0x61: {  	_ =	shalt  }
0x62: {  	_ =	shalt  }
0x63: {  	_ =	shalt  }
0x64: {  	_ =	shalt  }
0x65: {  	_ =	shalt  }
0x66: {  	_ =	shalt  }
0x67: {  	_ =	shalt  }
0x68: {  	_ =	shalt  }
0x69: {  	_ =	shalt  }
0x6a: {  	_ =	shalt  }
0x6b: {  	_ =	shalt  }
0x6c: {  	_ =	shalt  }
0x6d: {  	_ =	shalt  }
0x6e: {  	_ =	shalt  }
0x6f: {  	_ =	shalt  }
0x70: {  	_ =	shalt  }
0x71: {  	_ =	shalt  }
0x72: {  	_ =	shalt  }
0x73: {  	_ =	shalt  }
0x74: {  	_ =	shalt  }
0x75: {  	_ =	shalt  }
0x76: {  	_ =	shalt  }
0x77: {  	_ =	shalt  }
0x78: {  	_ =	shalt  }
0x79: {  	_ =	shalt  }
0x7a: {  	_ =	shalt  }
0x7b: {  	_ =	shalt  }
0x7c: {  	_ =	shalt  }
0x7d: {  	_ =	shalt  }
0x7e: {  	_ =	shalt  }
0x7f: {  	_ =	shalt  }
0x80: {  	_ =	shalt  }
0x81: {  	_ =	shalt  }
0x82: {  	_ =	shalt  }
0x83: {  	_ =	shalt  }
0x84: {  	_ =	shalt  }
0x85: {  	_ =	shalt  }
0x86: {  	_ =	shalt  }
0x87: {  	_ =	shalt  }
.Lfunc_end0:
.L_simem_size_0:
called_computation_lowered:
.L_overlay_start_0:
0x88: {  	s2 =	sld [smem:$0x3FD9]  }
0x89: {  	s3 =	sld [smem:$0x3FFE];
	_ =	sdelay $0x1  }
0x8a: {  	s1 =	srdreg.scid  }
0x8b: {  	s0 =	sand.u32 $0x1, s1  }
0x8c: {  	s17 =	sshll.u32 s0, $0xA;
	s2 =	sadd.s32 s3, s2  }
0x8d: {  	s2 =	sadd.s32 s2, s17  }
0x8e: {  	[smem:$0x3FC3] =	sst s2  }
0x8f: {  	_ = 	snop  }
0x90: {  	s2 =	sld [smem:$0x3FD0];
	(tm) =	ssettm $0x1  }
0x91: {  	s18 =	sld [smem:$0x3FFB];
	_ =	sdelay $0x3  }
0x92: {  	_ =	strace s18  }
0x93: {  	s3 =	sld [smem:$0x3FFC];
	_ =	sdelay $0x3  }
0x94: {  	_ =	strace s3  }
0x95: {  	s3 =	sld [smem:$0x3FFD];
	_ =	sdelay $0x3  }
0x96: {  	_ =	strace s3  }
0x97: {  	_ =	strace $0x8FFFFFFF  }
0x98: {  	s19 =	sld [smem:$0x3FDB];
	_ =	sdelay $0x1  }
0x99: {  	s4 =	simm.s32 $_scs_section_size  }
0x9a: {  	s5 =	simm.s32 $_size__tile_overlayer_lowered;
	s6 =	simm.s32 $_tile_overlayer_lowered  }
0x9b: {  	s22 =	simm.s32 $0x1BFF;
	s21 =	sshll.u32 s6, $0x1;
	s3 =	sadd.s32 s4, s19  }
0x9c: {  	s7 =	simm.s32 $0x0;
	s20 =	sshll.u32 s5, $0x1;
	s5 =	sadd.s32 s21, s3  }
0x9d: {  	[timem:s7], [sflag:s22] =	dma.local [hbm:s5], s20  }
0x9e: {  	_ =	swait.ge [sflag:s22], s20  }
0x9f: {  	s4 =	ssub.s32 $0x0, s20;
	[sflag:s22] =	ssyncset.done $0x0  }
0xa0: {  	[sflag:s22] =	ssyncadd.s32 s4;
	_ =	sdelay $0x1  }
0xa1: {  	s23 =	simm.s32 $0x1B8B  }
0xa2: {  	_ =	swait.ge [sflag:s23], $0x1  }
0xa3: {  	[sflag:s23] =	ssyncset.done $0x0  }
0xa4: {  	s25 =	simm.s32 $0x1B8E;
	s24 =	sld [smem:$0x3FFE];
	[sflag:s23] =	ssyncadd.s32 $0xFFFFFFFF  }
0xa5: {  	s26 =	simm.s32 $execute0_lowered;
	[smem:$0x3FD2] =	sst s25  }
0xa6: {  	s5 =	sshll.u32 s26, $0x1;
	_ =	strace $0x80000046;
	[dreg:$0x1] =	wrdreg $0xFFFFFFFF  }
0xa7: {  	s28 =	simm.s32 $_size_execute0_lowered;
	s3 =	sadd.s32 s3, s5;
	[dreg:$0x0] =	wrdreg $0x0  }
0xa8: {  	s5 =	sshll.u32 s28, $0x1;
	[dreg:$0x2] =	wrdreg s3  }
0xa9: {  	[dreg:$0x3] =	wrdreg s5  }
0xaa: {  	[dreg:$0x4] =	wrdreg $0xC0  }
0xab: {  	_ =	task [dreg:s7], $0x5FFFF  }
0xac: {  	[dreg:$0x1] =	wrdreg $0xFFFFFFFF  }
0xad: {  	[dreg:$0x0] =	wrdreg $0x60  }
0xae: {  	[dreg:$0x2] =	wrdreg s24  }
0xaf: {  	[dreg:$0x3] =	wrdreg s2  }
0xb0: {  	[dreg:$0x4] =	wrdreg $0x9  }
0xb1: {  	_ =	task.clear_ibuf [dreg:s7], $0x5FFFF;
	_ =	strace $0x90000046  }
0xb2: {  	s29 =	simm.s32 $0x9;
	_ =	strace $0x80000048  }
0xb3: {  	_ =	swait.ge [sflag:s29], $0x1  }
0xb4: {  	[sflag:s29] =	ssyncadd.s32 $0xFFFFFFFF  }
0xb5: {  	_ =	strace $0x90000048  }
0xb6: {  	_ =	sfence  }
0xb7: {  	s30 =	sld [smem:$0x0];
	_ =	sdelay $0x2  }
0xb8: {  	s31 =	sshll.u32 s1, $0xD;
	s1 =	sshrl.u32 s1, $0x2  }
0xb9: {  	s3 =	sand.u32 $0x4000, s31;
	s1 =	sadd.s32 s1, s30  }
0xba: {  	s0 =	sor.u32 s3, s0;
	s1 =	sshll.u32 s1, $0x11  }
0xbb: {  	s0 =	sor.u32 s1, s0  }
0xbc: {  	s0 =	sadd.s32 $0x8F2B, s0  }
0xbd: {  	[sflag:s0] =	ssyncadd.remote.s32 $0x1  }
0xbe: {  	_ =	sfence.sel $0xFFFF  }
0xbf: {  	[dreg:$0x0] =	wrdreg $0xFFFFFFFF;
	(pc) =	sbr.abs _section_cstart, $3  }
0xc0: {  	[dreg:$0x1] =	wrdreg $0xFFFFFFFF  }
0xc1: {  	_ =	task.clear_ibuf [dreg:s7], $0x2FFFF;
	_ =	strace $0x9FFFFFFF  }
0xc2: {  	(tm) =	ssettm $0x7FFFFFFF  }
0xc3: {  	_ =	shalt  }
tec
execute0_lowered:
.L_overlay_start_1:
0x0: {  	(tag) =	ssettag $0x1  }
0x1: {  	s0 =	rddreg [dreg:$0x0]  }
0x2: {  	s1 =	rddreg [dreg:$0x1]  }
0x3: {  	s2 =	simm.s32 $0x0;
	s3 =	srdreg.scid;
	s7 =	stileid.u32  }
0x4: {  	s14 =	simm.s32 $0x80;
	s15 =	simm.s32 $0x400;
	s28 =	simm.s32 $0x5  }
0x5: {  	s29 =	simm.s32 $0x6;
	s30 =	simm.s32 $0x7;
	s31 =	simm.s32 $0x8  }
0x6: {  	[smem:$0x7FF] =	sst s2;
	s4 =	sadd.s32 $0x1200, s0;
	s3 =	sand.u32 $0x1, s3  }
0x7: {  	s5 =	sshll.u32 s7, $0x1;
	s6 =	sadd.s32 $0x29200, s0;
	s7 =	sshrl.u32 s7, $0x1  }
0x8: {  	s8 =	sadd.s32 $0x51200, s0;
	s0 =	sadd.s32 $0x53A00, s0;
	_ =	strace $0x80000047  }
0x9: {  	v0 =	vlaneseq.u32;
	s5 =	sor.u32 s3, s5;
	s10 =	smul.u32 $0x2800, s7;
	s3 =	ssub.s32 $0x2, s3  }
0xa: {  	v1 =	vimm.f32 $0.0e+00;
	v3 =	vimm.f32 $1.600000000e+01;
	vm0 =	vcmask $0x300;
	s7 =	smul.u32 $0x28000, s7;
	s9 =	sshll.u32 s5, $0x8;
	s11 =	sshrl.u32 s3, $0x1  }
0xb: {  	v2 =	vimm.f32 $3.000000010e+38;
	v3 =	vsel vm0, $0x3F800000, v3;
	vm0 =	vcmask $0x704;
	s17 =	sshllo.u32 s5, $0x1;
	s25 =	sshll.u32 s5, $0x2;
	s9 =	sand.u32 $0x300, s9  }
0xc: {  	vm1 =	vcmask $0xB08;
	vm2 =	vcmask $0x1310;
	v5 =	vsel vm0, $0x40000000, v3;
	s3 =	ssub.s32 s3, s11;
	s18 =	sshll.u32 s17, $0x7;
	s26 =	sshll.u32 s17, $0x1  }
0xd: {  	vm3 =	vcmask $0x1714;
	v5 =	vsel vm1, $0x40400000, v5;
	vm1 =	vcmask $0xF0C;
	s12 =	sor.u32 s10, s9;
	s9 =	sor.u32 s7, s9;
	s19 =	sand.u32 $0x380, s18  }
0xe: {  	vm4 =	vcmask $0x1B18;
	vm5 =	vcmask $0x1F1C;
	v5 =	vsel vm1, $0x40800000, v5;
	s16 =	sshrl.u32 s12, $0x3;
	s9 =	sshrl.u32 s9, $0x3;
	s10 =	sor.u32 s10, s19  }
0xf: {  	vm6 =	vcmask $0x2320;
	vm7 =	vcmask $0x2724;
	v5 =	vsel vm2, $0x40A00000, v5;
	s7 =	sor.u32 s7, s19;
	s12 =	sadd.s32 s0, s26;
	s13 =	sadd.s32 s1, s16  }
0x10: {  	vm8 =	vcmask $0x2B28;
	vm9 =	vcmask $0x2F2C;
	v5 =	vsel vm3, $0x40C00000, v5;
	s19 =	simm.s32 $0xA000;
	s11 =	sadd.s32 s8, s16;
	[dreg:$0x3] =	wrdreg s13  }
0x11: {  	vm10 =	vcmask $0x3330;
	vm11 =	vcmask $0x3734;
	s26 =	simm.s32 $0x9;
	s20 =	sadd.s32 s4, s9;
	v5 =	vsel vm4, $0x40E00000, v5;
	[dreg:$0x4] =	wrdreg s11  }
0x12: {  	v7 =	vimm.s32 $0x0;
	v4 =	vmul.u32 $0xFFFFFFFF, v0;
	s9 =	sadd.s32 s6, s9;
	s21 =	sshrl.u32 s10, $0x3;
	[dreg:$0x5] =	wrdreg s20;
	v5 =	vsel vm5, $0x41000000, v5  }
0x13: {  	v6 =	vadd.s32 $0x1, v0;
	v3 =	vimm.f32 $-1.000000000e+00;
	s7 =	sshrl.u32 s7, $0x3;
	[dreg:$0x6] =	wrdreg s9;
	s1 =	sadd.s32 s1, s21;
	v5 =	vsel vm6, $0x41100000, v5  }
0x14: {  	v4 =	vadd.s32 $0xF, v4;
	vm1 =	vmmov $0x1;
	s16 =	simm.s32 $0x5000;
	s22 =	sadd.s32 s8, s21;
	[dreg:$0x7] =	wrdreg s1;
	v5 =	vsel vm7, $0x41200000, v5  }
.Ltmp0:
0x15: {  	vm2 =	vcmask $0x308;
	vm3 =	vcmask $0x70C;
	s23 =	sadd.s32 s4, s7;
	[dreg:$0x8] =	wrdreg s22;
	v5 =	vsel vm8, $0x41300000, v5;
	(pc) =	sbr.rel .LBB2_1-.Ltmp0, $4  }
0x16: {  	vm4 =	vcmask $0xB10;
	s24 =	sadd.s32 s6, s7;
	s13 =	smax.u32 s3, $0x1;
	vm5 =	vcmask $0xF14;
	[dreg:$0x9] =	wrdreg s23;
	v5 =	vsel vm9, $0x41400000, v5  }
0x17: {  	s20 =	simm.s32 $0xF000;
	s21 =	simm.s32 $0x1;
	[dreg:$0xa] =	wrdreg s24;
	vm6 =	vcmask $0x1318;
	vm7 =	vcmask $0x171C;
	v5 =	vsel vm10, $0x41500000, v5  }
0x18: {  	s1 =	sadd.s32 s0, s25;
	s22 =	simm.s32 $0x2;
	s23 =	simm.s32 $0x3;
	vm8 =	vcmask $0x1B20;
	v5 =	vsel vm11, $0x41600000, v5;
	vm11 =	vcmask $0x3B38  }
0x19: {  	s24 =	simm.s32 $0x4;
	s0 =	simm.s32 $0x0;
	[dreg:$0xb] =	wrdreg s1;
	vm9 =	vcmask $0x1F24;
	vm10 =	vcmask $0x2328;
	v5 =	vsel vm11, $0x41700000, v5  }
.LBB2_16:
0x1a: {  	s3 =	simm.f32 $2.048000000e+04  }
0x1b: {  	s3 =	simm.f32 @p0 $2.048000000e+04  }
.LBB2_13:
0x1c: {  	p0 =	slt.f32 s1, $1.000000020e+29;
	_ =	sdelay $0x1  }
0x1d: {  	s3 =	simm.s32 @!p0 $0xBF800000  }
0x1e: {  	v9 =	vmov s3  }
0x1f: {  	s0 =	sadd.s32 $0x1, s0;
	v9 =	vnsel vm0, $0x0, v9  }
0x20: {  	p0 =	sne.s32 s0, s13;
	v8 =	vsel vm1, v8, v9  }
.Ltmp1:
0x21: {  	s25 =	simm.s32 $0x15400;
	[tilespmem:$0x15400] =	vst v8;
	(pc) =	sbr.rel @!p0 .LBB2_14-.Ltmp1, $4  }
0x22: {  	[hbm4b:s12+s2] =	stream.linear.scatter [tilespmem:s25], [sflag:$0x9], $0x10, $0x38;
	[tilespmem:$0x15480] =	vst v63  }
0x23: {  	_ =	swait.ge [sflag:s26], $0x10  }
0x24: {  	[sflag:s26] =	ssyncset.done $0x0  }
0x25: {  	[sflag:s26] =	ssyncadd.s32 $0xFFFFFFF0  }
.LBB2_1:
0x26: {  	s1 =	simm.s32 $0x14000;
	s3 =	rddreg [dreg:$0x3]  }
0x27: {  	[tilespmem:s1], [sflag:$0x1] =	stream.strided.gather [hbm4b:s3+s14], $0x500, s15, s14, $0x38;
	[tilespmem:$0x15480] =	vst v63  }
0x28: {  	s25 =	simm.s32 $0x14500;
	s4 =	rddreg [dreg:$0x4]  }
0x29: {  	[tilespmem:s25], [sflag:$0x2] =	stream.strided.gather [hbm4b:s4+s14], $0x500, s15, s14, $0x38;
	[tilespmem:$0x15480] =	vst v63  }
0x2a: {  	s6 =	rddreg [dreg:$0x5]  }
0x2b: {  	[tilespmem:s2], [sflag:$0x3] =	stream.strided.gather [hbm4b:s6+s14], $0x5000, s15, s14, $0x38;
	[tilespmem:$0x15480] =	vst v63  }
0x2c: {  	s7 =	rddreg [dreg:$0x6]  }
0x2d: {  	[tilespmem:s16], [sflag:$0x4] =	stream.strided.gather [hbm4b:s7+s14], $0x5000, s15, s14, $0x38;
	[tilespmem:$0x15480] =	vst v63  }
0x2e: {  	s8 =	rddreg [dreg:$0x7];
	s5 =	simm.s32 $0x14A00  }
0x2f: {  	[tilespmem:s5], [sflag:$0x5] =	stream.strided.gather [hbm4b:s8+s14], $0x500, s15, s14, $0x38;
	[tilespmem:$0x15480] =	vst v63  }
0x30: {  	s9 =	rddreg [dreg:$0x8];
	s10 =	simm.s32 $0x14F00  }
0x31: {  	[tilespmem:s10], [sflag:$0x6] =	stream.strided.gather [hbm4b:s9+s14], $0x500, s15, s14, $0x38;
	[tilespmem:$0x15480] =	vst v63  }
0x32: {  	s11 =	rddreg [dreg:$0x9]  }
0x33: {  	[tilespmem:s19], [sflag:$0x7] =	stream.strided.gather [hbm4b:s11+s14], $0x5000, s15, s14, $0x38;
	[tilespmem:$0x15480] =	vst v63  }
0x34: {  	s17 =	rddreg [dreg:$0xa]  }
0x35: {  	[tilespmem:s20], [sflag:$0x8] =	stream.strided.gather [hbm4b:s17+s14], $0x5000, s15, s14, $0x38;
	[tilespmem:$0x15480] =	vst v63  }
0x36: {  	_ =	swait.ge [sflag:s21], $0x500  }
0x37: {  	[sflag:s21] =	ssyncset.done $0x0  }
0x38: {  	[sflag:s21] =	ssyncadd.s32 $0xFFFFFB00  }
0x39: {  	_ =	swait.ge [sflag:s22], $0x500  }
0x3a: {  	[sflag:s22] =	ssyncset.done $0x0  }
0x3b: {  	[sflag:s22] =	ssyncadd.s32 $0xFFFFFB00  }
0x3c: {  	_ =	swait.ge [sflag:s23], $0x5000  }
0x3d: {  	[sflag:s23] =	ssyncset.done $0x0  }
0x3e: {  	[sflag:s23] =	ssyncadd.s32 $0xFFFFB000  }
0x3f: {  	_ =	swait.ge [sflag:s24], $0x5000  }
0x40: {  	[sflag:s24] =	ssyncset.done $0x0  }
0x41: {  	[sflag:s24] =	ssyncadd.s32 $0xFFFFB000  }
0x42: {  	v8 =	vld [tilespmem:s1+$0x0]  }
0x43: {  	v9 =	vld [tilespmem:s25+$0x0];
	_ =	sdelay $0x3  }
0x44: {  	vm11 =	vlt.f32 v8, v2  }
0x45: {  	v10 =	vsel vm11, $0x3F800000, v1;
	vm11 =	vgt.f32 v9, v3  }
0x46: {  	v11 =	vsel vm11, $0x3F800000, v1;
	(xrf0) =	vmax.scan.msk.f32 $0xffff, v10  }
0x47: {  	(xrf0) =	vmax.scan.msk.f32 $0xffff, v11;
	_ =	sdelay $0x4  }
0x48: {  	v10, _, _ =	vpop (xrf0)  }
0x49: {  	(v2sf) =	vpush v10, $0xF;
	v10, _, _ =	vpop (xrf0)  }
0x4a: {  	(v2sf) =	vpush v10, $0xF;
	_ =	sdelay $0xd  }
0x4b: {  	s18 =	spop (v2sf)  }
0x4c: {  	p1 =	sgt.f32 s18, $0.0e+00;
	s25 =	spop (v2sf)  }
0x4d: {  	v10 =	vor.u32 s2, v0;
	p0 =	sgt.f32 s25, $0.0e+00  }
0x4e: {  	(xrf1) =	vsort.ascd.msk.f32 @p1 $0xffff, v8, v10  }
0x4f: {  	(xrf1) =	vsort.ascd.msk.f32 @p0 $0xffff, v9, v10;
	_ =	sdelay $0x9  }
0x50: {  	v8 =	vlaneseq.u32 @p1  }
0x51: {  	v8 =	vmul.u32 @p1 $0xFFFFFFFF, v8;
	v9 =	vlaneseq.u32 @p0  }
0x52: {  	v9 =	vmul.u32 @p0 $0xFFFFFFFF, v9  }
0x53: {  	v8 =	vadd.s32 @p1 $0xF, v8;
	v10, v11, _ =	vpop @p1 (xrf1)  }
0x54: {  	v9 =	vadd.s32 @p0 $0xF, v9;
	v10 =	vperm.xlane @p1 v10, v8;
	v12, v13, _ =	vpop @p0 (xrf1)  }
0x55: {  	v8 =	vperm.xlane @p1 v11, v8;
	v11 =	vperm.xlane @p0 v12, v9  }
0x56: {  	v9 =	vperm.xlane @p0 v13, v9;
	vm11 =	vle.f32 @p1 v2, v10  }
0x57: {  	v10 =	vsel @p1 vm11, v2, v10;
	v8 =	vsel @p1 vm11, v7, v8;
	vm11 =	vge.f32 @p0 v3, v11  }
0x58: {  	v11 =	vsel @p0 vm11, v3, v11;
	v9 =	vsel @p0 vm11, v7, v9;
	(xrf1) =	vsort.ascd.msk.f32 @p1 $0xffff, v10, v8  }
0x59: {  	(xrf1) =	vsort.ascd.msk.f32 @p0 $0xffff, v11, v9;
	_ =	sdelay $0xc  }
0x5a: {  	v8, v9, _ =	vpop @p1 (xrf1)  }
0x5b: {  	(xrf0) =	vmax.scan.msk.f32 @p1 $0xffff, v8;
	v10, v12, _ =	vpop @p0 (xrf1)  }
0x5c: {  	(xrf0) =	vmin.scan.msk.f32 @p0 $0xffff, v10;
	_ =	sdelay $0x2  }
0x5d: {  	s4 =	simm.s32 $0x14010  }
0x5e: {  	s3 =	simm.s32 $0x14510;
	v15 =	vld [tilespmem:s4+$0x0]  }
0x5f: {  	v14 =	vld [tilespmem:s3+$0x0];
	v11 =	vpsel p1, v8, v2;
	v9 =	vpsel p1, v9, v7;
	v13, _, _ =	vpop @p1 (xrf0)  }
0x60: {  	v10 =	vpsel p0, v10, v3;
	v8 =	vpsel p0, v12, v7;
	v17 =	vbroadcast @p1 v13, $0xF;
	v12, _, _ =	vpop @p0 (xrf0)  }
0x61: {  	s5 =	simm.s32 $0x20;
	s1 =	simm.s32 $0x10;
	v13 =	vimm.f32 $3.000000010e+38;
	v16 =	vbroadcast @p0 v12, $0xF;
	v12 =	vimm.f32 $-1.000000000e+00  }
.LBB2_2:
0x62: {  	v13 =	vpsel p1, v17, v13;
	s6 =	smov.u32 s5;
	s5 =	sadd.s32 $0x10, s5  }
0x63: {  	p2 =	sne.s32 s5, $0x500;
	vm11 =	vlt.f32 v15, v13;
	v12 =	vpsel p0, v16, v12  }
0x64: {  	v16 =	vsel vm11, $0x3F800000, v1;
	vm11 =	vgt.f32 v14, v12  }
0x65: {  	v17 =	vsel vm11, $0x3F800000, v1;
	(xrf0) =	vmax.scan.msk.f32 $0xffff, v16  }
0x66: {  	(xrf0) =	vmax.scan.msk.f32 $0xffff, v17;
	_ =	sdelay $0x4  }
0x67: {  	v16, _, _ =	vpop (xrf0)  }
0x68: {  	(v2sf) =	vpush v16, $0xF;
	v16, _, _ =	vpop (xrf0)  }
0x69: {  	(v2sf) =	vpush v16, $0xF;
	_ =	sdelay $0xd  }
0x6a: {  	s7 =	spop (v2sf)  }
0x6b: {  	p1 =	sgt.f32 s7, $0.0e+00;
	s7 =	spop (v2sf)  }
0x6c: {  	v16 =	vor.u32 s1, v0;
	s1 =	smov.u32 s6;
	p0 =	sgt.f32 s7, $0.0e+00  }
0x6d: {  	v17 =	vlaneseq.u32 @p1;
	(xrf1) =	vsort.ascd.msk.f32 @p1 $0xffff, v15, v16  }
0x6e: {  	v15 =	vmul.u32 @p1 $0xFFFFFFFF, v17;
	v17 =	vlaneseq.u32 @p0;
	(xrf1) =	vsort.ascd.msk.f32 @p0 $0xffff, v14, v16  }
0x6f: {  	v14 =	vmul.u32 @p0 $0xFFFFFFFF, v17;
	_ =	sdelay $0xb  }
0x70: {  	v15 =	vadd.s32 @p1 $0xF, v15;
	v14 =	vadd.s32 @p0 $0xF, v14;
	v16, v17, _ =	vpop @p1 (xrf1)  }
0x71: {  	v16 =	vperm.xlane @p1 v16, v15;
	v15 =	vperm.xlane @p1 v17, v15;
	v17, v18, _ =	vpop @p0 (xrf1)  }
0x72: {  	v17 =	vperm.xlane @p0 v17, v14;
	v14 =	vperm.xlane @p0 v18, v14  }
0x73: {  	vm11 =	vle.f32 @p1 v11, v16  }
0x74: {  	v16 =	vsel @p1 vm11, v11, v16;
	v15 =	vsel @p1 vm11, v9, v15;
	vm11 =	vge.f32 @p0 v10, v17  }
0x75: {  	v17 =	vsel @p0 vm11, v10, v17;
	v14 =	vsel @p0 vm11, v8, v14;
	(xrf1) =	vsort.ascd.msk.f32 @p1 $0xffff, v16, v15  }
0x76: {  	(xrf1) =	vsort.ascd.msk.f32 @p0 $0xffff, v17, v14;
	_ =	sdelay $0xc  }
0x77: {  	v14, v15, _ =	vpop @p1 (xrf1)  }
0x78: {  	v11 =	vpsel p1, v14, v11;
	v9 =	vpsel p1, v15, v9;
	(xrf0) =	vmax.scan.msk.f32 @p1 $0xffff, v14;
	v14, v15, _ =	vpop @p0 (xrf1)  }
0x79: {  	v10 =	vpsel p0, v14, v10;
	v8 =	vpsel p0, v15, v8;
	(xrf0) =	vmin.scan.msk.f32 @p0 $0xffff, v14;
	_ =	sdelay $0x1  }
0x7a: {  	s3 =	sadd.s32 $0x10, s3  }
.Ltmp2:
0x7b: {  	s4 =	sadd.s32 $0x10, s4;
	v14 =	vld [tilespmem:s3+$0x0];
	(pc) =	sbr.rel @p2 .LBB2_2-.Ltmp2, $4  }
0x7c: {  	v15 =	vld [tilespmem:s4+$0x0]  }
0x7d: {  	v16, _, _ =	vpop @p1 (xrf0)  }
0x7e: {  	v17 =	vbroadcast @p1 v16, $0xF;
	v16, _, _ =	vpop @p0 (xrf0)  }
0x7f: {  	v16 =	vbroadcast @p0 v16, $0xF  }
0x80: {  	v13 =	vpsel p1, v17, v13  }
0x81: {  	vm11 =	vlt.f32 v15, v13  }
0x82: {  	v13 =	vsel vm11, $0x3F800000, v1  }
0x83: {  	(xrf0) =	vmax.scan.msk.f32 $0xffff, v13;
	_ =	sdelay $0x5  }
0x84: {  	v13, _, _ =	vpop (xrf0)  }
0x85: {  	(v2sf) =	vpush v13, $0xF  }
0x86: {  	v12 =	vpsel p0, v16, v12  }
0x87: {  	vm11 =	vgt.f32 v14, v12  }
0x88: {  	v12 =	vsel vm11, $0x3F800000, v1  }
0x89: {  	(xrf0) =	vmax.scan.msk.f32 $0xffff, v12;
	_ =	sdelay $0x5  }
0x8a: {  	v12, _, _ =	vpop (xrf0)  }
0x8b: {  	(v2sf) =	vpush v12, $0xF;
	_ =	sdelay $0x3  }
0x8c: {  	s3 =	spop (v2sf)  }
0x8d: {  	p1 =	sgt.f32 s3, $0.0e+00  }
0x8e: {  	v12 =	vor.u32 s1, v0  }
0x8f: {  	(xrf1) =	vsort.ascd.msk.f32 @p1 $0xffff, v15, v12;
	_ =	sdelay $0x7  }
0x90: {  	s7 =	spop (v2sf)  }
0x91: {  	p0 =	sgt.f32 s7, $0.0e+00;
	_ =	sdelay $0x1  }
0x92: {  	v13 =	vlaneseq.u32 @p1;
	(xrf1) =	vsort.ascd.msk.f32 @p0 $0xffff, v14, v12  }
0x93: {  	v12 =	vmul.u32 @p1 $0xFFFFFFFF, v13;
	_ =	sdelay $0x1  }
0x94: {  	v12 =	vadd.s32 @p1 $0xF, v12;
	v13, v14, _ =	vpop @p1 (xrf1)  }
0x95: {  	v13 =	vperm.xlane @p1 v13, v12  }
0x96: {  	v12 =	vperm.xlane @p1 v14, v12  }
0x97: {  	vm11 =	vle.f32 @p1 v11, v13  }
0x98: {  	v11 =	vsel @p1 vm11, v11, v13;
	v12 =	vsel @p1 vm11, v9, v12  }
0x99: {  	(xrf1) =	vsort.ascd.msk.f32 @p1 $0xffff, v11, v12;
	_ =	sdelay $0x2  }
0x9a: {  	v11 =	vlaneseq.u32 @p0  }
0x9b: {  	v11 =	vmul.u32 @p0 $0xFFFFFFFF, v11;
	_ =	sdelay $0x1  }
0x9c: {  	v12, v13, _ =	vpop @p0 (xrf1);
	v11 =	vadd.s32 @p0 $0xF, v11  }
0x9d: {  	v12 =	vperm.xlane @p0 v12, v11  }
0x9e: {  	v11 =	vperm.xlane @p0 v13, v11  }
0x9f: {  	vm11 =	vge.f32 @p0 v10, v12  }
0xa0: {  	v10 =	vsel @p0 vm11, v10, v12;
	v11 =	vsel @p0 vm11, v8, v11  }
0xa1: {  	(xrf1) =	vsort.ascd.msk.f32 @p0 $0xffff, v10, v11;
	_ =	sdelay $0x2  }
0xa2: {  	v10, v11, _ =	vpop @p1 (xrf1)  }
0xa3: {  	v9 =	vpsel p1, v11, v9;
	_ =	sdelay $0x4  }
0xa4: {  	v11 =	vld.idx.msk [tilespmem:v9+s2+$0x0], $0xffff;
	_ =	sdelay $0x4  }
0xa5: {  	(xrf0) =	vmax.scan.msk.f32 @p1 $0xffff, v10;
	v10, v12, _ =	vpop @p0 (xrf1);
	vm11 =	vlt.f32 v11, $3.000000010e+38  }
0xa6: {  	(xrf0) =	vmin.scan.msk.f32 @p0 $0xffff, v10;
	v10 =	vsel vm11, $0x3F800000, v1  }
0xa7: {  	(xrf0) =	vmax.scan.msk.f32 $0xffff, v10;
	_ =	sdelay $0x3  }
0xa8: {  	v10, _, _ =	vpop @p1 (xrf0)  }
0xa9: {  	v10, _, _ =	vpop @p0 (xrf0)  }
0xaa: {  	v10, _, _ =	vpop (xrf0)  }
0xab: {  	(v2sf) =	vpush v10, $0xF;
	_ =	sdelay $0xe  }
0xac: {  	s8 =	spop (v2sf)  }
0xad: {  	p2 =	sgt.f32 s8, $0.0e+00;
	_ =	sdelay $0x1  }
0xae: {  	(xrf1) =	vsort.ascd.msk.f32 @p2 $0xffff, v11, v11;
	_ =	sdelay $0xa  }
0xaf: {  	v10 =	vlaneseq.u32 @p2  }
0xb0: {  	v10 =	vmul.u32 @p2 $0xFFFFFFFF, v10;
	_ =	sdelay $0x1  }
0xb1: {  	v10 =	vadd.s32 @p2 $0xF, v10;
	v11, _, _ =	vpop @p2 (xrf1)  }
0xb2: {  	v10 =	vperm.xlane @p2 v11, v10;
	_ =	sdelay $0x1  }
0xb3: {  	v10 =	vmin.f32 @p2 v10, $3.000000010e+38  }
0xb4: {  	(xrf1) =	vsort.ascd.msk.f32 @p2 $0xffff, v10, v10;
	_ =	sdelay $0x3  }
0xb5: {  	v8 =	vpsel p0, v12, v8;
	_ =	sdelay $0x4  }
0xb6: {  	v10 =	vld.idx.msk [tilespmem:v8+s16+$0x0], $0xffff;
	_ =	sdelay $0x4  }
0xb7: {  	vm11 =	vgt.f32 v10, $-1.000000000e+00;
	v11, _, _ =	vpop @p2 (xrf1)  }
0xb8: {  	v20 =	vsel vm11, $0x3F800000, v1;
	(xrf0) =	vmax.scan.msk.f32 @p2 $0xffff, v11  }
0xb9: {  	(xrf0) =	vmax.scan.msk.f32 $0xffff, v20;
	_ =	sdelay $0x4  }
0xba: {  	v12, _, _ =	vpop @p2 (xrf0)  }
0xbb: {  	v21, _, _ =	vpop (xrf0)  }
0xbc: {  	(v2sf) =	vpush v21, $0xF;
	_ =	sdelay $0xe  }
0xbd: {  	s9 =	spop (v2sf)  }
0xbe: {  	p0 =	sgt.f32 s9, $0.0e+00;
	_ =	sdelay $0x1  }
0xbf: {  	(xrf1) =	vsort.ascd.msk.f32 @p0 $0xffff, v10, v10;
	_ =	sdelay $0xa  }
0xc0: {  	v10 =	vlaneseq.u32 @p0  }
0xc1: {  	v10 =	vmul.u32 @p0 $0xFFFFFFFF, v10;
	_ =	sdelay $0x1  }
0xc2: {  	v10 =	vadd.s32 @p0 $0xF, v10;
	v13, _, _ =	vpop @p0 (xrf1)  }
0xc3: {  	v10 =	vperm.xlane @p0 v13, v10;
	_ =	sdelay $0x1  }
0xc4: {  	v10 =	vmax.f32 @p0 v10, $-1.000000000e+00  }
0xc5: {  	(xrf1) =	vsort.ascd.msk.f32 @p0 $0xffff, v10, v10;
	_ =	sdelay $0x1  }
0xc6: {  	v10 =	vand.u32 $0xFFFFFF80, v9;
	v9 =	vand.u32 $0x7F, v9  }
0xc7: {  	v22 =	vor.u32 v9, v10  }
0xc8: {  	v13 =	vadd.s32 $0x500, v22;
	_ =	sdelay $0x4  }
0xc9: {  	v13 =	vld.idx.msk [tilespmem:v13+s2+$0x0], $0xffff;
	_ =	sdelay $0x1  }
0xca: {  	v12 =	vbroadcast @p2 v12, $0xF;
	_ =	sdelay $0x1  }
0xcb: {  	v12 =	vpsel !p2, $0x7F61B1E6, v12  }
0xcc: {  	vm11 =	vlt.f32 v13, v12;
	v14, _, _ =	vpop @p0 (xrf1)  }
0xcd: {  	v23 =	vsel vm11, $0x3F800000, v1;
	(xrf0) =	vmin.scan.msk.f32 @p0 $0xffff, v14  }
0xce: {  	(xrf0) =	vmax.scan.msk.f32 $0xffff, v23;
	_ =	sdelay $0x4  }
0xcf: {  	v15, _, _ =	vpop @p0 (xrf0)  }
0xd0: {  	v24, _, _ =	vpop (xrf0)  }
0xd1: {  	(v2sf) =	vpush v24, $0xF;
	_ =	sdelay $0xe  }
0xd2: {  	s10 =	spop (v2sf)  }
0xd3: {  	p1 =	sgt.f32 s10, $0.0e+00;
	_ =	sdelay $0x1  }
0xd4: {  	(xrf1) =	vsort.ascd.msk.f32 @p1 $0xffff, v13, v13;
	_ =	sdelay $0xa  }
0xd5: {  	v13 =	vlaneseq.u32 @p1  }
0xd6: {  	v13 =	vmul.u32 @p1 $0xFFFFFFFF, v13;
	_ =	sdelay $0x1  }
0xd7: {  	v13 =	vadd.s32 @p1 $0xF, v13;
	v16, _, _ =	vpop @p1 (xrf1)  }
0xd8: {  	v13 =	vperm.xlane @p1 v16, v13  }
0xd9: {  	v11 =	vpsel !p2, $0x7F61B1E6, v11  }
0xda: {  	v13 =	vmin.f32 @p1 v11, v13  }
0xdb: {  	(xrf1) =	vsort.ascd.msk.f32 @p1 $0xffff, v13, v13;
	_ =	sdelay $0x1  }
0xdc: {  	v25 =	vand.u32 $0xFFFFFF80, v8;
	v26 =	vand.u32 $0x7F, v8  }
0xdd: {  	v8 =	vor.u32 v26, v25  }
0xde: {  	v8 =	vadd.s32 $0x500, v8;
	_ =	sdelay $0x4  }
0xdf: {  	v8 =	vld.idx.msk [tilespmem:v8+s16+$0x0], $0xffff;
	_ =	sdelay $0x1  }
0xe0: {  	v15 =	vbroadcast @p0 v15, $0xF;
	_ =	sdelay $0x1  }
0xe1: {  	v15 =	vpsel !p0, $0xBF800000, v15  }
0xe2: {  	vm11 =	vgt.f32 v8, v15;
	v17, _, _ =	vpop @p1 (xrf1)  }
0xe3: {  	v18 =	vsel vm11, $0x3F800000, v1;
	(xrf0) =	vmax.scan.msk.f32 @p1 $0xffff, v17  }
0xe4: {  	(xrf0) =	vmax.scan.msk.f32 $0xffff, v18;
	_ =	sdelay $0x4  }
0xe5: {  	v18, _, _ =	vpop @p1 (xrf0)  }
0xe6: {  	v19, _, _ =	vpop (xrf0)  }
0xe7: {  	(v2sf) =	vpush v19, $0xF;
	_ =	sdelay $0xe  }
0xe8: {  	s11 =	spop (v2sf)  }
0xe9: {  	p2 =	sgt.f32 s11, $0.0e+00;
	_ =	sdelay $0x1  }
0xea: {  	(xrf1) =	vsort.ascd.msk.f32 @p2 $0xffff, v8, v8;
	_ =	sdelay $0xa  }
0xeb: {  	v8 =	vlaneseq.u32 @p2  }
0xec: {  	v8 =	vmul.u32 @p2 $0xFFFFFFFF, v8;
	_ =	sdelay $0x1  }
0xed: {  	v8 =	vadd.s32 @p2 $0xF, v8;
	v19, _, _ =	vpop @p2 (xrf1)  }
0xee: {  	v8 =	vperm.xlane @p2 v19, v8  }
0xef: {  	v14 =	vpsel !p0, $0xBF800000, v14  }
0xf0: {  	v8 =	vmax.f32 @p2 v14, v8  }
0xf1: {  	(xrf1) =	vsort.ascd.msk.f32 @p2 $0xffff, v8, v8;
	_ =	sdelay $0x2  }
0xf2: {  	v8 =	vadd.s32 v9, v10  }
0xf3: {  	v9 =	vadd.s32 $0xA00, v8;
	_ =	sdelay $0x4  }
0xf4: {  	v9 =	vld.idx.msk [tilespmem:v9+s2+$0x0], $0xffff;
	_ =	sdelay $0x1  }
0xf5: {  	v10 =	vbroadcast @p1 v18, $0xF;
	_ =	sdelay $0x1  }
0xf6: {  	v10 =	vpsel p1, v10, v12  }
0xf7: {  	vm11 =	vlt.f32 v9, v10;
	v12, _, _ =	vpop @p2 (xrf1)  }
0xf8: {  	v27 =	vsel vm11, $0x3F800000, v1;
	(xrf0) =	vmin.scan.msk.f32 @p2 $0xffff, v12  }
0xf9: {  	(xrf0) =	vmax.scan.msk.f32 $0xffff, v27;
	_ =	sdelay $0x4  }
0xfa: {  	v18, _, _ =	vpop @p2 (xrf0)  }
0xfb: {  	v28, _, _ =	vpop (xrf0)  }
0xfc: {  	(v2sf) =	vpush v28, $0xF;
	_ =	sdelay $0xe  }
0xfd: {  	s17 =	spop (v2sf)  }
0xfe: {  	p0 =	sgt.f32 s17, $0.0e+00;
	_ =	sdelay $0x1  }
0xff: {  	(xrf1) =	vsort.ascd.msk.f32 @p0 $0xffff, v9, v9;
	_ =	sdelay $0xa  }
0x100: {  	v9 =	vlaneseq.u32 @p0  }
0x101: {  	v9 =	vmul.u32 @p0 $0xFFFFFFFF, v9;
	_ =	sdelay $0x1  }
0x102: {  	v9 =	vadd.s32 @p0 $0xF, v9;
	v19, _, _ =	vpop @p0 (xrf1)  }
0x103: {  	v9 =	vperm.xlane @p0 v19, v9  }
0x104: {  	v11 =	vpsel p1, v17, v11  }
0x105: {  	v9 =	vmin.f32 @p0 v11, v9  }
0x106: {  	(xrf1) =	vsort.ascd.msk.f32 @p0 $0xffff, v9, v9;
	_ =	sdelay $0x2  }
0x107: {  	v9 =	vadd.s32 v26, v25  }
0x108: {  	v13 =	vadd.s32 $0xA00, v9;
	_ =	sdelay $0x4  }
0x109: {  	v13 =	vld.idx.msk [tilespmem:v13+s16+$0x0], $0xffff  }
0x10a: {  	v16 =	vbroadcast @p2 v18, $0xF;
	_ =	sdelay $0x2  }
0x10b: {  	v15 =	vpsel p2, v16, v15  }
0x10c: {  	vm11 =	vgt.f32 v13, v15;
	v16, _, _ =	vpop @p0 (xrf1)  }
0x10d: {  	v29 =	vsel vm11, $0x3F800000, v1;
	(xrf0) =	vmax.scan.msk.f32 @p0 $0xffff, v16  }
0x10e: {  	(xrf0) =	vmax.scan.msk.f32 $0xffff, v29;
	_ =	sdelay $0x4  }
0x10f: {  	v17, _, _ =	vpop @p0 (xrf0)  }
0x110: {  	v30, _, _ =	vpop (xrf0)  }
0x111: {  	(v2sf) =	vpush v30, $0xF;
	_ =	sdelay $0xe  }
0x112: {  	s18 =	spop (v2sf)  }
0x113: {  	p1 =	sgt.f32 s18, $0.0e+00;
	_ =	sdelay $0x1  }
0x114: {  	(xrf1) =	vsort.ascd.msk.f32 @p1 $0xffff, v13, v13;
	_ =	sdelay $0xa  }
0x115: {  	v13 =	vlaneseq.u32 @p1  }
0x116: {  	v13 =	vmul.u32 @p1 $0xFFFFFFFF, v13;
	_ =	sdelay $0x1  }
0x117: {  	v13 =	vadd.s32 @p1 $0xF, v13;
	v18, _, _ =	vpop @p1 (xrf1)  }
0x118: {  	v13 =	vperm.xlane @p1 v18, v13  }
0x119: {  	v12 =	vpsel p2, v12, v14  }
0x11a: {  	v13 =	vmax.f32 @p1 v12, v13  }
0x11b: {  	(xrf1) =	vsort.ascd.msk.f32 @p1 $0xffff, v13, v13;
	_ =	sdelay $0x3  }
0x11c: {  	v31 =	vadd.s32 $0xF00, v8;
	_ =	sdelay $0x4  }
0x11d: {  	v13 =	vld.idx.msk [tilespmem:v31+s2+$0x0], $0xffff  }
0x11e: {  	v14 =	vbroadcast @p0 v17, $0xF;
	_ =	sdelay $0x2  }
0x11f: {  	v10 =	vpsel p0, v14, v10  }
0x120: {  	vm11 =	vlt.f32 v13, v10;
	v14, _, _ =	vpop @p1 (xrf1)  }
0x121: {  	v32 =	vsel vm11, $0x3F800000, v1;
	(xrf0) =	vmin.scan.msk.f32 @p1 $0xffff, v14  }
0x122: {  	(xrf0) =	vmax.scan.msk.f32 $0xffff, v32;
	_ =	sdelay $0x4  }
0x123: {  	v17, _, _ =	vpop @p1 (xrf0)  }
0x124: {  	v33, _, _ =	vpop (xrf0)  }
0x125: {  	(v2sf) =	vpush v33, $0xF;
	_ =	sdelay $0xe  }
0x126: {  	s25 =	spop (v2sf)  }
0x127: {  	p2 =	sgt.f32 s25, $0.0e+00;
	_ =	sdelay $0x1  }
0x128: {  	(xrf1) =	vsort.ascd.msk.f32 @p2 $0xffff, v13, v13;
	_ =	sdelay $0xa  }
0x129: {  	v13 =	vlaneseq.u32 @p2  }
0x12a: {  	v13 =	vmul.u32 @p2 $0xFFFFFFFF, v13;
	_ =	sdelay $0x1  }
0x12b: {  	v13 =	vadd.s32 @p2 $0xF, v13;
	v18, _, _ =	vpop @p2 (xrf1)  }
0x12c: {  	v13 =	vperm.xlane @p2 v18, v13  }
0x12d: {  	v11 =	vpsel p0, v16, v11  }
0x12e: {  	v13 =	vmin.f32 @p2 v11, v13  }
0x12f: {  	(xrf1) =	vsort.ascd.msk.f32 @p2 $0xffff, v13, v13;
	_ =	sdelay $0x3  }
0x130: {  	v34 =	vadd.s32 $0xF00, v9;
	_ =	sdelay $0x4  }
0x131: {  	v13 =	vld.idx.msk [tilespmem:v34+s16+$0x0], $0xffff  }
0x132: {  	v16 =	vbroadcast @p1 v17, $0xF;
	_ =	sdelay $0x2  }
0x133: {  	v15 =	vpsel p1, v16, v15  }
0x134: {  	vm11 =	vgt.f32 v13, v15;
	v16, _, _ =	vpop @p2 (xrf1)  }
0x135: {  	v35 =	vsel vm11, $0x3F800000, v1;
	(xrf0) =	vmax.scan.msk.f32 @p2 $0xffff, v16  }
0x136: {  	(xrf0) =	vmax.scan.msk.f32 $0xffff, v35;
	_ =	sdelay $0x4  }
0x137: {  	v17, _, _ =	vpop @p2 (xrf0)  }
0x138: {  	v36, _, _ =	vpop (xrf0)  }
0x139: {  	(v2sf) =	vpush v36, $0xF;
	_ =	sdelay $0xe  }
0x13a: {  	s3 =	spop (v2sf)  }
0x13b: {  	p0 =	sgt.f32 s3, $0.0e+00;
	_ =	sdelay $0x1  }
0x13c: {  	(xrf1) =	vsort.ascd.msk.f32 @p0 $0xffff, v13, v13;
	_ =	sdelay $0xa  }
0x13d: {  	v13 =	vlaneseq.u32 @p0  }
0x13e: {  	v13 =	vmul.u32 @p0 $0xFFFFFFFF, v13;
	_ =	sdelay $0x1  }
0x13f: {  	v13 =	vadd.s32 @p0 $0xF, v13;
	v18, _, _ =	vpop @p0 (xrf1)  }
0x140: {  	v13 =	vperm.xlane @p0 v18, v13  }
0x141: {  	v12 =	vpsel p1, v14, v12  }
0x142: {  	v13 =	vmax.f32 @p0 v12, v13  }
0x143: {  	(xrf1) =	vsort.ascd.msk.f32 @p0 $0xffff, v13, v13;
	_ =	sdelay $0x3  }
0x144: {  	v37 =	vadd.s32 $0x1400, v8;
	_ =	sdelay $0x4  }
0x145: {  	v13 =	vld.idx.msk [tilespmem:v37+s2+$0x0], $0xffff  }
0x146: {  	v14 =	vbroadcast @p2 v17, $0xF;
	_ =	sdelay $0x2  }
0x147: {  	v10 =	vpsel p2, v14, v10  }
0x148: {  	vm11 =	vlt.f32 v13, v10;
	v14, _, _ =	vpop @p0 (xrf1)  }
0x149: {  	v38 =	vsel vm11, $0x3F800000, v1;
	(xrf0) =	vmin.scan.msk.f32 @p0 $0xffff, v14  }
0x14a: {  	(xrf0) =	vmax.scan.msk.f32 $0xffff, v38;
	_ =	sdelay $0x4  }
0x14b: {  	v17, _, _ =	vpop @p0 (xrf0)  }
0x14c: {  	v39, _, _ =	vpop (xrf0)  }
0x14d: {  	(v2sf) =	vpush v39, $0xF;
	_ =	sdelay $0xe  }
0x14e: {  	s4 =	spop (v2sf)  }
0x14f: {  	p1 =	sgt.f32 s4, $0.0e+00;
	_ =	sdelay $0x1  }
0x150: {  	(xrf1) =	vsort.ascd.msk.f32 @p1 $0xffff, v13, v13;
	_ =	sdelay $0xa  }
0x151: {  	v13 =	vlaneseq.u32 @p1  }
0x152: {  	v13 =	vmul.u32 @p1 $0xFFFFFFFF, v13;
	_ =	sdelay $0x1  }
0x153: {  	v13 =	vadd.s32 @p1 $0xF, v13;
	v18, _, _ =	vpop @p1 (xrf1)  }
0x154: {  	v13 =	vperm.xlane @p1 v18, v13  }
0x155: {  	v11 =	vpsel p2, v16, v11  }
0x156: {  	v13 =	vmin.f32 @p1 v11, v13  }
0x157: {  	(xrf1) =	vsort.ascd.msk.f32 @p1 $0xffff, v13, v13;
	_ =	sdelay $0x3  }
0x158: {  	v40 =	vadd.s32 $0x1400, v9;
	_ =	sdelay $0x4  }
0x159: {  	v13 =	vld.idx.msk [tilespmem:v40+s16+$0x0], $0xffff  }
0x15a: {  	v16 =	vbroadcast @p0 v17, $0xF;
	_ =	sdelay $0x2  }
0x15b: {  	v15 =	vpsel p0, v16, v15  }
0x15c: {  	vm11 =	vgt.f32 v13, v15;
	v16, _, _ =	vpop @p1 (xrf1)  }
0x15d: {  	v41 =	vsel vm11, $0x3F800000, v1;
	(xrf0) =	vmax.scan.msk.f32 @p1 $0xffff, v16  }
0x15e: {  	(xrf0) =	vmax.scan.msk.f32 $0xffff, v41;
	_ =	sdelay $0x4  }
0x15f: {  	v17, _, _ =	vpop @p1 (xrf0)  }
0x160: {  	v42, _, _ =	vpop (xrf0)  }
0x161: {  	(v2sf) =	vpush v42, $0xF;
	_ =	sdelay $0xe  }
0x162: {  	s5 =	spop (v2sf)  }
0x163: {  	p2 =	sgt.f32 s5, $0.0e+00;
	_ =	sdelay $0x1  }
0x164: {  	(xrf1) =	vsort.ascd.msk.f32 @p2 $0xffff, v13, v13;
	_ =	sdelay $0xa  }
0x165: {  	v13 =	vlaneseq.u32 @p2  }
0x166: {  	v13 =	vmul.u32 @p2 $0xFFFFFFFF, v13;
	_ =	sdelay $0x1  }
0x167: {  	v13 =	vadd.s32 @p2 $0xF, v13;
	v18, _, _ =	vpop @p2 (xrf1)  }
0x168: {  	v13 =	vperm.xlane @p2 v18, v13  }
0x169: {  	v12 =	vpsel p0, v14, v12  }
0x16a: {  	v13 =	vmax.f32 @p2 v12, v13  }
0x16b: {  	(xrf1) =	vsort.ascd.msk.f32 @p2 $0xffff, v13, v13;
	_ =	sdelay $0x3  }
0x16c: {  	v43 =	vadd.s32 $0x1900, v8;
	_ =	sdelay $0x4  }
0x16d: {  	v13 =	vld.idx.msk [tilespmem:v43+s2+$0x0], $0xffff  }
0x16e: {  	v14 =	vbroadcast @p1 v17, $0xF;
	_ =	sdelay $0x2  }
0x16f: {  	v10 =	vpsel p1, v14, v10  }
0x170: {  	vm11 =	vlt.f32 v13, v10;
	v14, _, _ =	vpop @p2 (xrf1)  }
0x171: {  	v44 =	vsel vm11, $0x3F800000, v1;
	(xrf0) =	vmin.scan.msk.f32 @p2 $0xffff, v14  }
0x172: {  	(xrf0) =	vmax.scan.msk.f32 $0xffff, v44;
	_ =	sdelay $0x4  }
0x173: {  	v17, _, _ =	vpop @p2 (xrf0)  }
0x174: {  	v45, _, _ =	vpop (xrf0)  }
0x175: {  	(v2sf) =	vpush v45, $0xF;
	_ =	sdelay $0xe  }
0x176: {  	s6 =	spop (v2sf)  }
0x177: {  	p0 =	sgt.f32 s6, $0.0e+00;
	_ =	sdelay $0x1  }
0x178: {  	(xrf1) =	vsort.ascd.msk.f32 @p0 $0xffff, v13, v13;
	_ =	sdelay $0xa  }
0x179: {  	v13 =	vlaneseq.u32 @p0  }
0x17a: {  	v13 =	vmul.u32 @p0 $0xFFFFFFFF, v13;
	_ =	sdelay $0x1  }
0x17b: {  	v13 =	vadd.s32 @p0 $0xF, v13;
	v18, _, _ =	vpop @p0 (xrf1)  }
0x17c: {  	v13 =	vperm.xlane @p0 v18, v13  }
0x17d: {  	v11 =	vpsel p1, v16, v11  }
0x17e: {  	v13 =	vmin.f32 @p0 v11, v13  }
0x17f: {  	(xrf1) =	vsort.ascd.msk.f32 @p0 $0xffff, v13, v13;
	_ =	sdelay $0x3  }
0x180: {  	v46 =	vadd.s32 $0x1900, v9;
	_ =	sdelay $0x4  }
0x181: {  	v13 =	vld.idx.msk [tilespmem:v46+s16+$0x0], $0xffff  }
0x182: {  	v16 =	vbroadcast @p2 v17, $0xF;
	_ =	sdelay $0x2  }
0x183: {  	v15 =	vpsel p2, v16, v15  }
0x184: {  	vm11 =	vgt.f32 v13, v15;
	v16, _, _ =	vpop @p0 (xrf1)  }
0x185: {  	v47 =	vsel vm11, $0x3F800000, v1;
	(xrf0) =	vmax.scan.msk.f32 @p0 $0xffff, v16  }
0x186: {  	(xrf0) =	vmax.scan.msk.f32 $0xffff, v47;
	_ =	sdelay $0x4  }
0x187: {  	v17, _, _ =	vpop @p0 (xrf0)  }
0x188: {  	v48, _, _ =	vpop (xrf0)  }
0x189: {  	(v2sf) =	vpush v48, $0xF;
	_ =	sdelay $0xe  }
0x18a: {  	s7 =	spop (v2sf)  }
0x18b: {  	p1 =	sgt.f32 s7, $0.0e+00;
	_ =	sdelay $0x1  }
0x18c: {  	(xrf1) =	vsort.ascd.msk.f32 @p1 $0xffff, v13, v13;
	_ =	sdelay $0xa  }
0x18d: {  	v13 =	vlaneseq.u32 @p1  }
0x18e: {  	v13 =	vmul.u32 @p1 $0xFFFFFFFF, v13;
	_ =	sdelay $0x1  }
0x18f: {  	v13 =	vadd.s32 @p1 $0xF, v13;
	v18, _, _ =	vpop @p1 (xrf1)  }
0x190: {  	v13 =	vperm.xlane @p1 v18, v13  }
0x191: {  	v12 =	vpsel p2, v14, v12  }
0x192: {  	v13 =	vmax.f32 @p1 v12, v13  }
0x193: {  	(xrf1) =	vsort.ascd.msk.f32 @p1 $0xffff, v13, v13;
	_ =	sdelay $0x3  }
0x194: {  	v49 =	vadd.s32 $0x1E00, v8;
	_ =	sdelay $0x4  }
0x195: {  	v13 =	vld.idx.msk [tilespmem:v49+s2+$0x0], $0xffff  }
0x196: {  	v14 =	vbroadcast @p0 v17, $0xF;
	_ =	sdelay $0x2  }
0x197: {  	v10 =	vpsel p0, v14, v10  }
0x198: {  	vm11 =	vlt.f32 v13, v10;
	v14, _, _ =	vpop @p1 (xrf1)  }
0x199: {  	v50 =	vsel vm11, $0x3F800000, v1;
	(xrf0) =	vmin.scan.msk.f32 @p1 $0xffff, v14  }
0x19a: {  	(xrf0) =	vmax.scan.msk.f32 $0xffff, v50;
	_ =	sdelay $0x4  }
0x19b: {  	v17, _, _ =	vpop @p1 (xrf0)  }
0x19c: {  	v51, _, _ =	vpop (xrf0)  }
0x19d: {  	(v2sf) =	vpush v51, $0xF;
	_ =	sdelay $0xe  }
0x19e: {  	s8 =	spop (v2sf)  }
0x19f: {  	p2 =	sgt.f32 s8, $0.0e+00;
	_ =	sdelay $0x1  }
0x1a0: {  	(xrf1) =	vsort.ascd.msk.f32 @p2 $0xffff, v13, v13;
	_ =	sdelay $0xa  }
0x1a1: {  	v13 =	vlaneseq.u32 @p2  }
0x1a2: {  	v13 =	vmul.u32 @p2 $0xFFFFFFFF, v13;
	_ =	sdelay $0x1  }
0x1a3: {  	v13 =	vadd.s32 @p2 $0xF, v13;
	v18, _, _ =	vpop @p2 (xrf1)  }
0x1a4: {  	v13 =	vperm.xlane @p2 v18, v13  }
0x1a5: {  	v11 =	vpsel p0, v16, v11  }
0x1a6: {  	v13 =	vmin.f32 @p2 v11, v13  }
0x1a7: {  	(xrf1) =	vsort.ascd.msk.f32 @p2 $0xffff, v13, v13;
	_ =	sdelay $0x3  }
0x1a8: {  	v52 =	vadd.s32 $0x1E00, v9;
	_ =	sdelay $0x4  }
0x1a9: {  	v13 =	vld.idx.msk [tilespmem:v52+s16+$0x0], $0xffff  }
0x1aa: {  	v16 =	vbroadcast @p1 v17, $0xF;
	_ =	sdelay $0x2  }
0x1ab: {  	v15 =	vpsel p1, v16, v15  }
0x1ac: {  	vm11 =	vgt.f32 v13, v15;
	v16, _, _ =	vpop @p2 (xrf1)  }
0x1ad: {  	v53 =	vsel vm11, $0x3F800000, v1;
	(xrf0) =	vmax.scan.msk.f32 @p2 $0xffff, v16  }
0x1ae: {  	(xrf0) =	vmax.scan.msk.f32 $0xffff, v53;
	_ =	sdelay $0x4  }
0x1af: {  	v17, _, _ =	vpop @p2 (xrf0)  }
0x1b0: {  	v54, _, _ =	vpop (xrf0)  }
0x1b1: {  	(v2sf) =	vpush v54, $0xF;
	_ =	sdelay $0xe  }
0x1b2: {  	s9 =	spop (v2sf)  }
0x1b3: {  	p0 =	sgt.f32 s9, $0.0e+00;
	_ =	sdelay $0x1  }
0x1b4: {  	(xrf1) =	vsort.ascd.msk.f32 @p0 $0xffff, v13, v13;
	_ =	sdelay $0xa  }
0x1b5: {  	v13 =	vlaneseq.u32 @p0  }
0x1b6: {  	v13 =	vmul.u32 @p0 $0xFFFFFFFF, v13;
	_ =	sdelay $0x1  }
0x1b7: {  	v13 =	vadd.s32 @p0 $0xF, v13;
	v18, _, _ =	vpop @p0 (xrf1)  }
0x1b8: {  	v13 =	vperm.xlane @p0 v18, v13  }
0x1b9: {  	v12 =	vpsel p1, v14, v12  }
0x1ba: {  	v13 =	vmax.f32 @p0 v12, v13  }
0x1bb: {  	(xrf1) =	vsort.ascd.msk.f32 @p0 $0xffff, v13, v13;
	_ =	sdelay $0x3  }
0x1bc: {  	v55 =	vadd.s32 $0x2300, v8;
	_ =	sdelay $0x4  }
0x1bd: {  	v13 =	vld.idx.msk [tilespmem:v55+s2+$0x0], $0xffff  }
0x1be: {  	v14 =	vbroadcast @p2 v17, $0xF;
	_ =	sdelay $0x2  }
0x1bf: {  	v10 =	vpsel p2, v14, v10  }
0x1c0: {  	vm11 =	vlt.f32 v13, v10;
	v14, _, _ =	vpop @p0 (xrf1)  }
0x1c1: {  	v56 =	vsel vm11, $0x3F800000, v1;
	(xrf0) =	vmin.scan.msk.f32 @p0 $0xffff, v14  }
0x1c2: {  	(xrf0) =	vmax.scan.msk.f32 $0xffff, v56;
	_ =	sdelay $0x4  }
0x1c3: {  	v17, _, _ =	vpop @p0 (xrf0)  }
0x1c4: {  	v57, _, _ =	vpop (xrf0)  }
0x1c5: {  	(v2sf) =	vpush v57, $0xF;
	_ =	sdelay $0xe  }
0x1c6: {  	s10 =	spop (v2sf)  }
0x1c7: {  	p1 =	sgt.f32 s10, $0.0e+00;
	_ =	sdelay $0x1  }
0x1c8: {  	(xrf1) =	vsort.ascd.msk.f32 @p1 $0xffff, v13, v13;
	_ =	sdelay $0xa  }
0x1c9: {  	v13 =	vlaneseq.u32 @p1  }
0x1ca: {  	v13 =	vmul.u32 @p1 $0xFFFFFFFF, v13;
	_ =	sdelay $0x1  }
0x1cb: {  	v13 =	vadd.s32 @p1 $0xF, v13;
	v18, _, _ =	vpop @p1 (xrf1)  }
0x1cc: {  	v13 =	vperm.xlane @p1 v18, v13  }
0x1cd: {  	v11 =	vpsel p2, v16, v11  }
0x1ce: {  	v13 =	vmin.f32 @p1 v11, v13  }
0x1cf: {  	(xrf1) =	vsort.ascd.msk.f32 @p1 $0xffff, v13, v13;
	_ =	sdelay $0x3  }
0x1d0: {  	v58 =	vadd.s32 $0x2300, v9;
	_ =	sdelay $0x4  }
0x1d1: {  	v13 =	vld.idx.msk [tilespmem:v58+s16+$0x0], $0xffff  }
0x1d2: {  	v16 =	vbroadcast @p0 v17, $0xF;
	_ =	sdelay $0x2  }
0x1d3: {  	v15 =	vpsel p0, v16, v15  }
0x1d4: {  	vm11 =	vgt.f32 v13, v15;
	v16, _, _ =	vpop @p1 (xrf1)  }
0x1d5: {  	v59 =	vsel vm11, $0x3F800000, v1;
	(xrf0) =	vmax.scan.msk.f32 @p1 $0xffff, v16  }
0x1d6: {  	(xrf0) =	vmax.scan.msk.f32 $0xffff, v59;
	_ =	sdelay $0x4  }
0x1d7: {  	v17, _, _ =	vpop @p1 (xrf0)  }
0x1d8: {  	v60, _, _ =	vpop (xrf0)  }
0x1d9: {  	(v2sf) =	vpush v60, $0xF;
	_ =	sdelay $0xe  }
0x1da: {  	s11 =	spop (v2sf)  }
0x1db: {  	p2 =	sgt.f32 s11, $0.0e+00;
	_ =	sdelay $0x1  }
0x1dc: {  	(xrf1) =	vsort.ascd.msk.f32 @p2 $0xffff, v13, v13;
	_ =	sdelay $0xa  }
0x1dd: {  	v13 =	vlaneseq.u32 @p2  }
0x1de: {  	v13 =	vmul.u32 @p2 $0xFFFFFFFF, v13;
	_ =	sdelay $0x1  }
0x1df: {  	v13 =	vadd.s32 @p2 $0xF, v13;
	v18, _, _ =	vpop @p2 (xrf1)  }
0x1e0: {  	v13 =	vperm.xlane @p2 v18, v13  }
0x1e1: {  	v12 =	vpsel p0, v14, v12  }
0x1e2: {  	v13 =	vmax.f32 @p2 v12, v13  }
0x1e3: {  	(xrf1) =	vsort.ascd.msk.f32 @p2 $0xffff, v13, v13;
	_ =	sdelay $0x3  }
0x1e4: {  	v61 =	vadd.s32 $0x2800, v8;
	_ =	sdelay $0x4  }
0x1e5: {  	v13 =	vld.idx.msk [tilespmem:v61+s2+$0x0], $0xffff  }
0x1e6: {  	v14 =	vbroadcast @p1 v17, $0xF;
	_ =	sdelay $0x2  }
0x1e7: {  	v10 =	vpsel p1, v14, v10  }
0x1e8: {  	vm11 =	vlt.f32 v13, v10;
	v14, _, _ =	vpop @p2 (xrf1)  }
0x1e9: {  	v62 =	vsel vm11, $0x3F800000, v1;
	(xrf0) =	vmin.scan.msk.f32 @p2 $0xffff, v14  }
0x1ea: {  	(xrf0) =	vmax.scan.msk.f32 $0xffff, v62;
	_ =	sdelay $0x4  }
0x1eb: {  	v17, _, _ =	vpop @p2 (xrf0)  }
0x1ec: {  	v63, _, _ =	vpop (xrf0)  }
0x1ed: {  	(v2sf) =	vpush v63, $0xF;
	_ =	sdelay $0xe  }
0x1ee: {  	s17 =	spop (v2sf)  }
0x1ef: {  	p0 =	sgt.f32 s17, $0.0e+00;
	_ =	sdelay $0x1  }
0x1f0: {  	(xrf1) =	vsort.ascd.msk.f32 @p0 $0xffff, v13, v13;
	_ =	sdelay $0xa  }
0x1f1: {  	v13 =	vlaneseq.u32 @p0  }
0x1f2: {  	v13 =	vmul.u32 @p0 $0xFFFFFFFF, v13;
	_ =	sdelay $0x1  }
0x1f3: {  	v13 =	vadd.s32 @p0 $0xF, v13;
	v18, _, _ =	vpop @p0 (xrf1)  }
0x1f4: {  	v13 =	vperm.xlane @p0 v18, v13  }
0x1f5: {  	v11 =	vpsel p1, v16, v11  }
0x1f6: {  	v13 =	vmin.f32 @p0 v11, v13  }
0x1f7: {  	(xrf1) =	vsort.ascd.msk.f32 @p0 $0xffff, v13, v13;
	_ =	sdelay $0x3  }
0x1f8: {  	v20 =	vadd.s32 $0x2800, v9;
	_ =	sdelay $0x4  }
0x1f9: {  	v13 =	vld.idx.msk [tilespmem:v20+s16+$0x0], $0xffff  }
0x1fa: {  	v16 =	vbroadcast @p2 v17, $0xF;
	_ =	sdelay $0x2  }
0x1fb: {  	v15 =	vpsel p2, v16, v15  }
0x1fc: {  	vm11 =	vgt.f32 v13, v15;
	v16, _, _ =	vpop @p0 (xrf1)  }
0x1fd: {  	v21 =	vsel vm11, $0x3F800000, v1;
	(xrf0) =	vmax.scan.msk.f32 @p0 $0xffff, v16  }
0x1fe: {  	(xrf0) =	vmax.scan.msk.f32 $0xffff, v21;
	_ =	sdelay $0x4  }
0x1ff: {  	v17, _, _ =	vpop @p0 (xrf0)  }
0x200: {  	v22, _, _ =	vpop (xrf0)  }
0x201: {  	(v2sf) =	vpush v22, $0xF;
	_ =	sdelay $0xe  }
0x202: {  	s18 =	spop (v2sf)  }
0x203: {  	p1 =	sgt.f32 s18, $0.0e+00;
	_ =	sdelay $0x1  }
0x204: {  	(xrf1) =	vsort.ascd.msk.f32 @p1 $0xffff, v13, v13;
	_ =	sdelay $0xa  }
0x205: {  	v13 =	vlaneseq.u32 @p1  }
0x206: {  	v13 =	vmul.u32 @p1 $0xFFFFFFFF, v13;
	_ =	sdelay $0x1  }
0x207: {  	v13 =	vadd.s32 @p1 $0xF, v13;
	v18, _, _ =	vpop @p1 (xrf1)  }
0x208: {  	v13 =	vperm.xlane @p1 v18, v13  }
0x209: {  	v12 =	vpsel p2, v14, v12  }
0x20a: {  	v13 =	vmax.f32 @p1 v12, v13  }
0x20b: {  	(xrf1) =	vsort.ascd.msk.f32 @p1 $0xffff, v13, v13;
	_ =	sdelay $0x3  }
0x20c: {  	v23 =	vadd.s32 $0x2D00, v8;
	_ =	sdelay $0x4  }
0x20d: {  	v13 =	vld.idx.msk [tilespmem:v23+s2+$0x0], $0xffff  }
0x20e: {  	v14 =	vbroadcast @p0 v17, $0xF;
	_ =	sdelay $0x2  }
0x20f: {  	v10 =	vpsel p0, v14, v10  }
0x210: {  	vm11 =	vlt.f32 v13, v10;
	v14, _, _ =	vpop @p1 (xrf1)  }
0x211: {  	v24 =	vsel vm11, $0x3F800000, v1;
	(xrf0) =	vmin.scan.msk.f32 @p1 $0xffff, v14  }
0x212: {  	(xrf0) =	vmax.scan.msk.f32 $0xffff, v24;
	_ =	sdelay $0x4  }
0x213: {  	v17, _, _ =	vpop @p1 (xrf0)  }
0x214: {  	v25, _, _ =	vpop (xrf0)  }
0x215: {  	(v2sf) =	vpush v25, $0xF;
	_ =	sdelay $0xe  }
0x216: {  	s25 =	spop (v2sf)  }
0x217: {  	p2 =	sgt.f32 s25, $0.0e+00;
	_ =	sdelay $0x1  }
0x218: {  	(xrf1) =	vsort.ascd.msk.f32 @p2 $0xffff, v13, v13;
	_ =	sdelay $0xa  }
0x219: {  	v13 =	vlaneseq.u32 @p2  }
0x21a: {  	v13 =	vmul.u32 @p2 $0xFFFFFFFF, v13;
	_ =	sdelay $0x1  }
0x21b: {  	v13 =	vadd.s32 @p2 $0xF, v13;
	v18, _, _ =	vpop @p2 (xrf1)  }
0x21c: {  	v13 =	vperm.xlane @p2 v18, v13  }
0x21d: {  	v11 =	vpsel p0, v16, v11  }
0x21e: {  	v13 =	vmin.f32 @p2 v11, v13  }
0x21f: {  	(xrf1) =	vsort.ascd.msk.f32 @p2 $0xffff, v13, v13;
	_ =	sdelay $0x3  }
0x220: {  	v26 =	vadd.s32 $0x2D00, v9;
	_ =	sdelay $0x4  }
0x221: {  	v13 =	vld.idx.msk [tilespmem:v26+s16+$0x0], $0xffff  }
0x222: {  	v16 =	vbroadcast @p1 v17, $0xF;
	_ =	sdelay $0x2  }
0x223: {  	v15 =	vpsel p1, v16, v15  }
0x224: {  	vm11 =	vgt.f32 v13, v15;
	v16, _, _ =	vpop @p2 (xrf1)  }
0x225: {  	v27 =	vsel vm11, $0x3F800000, v1;
	(xrf0) =	vmax.scan.msk.f32 @p2 $0xffff, v16  }
0x226: {  	(xrf0) =	vmax.scan.msk.f32 $0xffff, v27;
	_ =	sdelay $0x4  }
0x227: {  	v17, _, _ =	vpop @p2 (xrf0)  }
0x228: {  	v28, _, _ =	vpop (xrf0)  }
0x229: {  	(v2sf) =	vpush v28, $0xF;
	_ =	sdelay $0xe  }
0x22a: {  	s3 =	spop (v2sf)  }
0x22b: {  	p0 =	sgt.f32 s3, $0.0e+00;
	_ =	sdelay $0x1  }
0x22c: {  	(xrf1) =	vsort.ascd.msk.f32 @p0 $0xffff, v13, v13;
	_ =	sdelay $0xa  }
0x22d: {  	v13 =	vlaneseq.u32 @p0  }
0x22e: {  	v13 =	vmul.u32 @p0 $0xFFFFFFFF, v13;
	_ =	sdelay $0x1  }
0x22f: {  	v13 =	vadd.s32 @p0 $0xF, v13;
	v18, _, _ =	vpop @p0 (xrf1)  }
0x230: {  	v13 =	vperm.xlane @p0 v18, v13  }
0x231: {  	v12 =	vpsel p1, v14, v12  }
0x232: {  	v13 =	vmax.f32 @p0 v12, v13  }
0x233: {  	(xrf1) =	vsort.ascd.msk.f32 @p0 $0xffff, v13, v13;
	_ =	sdelay $0x3  }
0x234: {  	v29 =	vadd.s32 $0x3200, v8;
	_ =	sdelay $0x4  }
0x235: {  	v13 =	vld.idx.msk [tilespmem:v29+s2+$0x0], $0xffff  }
0x236: {  	v14 =	vbroadcast @p2 v17, $0xF;
	_ =	sdelay $0x2  }
0x237: {  	v10 =	vpsel p2, v14, v10  }
0x238: {  	vm11 =	vlt.f32 v13, v10;
	v14, _, _ =	vpop @p0 (xrf1)  }
0x239: {  	v30 =	vsel vm11, $0x3F800000, v1;
	(xrf0) =	vmin.scan.msk.f32 @p0 $0xffff, v14  }
0x23a: {  	(xrf0) =	vmax.scan.msk.f32 $0xffff, v30;
	_ =	sdelay $0x4  }
0x23b: {  	v17, _, _ =	vpop @p0 (xrf0)  }
0x23c: {  	v31, _, _ =	vpop (xrf0)  }
0x23d: {  	(v2sf) =	vpush v31, $0xF;
	_ =	sdelay $0xe  }
0x23e: {  	s4 =	spop (v2sf)  }
0x23f: {  	p1 =	sgt.f32 s4, $0.0e+00;
	_ =	sdelay $0x1  }
0x240: {  	(xrf1) =	vsort.ascd.msk.f32 @p1 $0xffff, v13, v13;
	_ =	sdelay $0xa  }
0x241: {  	v13 =	vlaneseq.u32 @p1  }
0x242: {  	v13 =	vmul.u32 @p1 $0xFFFFFFFF, v13;
	_ =	sdelay $0x1  }
0x243: {  	v13 =	vadd.s32 @p1 $0xF, v13;
	v18, _, _ =	vpop @p1 (xrf1)  }
0x244: {  	v13 =	vperm.xlane @p1 v18, v13  }
0x245: {  	v11 =	vpsel p2, v16, v11  }
0x246: {  	v13 =	vmin.f32 @p1 v11, v13  }
0x247: {  	(xrf1) =	vsort.ascd.msk.f32 @p1 $0xffff, v13, v13;
	_ =	sdelay $0x3  }
0x248: {  	v32 =	vadd.s32 $0x3200, v9;
	_ =	sdelay $0x4  }
0x249: {  	v13 =	vld.idx.msk [tilespmem:v32+s16+$0x0], $0xffff  }
0x24a: {  	v16 =	vbroadcast @p0 v17, $0xF;
	_ =	sdelay $0x2  }
0x24b: {  	v15 =	vpsel p0, v16, v15  }
0x24c: {  	vm11 =	vgt.f32 v13, v15;
	v16, _, _ =	vpop @p1 (xrf1)  }
0x24d: {  	v33 =	vsel vm11, $0x3F800000, v1;
	(xrf0) =	vmax.scan.msk.f32 @p1 $0xffff, v16  }
0x24e: {  	(xrf0) =	vmax.scan.msk.f32 $0xffff, v33;
	_ =	sdelay $0x4  }
0x24f: {  	v17, _, _ =	vpop @p1 (xrf0)  }
0x250: {  	v34, _, _ =	vpop (xrf0)  }
0x251: {  	(v2sf) =	vpush v34, $0xF;
	_ =	sdelay $0xe  }
0x252: {  	s5 =	spop (v2sf)  }
0x253: {  	p2 =	sgt.f32 s5, $0.0e+00;
	_ =	sdelay $0x1  }
0x254: {  	(xrf1) =	vsort.ascd.msk.f32 @p2 $0xffff, v13, v13;
	_ =	sdelay $0xa  }
0x255: {  	v13 =	vlaneseq.u32 @p2  }
0x256: {  	v13 =	vmul.u32 @p2 $0xFFFFFFFF, v13;
	_ =	sdelay $0x1  }
0x257: {  	v13 =	vadd.s32 @p2 $0xF, v13;
	v18, _, _ =	vpop @p2 (xrf1)  }
0x258: {  	v13 =	vperm.xlane @p2 v18, v13  }
0x259: {  	v12 =	vpsel p0, v14, v12  }
0x25a: {  	v13 =	vmax.f32 @p2 v12, v13  }
0x25b: {  	(xrf1) =	vsort.ascd.msk.f32 @p2 $0xffff, v13, v13;
	_ =	sdelay $0x3  }
0x25c: {  	v35 =	vadd.s32 $0x3700, v8;
	_ =	sdelay $0x4  }
0x25d: {  	v13 =	vld.idx.msk [tilespmem:v35+s2+$0x0], $0xffff  }
0x25e: {  	v14 =	vbroadcast @p1 v17, $0xF;
	_ =	sdelay $0x2  }
0x25f: {  	v10 =	vpsel p1, v14, v10  }
0x260: {  	vm11 =	vlt.f32 v13, v10;
	v14, _, _ =	vpop @p2 (xrf1)  }
0x261: {  	v36 =	vsel vm11, $0x3F800000, v1;
	(xrf0) =	vmin.scan.msk.f32 @p2 $0xffff, v14  }
0x262: {  	(xrf0) =	vmax.scan.msk.f32 $0xffff, v36;
	_ =	sdelay $0x4  }
0x263: {  	v17, _, _ =	vpop @p2 (xrf0)  }
0x264: {  	v37, _, _ =	vpop (xrf0)  }
0x265: {  	(v2sf) =	vpush v37, $0xF;
	_ =	sdelay $0xe  }
0x266: {  	s6 =	spop (v2sf)  }
0x267: {  	p0 =	sgt.f32 s6, $0.0e+00;
	_ =	sdelay $0x1  }
0x268: {  	(xrf1) =	vsort.ascd.msk.f32 @p0 $0xffff, v13, v13;
	_ =	sdelay $0xa  }
0x269: {  	v13 =	vlaneseq.u32 @p0  }
0x26a: {  	v13 =	vmul.u32 @p0 $0xFFFFFFFF, v13;
	_ =	sdelay $0x1  }
0x26b: {  	v13 =	vadd.s32 @p0 $0xF, v13;
	v18, _, _ =	vpop @p0 (xrf1)  }
0x26c: {  	v13 =	vperm.xlane @p0 v18, v13  }
0x26d: {  	v11 =	vpsel p1, v16, v11  }
0x26e: {  	v13 =	vmin.f32 @p0 v11, v13  }
0x26f: {  	(xrf1) =	vsort.ascd.msk.f32 @p0 $0xffff, v13, v13;
	_ =	sdelay $0x3  }
0x270: {  	v38 =	vadd.s32 $0x3700, v9;
	_ =	sdelay $0x4  }
0x271: {  	v13 =	vld.idx.msk [tilespmem:v38+s16+$0x0], $0xffff  }
0x272: {  	v16 =	vbroadcast @p2 v17, $0xF;
	_ =	sdelay $0x2  }
0x273: {  	v15 =	vpsel p2, v16, v15  }
0x274: {  	vm11 =	vgt.f32 v13, v15;
	v16, _, _ =	vpop @p0 (xrf1)  }
0x275: {  	v39 =	vsel vm11, $0x3F800000, v1;
	(xrf0) =	vmax.scan.msk.f32 @p0 $0xffff, v16  }
0x276: {  	(xrf0) =	vmax.scan.msk.f32 $0xffff, v39;
	_ =	sdelay $0x4  }
0x277: {  	v17, _, _ =	vpop @p0 (xrf0)  }
0x278: {  	v40, _, _ =	vpop (xrf0)  }
0x279: {  	(v2sf) =	vpush v40, $0xF;
	_ =	sdelay $0xe  }
0x27a: {  	s7 =	spop (v2sf)  }
0x27b: {  	p1 =	sgt.f32 s7, $0.0e+00;
	_ =	sdelay $0x1  }
0x27c: {  	(xrf1) =	vsort.ascd.msk.f32 @p1 $0xffff, v13, v13;
	_ =	sdelay $0xa  }
0x27d: {  	v13 =	vlaneseq.u32 @p1  }
0x27e: {  	v13 =	vmul.u32 @p1 $0xFFFFFFFF, v13;
	_ =	sdelay $0x1  }
0x27f: {  	v13 =	vadd.s32 @p1 $0xF, v13;
	v18, _, _ =	vpop @p1 (xrf1)  }
0x280: {  	v13 =	vperm.xlane @p1 v18, v13  }
0x281: {  	v12 =	vpsel p2, v14, v12  }
0x282: {  	v13 =	vmax.f32 @p1 v12, v13  }
0x283: {  	(xrf1) =	vsort.ascd.msk.f32 @p1 $0xffff, v13, v13;
	_ =	sdelay $0x3  }
0x284: {  	v41 =	vadd.s32 $0x3C00, v8;
	_ =	sdelay $0x4  }
0x285: {  	v13 =	vld.idx.msk [tilespmem:v41+s2+$0x0], $0xffff  }
0x286: {  	v14 =	vbroadcast @p0 v17, $0xF;
	_ =	sdelay $0x2  }
0x287: {  	v10 =	vpsel p0, v14, v10  }
0x288: {  	vm11 =	vlt.f32 v13, v10;
	v14, _, _ =	vpop @p1 (xrf1)  }
0x289: {  	v42 =	vsel vm11, $0x3F800000, v1;
	(xrf0) =	vmin.scan.msk.f32 @p1 $0xffff, v14  }
0x28a: {  	(xrf0) =	vmax.scan.msk.f32 $0xffff, v42;
	_ =	sdelay $0x4  }
0x28b: {  	v17, _, _ =	vpop @p1 (xrf0)  }
0x28c: {  	v43, _, _ =	vpop (xrf0)  }
0x28d: {  	(v2sf) =	vpush v43, $0xF;
	_ =	sdelay $0xe  }
0x28e: {  	s8 =	spop (v2sf)  }
0x28f: {  	p2 =	sgt.f32 s8, $0.0e+00;
	_ =	sdelay $0x1  }
0x290: {  	(xrf1) =	vsort.ascd.msk.f32 @p2 $0xffff, v13, v13;
	_ =	sdelay $0xa  }
0x291: {  	v13 =	vlaneseq.u32 @p2  }
0x292: {  	v13 =	vmul.u32 @p2 $0xFFFFFFFF, v13;
	_ =	sdelay $0x1  }
0x293: {  	v13 =	vadd.s32 @p2 $0xF, v13;
	v18, _, _ =	vpop @p2 (xrf1)  }
0x294: {  	v13 =	vperm.xlane @p2 v18, v13  }
0x295: {  	v11 =	vpsel p0, v16, v11  }
0x296: {  	v13 =	vmin.f32 @p2 v11, v13  }
0x297: {  	(xrf1) =	vsort.ascd.msk.f32 @p2 $0xffff, v13, v13;
	_ =	sdelay $0x3  }
0x298: {  	v44 =	vadd.s32 $0x3C00, v9;
	_ =	sdelay $0x4  }
0x299: {  	v13 =	vld.idx.msk [tilespmem:v44+s16+$0x0], $0xffff  }
0x29a: {  	v16 =	vbroadcast @p1 v17, $0xF;
	_ =	sdelay $0x2  }
0x29b: {  	v15 =	vpsel p1, v16, v15  }
0x29c: {  	vm11 =	vgt.f32 v13, v15;
	v16, _, _ =	vpop @p2 (xrf1)  }
0x29d: {  	v45 =	vsel vm11, $0x3F800000, v1;
	(xrf0) =	vmax.scan.msk.f32 @p2 $0xffff, v16  }
0x29e: {  	(xrf0) =	vmax.scan.msk.f32 $0xffff, v45;
	_ =	sdelay $0x4  }
0x29f: {  	v17, _, _ =	vpop @p2 (xrf0)  }
0x2a0: {  	v46, _, _ =	vpop (xrf0)  }
0x2a1: {  	(v2sf) =	vpush v46, $0xF;
	_ =	sdelay $0xe  }
0x2a2: {  	s9 =	spop (v2sf)  }
0x2a3: {  	p0 =	sgt.f32 s9, $0.0e+00;
	_ =	sdelay $0x1  }
0x2a4: {  	(xrf1) =	vsort.ascd.msk.f32 @p0 $0xffff, v13, v13;
	_ =	sdelay $0xa  }
0x2a5: {  	v13 =	vlaneseq.u32 @p0  }
0x2a6: {  	v13 =	vmul.u32 @p0 $0xFFFFFFFF, v13;
	_ =	sdelay $0x1  }
0x2a7: {  	v13 =	vadd.s32 @p0 $0xF, v13;
	v18, _, _ =	vpop @p0 (xrf1)  }
0x2a8: {  	v13 =	vperm.xlane @p0 v18, v13  }
0x2a9: {  	v12 =	vpsel p1, v14, v12  }
0x2aa: {  	v13 =	vmax.f32 @p0 v12, v13  }
0x2ab: {  	(xrf1) =	vsort.ascd.msk.f32 @p0 $0xffff, v13, v13;
	_ =	sdelay $0x3  }
0x2ac: {  	v47 =	vadd.s32 $0x4100, v8;
	_ =	sdelay $0x4  }
0x2ad: {  	v13 =	vld.idx.msk [tilespmem:v47+s2+$0x0], $0xffff  }
0x2ae: {  	v14 =	vbroadcast @p2 v17, $0xF;
	_ =	sdelay $0x2  }
0x2af: {  	v10 =	vpsel p2, v14, v10  }
0x2b0: {  	vm11 =	vlt.f32 v13, v10;
	v14, _, _ =	vpop @p0 (xrf1)  }
0x2b1: {  	v48 =	vsel vm11, $0x3F800000, v1;
	(xrf0) =	vmin.scan.msk.f32 @p0 $0xffff, v14  }
0x2b2: {  	(xrf0) =	vmax.scan.msk.f32 $0xffff, v48;
	_ =	sdelay $0x4  }
0x2b3: {  	v17, _, _ =	vpop @p0 (xrf0)  }
0x2b4: {  	v49, _, _ =	vpop (xrf0)  }
0x2b5: {  	(v2sf) =	vpush v49, $0xF;
	_ =	sdelay $0xe  }
0x2b6: {  	s10 =	spop (v2sf)  }
0x2b7: {  	p3 =	sgt.f32 s10, $0.0e+00;
	_ =	sdelay $0x1  }
0x2b8: {  	(xrf1) =	vsort.ascd.msk.f32 @p3 $0xffff, v13, v13;
	_ =	sdelay $0xa  }
0x2b9: {  	v13 =	vlaneseq.u32 @p3  }
0x2ba: {  	v13 =	vmul.u32 @p3 $0xFFFFFFFF, v13;
	_ =	sdelay $0x1  }
0x2bb: {  	v13 =	vadd.s32 @p3 $0xF, v13;
	v18, _, _ =	vpop @p3 (xrf1)  }
0x2bc: {  	v13 =	vperm.xlane @p3 v18, v13  }
0x2bd: {  	v11 =	vpsel p2, v16, v11  }
0x2be: {  	v13 =	vmin.f32 @p3 v11, v13  }
0x2bf: {  	(xrf1) =	vsort.ascd.msk.f32 @p3 $0xffff, v13, v13;
	_ =	sdelay $0x3  }
0x2c0: {  	v50 =	vadd.s32 $0x4100, v9;
	_ =	sdelay $0x4  }
0x2c1: {  	v13 =	vld.idx.msk [tilespmem:v50+s16+$0x0], $0xffff  }
0x2c2: {  	v16 =	vbroadcast @p0 v17, $0xF;
	_ =	sdelay $0x2  }
0x2c3: {  	v15 =	vpsel p0, v16, v15  }
0x2c4: {  	vm11 =	vgt.f32 v13, v15;
	v16, _, _ =	vpop @p3 (xrf1)  }
0x2c5: {  	v51 =	vsel vm11, $0x3F800000, v1;
	(xrf0) =	vmax.scan.msk.f32 @p3 $0xffff, v16  }
0x2c6: {  	(xrf0) =	vmax.scan.msk.f32 $0xffff, v51;
	_ =	sdelay $0x4  }
0x2c7: {  	v17, _, _ =	vpop @p3 (xrf0)  }
0x2c8: {  	v52, _, _ =	vpop (xrf0)  }
0x2c9: {  	(v2sf) =	vpush v52, $0xF;
	_ =	sdelay $0xe  }
0x2ca: {  	s11 =	spop (v2sf)  }
0x2cb: {  	p2 =	sgt.f32 s11, $0.0e+00;
	_ =	sdelay $0x1  }
0x2cc: {  	(xrf1) =	vsort.ascd.msk.f32 @p2 $0xffff, v13, v13;
	_ =	sdelay $0xa  }
0x2cd: {  	v13 =	vlaneseq.u32 @p2  }
0x2ce: {  	v13 =	vmul.u32 @p2 $0xFFFFFFFF, v13;
	_ =	sdelay $0x1  }
0x2cf: {  	v13 =	vadd.s32 @p2 $0xF, v13;
	v18, _, _ =	vpop @p2 (xrf1)  }
0x2d0: {  	v13 =	vperm.xlane @p2 v18, v13  }
0x2d1: {  	v12 =	vpsel p0, v14, v12  }
0x2d2: {  	v13 =	vmax.f32 @p2 v12, v13  }
0x2d3: {  	(xrf1) =	vsort.ascd.msk.f32 @p2 $0xffff, v13, v13;
	_ =	sdelay $0x3  }
0x2d4: {  	v53 =	vadd.s32 $0x4600, v8;
	_ =	sdelay $0x4  }
0x2d5: {  	v13 =	vld.idx.msk [tilespmem:v53+s2+$0x0], $0xffff  }
0x2d6: {  	v14 =	vbroadcast @p3 v17, $0xF;
	_ =	sdelay $0x2  }
0x2d7: {  	v10 =	vpsel p3, v14, v10  }
0x2d8: {  	vm11 =	vlt.f32 v13, v10;
	v14, _, _ =	vpop @p2 (xrf1)  }
0x2d9: {  	v54 =	vsel vm11, $0x3F800000, v1;
	(xrf0) =	vmin.scan.msk.f32 @p2 $0xffff, v14  }
0x2da: {  	(xrf0) =	vmax.scan.msk.f32 $0xffff, v54;
	_ =	sdelay $0x4  }
0x2db: {  	v17, _, _ =	vpop @p2 (xrf0)  }
0x2dc: {  	v55, _, _ =	vpop (xrf0)  }
0x2dd: {  	(v2sf) =	vpush v55, $0xF;
	_ =	sdelay $0xe  }
0x2de: {  	s17 =	spop (v2sf)  }
0x2df: {  	p1 =	sgt.f32 s17, $0.0e+00;
	_ =	sdelay $0x1  }
0x2e0: {  	(xrf1) =	vsort.ascd.msk.f32 @p1 $0xffff, v13, v13;
	_ =	sdelay $0xa  }
0x2e1: {  	v13 =	vlaneseq.u32 @p1  }
0x2e2: {  	v13 =	vmul.u32 @p1 $0xFFFFFFFF, v13;
	_ =	sdelay $0x1  }
0x2e3: {  	v13 =	vadd.s32 @p1 $0xF, v13;
	v18, _, _ =	vpop @p1 (xrf1)  }
0x2e4: {  	v13 =	vperm.xlane @p1 v18, v13  }
0x2e5: {  	v11 =	vpsel p3, v16, v11  }
0x2e6: {  	v13 =	vmin.f32 @p1 v11, v13  }
0x2e7: {  	(xrf1) =	vsort.ascd.msk.f32 @p1 $0xffff, v13, v13;
	_ =	sdelay $0x3  }
0x2e8: {  	v56 =	vadd.s32 $0x4600, v9;
	_ =	sdelay $0x4  }
0x2e9: {  	v13 =	vld.idx.msk [tilespmem:v56+s16+$0x0], $0xffff  }
0x2ea: {  	v16 =	vbroadcast @p2 v17, $0xF;
	_ =	sdelay $0x2  }
0x2eb: {  	v15 =	vpsel p2, v16, v15  }
0x2ec: {  	vm11 =	vgt.f32 v13, v15;
	v16, _, _ =	vpop @p1 (xrf1)  }
0x2ed: {  	v57 =	vsel vm11, $0x3F800000, v1;
	(xrf0) =	vmax.scan.msk.f32 @p1 $0xffff, v16  }
0x2ee: {  	(xrf0) =	vmax.scan.msk.f32 $0xffff, v57;
	_ =	sdelay $0x4  }
0x2ef: {  	v17, _, _ =	vpop @p1 (xrf0)  }
0x2f0: {  	v58, _, _ =	vpop (xrf0)  }
0x2f1: {  	(v2sf) =	vpush v58, $0xF;
	_ =	sdelay $0xe  }
0x2f2: {  	s18 =	spop (v2sf)  }
0x2f3: {  	p3 =	sgt.f32 s18, $0.0e+00;
	_ =	sdelay $0x1  }
0x2f4: {  	(xrf1) =	vsort.ascd.msk.f32 @p3 $0xffff, v13, v13;
	_ =	sdelay $0xa  }
0x2f5: {  	v13 =	vlaneseq.u32 @p3  }
0x2f6: {  	v13 =	vmul.u32 @p3 $0xFFFFFFFF, v13;
	_ =	sdelay $0x1  }
0x2f7: {  	v13 =	vadd.s32 @p3 $0xF, v13;
	v18, _, _ =	vpop @p3 (xrf1)  }
0x2f8: {  	v13 =	vperm.xlane @p3 v18, v13  }
0x2f9: {  	v12 =	vpsel p2, v14, v12  }
0x2fa: {  	v13 =	vmax.f32 @p3 v12, v13  }
0x2fb: {  	(xrf1) =	vsort.ascd.msk.f32 @p3 $0xffff, v13, v13;
	_ =	sdelay $0x3  }
0x2fc: {  	v8 =	vadd.s32 $0x4B00, v8;
	_ =	sdelay $0x4  }
0x2fd: {  	v8 =	vld.idx.msk [tilespmem:v8+s2+$0x0], $0xffff  }
0x2fe: {  	v13 =	vbroadcast @p1 v17, $0xF;
	_ =	sdelay $0x2  }
0x2ff: {  	v10 =	vpsel p1, v13, v10  }
0x300: {  	vm11 =	vlt.f32 v8, v10;
	v13, _, _ =	vpop @p3 (xrf1)  }
0x301: {  	v10 =	vsel vm11, $0x3F800000, v1;
	(xrf0) =	vmin.scan.msk.f32 @p3 $0xffff, v13  }
0x302: {  	(xrf0) =	vmax.scan.msk.f32 $0xffff, v10;
	_ =	sdelay $0x4  }
0x303: {  	v10, _, _ =	vpop @p3 (xrf0)  }
0x304: {  	v59, _, _ =	vpop (xrf0)  }
0x305: {  	v9 =	vadd.s32 $0x4B00, v9;
	(v2sf) =	vpush v59, $0xF;
	_ =	sdelay $0x4  }
0x306: {  	v9 =	vld.idx.msk [tilespmem:v9+s16+$0x0], $0xffff;
	_ =	sdelay $0x1  }
0x307: {  	v10 =	vbroadcast @p3 v10, $0xF;
	_ =	sdelay $0x1  }
0x308: {  	v10 =	vpsel p3, v10, v15  }
0x309: {  	vm11 =	vgt.f32 v9, v10  }
0x30a: {  	v10 =	vsel vm11, $0x3F800000, v1  }
0x30b: {  	(xrf0) =	vmax.scan.msk.f32 $0xffff, v10;
	_ =	sdelay $0x2  }
0x30c: {  	s25 =	spop (v2sf)  }
0x30d: {  	p0 =	sgt.f32 s25, $0.0e+00;
	_ =	sdelay $0x1  }
0x30e: {  	(xrf1) =	vsort.ascd.msk.f32 @p0 $0xffff, v8, v8;
	v8, _, _ =	vpop (xrf0)  }
0x30f: {  	(v2sf) =	vpush v8, $0xF;
	_ =	sdelay $0x9  }
0x310: {  	v8 =	vlaneseq.u32 @p0  }
0x311: {  	v8 =	vmul.u32 @p0 $0xFFFFFFFF, v8;
	_ =	sdelay $0x1  }
0x312: {  	v8 =	vadd.s32 @p0 $0xF, v8;
	v10, _, _ =	vpop @p0 (xrf1)  }
0x313: {  	v8 =	vperm.xlane @p0 v10, v8  }
0x314: {  	v10 =	vpsel p1, v16, v11;
	s3 =	spop (v2sf)  }
0x315: {  	v8 =	vmin.f32 @p0 v10, v8;
	p1 =	sgt.f32 s3, $0.0e+00  }
0x316: {  	(xrf1) =	vsort.ascd.msk.f32 @p0 $0xffff, v8, v8  }
0x317: {  	(xrf1) =	vsort.ascd.msk.f32 @p1 $0xffff, v9, v9;
	_ =	sdelay $0xa  }
0x318: {  	v8 =	vlaneseq.u32 @p1  }
0x319: {  	v8 =	vmul.u32 @p1 $0xFFFFFFFF, v8  }
0x31a: {  	v11, _, _ =	vpop @p0 (xrf1)  }
0x31b: {  	v8 =	vadd.s32 @p1 $0xF, v8;
	v9, _, _ =	vpop @p1 (xrf1)  }
0x31c: {  	v8 =	vperm.xlane @p1 v9, v8  }
0x31d: {  	v9 =	vpsel p3, v13, v12  }
0x31e: {  	v8 =	vmax.f32 @p1 v9, v8  }
0x31f: {  	(xrf1) =	vsort.ascd.msk.f32 @p1 $0xffff, v8, v8;
	_ =	sdelay $0xd  }
0x320: {  	v8, _, _ =	vpop @p1 (xrf1)  }
0x321: {  	v8 =	vpsel p1, v8, v9  }
0x322: {  	v8 =	vperm.xlane v8, v4;
	_ =	sdelay $0x1  }
0x323: {  	v9 =	vnsel vm1, $0x0, v8  }
0x324: {  	(xrf2) =	vadd.scan.msk.f32 $0xffff, v9  }
0x325: {  	v9 =	vsel vm2, $0x0, v8  }
0x326: {  	(xrf2) =	vadd.scan.msk.f32 $0xffff, v9  }
0x327: {  	v9 =	vsel vm3, $0x0, v8  }
0x328: {  	(xrf2) =	vadd.scan.msk.f32 $0xffff, v9  }
0x329: {  	v9 =	vsel vm4, $0x0, v8  }
0x32a: {  	(xrf2) =	vadd.scan.msk.f32 $0xffff, v9  }
0x32b: {  	v9 =	vsel vm5, $0x0, v8  }
0x32c: {  	(xrf2) =	vadd.scan.msk.f32 $0xffff, v9  }
0x32d: {  	v9 =	vsel vm6, $0x0, v8  }
0x32e: {  	v60, _, _ =	vpop (xrf2);
	(xrf2) =	vadd.scan.msk.f32 $0xffff, v9  }
0x32f: {  	v9 =	vsel vm7, $0x0, v8;
	(v2sf) =	vpush v60, $0xF  }
0x330: {  	v61, _, _ =	vpop (xrf2);
	(xrf2) =	vadd.scan.msk.f32 $0xffff, v9  }
0x331: {  	v9 =	vsel vm8, $0x0, v8;
	(v2sf) =	vpush v61, $0xF  }
0x332: {  	v62, _, _ =	vpop (xrf2);
	(xrf2) =	vadd.scan.msk.f32 $0xffff, v9  }
0x333: {  	v9 =	vsel vm9, $0x0, v8;
	(v2sf) =	vpush v62, $0xF  }
0x334: {  	v63, _, _ =	vpop (xrf2);
	(xrf2) =	vadd.scan.msk.f32 $0xffff, v9  }
0x335: {  	v8 =	vsel vm10, $0x0, v8;
	(v2sf) =	vpush v63, $0xF  }
0x336: {  	v9, _, _ =	vpop (xrf2);
	(xrf2) =	vadd.scan.msk.f32 $0xffff, v8  }
0x337: {  	(v2sf) =	vpush v9, $0xF  }
0x338: {  	v8, _, _ =	vpop (xrf2)  }
0x339: {  	(v2sf) =	vpush v8, $0xF  }
0x33a: {  	v8, _, _ =	vpop (xrf2)  }
0x33b: {  	(v2sf) =	vpush v8, $0xF  }
0x33c: {  	v8, _, _ =	vpop (xrf2)  }
0x33d: {  	(v2sf) =	vpush v8, $0xF  }
0x33e: {  	v8, _, _ =	vpop (xrf2);
	s4 =	spop (v2sf)  }
0x33f: {  	(v2sf) =	vpush v8, $0xF;
	s1 =	sadd.f32 $0.0e+00, s4  }
0x340: {  	v8, _, _ =	vpop (xrf2);
	s5 =	spop (v2sf)  }
0x341: {  	(v2sf) =	vpush v8, $0xF;
	s1 =	sadd.f32 s1, s5  }
0x342: {  	s6 =	spop (v2sf)  }
0x343: {  	s1 =	sadd.f32 s1, s6  }
0x344: {  	s7 =	spop (v2sf)  }
0x345: {  	s1 =	sadd.f32 s1, s7  }
0x346: {  	s8 =	spop (v2sf)  }
0x347: {  	s1 =	sadd.f32 s1, s8  }
0x348: {  	s9 =	spop (v2sf)  }
0x349: {  	s1 =	sadd.f32 s1, s9  }
0x34a: {  	s10 =	spop (v2sf)  }
0x34b: {  	s1 =	sadd.f32 s1, s10  }
0x34c: {  	s11 =	spop (v2sf)  }
0x34d: {  	s1 =	sadd.f32 s1, s11  }
0x34e: {  	s17 =	spop (v2sf)  }
0x34f: {  	s1 =	sadd.f32 s1, s17  }
0x350: {  	s18 =	spop (v2sf)  }
0x351: {  	s1 =	sadd.f32 s1, s18;
	_ =	sdelay $0x1  }
0x352: {  	s1 =	smax.f32 s1, $1.000000000e+00  }
0x353: {  	v8 =	vmov s1  }
0x354: {  	vm11 =	vge.f32 v8, v5  }
0x355: {  	v9 =	vmpcnt.ones.xlane vm11;
	_ =	sdelay $0x1  }
0x356: {  	v10 =	vpsel p0, v11, v10;
	vm11 =	veq.s32 v9, v6  }
0x357: {  	v8 =	vnsel vm11, $0x0, v10;
	vm11 =	veq.s32 v9, v0  }
0x358: {  	(xrf2) =	vadd.scan.msk.f32 $0xffff, v8;
	v8 =	vnsel vm11, $0x0, v10  }
0x359: {  	(xrf2) =	vadd.scan.msk.f32 $0xffff, v8;
	_ =	sdelay $0x8  }
0x35a: {  	v8, _, _ =	vpop (xrf2)  }
0x35b: {  	(v2sf) =	vpush v8, $0xF;
	v11, _, _ =	vpop (xrf2)  }
0x35c: {  	(v2sf) =	vpush v11, $0xF;
	_ =	sdelay $0xd  }
0x35d: {  	s1 =	spop (v2sf)  }
0x35e: {  	v8 =	vbroadcast v8, $0xF;
	s25 =	spop (v2sf)  }
0x35f: {  	p0 =	sne.f32 s25, s1  }
0x360: {  	vm11 =	vlt.f32 v10, v8  }
0x361: {  	v10 =	vsel vm11, $0x1, v7;
	p1 =	slt.f32 @!p0 s1, $1.000000020e+29  }
0x362: {  	(xrf0) =	vadd.scan.msk.s32 $0xffff, v10  }
0x363: {  	p1 =	por p0, !p1  }
.Ltmp3:
0x364: {  	_ = 	snop;
	(pc) =	sbr.rel @p1 .LBB2_15-.Ltmp3, $2  }
0x365: {  	_ =	sdelay $0x2  }
0x366: {  	v10, _, _ =	vpop (xrf0)  }
0x367: {  	v10 =	vbroadcast v10, $0xF  }
0x368: {  	s3 =	simm.s32 $0x0  }
0x369: {  	v9 =	vsub.s32 v9, v10;
	v10 =	vld [tilespmem:s3+$0x0];
	_ =	sdelay $0x1  }
0x36a: {  	s7 =	simm.s32 $0x10  }
0x36b: {  	v11 =	vld [tilespmem:s7+$0x0];
	_ =	sdelay $0x1  }
0x36c: {  	vm11 =	veq.f32 v10, v8  }
0x36d: {  	s5 =	simm.s32 $0x20;
	v10 =	vsel vm11, $0x1, v7  }
0x36e: {  	(xrf0) =	vadd.scan.msk.s32 $0xffff, v10;
	v10 =	vld [tilespmem:s5+$0x0]  }
0x36f: {  	vm14 =	veq.f32 v11, v8  }
0x370: {  	s4 =	simm.s32 $0x30;
	v11 =	vsel vm14, $0x1, v7  }
0x371: {  	(xrf0) =	vadd.scan.msk.s32 $0xffff, v11;
	v11 =	vld [tilespmem:s4+$0x0];
	_ =	sdelay $0x1  }
0x372: {  	vm12 =	veq.f32 v10, v8  }
0x373: {  	v12 =	vsel vm12, $0x1, v7  }
0x374: {  	s9 =	simm.s32 $0x40;
	v10, _, _ =	vpop (xrf0)  }
0x375: {  	vm11 =	vmmov vm11;
	vm13 =	veq.f32 v11, v8;
	v11 =	vld [tilespmem:s9+$0x0];
	(v2sf) =	vpush v10, $0xF;
	(xrf0) =	vadd.scan.msk.s32 $0xffff, v12  }
0x376: {  	vm11 =	vmmov vm11;
	v12, _, _ =	vpop (xrf0)  }
0x377: {  	v13 =	vsel vm13, $0x1, v7;
	v10 =	vadd.s32 s3, v10;
	(v2sf) =	vpush v12, $0xF  }
0x378: {  	vm11 =	vmmov vm11;
	vm15 =	veq.s32 v10, v9;
	v10 =	vor.u32 $0x80000000, v0;
	(xrf0) =	vadd.scan.msk.s32 $0xffff, v13  }
0x379: {  	vm11 =	vmand vm11, vm15;
	v14 =	vor.u32 s3, v10  }
0x37a: {  	v14 =	vnsel vm11, $0x80005000, v14;
	vm11 =	veq.f32 v11, v8  }
0x37b: {  	v11 =	vsel vm11, $0x1, v7;
	v13, _, _ =	vpop (xrf0)  }
0x37c: {  	(v2sf) =	vpush v13, $0xF  }
0x37d: {  	(xrf0) =	vmin.scan.msk.u32 $0xffff, v14  }
0x37e: {  	(xrf0) =	vadd.scan.msk.s32 $0xffff, v11;
	v11, _, _ =	vpop (xrf0)  }
0x37f: {  	(v2sf) =	vpush v11, $0xF;
	_ =	sdelay $0x3  }
0x380: {  	s3 =	simm.s32 $0x50  }
0x381: {  	vm14 =	vmmov vm14;
	v14 =	vld [tilespmem:s3+$0x0];
	s8 =	spop (v2sf)  }
0x382: {  	s18 =	simm.s32 $0x60;
	vm14 =	vmmov vm14;
	vm12 =	vmmov vm12;
	s8 =	sadd.s32 $0x0, s8  }
0x383: {  	v16 =	vld [tilespmem:s18+$0x0];
	vm14 =	vmmov vm14;
	vm12 =	vmmov vm12;
	v15, _, _ =	vpop (xrf0);
	v12 =	vadd.s32 s8, v12;
	s11 =	spop (v2sf)  }
0x384: {  	(v2sf) =	vpush v15, $0xF;
	v15 =	vor.u32 s7, v10;
	vm15 =	veq.s32 v12, v9;
	s7 =	sadd.s32 s8, s11  }
0x385: {  	vm12 =	vmmov vm12;
	vm15 =	vmand vm14, vm15;
	v13 =	vadd.s32 s7, v13  }
0x386: {  	vm14 =	veq.f32 v14, v8;
	v14 =	vnsel vm15, $0x80005000, v15;
	vm15 =	veq.s32 v13, v9  }
0x387: {  	(xrf0) =	vmin.scan.msk.u32 $0xffff, v14;
	v14 =	vsel vm14, $0x1, v7;
	v13 =	vor.u32 s5, v10;
	vm12 =	vmand vm12, vm15  }
0x388: {  	v12, _, _ =	vpop (xrf0);
	(xrf0) =	vadd.scan.msk.s32 $0xffff, v14;
	s17 =	spop (v2sf);
	v13 =	vnsel vm12, $0x80005000, v13;
	vm12 =	veq.f32 v16, v8  }
0x389: {  	(v2sf) =	vpush v12, $0xF;
	s5 =	simm.s32 $0x70;
	s7 =	sadd.s32 s7, s17;
	(xrf0) =	vmin.scan.msk.u32 $0xffff, v13;
	v14 =	vsel vm12, $0x1, v7  }
0x38a: {  	vm13 =	vmmov vm13;
	v11 =	vadd.s32 s7, v11;
	v13 =	vld [tilespmem:s5+$0x0];
	(xrf0) =	vadd.scan.msk.s32 $0xffff, v14  }
0x38b: {  	vm13 =	vmmov vm13;
	s25 =	spop (v2sf);
	vm15 =	veq.s32 v11, v9;
	v11 =	vor.u32 s4, v10  }
0x38c: {  	vm13 =	vmmov vm13;
	s7 =	sadd.s32 s7, s25  }
0x38d: {  	vm13 =	vmand vm13, vm15;
	v12 =	vadd.s32 s7, v12;
	v14, _, _ =	vpop (xrf0)  }
0x38e: {  	v15 =	vnsel vm13, $0x80005000, v11;
	(v2sf) =	vpush v14, $0xF;
	v11, _, _ =	vpop (xrf0)  }
0x38f: {  	(v2sf) =	vpush v11, $0xF;
	vm15 =	veq.f32 v13, v8;
	v13, _, _ =	vpop (xrf0)  }
0x390: {  	vm13 =	vmmov vm14;
	vm14 =	veq.s32 v12, v9;
	(v2sf) =	vpush v13, $0xF;
	v12, _, _ =	vpop (xrf0)  }
0x391: {  	vm11 =	vmmov vm11;
	(v2sf) =	vpush v12, $0xF  }
0x392: {  	vm11 =	vmmov vm11;
	s4 =	simm.s32 $0x80;
	(xrf0) =	vmin.scan.msk.u32 $0xffff, v15  }
0x393: {  	vm11 =	vmmov vm11;
	v14 =	vld [tilespmem:s4+$0x0]  }
0x394: {  	vm11 =	vmand vm11, vm14;
	v13 =	vor.u32 s9, v10  }
0x395: {  	v15 =	vsel vm15, $0x1, v7;
	v13 =	vnsel vm11, $0x80005000, v13  }
0x396: {  	s6 =	simm.s32 $0x5000;
	s10 =	spop (v2sf);
	vm13 =	vmmov vm13;
	(xrf0) =	vadd.scan.msk.s32 $0xffff, v15  }
0x397: {  	s8 =	simm.s32 $0x90;
	vm12 =	vmmov vm12;
	s25 =	simm.s32 $0x90;
	s11 =	sxor.u32 $0x80000000, s10;
	vm14 =	vmmov vm13  }
0x398: {  	p0 =	sgt.s32 s11, $0x5000;
	vm13 =	vmmov vm12;
	s9 =	simm.s32 $0xA0;
	vm11 =	vmmov vm15;
	vm12 =	veq.f32 v14, v8;
	(xrf0) =	vmin.scan.msk.u32 $0xffff, v13;
	v13, _, _ =	vpop (xrf0);
	s10 =	spop (v2sf)  }
.LBB2_5:
0x399: {  	s17 =	smov.u32 s6;
	s7 =	sadd.s32 s7, s10  }
0x39a: {  	s6 =	smov.u32 s11;
	s10 =	smov.u32 s25;
	s25 =	smov.u32 s9  }
0x39b: {  	v15 =	vsel vm12, $0x1, v7;
	p1 =	sne.s32 s9, $0x4FF0;
	v14 =	vld [tilespmem:s8+$0x0];
	(v2sf) =	vpush v13, $0xF;
	s6 =	smov.u32 @p0 s17;
	s17 =	sadd.s32 $0x10, s9  }
.Ltmp4:
0x39c: {  	v13 =	vadd.s32 s7, v11;
	v11 =	vmov v12;
	(xrf0) =	vadd.scan.msk.s32 $0xffff, v15;
	v12, _, _ =	vpop (xrf0);
	(pc) =	sbr.rel @p1 .LBB2_5-.Ltmp4, $4  }
0x39d: {  	v16 =	vor.u32 s3, v10;
	s3 =	smov.u32 s18;
	vm15 =	veq.s32 v13, v9;
	(v2sf) =	vpush v12, $0xF  }
0x39e: {  	s18 =	smov.u32 s5;
	s5 =	smov.u32 s4;
	vm15 =	vmand vm14, vm15;
	vm14 =	vmmov vm13;
	s9 =	spop (v2sf)  }
0x39f: {  	s4 =	smov.u32 s10;
	s8 =	sadd.s32 $0x10, s8;
	vm13 =	vmmov vm11;
	vm11 =	vmmov vm12;
	v15 =	vnsel vm15, $0x80005000, v16;
	s11 =	sxor.u32 $0x80000000, s9  }
0x3a0: {  	s9 =	smov.u32 s17;
	vm12 =	veq.f32 v14, v8;
	(xrf0) =	vmin.scan.msk.u32 $0xffff, v15;
	s10 =	spop (v2sf);
	v13, _, _ =	vpop (xrf0);
	p0 =	slt.s32 s6, s11  }
0x3a1: {  	v14 =	vsel vm12, $0x1, v7  }
0x3a2: {  	(xrf0) =	vadd.scan.msk.s32 $0xffff, v14;
	_ =	sdelay $0x3  }
0x3a3: {  	(v2sf) =	vpush v13, $0xF;
	v55, _, _ =	vpop (xrf0)  }
0x3a4: {  	(v2sf) =	vpush v55, $0xF;
	v56, _, _ =	vpop (xrf0)  }
0x3a5: {  	(v2sf) =	vpush v56, $0xF;
	v57, _, _ =	vpop (xrf0)  }
0x3a6: {  	(v2sf) =	vpush v57, $0xF;
	_ =	sdelay $0x1  }
0x3a7: {  	v15 =	vld [tilespmem:s8+$0x0]  }
0x3a8: {  	s10 =	sadd.s32 s7, s10  }
0x3a9: {  	v11 =	vadd.s32 s10, v11  }
0x3aa: {  	vm15 =	veq.s32 v11, v9  }
0x3ab: {  	s7 =	spop (v2sf);
	v11 =	vor.u32 s3, v10;
	vm14 =	vmand vm14, vm15  }
0x3ac: {  	s17 =	spop (v2sf);
	v11 =	vnsel vm14, $0x80005000, v11;
	vm14 =	veq.f32 v15, v8  }
0x3ad: {  	s3 =	sadd.s32 s10, s17;
	(xrf0) =	vmin.scan.msk.u32 $0xffff, v11;
	v11 =	vsel vm14, $0x1, v7  }
0x3ae: {  	(xrf0) =	vadd.scan.msk.s32 $0xffff, v11;
	v11 =	vadd.s32 s3, v12  }
0x3af: {  	vm13 =	vmmov vm13;
	vm15 =	veq.s32 v11, v9;
	s8 =	spop (v2sf)  }
0x3b0: {  	v11 =	vor.u32 s18, v10;
	vm13 =	vmand vm13, vm15;
	s9 =	spop (v2sf)  }
0x3b1: {  	vm11 =	vmmov vm11;
	vm12 =	vmmov vm12;
	v11 =	vnsel vm13, $0x80005000, v11;
	s3 =	sadd.s32 s3, s9;
	s9 =	spop (v2sf)  }
0x3b2: {  	v59 =	vor.u32 s5, v10;
	v62 =	vor.u32 s4, v10;
	v58 =	vadd.s32 s3, v55;
	s18 =	spop (v2sf)  }
0x3b3: {  	vm11 =	vmmov vm11;
	vm12 =	vmmov vm12;
	vm13 =	veq.s32 v58, v9;
	s3 =	sadd.s32 s3, s18;
	s17 =	spop (v2sf)  }
0x3b4: {  	vm12 =	vmmov vm12;
	(xrf0) =	vmin.scan.msk.u32 $0xffff, v11;
	v11, _, _ =	vpop (xrf0);
	vm11 =	vmand vm11, vm13;
	v60 =	vadd.s32 s3, v57;
	s18 =	spop (v2sf)  }
0x3b5: {  	vm14 =	vmmov vm14;
	v61, _, _ =	vpop (xrf0);
	v12 =	vnsel vm11, $0x80005000, v59;
	vm13 =	veq.s32 v60, v9;
	s3 =	sadd.s32 s3, s18  }
0x3b6: {  	vm11 =	vmmov vm14;
	(xrf0) =	vmin.scan.msk.u32 $0xffff, v12;
	vm12 =	vmand vm12, vm13;
	v63 =	vadd.s32 s3, v61  }
0x3b7: {  	vm11 =	vmmov vm11;
	v12 =	vnsel vm12, $0x80005000, v62;
	vm12 =	veq.s32 v63, v9  }
0x3b8: {  	(xrf0) =	vmin.scan.msk.u32 $0xffff, v12;
	v9 =	vor.u32 s25, v10;
	vm11 =	vmand vm11, vm12  }
0x3b9: {  	(v2sf) =	vpush v11, $0xF;
	v9 =	vnsel vm11, $0x80005000, v9  }
0x3ba: {  	(v2sf) =	vpush v61, $0xF;
	v10, _, _ =	vpop (xrf0);
	(xrf0) =	vmin.scan.msk.u32 $0xffff, v9  }
0x3bb: {  	(v2sf) =	vpush v10, $0xF  }
0x3bc: {  	v9, _, _ =	vpop (xrf0)  }
0x3bd: {  	(v2sf) =	vpush v9, $0xF  }
0x3be: {  	v9, _, _ =	vpop (xrf0)  }
0x3bf: {  	(v2sf) =	vpush v9, $0xF  }
0x3c0: {  	v9, _, _ =	vpop (xrf0)  }
0x3c1: {  	s11 =	smov.u32 @p0 s6;
	s3 =	sxor.u32 $0x80000000, s7;
	(v2sf) =	vpush v9, $0xF  }
0x3c2: {  	p0 =	slt.s32 s11, s3  }
0x3c3: {  	s4 =	sxor.u32 $0x80000000, s8;
	s3 =	smov.u32 @p0 s11  }
0x3c4: {  	p0 =	slt.s32 s3, s4  }
0x3c5: {  	s4 =	smov.u32 @p0 s3;
	s3 =	sxor.u32 $0x80000000, s9  }
0x3c6: {  	p0 =	slt.s32 s4, s3  }
0x3c7: {  	s3 =	smov.u32 @p0 s4;
	s4 =	sxor.u32 $0x80000000, s17  }
0x3c8: {  	s10 =	spop (v2sf);
	p0 =	slt.s32 s3, s4  }
0x3c9: {  	s11 =	spop (v2sf);
	s4 =	smov.u32 @p0 s3;
	s3 =	sxor.u32 $0x80000000, s10  }
0x3ca: {  	p0 =	slt.s32 s4, s3;
	s5 =	spop (v2sf)  }
0x3cb: {  	s3 =	smov.u32 @p0 s4;
	s4 =	sxor.u32 $0x80000000, s5  }
0x3cc: {  	p0 =	slt.s32 s3, s4;
	s17 =	spop (v2sf)  }
0x3cd: {  	s4 =	smov.u32 @p0 s3;
	s3 =	sxor.u32 $0x80000000, s17  }
0x3ce: {  	s18 =	spop (v2sf);
	p0 =	slt.s32 s4, s3  }
0x3cf: {  	s3 =	smov.u32 @p0 s4;
	s4 =	sxor.u32 $0x80000000, s18  }
.Ltmp5:
0x3d0: {  	p0 =	slt.s32 s3, s4;
	s25 =	spop (v2sf);
	(pc) =	sbr.rel .LBB2_7-.Ltmp5, $4  }
0x3d1: {  	s4 =	smov.u32 @p0 s3;
	s3 =	sxor.u32 $0x80000000, s25  }
0x3d2: {  	p0 =	slt.s32 s4, s3  }
0x3d3: {  	s3 =	smov.u32 @p0 s4  }
0x3d4: {  	s3 =	scvt.s32.f32 s3  }
.LBB2_15:
0x3d5: {  	s3 =	simm.f32 $2.048000000e+04  }
0x3d6: {  	s3 =	simm.f32 @p0 $2.048000000e+04  }
.LBB2_7:
0x3d7: {  	p0 =	slt.f32 s1, $1.000000020e+29;
	_ =	sdelay $0x1  }
0x3d8: {  	s3 =	simm.s32 @!p0 $0xBF800000  }
0x3d9: {  	v9 =	vmov s3  }
0x3da: {  	v9 =	vnsel vm0, $0x0, v9  }
0x3db: {  	v8 =	vsel vm1, v8, v9  }
0x3dc: {  	s9 =	simm.s32 $0x0;
	s10 =	rddreg [dreg:$0xb];
	s4 =	simm.s32 $0x15400;
	[tilespmem:$0x15400] =	vst v8  }
0x3dd: {  	[hbm4b:s10+s9] =	stream.linear.scatter [tilespmem:s4], [sflag:$0x9], $0x10, $0x38;
	[tilespmem:$0x15480] =	vst v63  }
0x3de: {  	_ =	swait.ge [sflag:s26], $0x10  }
0x3df: {  	[sflag:s26] =	ssyncset.done $0x0  }
0x3e0: {  	[sflag:s26] =	ssyncadd.s32 $0xFFFFFFF0  }
0x3e1: {  	_ =	swait.ge [sflag:s28], $0x500  }
0x3e2: {  	[sflag:s28] =	ssyncset.done $0x0  }
0x3e3: {  	[sflag:s28] =	ssyncadd.s32 $0xFFFFFB00  }
0x3e4: {  	_ =	swait.ge [sflag:s29], $0x500  }
0x3e5: {  	[sflag:s29] =	ssyncset.done $0x0  }
0x3e6: {  	[sflag:s29] =	ssyncadd.s32 $0xFFFFFB00  }
0x3e7: {  	_ =	swait.ge [sflag:s30], $0x5000  }
0x3e8: {  	[sflag:s30] =	ssyncset.done $0x0  }
0x3e9: {  	[sflag:s30] =	ssyncadd.s32 $0xFFFFB000  }
0x3ea: {  	_ =	swait.ge [sflag:s31], $0x5000  }
0x3eb: {  	[sflag:s31] =	ssyncset.done $0x0  }
0x3ec: {  	s11 =	simm.s32 $0x14A00;
	[sflag:s31] =	ssyncadd.s32 $0xFFFFB000  }
0x3ed: {  	s17 =	simm.s32 $0x14F00;
	v8 =	vld [tilespmem:s11+$0x0]  }
0x3ee: {  	v11 =	vld [tilespmem:s17+$0x0];
	_ =	sdelay $0x2  }
0x3ef: {  	v10 =	vimm.f32 $3.000000010e+38  }
0x3f0: {  	v9 =	vimm.f32 $-1.000000000e+00;
	vm11 =	vlt.f32 v8, v10  }
0x3f1: {  	v12 =	vsel vm11, $0x3F800000, v1;
	vm11 =	vgt.f32 v11, v9  }
0x3f2: {  	v13 =	vsel vm11, $0x3F800000, v1;
	(xrf0) =	vmax.scan.msk.f32 $0xffff, v12  }
0x3f3: {  	(xrf0) =	vmax.scan.msk.f32 $0xffff, v13;
	_ =	sdelay $0x4  }
0x3f4: {  	v12, _, _ =	vpop (xrf0)  }
0x3f5: {  	(v2sf) =	vpush v12, $0xF;
	v12, _, _ =	vpop (xrf0)  }
0x3f6: {  	(v2sf) =	vpush v12, $0xF;
	_ =	sdelay $0xd  }
0x3f7: {  	s18 =	spop (v2sf)  }
0x3f8: {  	p1 =	sgt.f32 s18, $0.0e+00;
	s25 =	spop (v2sf)  }
0x3f9: {  	v12 =	vor.u32 s9, v0;
	p0 =	sgt.f32 s25, $0.0e+00  }
0x3fa: {  	(xrf1) =	vsort.ascd.msk.f32 @p1 $0xffff, v8, v12  }
0x3fb: {  	(xrf1) =	vsort.ascd.msk.f32 @p0 $0xffff, v11, v12;
	_ =	sdelay $0x9  }
0x3fc: {  	v8 =	vlaneseq.u32 @p1  }
0x3fd: {  	v8 =	vmul.u32 @p1 $0xFFFFFFFF, v8;
	v11 =	vlaneseq.u32 @p0  }
0x3fe: {  	v11 =	vmul.u32 @p0 $0xFFFFFFFF, v11  }
0x3ff: {  	v8 =	vadd.s32 @p1 $0xF, v8;
	v12, v13, _ =	vpop @p1 (xrf1)  }
0x400: {  	v11 =	vadd.s32 @p0 $0xF, v11;
	v12 =	vperm.xlane @p1 v12, v8;
	v14, v15, _ =	vpop @p0 (xrf1)  }
0x401: {  	v8 =	vperm.xlane @p1 v13, v8;
	v13 =	vperm.xlane @p0 v14, v11  }
0x402: {  	v16 =	vimm.s32 $0x0;
	v11 =	vperm.xlane @p0 v15, v11;
	vm11 =	vle.f32 @p1 v10, v12  }
0x403: {  	v12 =	vsel @p1 vm11, v10, v12;
	v8 =	vsel @p1 vm11, v16, v8;
	vm11 =	vge.f32 @p0 v9, v13  }
0x404: {  	v13 =	vsel @p0 vm11, v9, v13;
	v11 =	vsel @p0 vm11, v16, v11;
	(xrf1) =	vsort.ascd.msk.f32 @p1 $0xffff, v12, v8  }
0x405: {  	(xrf1) =	vsort.ascd.msk.f32 @p0 $0xffff, v13, v11;
	_ =	sdelay $0xc  }
0x406: {  	v8, v11, _ =	vpop @p1 (xrf1)  }
0x407: {  	(xrf0) =	vmax.scan.msk.f32 @p1 $0xffff, v8;
	v12, v15, _ =	vpop @p0 (xrf1)  }
0x408: {  	(xrf0) =	vmin.scan.msk.f32 @p0 $0xffff, v12;
	_ =	sdelay $0x2  }
0x409: {  	s4 =	simm.s32 $0x14A10  }
0x40a: {  	s3 =	simm.s32 $0x14F10;
	v13 =	vpsel p1, v8, v10;
	v8 =	vpsel p0, v15, v16;
	v15 =	vld [tilespmem:s4+$0x0]  }
0x40b: {  	v14 =	vld [tilespmem:s3+$0x0];
	v17, _, _ =	vpop @p1 (xrf0)  }
0x40c: {  	v18, _, _ =	vpop @p0 (xrf0);
	v17 =	vbroadcast @p1 v17, $0xF  }
0x40d: {  	s1 =	simm.s32 $0x10;
	s5 =	simm.s32 $0x20;
	v11 =	vpsel p1, v11, v16;
	v12 =	vpsel p0, v12, v9;
	v16 =	vbroadcast @p0 v18, $0xF  }
.LBB2_8:
0x40e: {  	v10 =	vpsel p1, v17, v10;
	s6 =	smov.u32 s5;
	s5 =	sadd.s32 $0x10, s5  }
0x40f: {  	p2 =	sne.s32 s5, $0x500;
	vm11 =	vlt.f32 v15, v10;
	v9 =	vpsel p0, v16, v9  }
0x410: {  	v16 =	vsel vm11, $0x3F800000, v1;
	vm11 =	vgt.f32 v14, v9  }
0x411: {  	v17 =	vsel vm11, $0x3F800000, v1;
	(xrf0) =	vmax.scan.msk.f32 $0xffff, v16  }
0x412: {  	(xrf0) =	vmax.scan.msk.f32 $0xffff, v17;
	_ =	sdelay $0x4  }
0x413: {  	v16, _, _ =	vpop (xrf0)  }
0x414: {  	(v2sf) =	vpush v16, $0xF;
	v16, _, _ =	vpop (xrf0)  }
0x415: {  	(v2sf) =	vpush v16, $0xF;
	_ =	sdelay $0xd  }
0x416: {  	s7 =	spop (v2sf)  }
0x417: {  	p1 =	sgt.f32 s7, $0.0e+00;
	s7 =	spop (v2sf)  }
0x418: {  	v16 =	vor.u32 s1, v0;
	s1 =	smov.u32 s6;
	p0 =	sgt.f32 s7, $0.0e+00  }
0x419: {  	v17 =	vlaneseq.u32 @p1;
	(xrf1) =	vsort.ascd.msk.f32 @p1 $0xffff, v15, v16  }
0x41a: {  	v15 =	vmul.u32 @p1 $0xFFFFFFFF, v17;
	v17 =	vlaneseq.u32 @p0;
	(xrf1) =	vsort.ascd.msk.f32 @p0 $0xffff, v14, v16  }
0x41b: {  	v14 =	vmul.u32 @p0 $0xFFFFFFFF, v17;
	_ =	sdelay $0xb  }
0x41c: {  	v15 =	vadd.s32 @p1 $0xF, v15;
	v14 =	vadd.s32 @p0 $0xF, v14;
	v16, v17, _ =	vpop @p1 (xrf1)  }
0x41d: {  	v16 =	vperm.xlane @p1 v16, v15;
	v15 =	vperm.xlane @p1 v17, v15;
	v17, v18, _ =	vpop @p0 (xrf1)  }
0x41e: {  	v17 =	vperm.xlane @p0 v17, v14;
	v14 =	vperm.xlane @p0 v18, v14  }
0x41f: {  	vm11 =	vle.f32 @p1 v13, v16  }
0x420: {  	v16 =	vsel @p1 vm11, v13, v16;
	v15 =	vsel @p1 vm11, v11, v15;
	vm11 =	vge.f32 @p0 v12, v17  }
0x421: {  	v17 =	vsel @p0 vm11, v12, v17;
	v14 =	vsel @p0 vm11, v8, v14;
	(xrf1) =	vsort.ascd.msk.f32 @p1 $0xffff, v16, v15  }
0x422: {  	(xrf1) =	vsort.ascd.msk.f32 @p0 $0xffff, v17, v14;
	_ =	sdelay $0xc  }
0x423: {  	v14, v15, _ =	vpop @p1 (xrf1)  }
0x424: {  	v13 =	vpsel p1, v14, v13;
	v11 =	vpsel p1, v15, v11;
	(xrf0) =	vmax.scan.msk.f32 @p1 $0xffff, v14;
	v14, v15, _ =	vpop @p0 (xrf1)  }
0x425: {  	v12 =	vpsel p0, v14, v12;
	v8 =	vpsel p0, v15, v8;
	(xrf0) =	vmin.scan.msk.f32 @p0 $0xffff, v14;
	_ =	sdelay $0x1  }
0x426: {  	s3 =	sadd.s32 $0x10, s3  }
.Ltmp6:
0x427: {  	s4 =	sadd.s32 $0x10, s4;
	v14 =	vld [tilespmem:s3+$0x0];
	(pc) =	sbr.rel @p2 .LBB2_8-.Ltmp6, $4  }
0x428: {  	v15 =	vld [tilespmem:s4+$0x0]  }
0x429: {  	v16, _, _ =	vpop @p1 (xrf0)  }
0x42a: {  	v17 =	vbroadcast @p1 v16, $0xF;
	v16, _, _ =	vpop @p0 (xrf0)  }
0x42b: {  	v16 =	vbroadcast @p0 v16, $0xF  }
0x42c: {  	v10 =	vpsel p1, v17, v10  }
0x42d: {  	vm11 =	vlt.f32 v15, v10  }
0x42e: {  	v10 =	vsel vm11, $0x3F800000, v1  }
0x42f: {  	(xrf0) =	vmax.scan.msk.f32 $0xffff, v10;
	_ =	sdelay $0x5  }
0x430: {  	v10, _, _ =	vpop (xrf0)  }
0x431: {  	(v2sf) =	vpush v10, $0xF  }
0x432: {  	v9 =	vpsel p0, v16, v9  }
0x433: {  	vm11 =	vgt.f32 v14, v9  }
0x434: {  	v9 =	vsel vm11, $0x3F800000, v1  }
0x435: {  	(xrf0) =	vmax.scan.msk.f32 $0xffff, v9;
	_ =	sdelay $0x5  }
0x436: {  	v9, _, _ =	vpop (xrf0)  }
0x437: {  	(v2sf) =	vpush v9, $0xF;
	_ =	sdelay $0x3  }
0x438: {  	s3 =	spop (v2sf)  }
0x439: {  	p1 =	sgt.f32 s3, $0.0e+00  }
0x43a: {  	v9 =	vor.u32 s1, v0  }
0x43b: {  	(xrf1) =	vsort.ascd.msk.f32 @p1 $0xffff, v15, v9;
	_ =	sdelay $0x7  }
0x43c: {  	s7 =	spop (v2sf)  }
0x43d: {  	p0 =	sgt.f32 s7, $0.0e+00;
	_ =	sdelay $0x1  }
0x43e: {  	v10 =	vlaneseq.u32 @p1;
	(xrf1) =	vsort.ascd.msk.f32 @p0 $0xffff, v14, v9  }
0x43f: {  	v9 =	vmul.u32 @p1 $0xFFFFFFFF, v10;
	_ =	sdelay $0x1  }
0x440: {  	v9 =	vadd.s32 @p1 $0xF, v9;
	v10, v14, _ =	vpop @p1 (xrf1)  }
0x441: {  	v10 =	vperm.xlane @p1 v10, v9  }
0x442: {  	v9 =	vperm.xlane @p1 v14, v9  }
0x443: {  	vm11 =	vle.f32 @p1 v13, v10  }
0x444: {  	v10 =	vsel @p1 vm11, v13, v10;
	v9 =	vsel @p1 vm11, v11, v9  }
0x445: {  	(xrf1) =	vsort.ascd.msk.f32 @p1 $0xffff, v10, v9;
	_ =	sdelay $0x2  }
0x446: {  	v9 =	vlaneseq.u32 @p0  }
0x447: {  	v9 =	vmul.u32 @p0 $0xFFFFFFFF, v9;
	_ =	sdelay $0x1  }
0x448: {  	v10, v13, _ =	vpop @p0 (xrf1);
	v9 =	vadd.s32 @p0 $0xF, v9  }
0x449: {  	v10 =	vperm.xlane @p0 v10, v9  }
0x44a: {  	v9 =	vperm.xlane @p0 v13, v9  }
0x44b: {  	vm11 =	vge.f32 @p0 v12, v10  }
0x44c: {  	v10 =	vsel @p0 vm11, v12, v10;
	v9 =	vsel @p0 vm11, v8, v9  }
0x44d: {  	(xrf1) =	vsort.ascd.msk.f32 @p0 $0xffff, v10, v9;
	_ =	sdelay $0x2  }
0x44e: {  	v9, v10, _ =	vpop @p1 (xrf1)  }
0x44f: {  	v10 =	vpsel p1, v10, v11;
	_ =	sdelay $0x4  }
0x450: {  	v11 =	vld.idx.msk [tilespmem:v10+s19+$0x0], $0xffff;
	_ =	sdelay $0x4  }
0x451: {  	(xrf0) =	vmax.scan.msk.f32 @p1 $0xffff, v9;
	v9, v12, _ =	vpop @p0 (xrf1);
	vm11 =	vlt.f32 v11, $3.000000010e+38  }
0x452: {  	(xrf0) =	vmin.scan.msk.f32 @p0 $0xffff, v9;
	v9 =	vsel vm11, $0x3F800000, v1  }
0x453: {  	(xrf0) =	vmax.scan.msk.f32 $0xffff, v9;
	_ =	sdelay $0x3  }
0x454: {  	v9, _, _ =	vpop @p1 (xrf0)  }
0x455: {  	v9, _, _ =	vpop @p0 (xrf0)  }
0x456: {  	v9, _, _ =	vpop (xrf0)  }
0x457: {  	(v2sf) =	vpush v9, $0xF;
	_ =	sdelay $0xe  }
0x458: {  	s8 =	spop (v2sf)  }
0x459: {  	p2 =	sgt.f32 s8, $0.0e+00;
	_ =	sdelay $0x1  }
0x45a: {  	(xrf1) =	vsort.ascd.msk.f32 @p2 $0xffff, v11, v11;
	_ =	sdelay $0xa  }
0x45b: {  	v9 =	vlaneseq.u32 @p2  }
0x45c: {  	v9 =	vmul.u32 @p2 $0xFFFFFFFF, v9;
	_ =	sdelay $0x1  }
0x45d: {  	v9 =	vadd.s32 @p2 $0xF, v9;
	v11, _, _ =	vpop @p2 (xrf1)  }
0x45e: {  	v9 =	vperm.xlane @p2 v11, v9;
	_ =	sdelay $0x1  }
0x45f: {  	v9 =	vmin.f32 @p2 v9, $3.000000010e+38  }
0x460: {  	(xrf1) =	vsort.ascd.msk.f32 @p2 $0xffff, v9, v9;
	_ =	sdelay $0x3  }
0x461: {  	v8 =	vpsel p0, v12, v8;
	_ =	sdelay $0x4  }
0x462: {  	v9 =	vld.idx.msk [tilespmem:v8+s20+$0x0], $0xffff;
	_ =	sdelay $0x4  }
0x463: {  	vm11 =	vgt.f32 v9, $-1.000000000e+00;
	v11, _, _ =	vpop @p2 (xrf1)  }
0x464: {  	v20 =	vsel vm11, $0x3F800000, v1;
	(xrf0) =	vmax.scan.msk.f32 @p2 $0xffff, v11  }
0x465: {  	(xrf0) =	vmax.scan.msk.f32 $0xffff, v20;
	_ =	sdelay $0x4  }
0x466: {  	v12, _, _ =	vpop @p2 (xrf0)  }
0x467: {  	v21, _, _ =	vpop (xrf0)  }
0x468: {  	(v2sf) =	vpush v21, $0xF;
	_ =	sdelay $0xe  }
0x469: {  	s9 =	spop (v2sf)  }
0x46a: {  	p0 =	sgt.f32 s9, $0.0e+00;
	_ =	sdelay $0x1  }
0x46b: {  	(xrf1) =	vsort.ascd.msk.f32 @p0 $0xffff, v9, v9;
	_ =	sdelay $0xa  }
0x46c: {  	v9 =	vlaneseq.u32 @p0  }
0x46d: {  	v9 =	vmul.u32 @p0 $0xFFFFFFFF, v9;
	_ =	sdelay $0x1  }
0x46e: {  	v9 =	vadd.s32 @p0 $0xF, v9;
	v13, _, _ =	vpop @p0 (xrf1)  }
0x46f: {  	v9 =	vperm.xlane @p0 v13, v9;
	_ =	sdelay $0x1  }
0x470: {  	v9 =	vmax.f32 @p0 v9, $-1.000000000e+00  }
0x471: {  	(xrf1) =	vsort.ascd.msk.f32 @p0 $0xffff, v9, v9;
	_ =	sdelay $0x1  }
0x472: {  	v9 =	vand.u32 $0xFFFFFF80, v10;
	v10 =	vand.u32 $0x7F, v10  }
0x473: {  	v22 =	vor.u32 v10, v9  }
0x474: {  	v13 =	vadd.s32 $0x500, v22;
	_ =	sdelay $0x4  }
0x475: {  	v13 =	vld.idx.msk [tilespmem:v13+s19+$0x0], $0xffff;
	_ =	sdelay $0x1  }
0x476: {  	v12 =	vbroadcast @p2 v12, $0xF;
	_ =	sdelay $0x1  }
0x477: {  	v12 =	vpsel !p2, $0x7F61B1E6, v12  }
0x478: {  	vm11 =	vlt.f32 v13, v12;
	v14, _, _ =	vpop @p0 (xrf1)  }
0x479: {  	v23 =	vsel vm11, $0x3F800000, v1;
	(xrf0) =	vmin.scan.msk.f32 @p0 $0xffff, v14  }
0x47a: {  	(xrf0) =	vmax.scan.msk.f32 $0xffff, v23;
	_ =	sdelay $0x4  }
0x47b: {  	v15, _, _ =	vpop @p0 (xrf0)  }
0x47c: {  	v24, _, _ =	vpop (xrf0)  }
0x47d: {  	(v2sf) =	vpush v24, $0xF;
	_ =	sdelay $0xe  }
0x47e: {  	s10 =	spop (v2sf)  }
0x47f: {  	p1 =	sgt.f32 s10, $0.0e+00;
	_ =	sdelay $0x1  }
0x480: {  	(xrf1) =	vsort.ascd.msk.f32 @p1 $0xffff, v13, v13;
	_ =	sdelay $0xa  }
0x481: {  	v13 =	vlaneseq.u32 @p1  }
0x482: {  	v13 =	vmul.u32 @p1 $0xFFFFFFFF, v13;
	_ =	sdelay $0x1  }
0x483: {  	v13 =	vadd.s32 @p1 $0xF, v13;
	v16, _, _ =	vpop @p1 (xrf1)  }
0x484: {  	v13 =	vperm.xlane @p1 v16, v13  }
0x485: {  	v11 =	vpsel !p2, $0x7F61B1E6, v11  }
0x486: {  	v13 =	vmin.f32 @p1 v11, v13  }
0x487: {  	(xrf1) =	vsort.ascd.msk.f32 @p1 $0xffff, v13, v13;
	_ =	sdelay $0x1  }
0x488: {  	v25 =	vand.u32 $0xFFFFFF80, v8;
	v26 =	vand.u32 $0x7F, v8  }
0x489: {  	v8 =	vor.u32 v26, v25  }
0x48a: {  	v8 =	vadd.s32 $0x500, v8;
	_ =	sdelay $0x4  }
0x48b: {  	v8 =	vld.idx.msk [tilespmem:v8+s20+$0x0], $0xffff;
	_ =	sdelay $0x1  }
0x48c: {  	v15 =	vbroadcast @p0 v15, $0xF;
	_ =	sdelay $0x1  }
0x48d: {  	v15 =	vpsel !p0, $0xBF800000, v15  }
0x48e: {  	vm11 =	vgt.f32 v8, v15;
	v17, _, _ =	vpop @p1 (xrf1)  }
0x48f: {  	v18 =	vsel vm11, $0x3F800000, v1;
	(xrf0) =	vmax.scan.msk.f32 @p1 $0xffff, v17  }
0x490: {  	(xrf0) =	vmax.scan.msk.f32 $0xffff, v18;
	_ =	sdelay $0x4  }
0x491: {  	v18, _, _ =	vpop @p1 (xrf0)  }
0x492: {  	v19, _, _ =	vpop (xrf0)  }
0x493: {  	(v2sf) =	vpush v19, $0xF;
	_ =	sdelay $0xe  }
0x494: {  	s11 =	spop (v2sf)  }
0x495: {  	p2 =	sgt.f32 s11, $0.0e+00;
	_ =	sdelay $0x1  }
0x496: {  	(xrf1) =	vsort.ascd.msk.f32 @p2 $0xffff, v8, v8;
	_ =	sdelay $0xa  }
0x497: {  	v8 =	vlaneseq.u32 @p2  }
0x498: {  	v8 =	vmul.u32 @p2 $0xFFFFFFFF, v8;
	_ =	sdelay $0x1  }
0x499: {  	v8 =	vadd.s32 @p2 $0xF, v8;
	v19, _, _ =	vpop @p2 (xrf1)  }
0x49a: {  	v8 =	vperm.xlane @p2 v19, v8  }
0x49b: {  	v14 =	vpsel !p0, $0xBF800000, v14  }
0x49c: {  	v8 =	vmax.f32 @p2 v14, v8  }
0x49d: {  	(xrf1) =	vsort.ascd.msk.f32 @p2 $0xffff, v8, v8;
	_ =	sdelay $0x2  }
0x49e: {  	v8 =	vadd.s32 v10, v9  }
0x49f: {  	v9 =	vadd.s32 $0xA00, v8;
	_ =	sdelay $0x4  }
0x4a0: {  	v9 =	vld.idx.msk [tilespmem:v9+s19+$0x0], $0xffff;
	_ =	sdelay $0x1  }
0x4a1: {  	v10 =	vbroadcast @p1 v18, $0xF;
	_ =	sdelay $0x1  }
0x4a2: {  	v10 =	vpsel p1, v10, v12  }
0x4a3: {  	vm11 =	vlt.f32 v9, v10;
	v12, _, _ =	vpop @p2 (xrf1)  }
0x4a4: {  	v27 =	vsel vm11, $0x3F800000, v1;
	(xrf0) =	vmin.scan.msk.f32 @p2 $0xffff, v12  }
0x4a5: {  	(xrf0) =	vmax.scan.msk.f32 $0xffff, v27;
	_ =	sdelay $0x4  }
0x4a6: {  	v18, _, _ =	vpop @p2 (xrf0)  }
0x4a7: {  	v28, _, _ =	vpop (xrf0)  }
0x4a8: {  	(v2sf) =	vpush v28, $0xF;
	_ =	sdelay $0xe  }
0x4a9: {  	s17 =	spop (v2sf)  }
0x4aa: {  	p0 =	sgt.f32 s17, $0.0e+00;
	_ =	sdelay $0x1  }
0x4ab: {  	(xrf1) =	vsort.ascd.msk.f32 @p0 $0xffff, v9, v9;
	_ =	sdelay $0xa  }
0x4ac: {  	v9 =	vlaneseq.u32 @p0  }
0x4ad: {  	v9 =	vmul.u32 @p0 $0xFFFFFFFF, v9;
	_ =	sdelay $0x1  }
0x4ae: {  	v9 =	vadd.s32 @p0 $0xF, v9;
	v19, _, _ =	vpop @p0 (xrf1)  }
0x4af: {  	v9 =	vperm.xlane @p0 v19, v9  }
0x4b0: {  	v11 =	vpsel p1, v17, v11  }
0x4b1: {  	v9 =	vmin.f32 @p0 v11, v9  }
0x4b2: {  	(xrf1) =	vsort.ascd.msk.f32 @p0 $0xffff, v9, v9;
	_ =	sdelay $0x2  }
0x4b3: {  	v9 =	vadd.s32 v26, v25  }
0x4b4: {  	v13 =	vadd.s32 $0xA00, v9;
	_ =	sdelay $0x4  }
0x4b5: {  	v13 =	vld.idx.msk [tilespmem:v13+s20+$0x0], $0xffff  }
0x4b6: {  	v16 =	vbroadcast @p2 v18, $0xF;
	_ =	sdelay $0x2  }
0x4b7: {  	v15 =	vpsel p2, v16, v15  }
0x4b8: {  	vm11 =	vgt.f32 v13, v15;
	v16, _, _ =	vpop @p0 (xrf1)  }
0x4b9: {  	v29 =	vsel vm11, $0x3F800000, v1;
	(xrf0) =	vmax.scan.msk.f32 @p0 $0xffff, v16  }
0x4ba: {  	(xrf0) =	vmax.scan.msk.f32 $0xffff, v29;
	_ =	sdelay $0x4  }
0x4bb: {  	v17, _, _ =	vpop @p0 (xrf0)  }
0x4bc: {  	v30, _, _ =	vpop (xrf0)  }
0x4bd: {  	(v2sf) =	vpush v30, $0xF;
	_ =	sdelay $0xe  }
0x4be: {  	s18 =	spop (v2sf)  }
0x4bf: {  	p1 =	sgt.f32 s18, $0.0e+00;
	_ =	sdelay $0x1  }
0x4c0: {  	(xrf1) =	vsort.ascd.msk.f32 @p1 $0xffff, v13, v13;
	_ =	sdelay $0xa  }
0x4c1: {  	v13 =	vlaneseq.u32 @p1  }
0x4c2: {  	v13 =	vmul.u32 @p1 $0xFFFFFFFF, v13;
	_ =	sdelay $0x1  }
0x4c3: {  	v13 =	vadd.s32 @p1 $0xF, v13;
	v18, _, _ =	vpop @p1 (xrf1)  }
0x4c4: {  	v13 =	vperm.xlane @p1 v18, v13  }
0x4c5: {  	v12 =	vpsel p2, v12, v14  }
0x4c6: {  	v13 =	vmax.f32 @p1 v12, v13  }
0x4c7: {  	(xrf1) =	vsort.ascd.msk.f32 @p1 $0xffff, v13, v13;
	_ =	sdelay $0x3  }
0x4c8: {  	v31 =	vadd.s32 $0xF00, v8;
	_ =	sdelay $0x4  }
0x4c9: {  	v13 =	vld.idx.msk [tilespmem:v31+s19+$0x0], $0xffff  }
0x4ca: {  	v14 =	vbroadcast @p0 v17, $0xF;
	_ =	sdelay $0x2  }
0x4cb: {  	v10 =	vpsel p0, v14, v10  }
0x4cc: {  	vm11 =	vlt.f32 v13, v10;
	v14, _, _ =	vpop @p1 (xrf1)  }
0x4cd: {  	v32 =	vsel vm11, $0x3F800000, v1;
	(xrf0) =	vmin.scan.msk.f32 @p1 $0xffff, v14  }
0x4ce: {  	(xrf0) =	vmax.scan.msk.f32 $0xffff, v32;
	_ =	sdelay $0x4  }
0x4cf: {  	v17, _, _ =	vpop @p1 (xrf0)  }
0x4d0: {  	v33, _, _ =	vpop (xrf0)  }
0x4d1: {  	(v2sf) =	vpush v33, $0xF;
	_ =	sdelay $0xe  }
0x4d2: {  	s25 =	spop (v2sf)  }
0x4d3: {  	p2 =	sgt.f32 s25, $0.0e+00;
	_ =	sdelay $0x1  }
0x4d4: {  	(xrf1) =	vsort.ascd.msk.f32 @p2 $0xffff, v13, v13;
	_ =	sdelay $0xa  }
0x4d5: {  	v13 =	vlaneseq.u32 @p2  }
0x4d6: {  	v13 =	vmul.u32 @p2 $0xFFFFFFFF, v13;
	_ =	sdelay $0x1  }
0x4d7: {  	v13 =	vadd.s32 @p2 $0xF, v13;
	v18, _, _ =	vpop @p2 (xrf1)  }
0x4d8: {  	v13 =	vperm.xlane @p2 v18, v13  }
0x4d9: {  	v11 =	vpsel p0, v16, v11  }
0x4da: {  	v13 =	vmin.f32 @p2 v11, v13  }
0x4db: {  	(xrf1) =	vsort.ascd.msk.f32 @p2 $0xffff, v13, v13;
	_ =	sdelay $0x3  }
0x4dc: {  	v34 =	vadd.s32 $0xF00, v9;
	_ =	sdelay $0x4  }
0x4dd: {  	v13 =	vld.idx.msk [tilespmem:v34+s20+$0x0], $0xffff  }
0x4de: {  	v16 =	vbroadcast @p1 v17, $0xF;
	_ =	sdelay $0x2  }
0x4df: {  	v15 =	vpsel p1, v16, v15  }
0x4e0: {  	vm11 =	vgt.f32 v13, v15;
	v16, _, _ =	vpop @p2 (xrf1)  }
0x4e1: {  	v35 =	vsel vm11, $0x3F800000, v1;
	(xrf0) =	vmax.scan.msk.f32 @p2 $0xffff, v16  }
0x4e2: {  	(xrf0) =	vmax.scan.msk.f32 $0xffff, v35;
	_ =	sdelay $0x4  }
0x4e3: {  	v17, _, _ =	vpop @p2 (xrf0)  }
0x4e4: {  	v36, _, _ =	vpop (xrf0)  }
0x4e5: {  	(v2sf) =	vpush v36, $0xF;
	_ =	sdelay $0xe  }
0x4e6: {  	s3 =	spop (v2sf)  }
0x4e7: {  	p0 =	sgt.f32 s3, $0.0e+00;
	_ =	sdelay $0x1  }
0x4e8: {  	(xrf1) =	vsort.ascd.msk.f32 @p0 $0xffff, v13, v13;
	_ =	sdelay $0xa  }
0x4e9: {  	v13 =	vlaneseq.u32 @p0  }
0x4ea: {  	v13 =	vmul.u32 @p0 $0xFFFFFFFF, v13;
	_ =	sdelay $0x1  }
0x4eb: {  	v13 =	vadd.s32 @p0 $0xF, v13;
	v18, _, _ =	vpop @p0 (xrf1)  }
0x4ec: {  	v13 =	vperm.xlane @p0 v18, v13  }
0x4ed: {  	v12 =	vpsel p1, v14, v12  }
0x4ee: {  	v13 =	vmax.f32 @p0 v12, v13  }
0x4ef: {  	(xrf1) =	vsort.ascd.msk.f32 @p0 $0xffff, v13, v13;
	_ =	sdelay $0x3  }
0x4f0: {  	v37 =	vadd.s32 $0x1400, v8;
	_ =	sdelay $0x4  }
0x4f1: {  	v13 =	vld.idx.msk [tilespmem:v37+s19+$0x0], $0xffff  }
0x4f2: {  	v14 =	vbroadcast @p2 v17, $0xF;
	_ =	sdelay $0x2  }
0x4f3: {  	v10 =	vpsel p2, v14, v10  }
0x4f4: {  	vm11 =	vlt.f32 v13, v10;
	v14, _, _ =	vpop @p0 (xrf1)  }
0x4f5: {  	v38 =	vsel vm11, $0x3F800000, v1;
	(xrf0) =	vmin.scan.msk.f32 @p0 $0xffff, v14  }
0x4f6: {  	(xrf0) =	vmax.scan.msk.f32 $0xffff, v38;
	_ =	sdelay $0x4  }
0x4f7: {  	v17, _, _ =	vpop @p0 (xrf0)  }
0x4f8: {  	v39, _, _ =	vpop (xrf0)  }
0x4f9: {  	(v2sf) =	vpush v39, $0xF;
	_ =	sdelay $0xe  }
0x4fa: {  	s4 =	spop (v2sf)  }
0x4fb: {  	p1 =	sgt.f32 s4, $0.0e+00;
	_ =	sdelay $0x1  }
0x4fc: {  	(xrf1) =	vsort.ascd.msk.f32 @p1 $0xffff, v13, v13;
	_ =	sdelay $0xa  }
0x4fd: {  	v13 =	vlaneseq.u32 @p1  }
0x4fe: {  	v13 =	vmul.u32 @p1 $0xFFFFFFFF, v13;
	_ =	sdelay $0x1  }
0x4ff: {  	v13 =	vadd.s32 @p1 $0xF, v13;
	v18, _, _ =	vpop @p1 (xrf1)  }
0x500: {  	v13 =	vperm.xlane @p1 v18, v13  }
0x501: {  	v11 =	vpsel p2, v16, v11  }
0x502: {  	v13 =	vmin.f32 @p1 v11, v13  }
0x503: {  	(xrf1) =	vsort.ascd.msk.f32 @p1 $0xffff, v13, v13;
	_ =	sdelay $0x3  }
0x504: {  	v40 =	vadd.s32 $0x1400, v9;
	_ =	sdelay $0x4  }
0x505: {  	v13 =	vld.idx.msk [tilespmem:v40+s20+$0x0], $0xffff  }
0x506: {  	v16 =	vbroadcast @p0 v17, $0xF;
	_ =	sdelay $0x2  }
0x507: {  	v15 =	vpsel p0, v16, v15  }
0x508: {  	vm11 =	vgt.f32 v13, v15;
	v16, _, _ =	vpop @p1 (xrf1)  }
0x509: {  	v41 =	vsel vm11, $0x3F800000, v1;
	(xrf0) =	vmax.scan.msk.f32 @p1 $0xffff, v16  }
0x50a: {  	(xrf0) =	vmax.scan.msk.f32 $0xffff, v41;
	_ =	sdelay $0x4  }
0x50b: {  	v17, _, _ =	vpop @p1 (xrf0)  }
0x50c: {  	v42, _, _ =	vpop (xrf0)  }
0x50d: {  	(v2sf) =	vpush v42, $0xF;
	_ =	sdelay $0xe  }
0x50e: {  	s5 =	spop (v2sf)  }
0x50f: {  	p2 =	sgt.f32 s5, $0.0e+00;
	_ =	sdelay $0x1  }
0x510: {  	(xrf1) =	vsort.ascd.msk.f32 @p2 $0xffff, v13, v13;
	_ =	sdelay $0xa  }
0x511: {  	v13 =	vlaneseq.u32 @p2  }
0x512: {  	v13 =	vmul.u32 @p2 $0xFFFFFFFF, v13;
	_ =	sdelay $0x1  }
0x513: {  	v13 =	vadd.s32 @p2 $0xF, v13;
	v18, _, _ =	vpop @p2 (xrf1)  }
0x514: {  	v13 =	vperm.xlane @p2 v18, v13  }
0x515: {  	v12 =	vpsel p0, v14, v12  }
0x516: {  	v13 =	vmax.f32 @p2 v12, v13  }
0x517: {  	(xrf1) =	vsort.ascd.msk.f32 @p2 $0xffff, v13, v13;
	_ =	sdelay $0x3  }
0x518: {  	v43 =	vadd.s32 $0x1900, v8;
	_ =	sdelay $0x4  }
0x519: {  	v13 =	vld.idx.msk [tilespmem:v43+s19+$0x0], $0xffff  }
0x51a: {  	v14 =	vbroadcast @p1 v17, $0xF;
	_ =	sdelay $0x2  }
0x51b: {  	v10 =	vpsel p1, v14, v10  }
0x51c: {  	vm11 =	vlt.f32 v13, v10;
	v14, _, _ =	vpop @p2 (xrf1)  }
0x51d: {  	v44 =	vsel vm11, $0x3F800000, v1;
	(xrf0) =	vmin.scan.msk.f32 @p2 $0xffff, v14  }
0x51e: {  	(xrf0) =	vmax.scan.msk.f32 $0xffff, v44;
	_ =	sdelay $0x4  }
0x51f: {  	v17, _, _ =	vpop @p2 (xrf0)  }
0x520: {  	v45, _, _ =	vpop (xrf0)  }
0x521: {  	(v2sf) =	vpush v45, $0xF;
	_ =	sdelay $0xe  }
0x522: {  	s6 =	spop (v2sf)  }
0x523: {  	p0 =	sgt.f32 s6, $0.0e+00;
	_ =	sdelay $0x1  }
0x524: {  	(xrf1) =	vsort.ascd.msk.f32 @p0 $0xffff, v13, v13;
	_ =	sdelay $0xa  }
0x525: {  	v13 =	vlaneseq.u32 @p0  }
0x526: {  	v13 =	vmul.u32 @p0 $0xFFFFFFFF, v13;
	_ =	sdelay $0x1  }
0x527: {  	v13 =	vadd.s32 @p0 $0xF, v13;
	v18, _, _ =	vpop @p0 (xrf1)  }
0x528: {  	v13 =	vperm.xlane @p0 v18, v13  }
0x529: {  	v11 =	vpsel p1, v16, v11  }
0x52a: {  	v13 =	vmin.f32 @p0 v11, v13  }
0x52b: {  	(xrf1) =	vsort.ascd.msk.f32 @p0 $0xffff, v13, v13;
	_ =	sdelay $0x3  }
0x52c: {  	v46 =	vadd.s32 $0x1900, v9;
	_ =	sdelay $0x4  }
0x52d: {  	v13 =	vld.idx.msk [tilespmem:v46+s20+$0x0], $0xffff  }
0x52e: {  	v16 =	vbroadcast @p2 v17, $0xF;
	_ =	sdelay $0x2  }
0x52f: {  	v15 =	vpsel p2, v16, v15  }
0x530: {  	vm11 =	vgt.f32 v13, v15;
	v16, _, _ =	vpop @p0 (xrf1)  }
0x531: {  	v47 =	vsel vm11, $0x3F800000, v1;
	(xrf0) =	vmax.scan.msk.f32 @p0 $0xffff, v16  }
0x532: {  	(xrf0) =	vmax.scan.msk.f32 $0xffff, v47;
	_ =	sdelay $0x4  }
0x533: {  	v17, _, _ =	vpop @p0 (xrf0)  }
0x534: {  	v48, _, _ =	vpop (xrf0)  }
0x535: {  	(v2sf) =	vpush v48, $0xF;
	_ =	sdelay $0xe  }
0x536: {  	s7 =	spop (v2sf)  }
0x537: {  	p1 =	sgt.f32 s7, $0.0e+00;
	_ =	sdelay $0x1  }
0x538: {  	(xrf1) =	vsort.ascd.msk.f32 @p1 $0xffff, v13, v13;
	_ =	sdelay $0xa  }
0x539: {  	v13 =	vlaneseq.u32 @p1  }
0x53a: {  	v13 =	vmul.u32 @p1 $0xFFFFFFFF, v13;
	_ =	sdelay $0x1  }
0x53b: {  	v13 =	vadd.s32 @p1 $0xF, v13;
	v18, _, _ =	vpop @p1 (xrf1)  }
0x53c: {  	v13 =	vperm.xlane @p1 v18, v13  }
0x53d: {  	v12 =	vpsel p2, v14, v12  }
0x53e: {  	v13 =	vmax.f32 @p1 v12, v13  }
0x53f: {  	(xrf1) =	vsort.ascd.msk.f32 @p1 $0xffff, v13, v13;
	_ =	sdelay $0x3  }
0x540: {  	v49 =	vadd.s32 $0x1E00, v8;
	_ =	sdelay $0x4  }
0x541: {  	v13 =	vld.idx.msk [tilespmem:v49+s19+$0x0], $0xffff  }
0x542: {  	v14 =	vbroadcast @p0 v17, $0xF;
	_ =	sdelay $0x2  }
0x543: {  	v10 =	vpsel p0, v14, v10  }
0x544: {  	vm11 =	vlt.f32 v13, v10;
	v14, _, _ =	vpop @p1 (xrf1)  }
0x545: {  	v50 =	vsel vm11, $0x3F800000, v1;
	(xrf0) =	vmin.scan.msk.f32 @p1 $0xffff, v14  }
0x546: {  	(xrf0) =	vmax.scan.msk.f32 $0xffff, v50;
	_ =	sdelay $0x4  }
0x547: {  	v17, _, _ =	vpop @p1 (xrf0)  }
0x548: {  	v51, _, _ =	vpop (xrf0)  }
0x549: {  	(v2sf) =	vpush v51, $0xF;
	_ =	sdelay $0xe  }
0x54a: {  	s8 =	spop (v2sf)  }
0x54b: {  	p2 =	sgt.f32 s8, $0.0e+00;
	_ =	sdelay $0x1  }
0x54c: {  	(xrf1) =	vsort.ascd.msk.f32 @p2 $0xffff, v13, v13;
	_ =	sdelay $0xa  }
0x54d: {  	v13 =	vlaneseq.u32 @p2  }
0x54e: {  	v13 =	vmul.u32 @p2 $0xFFFFFFFF, v13;
	_ =	sdelay $0x1  }
0x54f: {  	v13 =	vadd.s32 @p2 $0xF, v13;
	v18, _, _ =	vpop @p2 (xrf1)  }
0x550: {  	v13 =	vperm.xlane @p2 v18, v13  }
0x551: {  	v11 =	vpsel p0, v16, v11  }
0x552: {  	v13 =	vmin.f32 @p2 v11, v13  }
0x553: {  	(xrf1) =	vsort.ascd.msk.f32 @p2 $0xffff, v13, v13;
	_ =	sdelay $0x3  }
0x554: {  	v52 =	vadd.s32 $0x1E00, v9;
	_ =	sdelay $0x4  }
0x555: {  	v13 =	vld.idx.msk [tilespmem:v52+s20+$0x0], $0xffff  }
0x556: {  	v16 =	vbroadcast @p1 v17, $0xF;
	_ =	sdelay $0x2  }
0x557: {  	v15 =	vpsel p1, v16, v15  }
0x558: {  	vm11 =	vgt.f32 v13, v15;
	v16, _, _ =	vpop @p2 (xrf1)  }
0x559: {  	v53 =	vsel vm11, $0x3F800000, v1;
	(xrf0) =	vmax.scan.msk.f32 @p2 $0xffff, v16  }
0x55a: {  	(xrf0) =	vmax.scan.msk.f32 $0xffff, v53;
	_ =	sdelay $0x4  }
0x55b: {  	v17, _, _ =	vpop @p2 (xrf0)  }
0x55c: {  	v54, _, _ =	vpop (xrf0)  }
0x55d: {  	(v2sf) =	vpush v54, $0xF;
	_ =	sdelay $0xe  }
0x55e: {  	s9 =	spop (v2sf)  }
0x55f: {  	p0 =	sgt.f32 s9, $0.0e+00;
	_ =	sdelay $0x1  }
0x560: {  	(xrf1) =	vsort.ascd.msk.f32 @p0 $0xffff, v13, v13;
	_ =	sdelay $0xa  }
0x561: {  	v13 =	vlaneseq.u32 @p0  }
0x562: {  	v13 =	vmul.u32 @p0 $0xFFFFFFFF, v13;
	_ =	sdelay $0x1  }
0x563: {  	v13 =	vadd.s32 @p0 $0xF, v13;
	v18, _, _ =	vpop @p0 (xrf1)  }
0x564: {  	v13 =	vperm.xlane @p0 v18, v13  }
0x565: {  	v12 =	vpsel p1, v14, v12  }
0x566: {  	v13 =	vmax.f32 @p0 v12, v13  }
0x567: {  	(xrf1) =	vsort.ascd.msk.f32 @p0 $0xffff, v13, v13;
	_ =	sdelay $0x3  }
0x568: {  	v55 =	vadd.s32 $0x2300, v8;
	_ =	sdelay $0x4  }
0x569: {  	v13 =	vld.idx.msk [tilespmem:v55+s19+$0x0], $0xffff  }
0x56a: {  	v14 =	vbroadcast @p2 v17, $0xF;
	_ =	sdelay $0x2  }
0x56b: {  	v10 =	vpsel p2, v14, v10  }
0x56c: {  	vm11 =	vlt.f32 v13, v10;
	v14, _, _ =	vpop @p0 (xrf1)  }
0x56d: {  	v56 =	vsel vm11, $0x3F800000, v1;
	(xrf0) =	vmin.scan.msk.f32 @p0 $0xffff, v14  }
0x56e: {  	(xrf0) =	vmax.scan.msk.f32 $0xffff, v56;
	_ =	sdelay $0x4  }
0x56f: {  	v17, _, _ =	vpop @p0 (xrf0)  }
0x570: {  	v57, _, _ =	vpop (xrf0)  }
0x571: {  	(v2sf) =	vpush v57, $0xF;
	_ =	sdelay $0xe  }
0x572: {  	s10 =	spop (v2sf)  }
0x573: {  	p1 =	sgt.f32 s10, $0.0e+00;
	_ =	sdelay $0x1  }
0x574: {  	(xrf1) =	vsort.ascd.msk.f32 @p1 $0xffff, v13, v13;
	_ =	sdelay $0xa  }
0x575: {  	v13 =	vlaneseq.u32 @p1  }
0x576: {  	v13 =	vmul.u32 @p1 $0xFFFFFFFF, v13;
	_ =	sdelay $0x1  }
0x577: {  	v13 =	vadd.s32 @p1 $0xF, v13;
	v18, _, _ =	vpop @p1 (xrf1)  }
0x578: {  	v13 =	vperm.xlane @p1 v18, v13  }
0x579: {  	v11 =	vpsel p2, v16, v11  }
0x57a: {  	v13 =	vmin.f32 @p1 v11, v13  }
0x57b: {  	(xrf1) =	vsort.ascd.msk.f32 @p1 $0xffff, v13, v13;
	_ =	sdelay $0x3  }
0x57c: {  	v58 =	vadd.s32 $0x2300, v9;
	_ =	sdelay $0x4  }
0x57d: {  	v13 =	vld.idx.msk [tilespmem:v58+s20+$0x0], $0xffff  }
0x57e: {  	v16 =	vbroadcast @p0 v17, $0xF;
	_ =	sdelay $0x2  }
0x57f: {  	v15 =	vpsel p0, v16, v15  }
0x580: {  	vm11 =	vgt.f32 v13, v15;
	v16, _, _ =	vpop @p1 (xrf1)  }
0x581: {  	v59 =	vsel vm11, $0x3F800000, v1;
	(xrf0) =	vmax.scan.msk.f32 @p1 $0xffff, v16  }
0x582: {  	(xrf0) =	vmax.scan.msk.f32 $0xffff, v59;
	_ =	sdelay $0x4  }
0x583: {  	v17, _, _ =	vpop @p1 (xrf0)  }
0x584: {  	v60, _, _ =	vpop (xrf0)  }
0x585: {  	(v2sf) =	vpush v60, $0xF;
	_ =	sdelay $0xe  }
0x586: {  	s11 =	spop (v2sf)  }
0x587: {  	p2 =	sgt.f32 s11, $0.0e+00;
	_ =	sdelay $0x1  }
0x588: {  	(xrf1) =	vsort.ascd.msk.f32 @p2 $0xffff, v13, v13;
	_ =	sdelay $0xa  }
0x589: {  	v13 =	vlaneseq.u32 @p2  }
0x58a: {  	v13 =	vmul.u32 @p2 $0xFFFFFFFF, v13;
	_ =	sdelay $0x1  }
0x58b: {  	v13 =	vadd.s32 @p2 $0xF, v13;
	v18, _, _ =	vpop @p2 (xrf1)  }
0x58c: {  	v13 =	vperm.xlane @p2 v18, v13  }
0x58d: {  	v12 =	vpsel p0, v14, v12  }
0x58e: {  	v13 =	vmax.f32 @p2 v12, v13  }
0x58f: {  	(xrf1) =	vsort.ascd.msk.f32 @p2 $0xffff, v13, v13;
	_ =	sdelay $0x3  }
0x590: {  	v61 =	vadd.s32 $0x2800, v8;
	_ =	sdelay $0x4  }
0x591: {  	v13 =	vld.idx.msk [tilespmem:v61+s19+$0x0], $0xffff  }
0x592: {  	v14 =	vbroadcast @p1 v17, $0xF;
	_ =	sdelay $0x2  }
0x593: {  	v10 =	vpsel p1, v14, v10  }
0x594: {  	vm11 =	vlt.f32 v13, v10;
	v14, _, _ =	vpop @p2 (xrf1)  }
0x595: {  	v62 =	vsel vm11, $0x3F800000, v1;
	(xrf0) =	vmin.scan.msk.f32 @p2 $0xffff, v14  }
0x596: {  	(xrf0) =	vmax.scan.msk.f32 $0xffff, v62;
	_ =	sdelay $0x4  }
0x597: {  	v17, _, _ =	vpop @p2 (xrf0)  }
0x598: {  	v63, _, _ =	vpop (xrf0)  }
0x599: {  	(v2sf) =	vpush v63, $0xF;
	_ =	sdelay $0xe  }
0x59a: {  	s17 =	spop (v2sf)  }
0x59b: {  	p0 =	sgt.f32 s17, $0.0e+00;
	_ =	sdelay $0x1  }
0x59c: {  	(xrf1) =	vsort.ascd.msk.f32 @p0 $0xffff, v13, v13;
	_ =	sdelay $0xa  }
0x59d: {  	v13 =	vlaneseq.u32 @p0  }
0x59e: {  	v13 =	vmul.u32 @p0 $0xFFFFFFFF, v13;
	_ =	sdelay $0x1  }
0x59f: {  	v13 =	vadd.s32 @p0 $0xF, v13;
	v18, _, _ =	vpop @p0 (xrf1)  }
0x5a0: {  	v13 =	vperm.xlane @p0 v18, v13  }
0x5a1: {  	v11 =	vpsel p1, v16, v11  }
0x5a2: {  	v13 =	vmin.f32 @p0 v11, v13  }
0x5a3: {  	(xrf1) =	vsort.ascd.msk.f32 @p0 $0xffff, v13, v13;
	_ =	sdelay $0x3  }
0x5a4: {  	v20 =	vadd.s32 $0x2800, v9;
	_ =	sdelay $0x4  }
0x5a5: {  	v13 =	vld.idx.msk [tilespmem:v20+s20+$0x0], $0xffff  }
0x5a6: {  	v16 =	vbroadcast @p2 v17, $0xF;
	_ =	sdelay $0x2  }
0x5a7: {  	v15 =	vpsel p2, v16, v15  }
0x5a8: {  	vm11 =	vgt.f32 v13, v15;
	v16, _, _ =	vpop @p0 (xrf1)  }
0x5a9: {  	v21 =	vsel vm11, $0x3F800000, v1;
	(xrf0) =	vmax.scan.msk.f32 @p0 $0xffff, v16  }
0x5aa: {  	(xrf0) =	vmax.scan.msk.f32 $0xffff, v21;
	_ =	sdelay $0x4  }
0x5ab: {  	v17, _, _ =	vpop @p0 (xrf0)  }
0x5ac: {  	v22, _, _ =	vpop (xrf0)  }
0x5ad: {  	(v2sf) =	vpush v22, $0xF;
	_ =	sdelay $0xe  }
0x5ae: {  	s18 =	spop (v2sf)  }
0x5af: {  	p1 =	sgt.f32 s18, $0.0e+00;
	_ =	sdelay $0x1  }
0x5b0: {  	(xrf1) =	vsort.ascd.msk.f32 @p1 $0xffff, v13, v13;
	_ =	sdelay $0xa  }
0x5b1: {  	v13 =	vlaneseq.u32 @p1  }
0x5b2: {  	v13 =	vmul.u32 @p1 $0xFFFFFFFF, v13;
	_ =	sdelay $0x1  }
0x5b3: {  	v13 =	vadd.s32 @p1 $0xF, v13;
	v18, _, _ =	vpop @p1 (xrf1)  }
0x5b4: {  	v13 =	vperm.xlane @p1 v18, v13  }
0x5b5: {  	v12 =	vpsel p2, v14, v12  }
0x5b6: {  	v13 =	vmax.f32 @p1 v12, v13  }
0x5b7: {  	(xrf1) =	vsort.ascd.msk.f32 @p1 $0xffff, v13, v13;
	_ =	sdelay $0x3  }
0x5b8: {  	v23 =	vadd.s32 $0x2D00, v8;
	_ =	sdelay $0x4  }
0x5b9: {  	v13 =	vld.idx.msk [tilespmem:v23+s19+$0x0], $0xffff  }
0x5ba: {  	v14 =	vbroadcast @p0 v17, $0xF;
	_ =	sdelay $0x2  }
0x5bb: {  	v10 =	vpsel p0, v14, v10  }
0x5bc: {  	vm11 =	vlt.f32 v13, v10;
	v14, _, _ =	vpop @p1 (xrf1)  }
0x5bd: {  	v24 =	vsel vm11, $0x3F800000, v1;
	(xrf0) =	vmin.scan.msk.f32 @p1 $0xffff, v14  }
0x5be: {  	(xrf0) =	vmax.scan.msk.f32 $0xffff, v24;
	_ =	sdelay $0x4  }
0x5bf: {  	v17, _, _ =	vpop @p1 (xrf0)  }
0x5c0: {  	v25, _, _ =	vpop (xrf0)  }
0x5c1: {  	(v2sf) =	vpush v25, $0xF;
	_ =	sdelay $0xe  }
0x5c2: {  	s25 =	spop (v2sf)  }
0x5c3: {  	p2 =	sgt.f32 s25, $0.0e+00;
	_ =	sdelay $0x1  }
0x5c4: {  	(xrf1) =	vsort.ascd.msk.f32 @p2 $0xffff, v13, v13;
	_ =	sdelay $0xa  }
0x5c5: {  	v13 =	vlaneseq.u32 @p2  }
0x5c6: {  	v13 =	vmul.u32 @p2 $0xFFFFFFFF, v13;
	_ =	sdelay $0x1  }
0x5c7: {  	v13 =	vadd.s32 @p2 $0xF, v13;
	v18, _, _ =	vpop @p2 (xrf1)  }
0x5c8: {  	v13 =	vperm.xlane @p2 v18, v13  }
0x5c9: {  	v11 =	vpsel p0, v16, v11  }
0x5ca: {  	v13 =	vmin.f32 @p2 v11, v13  }
0x5cb: {  	(xrf1) =	vsort.ascd.msk.f32 @p2 $0xffff, v13, v13;
	_ =	sdelay $0x3  }
0x5cc: {  	v26 =	vadd.s32 $0x2D00, v9;
	_ =	sdelay $0x4  }
0x5cd: {  	v13 =	vld.idx.msk [tilespmem:v26+s20+$0x0], $0xffff  }
0x5ce: {  	v16 =	vbroadcast @p1 v17, $0xF;
	_ =	sdelay $0x2  }
0x5cf: {  	v15 =	vpsel p1, v16, v15  }
0x5d0: {  	vm11 =	vgt.f32 v13, v15;
	v16, _, _ =	vpop @p2 (xrf1)  }
0x5d1: {  	v27 =	vsel vm11, $0x3F800000, v1;
	(xrf0) =	vmax.scan.msk.f32 @p2 $0xffff, v16  }
0x5d2: {  	(xrf0) =	vmax.scan.msk.f32 $0xffff, v27;
	_ =	sdelay $0x4  }
0x5d3: {  	v17, _, _ =	vpop @p2 (xrf0)  }
0x5d4: {  	v28, _, _ =	vpop (xrf0)  }
0x5d5: {  	(v2sf) =	vpush v28, $0xF;
	_ =	sdelay $0xe  }
0x5d6: {  	s3 =	spop (v2sf)  }
0x5d7: {  	p0 =	sgt.f32 s3, $0.0e+00;
	_ =	sdelay $0x1  }
0x5d8: {  	(xrf1) =	vsort.ascd.msk.f32 @p0 $0xffff, v13, v13;
	_ =	sdelay $0xa  }
0x5d9: {  	v13 =	vlaneseq.u32 @p0  }
0x5da: {  	v13 =	vmul.u32 @p0 $0xFFFFFFFF, v13;
	_ =	sdelay $0x1  }
0x5db: {  	v13 =	vadd.s32 @p0 $0xF, v13;
	v18, _, _ =	vpop @p0 (xrf1)  }
0x5dc: {  	v13 =	vperm.xlane @p0 v18, v13  }
0x5dd: {  	v12 =	vpsel p1, v14, v12  }
0x5de: {  	v13 =	vmax.f32 @p0 v12, v13  }
0x5df: {  	(xrf1) =	vsort.ascd.msk.f32 @p0 $0xffff, v13, v13;
	_ =	sdelay $0x3  }
0x5e0: {  	v29 =	vadd.s32 $0x3200, v8;
	_ =	sdelay $0x4  }
0x5e1: {  	v13 =	vld.idx.msk [tilespmem:v29+s19+$0x0], $0xffff  }
0x5e2: {  	v14 =	vbroadcast @p2 v17, $0xF;
	_ =	sdelay $0x2  }
0x5e3: {  	v10 =	vpsel p2, v14, v10  }
0x5e4: {  	vm11 =	vlt.f32 v13, v10;
	v14, _, _ =	vpop @p0 (xrf1)  }
0x5e5: {  	v30 =	vsel vm11, $0x3F800000, v1;
	(xrf0) =	vmin.scan.msk.f32 @p0 $0xffff, v14  }
0x5e6: {  	(xrf0) =	vmax.scan.msk.f32 $0xffff, v30;
	_ =	sdelay $0x4  }
0x5e7: {  	v17, _, _ =	vpop @p0 (xrf0)  }
0x5e8: {  	v31, _, _ =	vpop (xrf0)  }
0x5e9: {  	(v2sf) =	vpush v31, $0xF;
	_ =	sdelay $0xe  }
0x5ea: {  	s4 =	spop (v2sf)  }
0x5eb: {  	p1 =	sgt.f32 s4, $0.0e+00;
	_ =	sdelay $0x1  }
0x5ec: {  	(xrf1) =	vsort.ascd.msk.f32 @p1 $0xffff, v13, v13;
	_ =	sdelay $0xa  }
0x5ed: {  	v13 =	vlaneseq.u32 @p1  }
0x5ee: {  	v13 =	vmul.u32 @p1 $0xFFFFFFFF, v13;
	_ =	sdelay $0x1  }
0x5ef: {  	v13 =	vadd.s32 @p1 $0xF, v13;
	v18, _, _ =	vpop @p1 (xrf1)  }
0x5f0: {  	v13 =	vperm.xlane @p1 v18, v13  }
0x5f1: {  	v11 =	vpsel p2, v16, v11  }
0x5f2: {  	v13 =	vmin.f32 @p1 v11, v13  }
0x5f3: {  	(xrf1) =	vsort.ascd.msk.f32 @p1 $0xffff, v13, v13;
	_ =	sdelay $0x3  }
0x5f4: {  	v32 =	vadd.s32 $0x3200, v9;
	_ =	sdelay $0x4  }
0x5f5: {  	v13 =	vld.idx.msk [tilespmem:v32+s20+$0x0], $0xffff  }
0x5f6: {  	v16 =	vbroadcast @p0 v17, $0xF;
	_ =	sdelay $0x2  }
0x5f7: {  	v15 =	vpsel p0, v16, v15  }
0x5f8: {  	vm11 =	vgt.f32 v13, v15;
	v16, _, _ =	vpop @p1 (xrf1)  }
0x5f9: {  	v33 =	vsel vm11, $0x3F800000, v1;
	(xrf0) =	vmax.scan.msk.f32 @p1 $0xffff, v16  }
0x5fa: {  	(xrf0) =	vmax.scan.msk.f32 $0xffff, v33;
	_ =	sdelay $0x4  }
0x5fb: {  	v17, _, _ =	vpop @p1 (xrf0)  }
0x5fc: {  	v34, _, _ =	vpop (xrf0)  }
0x5fd: {  	(v2sf) =	vpush v34, $0xF;
	_ =	sdelay $0xe  }
0x5fe: {  	s5 =	spop (v2sf)  }
0x5ff: {  	p2 =	sgt.f32 s5, $0.0e+00;
	_ =	sdelay $0x1  }
0x600: {  	(xrf1) =	vsort.ascd.msk.f32 @p2 $0xffff, v13, v13;
	_ =	sdelay $0xa  }
0x601: {  	v13 =	vlaneseq.u32 @p2  }
0x602: {  	v13 =	vmul.u32 @p2 $0xFFFFFFFF, v13;
	_ =	sdelay $0x1  }
0x603: {  	v13 =	vadd.s32 @p2 $0xF, v13;
	v18, _, _ =	vpop @p2 (xrf1)  }
0x604: {  	v13 =	vperm.xlane @p2 v18, v13  }
0x605: {  	v12 =	vpsel p0, v14, v12  }
0x606: {  	v13 =	vmax.f32 @p2 v12, v13  }
0x607: {  	(xrf1) =	vsort.ascd.msk.f32 @p2 $0xffff, v13, v13;
	_ =	sdelay $0x3  }
0x608: {  	v35 =	vadd.s32 $0x3700, v8;
	_ =	sdelay $0x4  }
0x609: {  	v13 =	vld.idx.msk [tilespmem:v35+s19+$0x0], $0xffff  }
0x60a: {  	v14 =	vbroadcast @p1 v17, $0xF;
	_ =	sdelay $0x2  }
0x60b: {  	v10 =	vpsel p1, v14, v10  }
0x60c: {  	vm11 =	vlt.f32 v13, v10;
	v14, _, _ =	vpop @p2 (xrf1)  }
0x60d: {  	v36 =	vsel vm11, $0x3F800000, v1;
	(xrf0) =	vmin.scan.msk.f32 @p2 $0xffff, v14  }
0x60e: {  	(xrf0) =	vmax.scan.msk.f32 $0xffff, v36;
	_ =	sdelay $0x4  }
0x60f: {  	v17, _, _ =	vpop @p2 (xrf0)  }
0x610: {  	v37, _, _ =	vpop (xrf0)  }
0x611: {  	(v2sf) =	vpush v37, $0xF;
	_ =	sdelay $0xe  }
0x612: {  	s6 =	spop (v2sf)  }
0x613: {  	p0 =	sgt.f32 s6, $0.0e+00;
	_ =	sdelay $0x1  }
0x614: {  	(xrf1) =	vsort.ascd.msk.f32 @p0 $0xffff, v13, v13;
	_ =	sdelay $0xa  }
0x615: {  	v13 =	vlaneseq.u32 @p0  }
0x616: {  	v13 =	vmul.u32 @p0 $0xFFFFFFFF, v13;
	_ =	sdelay $0x1  }
0x617: {  	v13 =	vadd.s32 @p0 $0xF, v13;
	v18, _, _ =	vpop @p0 (xrf1)  }
0x618: {  	v13 =	vperm.xlane @p0 v18, v13  }
0x619: {  	v11 =	vpsel p1, v16, v11  }
0x61a: {  	v13 =	vmin.f32 @p0 v11, v13  }
0x61b: {  	(xrf1) =	vsort.ascd.msk.f32 @p0 $0xffff, v13, v13;
	_ =	sdelay $0x3  }
0x61c: {  	v38 =	vadd.s32 $0x3700, v9;
	_ =	sdelay $0x4  }
0x61d: {  	v13 =	vld.idx.msk [tilespmem:v38+s20+$0x0], $0xffff  }
0x61e: {  	v16 =	vbroadcast @p2 v17, $0xF;
	_ =	sdelay $0x2  }
0x61f: {  	v15 =	vpsel p2, v16, v15  }
0x620: {  	vm11 =	vgt.f32 v13, v15;
	v16, _, _ =	vpop @p0 (xrf1)  }
0x621: {  	v39 =	vsel vm11, $0x3F800000, v1;
	(xrf0) =	vmax.scan.msk.f32 @p0 $0xffff, v16  }
0x622: {  	(xrf0) =	vmax.scan.msk.f32 $0xffff, v39;
	_ =	sdelay $0x4  }
0x623: {  	v17, _, _ =	vpop @p0 (xrf0)  }
0x624: {  	v40, _, _ =	vpop (xrf0)  }
0x625: {  	(v2sf) =	vpush v40, $0xF;
	_ =	sdelay $0xe  }
0x626: {  	s7 =	spop (v2sf)  }
0x627: {  	p1 =	sgt.f32 s7, $0.0e+00;
	_ =	sdelay $0x1  }
0x628: {  	(xrf1) =	vsort.ascd.msk.f32 @p1 $0xffff, v13, v13;
	_ =	sdelay $0xa  }
0x629: {  	v13 =	vlaneseq.u32 @p1  }
0x62a: {  	v13 =	vmul.u32 @p1 $0xFFFFFFFF, v13;
	_ =	sdelay $0x1  }
0x62b: {  	v13 =	vadd.s32 @p1 $0xF, v13;
	v18, _, _ =	vpop @p1 (xrf1)  }
0x62c: {  	v13 =	vperm.xlane @p1 v18, v13  }
0x62d: {  	v12 =	vpsel p2, v14, v12  }
0x62e: {  	v13 =	vmax.f32 @p1 v12, v13  }
0x62f: {  	(xrf1) =	vsort.ascd.msk.f32 @p1 $0xffff, v13, v13;
	_ =	sdelay $0x3  }
0x630: {  	v41 =	vadd.s32 $0x3C00, v8;
	_ =	sdelay $0x4  }
0x631: {  	v13 =	vld.idx.msk [tilespmem:v41+s19+$0x0], $0xffff  }
0x632: {  	v14 =	vbroadcast @p0 v17, $0xF;
	_ =	sdelay $0x2  }
0x633: {  	v10 =	vpsel p0, v14, v10  }
0x634: {  	vm11 =	vlt.f32 v13, v10;
	v14, _, _ =	vpop @p1 (xrf1)  }
0x635: {  	v42 =	vsel vm11, $0x3F800000, v1;
	(xrf0) =	vmin.scan.msk.f32 @p1 $0xffff, v14  }
0x636: {  	(xrf0) =	vmax.scan.msk.f32 $0xffff, v42;
	_ =	sdelay $0x4  }
0x637: {  	v17, _, _ =	vpop @p1 (xrf0)  }
0x638: {  	v43, _, _ =	vpop (xrf0)  }
0x639: {  	(v2sf) =	vpush v43, $0xF;
	_ =	sdelay $0xe  }
0x63a: {  	s8 =	spop (v2sf)  }
0x63b: {  	p2 =	sgt.f32 s8, $0.0e+00;
	_ =	sdelay $0x1  }
0x63c: {  	(xrf1) =	vsort.ascd.msk.f32 @p2 $0xffff, v13, v13;
	_ =	sdelay $0xa  }
0x63d: {  	v13 =	vlaneseq.u32 @p2  }
0x63e: {  	v13 =	vmul.u32 @p2 $0xFFFFFFFF, v13;
	_ =	sdelay $0x1  }
0x63f: {  	v13 =	vadd.s32 @p2 $0xF, v13;
	v18, _, _ =	vpop @p2 (xrf1)  }
0x640: {  	v13 =	vperm.xlane @p2 v18, v13  }
0x641: {  	v11 =	vpsel p0, v16, v11  }
0x642: {  	v13 =	vmin.f32 @p2 v11, v13  }
0x643: {  	(xrf1) =	vsort.ascd.msk.f32 @p2 $0xffff, v13, v13;
	_ =	sdelay $0x3  }
0x644: {  	v44 =	vadd.s32 $0x3C00, v9;
	_ =	sdelay $0x4  }
0x645: {  	v13 =	vld.idx.msk [tilespmem:v44+s20+$0x0], $0xffff  }
0x646: {  	v16 =	vbroadcast @p1 v17, $0xF;
	_ =	sdelay $0x2  }
0x647: {  	v15 =	vpsel p1, v16, v15  }
0x648: {  	vm11 =	vgt.f32 v13, v15;
	v16, _, _ =	vpop @p2 (xrf1)  }
0x649: {  	v45 =	vsel vm11, $0x3F800000, v1;
	(xrf0) =	vmax.scan.msk.f32 @p2 $0xffff, v16  }
0x64a: {  	(xrf0) =	vmax.scan.msk.f32 $0xffff, v45;
	_ =	sdelay $0x4  }
0x64b: {  	v17, _, _ =	vpop @p2 (xrf0)  }
0x64c: {  	v46, _, _ =	vpop (xrf0)  }
0x64d: {  	(v2sf) =	vpush v46, $0xF;
	_ =	sdelay $0xe  }
0x64e: {  	s9 =	spop (v2sf)  }
0x64f: {  	p0 =	sgt.f32 s9, $0.0e+00;
	_ =	sdelay $0x1  }
0x650: {  	(xrf1) =	vsort.ascd.msk.f32 @p0 $0xffff, v13, v13;
	_ =	sdelay $0xa  }
0x651: {  	v13 =	vlaneseq.u32 @p0  }
0x652: {  	v13 =	vmul.u32 @p0 $0xFFFFFFFF, v13;
	_ =	sdelay $0x1  }
0x653: {  	v13 =	vadd.s32 @p0 $0xF, v13;
	v18, _, _ =	vpop @p0 (xrf1)  }
0x654: {  	v13 =	vperm.xlane @p0 v18, v13  }
0x655: {  	v12 =	vpsel p1, v14, v12  }
0x656: {  	v13 =	vmax.f32 @p0 v12, v13  }
0x657: {  	(xrf1) =	vsort.ascd.msk.f32 @p0 $0xffff, v13, v13;
	_ =	sdelay $0x3  }
0x658: {  	v47 =	vadd.s32 $0x4100, v8;
	_ =	sdelay $0x4  }
0x659: {  	v13 =	vld.idx.msk [tilespmem:v47+s19+$0x0], $0xffff  }
0x65a: {  	v14 =	vbroadcast @p2 v17, $0xF;
	_ =	sdelay $0x2  }
0x65b: {  	v10 =	vpsel p2, v14, v10  }
0x65c: {  	vm11 =	vlt.f32 v13, v10;
	v14, _, _ =	vpop @p0 (xrf1)  }
0x65d: {  	v48 =	vsel vm11, $0x3F800000, v1;
	(xrf0) =	vmin.scan.msk.f32 @p0 $0xffff, v14  }
0x65e: {  	(xrf0) =	vmax.scan.msk.f32 $0xffff, v48;
	_ =	sdelay $0x4  }
0x65f: {  	v17, _, _ =	vpop @p0 (xrf0)  }
0x660: {  	v49, _, _ =	vpop (xrf0)  }
0x661: {  	(v2sf) =	vpush v49, $0xF;
	_ =	sdelay $0xe  }
0x662: {  	s10 =	spop (v2sf)  }
0x663: {  	p3 =	sgt.f32 s10, $0.0e+00;
	_ =	sdelay $0x1  }
0x664: {  	(xrf1) =	vsort.ascd.msk.f32 @p3 $0xffff, v13, v13;
	_ =	sdelay $0xa  }
0x665: {  	v13 =	vlaneseq.u32 @p3  }
0x666: {  	v13 =	vmul.u32 @p3 $0xFFFFFFFF, v13;
	_ =	sdelay $0x1  }
0x667: {  	v13 =	vadd.s32 @p3 $0xF, v13;
	v18, _, _ =	vpop @p3 (xrf1)  }
0x668: {  	v13 =	vperm.xlane @p3 v18, v13  }
0x669: {  	v11 =	vpsel p2, v16, v11  }
0x66a: {  	v13 =	vmin.f32 @p3 v11, v13  }
0x66b: {  	(xrf1) =	vsort.ascd.msk.f32 @p3 $0xffff, v13, v13;
	_ =	sdelay $0x3  }
0x66c: {  	v50 =	vadd.s32 $0x4100, v9;
	_ =	sdelay $0x4  }
0x66d: {  	v13 =	vld.idx.msk [tilespmem:v50+s20+$0x0], $0xffff  }
0x66e: {  	v16 =	vbroadcast @p0 v17, $0xF;
	_ =	sdelay $0x2  }
0x66f: {  	v15 =	vpsel p0, v16, v15  }
0x670: {  	vm11 =	vgt.f32 v13, v15;
	v16, _, _ =	vpop @p3 (xrf1)  }
0x671: {  	v51 =	vsel vm11, $0x3F800000, v1;
	(xrf0) =	vmax.scan.msk.f32 @p3 $0xffff, v16  }
0x672: {  	(xrf0) =	vmax.scan.msk.f32 $0xffff, v51;
	_ =	sdelay $0x4  }
0x673: {  	v17, _, _ =	vpop @p3 (xrf0)  }
0x674: {  	v52, _, _ =	vpop (xrf0)  }
0x675: {  	(v2sf) =	vpush v52, $0xF;
	_ =	sdelay $0xe  }
0x676: {  	s11 =	spop (v2sf)  }
0x677: {  	p2 =	sgt.f32 s11, $0.0e+00;
	_ =	sdelay $0x1  }
0x678: {  	(xrf1) =	vsort.ascd.msk.f32 @p2 $0xffff, v13, v13;
	_ =	sdelay $0xa  }
0x679: {  	v13 =	vlaneseq.u32 @p2  }
0x67a: {  	v13 =	vmul.u32 @p2 $0xFFFFFFFF, v13;
	_ =	sdelay $0x1  }
0x67b: {  	v13 =	vadd.s32 @p2 $0xF, v13;
	v18, _, _ =	vpop @p2 (xrf1)  }
0x67c: {  	v13 =	vperm.xlane @p2 v18, v13  }
0x67d: {  	v12 =	vpsel p0, v14, v12  }
0x67e: {  	v13 =	vmax.f32 @p2 v12, v13  }
0x67f: {  	(xrf1) =	vsort.ascd.msk.f32 @p2 $0xffff, v13, v13;
	_ =	sdelay $0x3  }
0x680: {  	v53 =	vadd.s32 $0x4600, v8;
	_ =	sdelay $0x4  }
0x681: {  	v13 =	vld.idx.msk [tilespmem:v53+s19+$0x0], $0xffff  }
0x682: {  	v14 =	vbroadcast @p3 v17, $0xF;
	_ =	sdelay $0x2  }
0x683: {  	v10 =	vpsel p3, v14, v10  }
0x684: {  	vm11 =	vlt.f32 v13, v10;
	v14, _, _ =	vpop @p2 (xrf1)  }
0x685: {  	v54 =	vsel vm11, $0x3F800000, v1;
	(xrf0) =	vmin.scan.msk.f32 @p2 $0xffff, v14  }
0x686: {  	(xrf0) =	vmax.scan.msk.f32 $0xffff, v54;
	_ =	sdelay $0x4  }
0x687: {  	v17, _, _ =	vpop @p2 (xrf0)  }
0x688: {  	v55, _, _ =	vpop (xrf0)  }
0x689: {  	(v2sf) =	vpush v55, $0xF;
	_ =	sdelay $0xe  }
0x68a: {  	s17 =	spop (v2sf)  }
0x68b: {  	p1 =	sgt.f32 s17, $0.0e+00;
	_ =	sdelay $0x1  }
0x68c: {  	(xrf1) =	vsort.ascd.msk.f32 @p1 $0xffff, v13, v13;
	_ =	sdelay $0xa  }
0x68d: {  	v13 =	vlaneseq.u32 @p1  }
0x68e: {  	v13 =	vmul.u32 @p1 $0xFFFFFFFF, v13;
	_ =	sdelay $0x1  }
0x68f: {  	v13 =	vadd.s32 @p1 $0xF, v13;
	v18, _, _ =	vpop @p1 (xrf1)  }
0x690: {  	v13 =	vperm.xlane @p1 v18, v13  }
0x691: {  	v11 =	vpsel p3, v16, v11  }
0x692: {  	v13 =	vmin.f32 @p1 v11, v13  }
0x693: {  	(xrf1) =	vsort.ascd.msk.f32 @p1 $0xffff, v13, v13;
	_ =	sdelay $0x3  }
0x694: {  	v56 =	vadd.s32 $0x4600, v9;
	_ =	sdelay $0x4  }
0x695: {  	v13 =	vld.idx.msk [tilespmem:v56+s20+$0x0], $0xffff  }
0x696: {  	v16 =	vbroadcast @p2 v17, $0xF;
	_ =	sdelay $0x2  }
0x697: {  	v15 =	vpsel p2, v16, v15  }
0x698: {  	vm11 =	vgt.f32 v13, v15;
	v16, _, _ =	vpop @p1 (xrf1)  }
0x699: {  	v57 =	vsel vm11, $0x3F800000, v1;
	(xrf0) =	vmax.scan.msk.f32 @p1 $0xffff, v16  }
0x69a: {  	(xrf0) =	vmax.scan.msk.f32 $0xffff, v57;
	_ =	sdelay $0x4  }
0x69b: {  	v17, _, _ =	vpop @p1 (xrf0)  }
0x69c: {  	v58, _, _ =	vpop (xrf0)  }
0x69d: {  	(v2sf) =	vpush v58, $0xF;
	_ =	sdelay $0xe  }
0x69e: {  	s18 =	spop (v2sf)  }
0x69f: {  	p3 =	sgt.f32 s18, $0.0e+00;
	_ =	sdelay $0x1  }
0x6a0: {  	(xrf1) =	vsort.ascd.msk.f32 @p3 $0xffff, v13, v13;
	_ =	sdelay $0xa  }
0x6a1: {  	v13 =	vlaneseq.u32 @p3  }
0x6a2: {  	v13 =	vmul.u32 @p3 $0xFFFFFFFF, v13;
	_ =	sdelay $0x1  }
0x6a3: {  	v13 =	vadd.s32 @p3 $0xF, v13;
	v18, _, _ =	vpop @p3 (xrf1)  }
0x6a4: {  	v13 =	vperm.xlane @p3 v18, v13  }
0x6a5: {  	v12 =	vpsel p2, v14, v12  }
0x6a6: {  	v13 =	vmax.f32 @p3 v12, v13  }
0x6a7: {  	(xrf1) =	vsort.ascd.msk.f32 @p3 $0xffff, v13, v13;
	_ =	sdelay $0x3  }
0x6a8: {  	v8 =	vadd.s32 $0x4B00, v8;
	_ =	sdelay $0x4  }
0x6a9: {  	v8 =	vld.idx.msk [tilespmem:v8+s19+$0x0], $0xffff  }
0x6aa: {  	v13 =	vbroadcast @p1 v17, $0xF;
	_ =	sdelay $0x2  }
0x6ab: {  	v10 =	vpsel p1, v13, v10  }
0x6ac: {  	vm11 =	vlt.f32 v8, v10;
	v13, _, _ =	vpop @p3 (xrf1)  }
0x6ad: {  	v10 =	vsel vm11, $0x3F800000, v1;
	(xrf0) =	vmin.scan.msk.f32 @p3 $0xffff, v13  }
0x6ae: {  	(xrf0) =	vmax.scan.msk.f32 $0xffff, v10;
	_ =	sdelay $0x4  }
0x6af: {  	v10, _, _ =	vpop @p3 (xrf0)  }
0x6b0: {  	v59, _, _ =	vpop (xrf0)  }
0x6b1: {  	v9 =	vadd.s32 $0x4B00, v9;
	(v2sf) =	vpush v59, $0xF;
	_ =	sdelay $0x4  }
0x6b2: {  	v9 =	vld.idx.msk [tilespmem:v9+s20+$0x0], $0xffff;
	_ =	sdelay $0x1  }
0x6b3: {  	v10 =	vbroadcast @p3 v10, $0xF;
	_ =	sdelay $0x1  }
0x6b4: {  	v10 =	vpsel p3, v10, v15  }
0x6b5: {  	vm11 =	vgt.f32 v9, v10  }
0x6b6: {  	v10 =	vsel vm11, $0x3F800000, v1  }
0x6b7: {  	(xrf0) =	vmax.scan.msk.f32 $0xffff, v10;
	_ =	sdelay $0x2  }
0x6b8: {  	s25 =	spop (v2sf)  }
0x6b9: {  	p0 =	sgt.f32 s25, $0.0e+00;
	_ =	sdelay $0x1  }
0x6ba: {  	(xrf1) =	vsort.ascd.msk.f32 @p0 $0xffff, v8, v8;
	v8, _, _ =	vpop (xrf0)  }
0x6bb: {  	(v2sf) =	vpush v8, $0xF;
	_ =	sdelay $0x9  }
0x6bc: {  	v8 =	vlaneseq.u32 @p0  }
0x6bd: {  	v8 =	vmul.u32 @p0 $0xFFFFFFFF, v8;
	_ =	sdelay $0x1  }
0x6be: {  	v8 =	vadd.s32 @p0 $0xF, v8;
	v10, _, _ =	vpop @p0 (xrf1)  }
0x6bf: {  	v8 =	vperm.xlane @p0 v10, v8  }
0x6c0: {  	v10 =	vpsel p1, v16, v11;
	s3 =	spop (v2sf)  }
0x6c1: {  	v8 =	vmin.f32 @p0 v10, v8;
	p1 =	sgt.f32 s3, $0.0e+00  }
0x6c2: {  	(xrf1) =	vsort.ascd.msk.f32 @p0 $0xffff, v8, v8  }
0x6c3: {  	(xrf1) =	vsort.ascd.msk.f32 @p1 $0xffff, v9, v9;
	_ =	sdelay $0xa  }
0x6c4: {  	v8 =	vlaneseq.u32 @p1  }
0x6c5: {  	v8 =	vmul.u32 @p1 $0xFFFFFFFF, v8  }
0x6c6: {  	v11, _, _ =	vpop @p0 (xrf1)  }
0x6c7: {  	v8 =	vadd.s32 @p1 $0xF, v8;
	v9, _, _ =	vpop @p1 (xrf1)  }
0x6c8: {  	v8 =	vperm.xlane @p1 v9, v8  }
0x6c9: {  	v9 =	vpsel p3, v13, v12  }
0x6ca: {  	v8 =	vmax.f32 @p1 v9, v8  }
0x6cb: {  	(xrf1) =	vsort.ascd.msk.f32 @p1 $0xffff, v8, v8;
	_ =	sdelay $0xd  }
0x6cc: {  	v8, _, _ =	vpop @p1 (xrf1)  }
0x6cd: {  	v8 =	vpsel p1, v8, v9  }
0x6ce: {  	v8 =	vperm.xlane v8, v4;
	_ =	sdelay $0x1  }
0x6cf: {  	v9 =	vnsel vm1, $0x0, v8  }
0x6d0: {  	(xrf2) =	vadd.scan.msk.f32 $0xffff, v9  }
0x6d1: {  	v9 =	vsel vm2, $0x0, v8  }
0x6d2: {  	(xrf2) =	vadd.scan.msk.f32 $0xffff, v9  }
0x6d3: {  	v9 =	vsel vm3, $0x0, v8  }
0x6d4: {  	(xrf2) =	vadd.scan.msk.f32 $0xffff, v9  }
0x6d5: {  	v9 =	vsel vm4, $0x0, v8  }
0x6d6: {  	(xrf2) =	vadd.scan.msk.f32 $0xffff, v9  }
0x6d7: {  	v9 =	vsel vm5, $0x0, v8  }
0x6d8: {  	(xrf2) =	vadd.scan.msk.f32 $0xffff, v9  }
0x6d9: {  	v9 =	vsel vm6, $0x0, v8  }
0x6da: {  	v60, _, _ =	vpop (xrf2);
	(xrf2) =	vadd.scan.msk.f32 $0xffff, v9  }
0x6db: {  	v9 =	vsel vm7, $0x0, v8;
	(v2sf) =	vpush v60, $0xF  }
0x6dc: {  	v61, _, _ =	vpop (xrf2);
	(xrf2) =	vadd.scan.msk.f32 $0xffff, v9  }
0x6dd: {  	v9 =	vsel vm8, $0x0, v8;
	(v2sf) =	vpush v61, $0xF  }
0x6de: {  	v62, _, _ =	vpop (xrf2);
	(xrf2) =	vadd.scan.msk.f32 $0xffff, v9  }
0x6df: {  	v9 =	vsel vm9, $0x0, v8;
	(v2sf) =	vpush v62, $0xF  }
0x6e0: {  	v63, _, _ =	vpop (xrf2);
	(xrf2) =	vadd.scan.msk.f32 $0xffff, v9  }
0x6e1: {  	v8 =	vsel vm10, $0x0, v8;
	(v2sf) =	vpush v63, $0xF  }
0x6e2: {  	v9, _, _ =	vpop (xrf2);
	(xrf2) =	vadd.scan.msk.f32 $0xffff, v8  }
0x6e3: {  	(v2sf) =	vpush v9, $0xF  }
0x6e4: {  	v8, _, _ =	vpop (xrf2)  }
0x6e5: {  	(v2sf) =	vpush v8, $0xF  }
0x6e6: {  	v8, _, _ =	vpop (xrf2)  }
0x6e7: {  	(v2sf) =	vpush v8, $0xF  }
0x6e8: {  	v8, _, _ =	vpop (xrf2)  }
0x6e9: {  	(v2sf) =	vpush v8, $0xF  }
0x6ea: {  	v8, _, _ =	vpop (xrf2);
	s4 =	spop (v2sf)  }
0x6eb: {  	(v2sf) =	vpush v8, $0xF;
	s1 =	sadd.f32 $0.0e+00, s4  }
0x6ec: {  	v8, _, _ =	vpop (xrf2);
	s5 =	spop (v2sf)  }
0x6ed: {  	(v2sf) =	vpush v8, $0xF;
	s1 =	sadd.f32 s1, s5  }
0x6ee: {  	s6 =	spop (v2sf)  }
0x6ef: {  	s1 =	sadd.f32 s1, s6  }
0x6f0: {  	s7 =	spop (v2sf)  }
0x6f1: {  	s1 =	sadd.f32 s1, s7  }
0x6f2: {  	s8 =	spop (v2sf)  }
0x6f3: {  	s1 =	sadd.f32 s1, s8  }
0x6f4: {  	s9 =	spop (v2sf)  }
0x6f5: {  	s1 =	sadd.f32 s1, s9  }
0x6f6: {  	s10 =	spop (v2sf)  }
0x6f7: {  	s1 =	sadd.f32 s1, s10  }
0x6f8: {  	s11 =	spop (v2sf)  }
0x6f9: {  	s1 =	sadd.f32 s1, s11  }
0x6fa: {  	s17 =	spop (v2sf)  }
0x6fb: {  	s1 =	sadd.f32 s1, s17  }
0x6fc: {  	s18 =	spop (v2sf)  }
0x6fd: {  	s1 =	sadd.f32 s1, s18;
	_ =	sdelay $0x1  }
0x6fe: {  	s1 =	smax.f32 s1, $1.000000000e+00  }
0x6ff: {  	v8 =	vmov s1  }
0x700: {  	vm11 =	vge.f32 v8, v5  }
0x701: {  	v9 =	vmpcnt.ones.xlane vm11;
	_ =	sdelay $0x1  }
0x702: {  	v10 =	vpsel p0, v11, v10;
	vm11 =	veq.s32 v9, v6  }
0x703: {  	v8 =	vnsel vm11, $0x0, v10;
	vm11 =	veq.s32 v9, v0  }
0x704: {  	(xrf2) =	vadd.scan.msk.f32 $0xffff, v8;
	v8 =	vnsel vm11, $0x0, v10  }
0x705: {  	(xrf2) =	vadd.scan.msk.f32 $0xffff, v8;
	_ =	sdelay $0x8  }
0x706: {  	v8, _, _ =	vpop (xrf2)  }
0x707: {  	(v2sf) =	vpush v8, $0xF;
	v11, _, _ =	vpop (xrf2)  }
0x708: {  	(v2sf) =	vpush v11, $0xF;
	_ =	sdelay $0xd  }
0x709: {  	s1 =	spop (v2sf)  }
0x70a: {  	v8 =	vbroadcast v8, $0xF;
	s25 =	spop (v2sf)  }
0x70b: {  	p0 =	sne.f32 s25, s1  }
0x70c: {  	vm11 =	vlt.f32 v10, v8  }
0x70d: {  	v10 =	vsel vm11, $0x1, v7;
	p1 =	slt.f32 @!p0 s1, $1.000000020e+29  }
0x70e: {  	(xrf0) =	vadd.scan.msk.s32 $0xffff, v10  }
0x70f: {  	p1 =	por p0, !p1  }
.Ltmp7:
0x710: {  	_ = 	snop;
	(pc) =	sbr.rel @p1 .LBB2_16-.Ltmp7, $2  }
0x711: {  	_ =	sdelay $0x2  }
0x712: {  	v10, _, _ =	vpop (xrf0)  }
0x713: {  	v10 =	vbroadcast v10, $0xF  }
0x714: {  	s4 =	simm.s32 $0xA000  }
0x715: {  	v9 =	vsub.s32 v9, v10;
	v10 =	vld [tilespmem:s4+$0x0];
	_ =	sdelay $0x1  }
0x716: {  	s18 =	simm.s32 $0xA010  }
0x717: {  	v11 =	vld [tilespmem:s18+$0x0];
	_ =	sdelay $0x1  }
0x718: {  	vm11 =	veq.f32 v10, v8  }
0x719: {  	s25 =	simm.s32 $0xA020;
	v10 =	vsel vm11, $0x1, v7  }
0x71a: {  	(xrf0) =	vadd.scan.msk.s32 $0xffff, v10;
	v10 =	vld [tilespmem:s25+$0x0]  }
0x71b: {  	vm14 =	veq.f32 v11, v8  }
0x71c: {  	s5 =	simm.s32 $0xA030;
	v11 =	vsel vm14, $0x1, v7  }
0x71d: {  	(xrf0) =	vadd.scan.msk.s32 $0xffff, v11;
	v11 =	vld [tilespmem:s5+$0x0];
	_ =	sdelay $0x1  }
0x71e: {  	vm12 =	veq.f32 v10, v8  }
0x71f: {  	v12 =	vsel vm12, $0x1, v7  }
0x720: {  	s6 =	simm.s32 $0xA040;
	v10, _, _ =	vpop (xrf0)  }
0x721: {  	vm11 =	vmmov vm11;
	vm13 =	veq.f32 v11, v8;
	v11 =	vld [tilespmem:s6+$0x0];
	(v2sf) =	vpush v10, $0xF;
	(xrf0) =	vadd.scan.msk.s32 $0xffff, v12  }
0x722: {  	s3 =	simm.s32 $0x0;
	vm11 =	vmmov vm11;
	v12, _, _ =	vpop (xrf0)  }
0x723: {  	v13 =	vsel vm13, $0x1, v7;
	v10 =	vadd.s32 s3, v10;
	(v2sf) =	vpush v12, $0xF  }
0x724: {  	vm11 =	vmmov vm11;
	vm15 =	veq.s32 v10, v9;
	v10 =	vor.u32 $0x80000000, v0;
	(xrf0) =	vadd.scan.msk.s32 $0xffff, v13  }
0x725: {  	vm11 =	vmand vm11, vm15;
	v14 =	vor.u32 s3, v10  }
0x726: {  	v14 =	vnsel vm11, $0x80005000, v14;
	vm11 =	veq.f32 v11, v8  }
0x727: {  	v11 =	vsel vm11, $0x1, v7;
	v13, _, _ =	vpop (xrf0)  }
0x728: {  	(v2sf) =	vpush v13, $0xF  }
0x729: {  	(xrf0) =	vmin.scan.msk.u32 $0xffff, v14  }
0x72a: {  	(xrf0) =	vadd.scan.msk.s32 $0xffff, v11;
	v11, _, _ =	vpop (xrf0)  }
0x72b: {  	(v2sf) =	vpush v11, $0xF;
	_ =	sdelay $0x3  }
0x72c: {  	s7 =	simm.s32 $0xA050  }
0x72d: {  	vm14 =	vmmov vm14;
	v14 =	vld [tilespmem:s7+$0x0];
	s8 =	spop (v2sf)  }
0x72e: {  	vm14 =	vmmov vm14;
	s5 =	simm.s32 $0xA060;
	vm12 =	vmmov vm12;
	s9 =	sadd.s32 $0x0, s8  }
0x72f: {  	vm14 =	vmmov vm14;
	v16 =	vld [tilespmem:s5+$0x0];
	vm12 =	vmmov vm12;
	v15, _, _ =	vpop (xrf0);
	v12 =	vadd.s32 s9, v12;
	s11 =	spop (v2sf)  }
0x730: {  	s10 =	simm.s32 $0x10;
	vm12 =	vmmov vm12;
	(v2sf) =	vpush v15, $0xF;
	vm15 =	veq.s32 v12, v9;
	s3 =	sadd.s32 s9, s11  }
0x731: {  	v15 =	vor.u32 s10, v10;
	vm15 =	vmand vm14, vm15;
	v13 =	vadd.s32 s3, v13  }
0x732: {  	s18 =	simm.s32 $0x20;
	vm14 =	veq.f32 v14, v8;
	v14 =	vnsel vm15, $0x80005000, v15;
	vm15 =	veq.s32 v13, v9  }
0x733: {  	(xrf0) =	vmin.scan.msk.u32 $0xffff, v14;
	v14 =	vsel vm14, $0x1, v7;
	v13 =	vor.u32 s18, v10;
	vm12 =	vmand vm12, vm15  }
0x734: {  	v12, _, _ =	vpop (xrf0);
	(xrf0) =	vadd.scan.msk.s32 $0xffff, v14;
	s25 =	spop (v2sf);
	v13 =	vnsel vm12, $0x80005000, v13;
	vm12 =	veq.f32 v16, v8  }
0x735: {  	s6 =	simm.s32 $0xA070;
	(v2sf) =	vpush v12, $0xF;
	s3 =	sadd.s32 s3, s25;
	(xrf0) =	vmin.scan.msk.u32 $0xffff, v13;
	v14 =	vsel vm12, $0x1, v7  }
0x736: {  	vm13 =	vmmov vm13;
	s7 =	simm.s32 $0x30;
	v11 =	vadd.s32 s3, v11;
	v13 =	vld [tilespmem:s6+$0x0];
	(xrf0) =	vadd.scan.msk.s32 $0xffff, v14  }
0x737: {  	vm13 =	vmmov vm13;
	s9 =	spop (v2sf);
	vm15 =	veq.s32 v11, v9;
	v11 =	vor.u32 s7, v10  }
0x738: {  	vm13 =	vmmov vm13;
	s25 =	sadd.s32 s3, s9  }
0x739: {  	vm13 =	vmand vm13, vm15;
	v12 =	vadd.s32 s25, v12;
	v14, _, _ =	vpop (xrf0)  }
0x73a: {  	v15 =	vnsel vm13, $0x80005000, v11;
	(v2sf) =	vpush v14, $0xF;
	v11, _, _ =	vpop (xrf0)  }
0x73b: {  	(v2sf) =	vpush v11, $0xF;
	vm15 =	veq.f32 v13, v8;
	v13, _, _ =	vpop (xrf0)  }
0x73c: {  	vm13 =	vmmov vm14;
	vm14 =	veq.s32 v12, v9;
	(v2sf) =	vpush v13, $0xF;
	v12, _, _ =	vpop (xrf0)  }
0x73d: {  	vm11 =	vmmov vm11;
	(v2sf) =	vpush v12, $0xF  }
0x73e: {  	vm11 =	vmmov vm11;
	s8 =	simm.s32 $0xA080;
	(xrf0) =	vmin.scan.msk.u32 $0xffff, v15  }
0x73f: {  	vm11 =	vmmov vm11;
	s10 =	simm.s32 $0x40;
	v14 =	vld [tilespmem:s8+$0x0]  }
0x740: {  	vm11 =	vmand vm11, vm14;
	v13 =	vor.u32 s10, v10  }
0x741: {  	s17 =	simm.s32 $0x5000;
	s4 =	simm.s32 $0x80;
	s18 =	simm.s32 $0x60;
	v15 =	vsel vm15, $0x1, v7;
	v13 =	vnsel vm11, $0x80005000, v13  }
0x742: {  	s6 =	simm.s32 $0x70;
	s7 =	simm.s32 $0x50;
	s11 =	spop (v2sf);
	vm13 =	vmmov vm13;
	(xrf0) =	vadd.scan.msk.s32 $0xffff, v15  }
0x743: {  	vm12 =	vmmov vm12;
	s3 =	simm.s32 $0x90;
	s9 =	simm.s32 $0xA0;
	s5 =	sxor.u32 $0x80000000, s11;
	vm14 =	vmmov vm13  }
0x744: {  	s8 =	simm.s32 $0xA090;
	p0 =	sgt.s32 s5, $0x5000;
	vm13 =	vmmov vm12;
	vm11 =	vmmov vm15;
	vm12 =	veq.f32 v14, v8;
	(xrf0) =	vmin.scan.msk.u32 $0xffff, v13;
	v13, _, _ =	vpop (xrf0);
	s10 =	spop (v2sf)  }
.LBB2_11:
0x745: {  	s11 =	smov.u32 s17;
	s25 =	sadd.s32 s25, s10  }
0x746: {  	s17 =	smov.u32 s5;
	s10 =	smov.u32 s3;
	s3 =	smov.u32 s9  }
0x747: {  	v15 =	vsel vm12, $0x1, v7;
	p1 =	sne.s32 s9, $0x4FF0;
	v14 =	vld [tilespmem:s8+$0x0];
	(v2sf) =	vpush v13, $0xF;
	s17 =	smov.u32 @p0 s11;
	s11 =	sadd.s32 $0x10, s9  }
.Ltmp8:
0x748: {  	v13 =	vadd.s32 s25, v11;
	v11 =	vmov v12;
	(xrf0) =	vadd.scan.msk.s32 $0xffff, v15;
	v12, _, _ =	vpop (xrf0);
	(pc) =	sbr.rel @p1 .LBB2_11-.Ltmp8, $4  }
0x749: {  	v16 =	vor.u32 s7, v10;
	s7 =	smov.u32 s18;
	vm15 =	veq.s32 v13, v9;
	(v2sf) =	vpush v12, $0xF  }
0x74a: {  	s18 =	smov.u32 s6;
	s6 =	smov.u32 s4;
	vm15 =	vmand vm14, vm15;
	vm14 =	vmmov vm13;
	s5 =	spop (v2sf)  }
0x74b: {  	s4 =	smov.u32 s10;
	s8 =	sadd.s32 $0x10, s8;
	vm13 =	vmmov vm11;
	vm11 =	vmmov vm12;
	v15 =	vnsel vm15, $0x80005000, v16;
	s5 =	sxor.u32 $0x80000000, s5  }
0x74c: {  	s9 =	smov.u32 s11;
	vm12 =	veq.f32 v14, v8;
	(xrf0) =	vmin.scan.msk.u32 $0xffff, v15;
	s10 =	spop (v2sf);
	v13, _, _ =	vpop (xrf0);
	p0 =	slt.s32 s17, s5  }
0x74d: {  	v14 =	vsel vm12, $0x1, v7  }
0x74e: {  	(xrf0) =	vadd.scan.msk.s32 $0xffff, v14;
	_ =	sdelay $0x3  }
0x74f: {  	(v2sf) =	vpush v13, $0xF;
	v55, _, _ =	vpop (xrf0)  }
0x750: {  	(v2sf) =	vpush v55, $0xF;
	v56, _, _ =	vpop (xrf0)  }
0x751: {  	(v2sf) =	vpush v56, $0xF;
	v57, _, _ =	vpop (xrf0)  }
0x752: {  	(v2sf) =	vpush v57, $0xF;
	_ =	sdelay $0x1  }
0x753: {  	v15 =	vld [tilespmem:s8+$0x0]  }
0x754: {  	s9 =	sadd.s32 s25, s10  }
0x755: {  	v11 =	vadd.s32 s9, v11  }
0x756: {  	vm15 =	veq.s32 v11, v9  }
0x757: {  	s8 =	spop (v2sf);
	v11 =	vor.u32 s7, v10;
	vm14 =	vmand vm14, vm15  }
0x758: {  	s10 =	spop (v2sf);
	v11 =	vnsel vm14, $0x80005000, v11;
	vm14 =	veq.f32 v15, v8  }
0x759: {  	s7 =	sadd.s32 s9, s10;
	(xrf0) =	vmin.scan.msk.u32 $0xffff, v11;
	v11 =	vsel vm14, $0x1, v7  }
0x75a: {  	(xrf0) =	vadd.scan.msk.s32 $0xffff, v11;
	v11 =	vadd.s32 s7, v12  }
0x75b: {  	vm13 =	vmmov vm13;
	vm15 =	veq.s32 v11, v9;
	s9 =	spop (v2sf)  }
0x75c: {  	v11 =	vor.u32 s18, v10;
	vm13 =	vmand vm13, vm15;
	s11 =	spop (v2sf)  }
0x75d: {  	vm11 =	vmmov vm11;
	vm12 =	vmmov vm12;
	v11 =	vnsel vm13, $0x80005000, v11;
	s7 =	sadd.s32 s7, s11;
	s10 =	spop (v2sf)  }
0x75e: {  	v59 =	vor.u32 s6, v10;
	v62 =	vor.u32 s4, v10;
	v58 =	vadd.s32 s7, v55;
	s11 =	spop (v2sf)  }
0x75f: {  	vm11 =	vmmov vm11;
	vm12 =	vmmov vm12;
	vm13 =	veq.s32 v58, v9;
	s7 =	sadd.s32 s7, s11;
	s18 =	spop (v2sf)  }
0x760: {  	vm12 =	vmmov vm12;
	(xrf0) =	vmin.scan.msk.u32 $0xffff, v11;
	v11, _, _ =	vpop (xrf0);
	vm11 =	vmand vm11, vm13;
	v60 =	vadd.s32 s7, v57;
	s25 =	spop (v2sf)  }
0x761: {  	vm14 =	vmmov vm14;
	v61, _, _ =	vpop (xrf0);
	v12 =	vnsel vm11, $0x80005000, v59;
	vm13 =	veq.s32 v60, v9;
	s6 =	sadd.s32 s7, s25  }
0x762: {  	vm11 =	vmmov vm14;
	(xrf0) =	vmin.scan.msk.u32 $0xffff, v12;
	vm12 =	vmand vm12, vm13;
	v63 =	vadd.s32 s6, v61  }
0x763: {  	vm11 =	vmmov vm11;
	v12 =	vnsel vm12, $0x80005000, v62;
	vm12 =	veq.s32 v63, v9  }
0x764: {  	(xrf0) =	vmin.scan.msk.u32 $0xffff, v12;
	v9 =	vor.u32 s3, v10;
	vm11 =	vmand vm11, vm12  }
0x765: {  	(v2sf) =	vpush v11, $0xF;
	v9 =	vnsel vm11, $0x80005000, v9  }
0x766: {  	(v2sf) =	vpush v61, $0xF;
	v10, _, _ =	vpop (xrf0);
	(xrf0) =	vmin.scan.msk.u32 $0xffff, v9  }
0x767: {  	(v2sf) =	vpush v10, $0xF  }
0x768: {  	v9, _, _ =	vpop (xrf0)  }
0x769: {  	(v2sf) =	vpush v9, $0xF  }
0x76a: {  	v9, _, _ =	vpop (xrf0)  }
0x76b: {  	(v2sf) =	vpush v9, $0xF  }
0x76c: {  	v9, _, _ =	vpop (xrf0)  }
0x76d: {  	s5 =	smov.u32 @p0 s17;
	s3 =	sxor.u32 $0x80000000, s8;
	(v2sf) =	vpush v9, $0xF  }
0x76e: {  	p0 =	slt.s32 s5, s3  }
0x76f: {  	s4 =	sxor.u32 $0x80000000, s9;
	s3 =	smov.u32 @p0 s5  }
0x770: {  	p0 =	slt.s32 s3, s4  }
0x771: {  	s4 =	smov.u32 @p0 s3;
	s3 =	sxor.u32 $0x80000000, s10  }
0x772: {  	p0 =	slt.s32 s4, s3  }
0x773: {  	s3 =	smov.u32 @p0 s4;
	s4 =	sxor.u32 $0x80000000, s18  }
0x774: {  	s10 =	spop (v2sf);
	p0 =	slt.s32 s3, s4  }
0x775: {  	s11 =	spop (v2sf);
	s4 =	smov.u32 @p0 s3;
	s3 =	sxor.u32 $0x80000000, s10  }
0x776: {  	p0 =	slt.s32 s4, s3;
	s5 =	spop (v2sf)  }
0x777: {  	s3 =	smov.u32 @p0 s4;
	s4 =	sxor.u32 $0x80000000, s5  }
0x778: {  	p0 =	slt.s32 s3, s4;
	s17 =	spop (v2sf)  }
0x779: {  	s4 =	smov.u32 @p0 s3;
	s3 =	sxor.u32 $0x80000000, s17  }
0x77a: {  	s18 =	spop (v2sf);
	p0 =	slt.s32 s4, s3  }
0x77b: {  	s3 =	smov.u32 @p0 s4;
	s4 =	sxor.u32 $0x80000000, s18  }
.Ltmp9:
0x77c: {  	p0 =	slt.s32 s3, s4;
	s25 =	spop (v2sf);
	(pc) =	sbr.rel .LBB2_13-.Ltmp9, $4  }
0x77d: {  	s4 =	smov.u32 @p0 s3;
	s3 =	sxor.u32 $0x80000000, s25  }
0x77e: {  	p0 =	slt.s32 s4, s3  }
0x77f: {  	s3 =	smov.u32 @p0 s4  }
0x780: {  	s3 =	scvt.s32.f32 s3  }
.LBB2_14:
0x781: {  	_ =	sfence.sel $0x180000  }
0x782: {  	[bflag:$0x0] =	sbarrier.arrive $0xFFFF  }
0x783: {  	_ =	strace $0x90000047  }
0x784: {  	s0 =	stileid.u32;
	[bflag:$0x2] =	sbarrier.arrive $0xFFFF  }
0x785: {  	p0 =	sne.s32 s0, $0x0;
	s0 =	rddreg [dreg:$0x2]  }
0x786: {  	s0 =	sadd.s32 @!p0 $0x100000, s0  }
0x787: {  	[sflag:s0] =	ssyncadd.tile.s32 @!p0 $0x1;
	_ =	shalt  }
.Lfunc_end2:
_tile_overlayer_lowered:
.L_overlay_start_2:
0x788: {  	(tag) =	ssettag $0x2  }
0x789: {  	s0 =	rddreg [dreg:$0x0];
	s2 =	stileid.u32  }
0x78a: {  	s1 =	rddreg [dreg:$0x1];
	p0 =	sne.s32 s2, $0x0  }
0x78b: {  	s3 =	rddreg [dreg:$0x2];
	[bflag:$0x3] =	sbarrier.arrive $0xFFFF;
	s2 =	simm.s32 @!p0 $0x1C09  }
0x78c: {  	[timem:s3], [sflag:s2] =	dma.local @!p0 [hbm:s0], s1  }
0x78d: {  	s0 =	simm.s32 @!p0 $0x9  }
0x78e: {  	_ =	swait.ge @!p0 [sflag:s0], s1  }
0x78f: {  	s1 =	ssub.s32 @!p0 $0x0, s1;
	[sflag:s0] =	ssyncset.done @!p0 $0x0  }
0x790: {  	[sflag:s0] =	ssyncadd.s32 @!p0 s1  }
0x791: {  	[bflag:$0x3] =	sbarrier.arrive $0xFFFF  }
0x792: {  	_ =	shalt  }

</sc_bundles>
